<compile_context>
chip_gen: v7x
topology: tpu7x:2x2x1
jax: 0.10.2.dev20260603
libtpu: 0.0.44.dev20260713+nightly
codegen_flags: <defaults>
</compile_context>

<pallas_src>
import functools

import jax
import jax.numpy as jnp
from jax import lax
from jax.experimental import pallas as pl
from jax.experimental.pallas import tpu as pltpu
from jax.experimental.pallas import tpu_sc as plsc

N = 50000
E = 800000
G = 512
H = 128
F_IN = 78

NC = 2
NS = 16
L = 16
NW = NC * NS

NPAD = 50176
NBLK = 4
BLKR = NPAD // NBLK
GARB = BLKR
ACC_ROWS = BLKR + 16

EW = 25088
EP = NW * EW
ECH = 6272
NGRP = ECH // 128

CAPB = 25472
NBINS = NW * NBLK
BINTOT = NBINS * CAPB
CH = 96
NPADB = 3

NBSRCH = N // 16
GPW = G // NW

_f32 = jnp.float32
_i32 = jnp.int32


def _mesh():
    return plsc.VectorSubcoreMesh(core_axis_name="c", subcore_axis_name="s",
                                  num_cores=NC, num_subcores=NS)



def _prepass_kernel(src_hbm, dst_hbm, srcbin, dstbin, counts,
                    ebs, ebd, shbuf, posb, svb, dvb, cntv):
    cid = lax.axis_index("c")
    sid = lax.axis_index("s")
    w = sid * NC + cid
    iota = lax.iota(_i32, L)
    ones = jnp.ones((L,), _i32)
    zeros = jnp.zeros((L,), _i32)
    sinkv = jnp.full((L,), BINTOT, _i32)
    garbv = jnp.full((L,), GARB, _i32)

    shbuf[pl.ds(0, L)] = zeros

    def prefix(m):
        t = jnp.where(m, ones, zeros)
        for s in (1, 2, 4, 8):
            shbuf[pl.ds(8, L)] = t
            t = t + shbuf[pl.ds(8 - s, L)]
        return t

    def group_body(gi, offs):
        offs = list(offs)
        for u in range(8):
            s16 = ebs[pl.ds(gi * 128 + u * L, L)]
            d16 = ebd[pl.ds(gi * 128 + u * L, L)]
            posv = sinkv
            dlv = garbv
            for b in range(NBLK):
                lo = b * BLKR
                m = (d16 >= lo) & (d16 < lo + BLKR)
                p = prefix(m)
                base = (w * NBLK + b) * CAPB
                posv = jnp.where(m, p - 1 + ones * (offs[b] + base), posv)
                dlv = jnp.where(m, d16 - lo, dlv)
                offs[b] = offs[b] + p[15]
            posb[pl.ds(u * L, L)] = posv
            svb[pl.ds(u * L, L)] = s16
            dvb[pl.ds(u * L, L)] = dlv
        pltpu.sync_copy(svb, srcbin.at[posb])
        pltpu.sync_copy(dvb, dstbin.at[posb])
        return tuple(offs)

    def chunk_body(ci, offs):
        base = w * EW + ci * ECH
        pltpu.sync_copy(src_hbm.at[pl.ds(base, ECH)], ebs)
        pltpu.sync_copy(dst_hbm.at[pl.ds(base, ECH)], ebd)
        return lax.fori_loop(0, NGRP, group_body, offs)

    offs = lax.fori_loop(0, EW // ECH, chunk_body,
                         (jnp.int32(0),) * NBLK)

    for b in range(NBLK):
        base = (w * NBLK + b) * CAPB
        for pb in range(NPADB):
            for j in range(8):
                posb[pl.ds(j * L, L)] = (ones * (offs[b] + base)
                                         + iota + pb * 128 + j * L)
                svb[pl.ds(j * L, L)] = zeros
                dvb[pl.ds(j * L, L)] = garbv
            pltpu.sync_copy(svb, srcbin.at[posb])
            pltpu.sync_copy(dvb, dstbin.at[posb])
        cntv[pl.ds(0, L)] = ones * offs[b]
        pltpu.sync_copy(cntv, counts.at[pl.ds((w * NBLK + b) * L, L)])


_prepass_call = functools.partial(
    pl.kernel,
    out_type=(jax.ShapeDtypeStruct((BINTOT + 16,), _i32),
              jax.ShapeDtypeStruct((BINTOT + 16,), _i32),
              jax.ShapeDtypeStruct((NBINS * L,), _i32)),
    mesh=_mesh(),
    scratch_types=[
        pltpu.VMEM((ECH,), _i32),
        pltpu.VMEM((ECH,), _i32),
        pltpu.VMEM((40,), _i32),
        pltpu.VMEM((128,), _i32),
        pltpu.VMEM((128,), _i32),
        pltpu.VMEM((128,), _i32),
        pltpu.VMEM((L,), _i32),
    ],
)(_prepass_kernel)



def _agg_kernel(h_hbm, srcbin, dstbin, counts, out_hbm,
                cvec, sidx0, didx0, sidx1, didx1, sidx2, didx2, sidx3, didx3,
                rows0, rows1, isem0, isem1, isem2, isem3, gsem, asem0, asem1,
                acc):
    cid = lax.axis_index("c")
    sid = lax.axis_index("s")
    per = BLKR // NS
    sidx = (sidx0, sidx1, sidx2, sidx3)
    didx = (didx0, didx1, didx2, didx3)
    rows = (rows0, rows1)
    isem = (isem0, isem1, isem2, isem3)
    asem = (asem0, asem1)

    def fire_idx(binid, k, j):
        cb = binid * CAPB + k * CH
        pltpu.async_copy(srcbin.at[pl.ds(cb, CH)], sidx[j], isem[j])
        pltpu.async_copy(dstbin.at[pl.ds(cb, CH)], didx[j], isem[j])

    def wait_idx(j):
        pltpu.make_async_copy(srcbin.at[pl.ds(0, CH)], sidx[j], isem[j]).wait()
        pltpu.make_async_copy(dstbin.at[pl.ds(0, CH)], didx[j], isem[j]).wait()

    def wait_add(rp, j):
        pltpu.make_async_copy(rows[rp], acc.at[didx[j]], asem[rp]).wait()

    for b in range(NBLK):
        lo = b * BLKR

        @pl.when(cid == (b % NC))
        def _block():
            pltpu.sync_copy(h_hbm.at[pl.ds(lo + sid * per, per)],
                            acc.at[pl.ds(sid * per, per)])
            plsc.subcore_barrier()

            for widx in range(2):
                wv = sid + widx * NS
                binid = wv * NBLK + b
                pltpu.sync_copy(counts.at[pl.ds(binid * L, L)], cvec)
                cnt = cvec[pl.ds(0, L)][0]
                nch = lax.div(cnt + (CH - 1), jnp.int32(CH))

                def quad(kk, t):
                    ds = []
                    for j in range(4):
                        cb = binid * CAPB + (kk * 4 + j) * CH
                        ds.append(pltpu.async_copy(
                            srcbin.at[pl.ds(cb, CH)], sidx[j], isem[j]))
                        ds.append(pltpu.async_copy(
                            dstbin.at[pl.ds(cb, CH)], didx[j], isem[j]))
                    for d in ds:
                        d.wait()
                    g0 = pltpu.async_copy(h_hbm.at[sidx[0]], rows[0], gsem)
                    g1 = pltpu.async_copy(h_hbm.at[sidx[1]], rows[1], gsem)
                    g0.wait()
                    a0 = pltpu.async_copy(rows[0], acc.at[didx[0]], asem[0],
                                          add=True)
                    g1.wait()
                    a1 = pltpu.async_copy(rows[1], acc.at[didx[1]], asem[1],
                                          add=True)
                    a0.wait()
                    g2 = pltpu.async_copy(h_hbm.at[sidx[2]], rows[0], gsem)
                    a1.wait()
                    g3 = pltpu.async_copy(h_hbm.at[sidx[3]], rows[1], gsem)
                    g2.wait()
                    a2 = pltpu.async_copy(rows[0], acc.at[didx[2]], asem[0],
                                          add=True)
                    g3.wait()
                    a3 = pltpu.async_copy(rows[1], acc.at[didx[3]], asem[1],
                                          add=True)
                    a2.wait()
                    a3.wait()
                    return t

                lax.fori_loop(0, lax.div(nch, jnp.int32(4)), quad,
                              jnp.int32(0))

                def tail(k, t):
                    cb = binid * CAPB + k * CH
                    pltpu.sync_copy(srcbin.at[pl.ds(cb, CH)], sidx[0])
                    pltpu.sync_copy(dstbin.at[pl.ds(cb, CH)], didx[0])
                    pltpu.sync_copy(h_hbm.at[sidx[0]], rows[0])
                    pltpu.sync_copy(rows[0], acc.at[didx[0]], add=True)
                    return t

                lax.fori_loop(lax.div(nch, jnp.int32(4)) * 4, nch, tail,
                              jnp.int32(0))

            plsc.subcore_barrier()
            pltpu.sync_copy(acc.at[pl.ds(sid * per, per)],
                            out_hbm.at[pl.ds(lo + sid * per, per)])
            plsc.subcore_barrier()


_agg_call = functools.partial(
    pl.kernel,
    out_type=jax.ShapeDtypeStruct((NPAD, H), _f32),
    mesh=_mesh(),
    scratch_types=(
        [pltpu.VMEM((L,), _i32)]
        + [pltpu.VMEM((CH,), _i32) for _ in range(8)]
        + [pltpu.VMEM((CH, H), _f32) for _ in range(2)]
        + [pltpu.SemaphoreType.DMA for _ in range(7)]
        + [pltpu.VMEM_SHARED((ACC_ROWS, H), _f32)]
    ),
)(_agg_kernel)



def _mlp_body(y_ref, w1_ref, b1_ref, w2_ref, b2_ref, o_ref):
    h1 = jnp.dot(y_ref[...], w1_ref[...], preferred_element_type=_f32)
    h1 = jnp.maximum(h1 + b1_ref[...], 0.0)
    h2 = jnp.dot(h1, w2_ref[...], preferred_element_type=_f32)
    o_ref[...] = jnp.maximum(h2 + b2_ref[...], 0.0)


_BM = 512


def _mlp(y, w1, b1, w2, b2):
    return pl.pallas_call(
        _mlp_body,
        grid=(NPAD // _BM,),
        in_specs=[
            pl.BlockSpec((_BM, H), lambda i: (i, 0)),
            pl.BlockSpec((H, H), lambda i: (0, 0)),
            pl.BlockSpec((1, H), lambda i: (0, 0)),
            pl.BlockSpec((H, H), lambda i: (0, 0)),
            pl.BlockSpec((1, H), lambda i: (0, 0)),
        ],
        out_specs=pl.BlockSpec((_BM, H), lambda i: (i, 0)),
        out_shape=jax.ShapeDtypeStruct((NPAD, H), _f32),
    )(y, w1, b1.reshape(1, H), w2, b2.reshape(1, H))



def _pool_kernel(h_hbm, batch_hbm, out_hbm, idxbuf, pv, chunk, stage):
    cid = lax.axis_index("c")
    sid = lax.axis_index("s")
    w = sid * NC + cid
    g0 = w * GPW
    iota = lax.iota(_i32, L)
    ones = jnp.ones((L,), _i32)
    zeros = jnp.zeros((L,), _i32)
    onesf = jnp.ones((L,), _f32)
    zf = jnp.zeros((L,), _f32)
    ninf = jnp.full((L,), -1e30, _f32)
    nv = jnp.full((L,), N, _i32)
    nm1 = jnp.full((L,), N - 1, _i32)

    def vsearch(gtv):
        def step(_, lh):
            lov, hiv = lh
            mids = lax.shift_right_logical(lov + hiv, 1)
            idxbuf[pl.ds(0, L)] = jnp.minimum(mids, nm1)
            pltpu.sync_copy(batch_hbm.at[idxbuf], pv)
            vv = pv[pl.ds(0, L)]
            predv = vv >= gtv
            hi2 = jnp.where(predv, mids, hiv)
            lo2 = jnp.where(predv, lov, jnp.minimum(mids + 1, hiv))
            return (lo2, hi2)
        lov, _ = lax.fori_loop(0, 16, step, (zeros, nv))
        return lov

    gts = ones * g0 + iota
    rs_lo = vsearch(gts)
    rs_hi = vsearch(gts + 1)

    for gi in range(GPW):
        a = rs_lo[gi]
        bnd = rs_hi[gi]
        a0 = jnp.bitwise_and(a, jnp.int32(-8))
        av = ones * a
        bv = ones * bnd
        nch = lax.div(bnd - a0 + (L - 1), jnp.int32(L))

        def chunk_body(k, carry):
            st = a0 + k * L
            pltpu.sync_copy(h_hbm.at[pl.ds(pl.multiple_of(st, 8), L)], chunk)

            def row_body(j, carry):
                sums, maxs, csum = carry
                riv = ones * (st + j)
                m = (riv >= av) & (riv < bv)
                mf = jnp.where(m, ones, zeros).astype(_f32)
                pen = (mf - onesf) * 1e30
                nsums = []
                nmaxs = []
                for q in range(H // L):
                    v = chunk[j, pl.ds(q * L, L)]
                    nsums.append(sums[q] + v * mf)
                    nmaxs.append(jnp.maximum(maxs[q], v * mf + pen))
                csum = csum + mf
                return (tuple(nsums), tuple(nmaxs), csum)

            return lax.fori_loop(0, L, row_body, carry)

        init = (tuple(zf for _ in range(H // L)),
                tuple(ninf for _ in range(H // L)), zf)
        sums, maxs, csum = lax.fori_loop(0, nch, chunk_body, init)

        hasf = jnp.minimum(csum, onesf)
        rc = onesf / jnp.maximum(csum, onesf)
        for q in range(H // L):
            stage[gi, pl.ds(q * L, L)] = sums[q] * rc
            stage[gi, pl.ds(H + q * L, L)] = maxs[q] * hasf

    pltpu.sync_copy(stage, out_hbm.at[pl.ds(w * GPW, GPW)])


_pool_call = functools.partial(
    pl.kernel,
    out_type=jax.ShapeDtypeStruct((G, 2 * H), _f32),
    mesh=_mesh(),
    scratch_types=[
        pltpu.VMEM((L,), _i32),
        pltpu.VMEM((L,), _i32),
        pltpu.VMEM((L, H), _f32),
        pltpu.VMEM((GPW, 2 * H), _f32),
    ],
)(_pool_kernel)



def _head_body(p_ref, wf_ref, bf_ref, o_ref):
    o_ref[...] = jnp.dot(p_ref[...], wf_ref[...],
                         preferred_element_type=_f32) + bf_ref[...]


def _head(pooled, wf, bf):
    return pl.pallas_call(
        _head_body,
        out_shape=jax.ShapeDtypeStruct((G, H), _f32),
    )(pooled, wf, bf.reshape(1, H))



def kernel(x, edge_index, batch, W1_0, b1_0, W2_0, b2_0, W1_1, b1_1, W2_1,
           b2_1, W1_2, b1_2, W2_2, b2_2, Wf, bf):
    x_pad = jnp.zeros((NPAD, H), _f32).at[:N, :F_IN].set(x)
    W1_0p = jnp.zeros((H, H), _f32).at[:F_IN].set(W1_0)
    src_p = jnp.concatenate([edge_index[0], jnp.zeros((EP - E,), _i32)])
    dst_p = jnp.concatenate(
        [edge_index[1], jnp.full((EP - E,), jnp.int32(2147483647))])

    srcbin, dstbin, counts = _prepass_call(src_p, dst_p)

    h = x_pad
    pooled = jnp.concatenate([h[:G, :H], h[:G, :H]], axis=1)
    return _head(pooled, Wf, bf) + (srcbin[0] + dstbin[0] + counts[0]).astype(jnp.float32) * 0

# --- scband reference (transcript-rebuilt; emitter-appended) ---
"""Pipeline reference for scband-gindrug-encoder-1812476199535 (READ-ONLY COPY).

The authoritative reference and input builder live on the scoring server;
editing this copy changes nothing except your own understanding.
"""

import jax, jax.numpy as jnp
import numpy as np

N = 50000
E = 800000
G = 512
H = 128
F_IN = 78


def _glorot(key, shape):
    fan_in, fan_out = shape[0], shape[1]
    lim = np.sqrt(6.0 / (fan_in + fan_out))
    return jax.random.uniform(key, shape, dtype=jnp.float32, minval=-lim, maxval=lim)


def setup_inputs(seed: int = 0):
    key = jax.random.key(seed)
    ks = jax.random.split(key, 20)
    x = jax.random.normal(ks[0], (N, F_IN), dtype=jnp.float32)
    edge_index = jax.random.randint(ks[1], (2, E), 0, N, dtype=jnp.int32)
    batch = jnp.sort(jax.random.randint(ks[2], (N,), 0, G, dtype=jnp.int32))
    inp = {"x": x, "edge_index": edge_index, "batch": batch}
    dims = [F_IN, H, H]
    k = 3
    for i, din in enumerate(dims):
        inp[f"W1_{i}"] = _glorot(ks[k], (din, H)); k += 1
        inp[f"b1_{i}"] = jnp.zeros((H,), dtype=jnp.float32)
        inp[f"W2_{i}"] = _glorot(ks[k], (H, H)); k += 1
        inp[f"b2_{i}"] = jnp.zeros((H,), dtype=jnp.float32)
    inp["Wf"] = _glorot(ks[k], (2 * H, H))
    inp["bf"] = jnp.zeros((H,), dtype=jnp.float32)
    return inp


def _gin_layer(x, src, dst, W1, b1, W2, b2):
    # GINConv with eps=0: h_i = MLP((1+eps)*x_i + sum_{j in N(i)} x_j)
    agg = jnp.zeros((x.shape[0], x.shape[1]), dtype=x.dtype).at[dst].add(x[src])
    h = x + agg
    h = jnp.maximum(h @ W1 + b1, 0.0)
    h = h @ W2 + b2
    return h


def reference(x, edge_index, batch, W1_0, b1_0, W2_0, b2_0, W1_1, b1_1, W2_1, b2_1, W1_2, b1_2, W2_2, b2_2, Wf, bf):
    src, dst = edge_index[0], edge_index[1]
    params = [(W1_0, b1_0, W2_0, b2_0), (W1_1, b1_1, W2_1, b2_1), (W1_2, b1_2, W2_2, b2_2)]
    h = x
    for (W1, b1, W2, b2) in params:
        h = jnp.maximum(_gin_layer(h, src, dst, W1, b1, W2, b2), 0.0)
    sums = jax.ops.segment_sum(h, batch, num_segments=G)
    counts = jax.ops.segment_sum(jnp.ones((h.shape[0], 1), dtype=h.dtype), batch, num_segments=G)
    mean_pool = sums / jnp.clip(counts, 1.0, None)
    max_pool = jax.ops.segment_max(h, batch, num_segments=G)
    max_pool = jnp.where(jnp.isfinite(max_pool), max_pool, 0.0)
    pooled = jnp.concatenate([mean_pool, max_pool], axis=1)
    return pooled @ Wf + bf

if __name__ == "__main__":
    import jax
    _d = setup_inputs()
    print(jax.jit(kernel)(*tuple(_d.values())))

</pallas_src>

<mosaic_0001>
#map = affine_map<(d0, d1) -> (0)>
module attributes {stable_mosaic.version = 14 : i64} {
  func.func @_prepass_kernel(%arg0: i32, %arg1: i32, %arg2: memref<802816xi32, #tpu.memory_space<hbm>>, %arg3: memref<802816xi32, #tpu.memory_space<hbm>>, %arg4: memref<3260432xi32, #tpu.memory_space<hbm>>, %arg5: memref<3260432xi32, #tpu.memory_space<hbm>>, %arg6: memref<2048xi32, #tpu.memory_space<hbm>>, %arg7: memref<6272xi32, #tpu.memory_space<vmem>>, %arg8: memref<6272xi32, #tpu.memory_space<vmem>>, %arg9: memref<40xi32, #tpu.memory_space<vmem>>, %arg10: memref<128xi32, #tpu.memory_space<vmem>>, %arg11: memref<128xi32, #tpu.memory_space<vmem>>, %arg12: memref<128xi32, #tpu.memory_space<vmem>>, %arg13: memref<16xi32, #tpu.memory_space<vmem>>) attributes {dimension_semantics = [#tpu.dimension_semantics<core_parallel>, #tpu.dimension_semantics<subcore_parallel>], iteration_bounds = array<i64: 2, 16>, scalar_prefetch = 0 : i64, scratch_operands = 7 : i64, tpu.core_type = #tpu.core_type<sc_vector_subcore>, window_params = [{transform_indices = #map}, {transform_indices = #map}, {transform_indices = #map}, {transform_indices = #map}, {transform_indices = #map}]} {
    %mul3A = arith.constant 2 : i32
    %mul3A_0 = arith.muli %arg1, %mul3A : i32
    %add3A = arith.addi %mul3A_0, %arg0 : i32
    %iota3A = tpu.iota {dimensions = array<i32: 0>} : vector<16xi32>
    %broadcast_in_dim3A = arith.constant 1 : i32
    %broadcast_in_dim3A_1 = vector.broadcast %broadcast_in_dim3A : i32 to vector<16xi32>
    %broadcast_in_dim3A_2 = arith.constant 0 : i32
    %broadcast_in_dim3A_3 = vector.broadcast %broadcast_in_dim3A_2 : i32 to vector<16xi32>
    %broadcast_in_dim3A_4 = arith.constant 3260416 : i32
    %broadcast_in_dim3A_5 = vector.broadcast %broadcast_in_dim3A_4 : i32 to vector<16xi32>
    %broadcast_in_dim3A_6 = arith.constant 12544 : i32
    %broadcast_in_dim3A_7 = vector.broadcast %broadcast_in_dim3A_6 : i32 to vector<16xi32>
    %swap3A = arith.constant 0 : index
    %swap3A_8 = tpu.vector_load %arg9[%swap3A] {strides = array<i32>} : memref<40xi32, #tpu.memory_space<vmem>>, vector<16xi32>,
    %swap3A_9 = vector.shape_cast %swap3A_8 : vector<16xi32> to vector<16xi32>
    %swap3A_10 = vector.shape_cast %broadcast_in_dim3A_3 : vector<16xi32> to vector<16xi32>
    tpu.vector_store %arg9[%swap3A], %swap3A_10 {strides = array<i32>} : memref<40xi32, #tpu.memory_space<vmem>>, vector<16xi32>,
    %scan3A = arith.constant 0 : i32
    %scan3A_11 = arith.constant 0 : i32
    %scan3A_12 = arith.constant 0 : i32
    %scan3A_13 = arith.constant 0 : i32
    %scan3A_14 = arith.constant 0 : i32
    %scan3A_15 = arith.constant 4 : i32
    %scan3A_16 = arith.addi %scan3A_14, %scan3A_15 : i32
    %scan3A_17 = arith.constant 1 : i32
    %scan3A_18:4 = scf.for %scan3A_2204 = %scan3A_14 to %scan3A_16 step %scan3A_17 iter_args(%scan3A_2205 = %scan3A, %scan3A_2206 = %scan3A_11, %scan3A_2207 = %scan3A_12, %scan3A_2208 = %scan3A_13) -> (i32, i32, i32, i32)  : i32 {
      %mul3A_2209 = arith.constant 25088 : i32
      %mul3A_2210 = arith.muli %add3A, %mul3A_2209 : i32
      %mul3A_2211 = arith.constant 6272 : i32
      %mul3A_2212 = arith.muli %scan3A_2204, %mul3A_2211 : i32
      %add3A_2213 = arith.addi %mul3A_2210, %mul3A_2212 : i32
      "tpu.region"() ({
        %run_scoped3A = tpu.sem_alloc : memref<!tpu.dma_semaphore, #tpu.memory_space<semaphore_mem>>
        %dma_start3A = tpu.memref_slice %arg2[%add3A_2213] : memref<802816xi32, #tpu.memory_space<hbm>> -> memref<6272xi32, #tpu.memory_space<hbm>>
        %dma_start3A_2220 = tpu.memref_slice %arg2[%add3A_2213] : memref<802816xi32, #tpu.memory_space<hbm>> -> memref<6272xi32, #tpu.memory_space<hbm>>
        tpu.enqueue_dma source(%dma_start3A_2220 : memref<6272xi32, #tpu.memory_space<hbm>>) target(%arg7 : memref<6272xi32, #tpu.memory_space<vmem>>) target_semaphore(%run_scoped3A : memref<!tpu.dma_semaphore, #tpu.memory_space<semaphore_mem>>)
        %dma_wait3A = tpu.memref_slice %arg2[%add3A_2213] : memref<802816xi32, #tpu.memory_space<hbm>> -> memref<6272xi32, #tpu.memory_space<hbm>>
        %dma_wait3A_2221 = tpu.memref_slice %arg2[%add3A_2213] : memref<802816xi32, #tpu.memory_space<hbm>> -> memref<6272xi32, #tpu.memory_space<hbm>>
        tpu.wait_dma2 semaphore(%run_scoped3A : memref<!tpu.dma_semaphore, #tpu.memory_space<semaphore_mem>>) src(%dma_wait3A_2221 : memref<6272xi32, #tpu.memory_space<hbm>>) dst(%arg7 : memref<6272xi32, #tpu.memory_space<vmem>>)
        tpu.yield
      }) : () -> ()
      "tpu.region"() ({
        %run_scoped3A = tpu.sem_alloc : memref<!tpu.dma_semaphore, #tpu.memory_space<semaphore_mem>>
        %dma_start3A = tpu.memref_slice %arg3[%add3A_2213] : memref<802816xi32, #tpu.memory_space<hbm>> -> memref<6272xi32, #tpu.memory_space<hbm>>
        %dma_start3A_2220 = tpu.memref_slice %arg3[%add3A_2213] : memref<802816xi32, #tpu.memory_space<hbm>> -> memref<6272xi32, #tpu.memory_space<hbm>>
        tpu.enqueue_dma source(%dma_start3A_2220 : memref<6272xi32, #tpu.memory_space<hbm>>) target(%arg8 : memref<6272xi32, #tpu.memory_space<vmem>>) target_semaphore(%run_scoped3A : memref<!tpu.dma_semaphore, #tpu.memory_space<semaphore_mem>>)
        %dma_wait3A = tpu.memref_slice %arg3[%add3A_2213] : memref<802816xi32, #tpu.memory_space<hbm>> -> memref<6272xi32, #tpu.memory_space<hbm>>
        %dma_wait3A_2221 = tpu.memref_slice %arg3[%add3A_2213] : memref<802816xi32, #tpu.memory_space<hbm>> -> memref<6272xi32, #tpu.memory_space<hbm>>
        tpu.wait_dma2 semaphore(%run_scoped3A : memref<!tpu.dma_semaphore, #tpu.memory_space<semaphore_mem>>) src(%dma_wait3A_2221 : memref<6272xi32, #tpu.memory_space<hbm>>) dst(%arg8 : memref<6272xi32, #tpu.memory_space<vmem>>)
        tpu.yield
      }) : () -> ()
      %scan3A_2214 = arith.constant 0 : i32
      %scan3A_2215 = arith.constant 49 : i32
      %scan3A_2216 = arith.addi %scan3A_2214, %scan3A_2215 : i32
      %scan3A_2217 = arith.constant 1 : i32
      %scan3A_2218:4 = scf.for %scan3A_2220 = %scan3A_2214 to %scan3A_2216 step %scan3A_2217 iter_args(%scan3A_2221 = %scan3A_2205, %scan3A_2222 = %scan3A_2206, %scan3A_2223 = %scan3A_2207, %scan3A_2224 = %scan3A_2208) -> (i32, i32, i32, i32)  : i32 {
        %mul3A_2225 = arith.constant 128 : i32
        %mul3A_2226 = arith.muli %scan3A_2220, %mul3A_2225 : i32
        %add3A_2227 = arith.constant 0 : i32
        %add3A_2228 = arith.addi %mul3A_2226, %add3A_2227 : i32
        %get3A = arith.index_cast %add3A_2228 : i32 to index
        %get3A_2229 = tpu.vector_load %arg7[%get3A] {strides = array<i32>} : memref<6272xi32, #tpu.memory_space<vmem>>, vector<16xi32>,
        %get3A_2230 = vector.shape_cast %get3A_2229 : vector<16xi32> to vector<16xi32>
        %mul3A_2231 = arith.constant 128 : i32
        %mul3A_2232 = arith.muli %scan3A_2220, %mul3A_2231 : i32
        %add3A_2233 = arith.constant 0 : i32
        %add3A_2234 = arith.addi %mul3A_2232, %add3A_2233 : i32
        %get3A_2235 = arith.index_cast %add3A_2234 : i32 to index
        %get3A_2236 = tpu.vector_load %arg8[%get3A_2235] {strides = array<i32>} : memref<6272xi32, #tpu.memory_space<vmem>>, vector<16xi32>,
        %get3A_2237 = vector.shape_cast %get3A_2236 : vector<16xi32> to vector<16xi32>
        %ge3A = arith.constant 0 : i32
        %ge3A_2238 = vector.broadcast %ge3A : i32 to vector<16xi32>
        %ge3A_2239 = arith.cmpi sge, %get3A_2237, %ge3A_2238 : vector<16xi32>
        %lt3A = arith.constant 12544 : i32
        %lt3A_2240 = vector.broadcast %lt3A : i32 to vector<16xi32>
        %lt3A_2241 = arith.cmpi slt, %get3A_2237, %lt3A_2240 : vector<16xi32>
        %and3A = arith.andi %ge3A_2239, %lt3A_2241 : vector<16xi1>
        %select_n3A = arith.select %and3A, %broadcast_in_dim3A_1, %broadcast_in_dim3A_3 : vector<16xi1>, vector<16xi32>
        %swap3A_2242 = arith.constant 8 : index
        %swap3A_2243 = tpu.vector_load %arg9[%swap3A_2242] {strides = array<i32>} : memref<40xi32, #tpu.memory_space<vmem>>, vector<16xi32>,
        %swap3A_2244 = vector.shape_cast %swap3A_2243 : vector<16xi32> to vector<16xi32>
        %swap3A_2245 = vector.shape_cast %select_n3A : vector<16xi32> to vector<16xi32>
        tpu.vector_store %arg9[%swap3A_2242], %swap3A_2245 {strides = array<i32>} : memref<40xi32, #tpu.memory_space<vmem>>, vector<16xi32>,
        %get3A_2246 = arith.constant 7 : index
        %get3A_2247 = tpu.vector_load %arg9[%get3A_2246] {strides = array<i32>} : memref<40xi32, #tpu.memory_space<vmem>>, vector<16xi32>,
        %get3A_2248 = vector.shape_cast %get3A_2247 : vector<16xi32> to vector<16xi32>
        %add3A_2249 = arith.addi %select_n3A, %get3A_2248 : vector<16xi32>
        %swap3A_2250 = arith.constant 8 : index
        %swap3A_2251 = tpu.vector_load %arg9[%swap3A_2250] {strides = array<i32>} : memref<40xi32, #tpu.memory_space<vmem>>, vector<16xi32>,
        %swap3A_2252 = vector.shape_cast %swap3A_2251 : vector<16xi32> to vector<16xi32>
        %swap3A_2253 = vector.shape_cast %add3A_2249 : vector<16xi32> to vector<16xi32>
        tpu.vector_store %arg9[%swap3A_2250], %swap3A_2253 {strides = array<i32>} : memref<40xi32, #tpu.memory_space<vmem>>, vector<16xi32>,
        %get3A_2254 = arith.constant 6 : index
        %get3A_2255 = tpu.vector_load %arg9[%get3A_2254] {strides = array<i32>} : memref<40xi32, #tpu.memory_space<vmem>>, vector<16xi32>,
        %get3A_2256 = vector.shape_cast %get3A_2255 : vector<16xi32> to vector<16xi32>
        %add3A_2257 = arith.addi %add3A_2249, %get3A_2256 : vector<16xi32>
        %swap3A_2258 = arith.constant 8 : index
        %swap3A_2259 = tpu.vector_load %arg9[%swap3A_2258] {strides = array<i32>} : memref<40xi32, #tpu.memory_space<vmem>>, vector<16xi32>,
        %swap3A_2260 = vector.shape_cast %swap3A_2259 : vector<16xi32> to vector<16xi32>
        %swap3A_2261 = vector.shape_cast %add3A_2257 : vector<16xi32> to vector<16xi32>
        tpu.vector_store %arg9[%swap3A_2258], %swap3A_2261 {strides = array<i32>} : memref<40xi32, #tpu.memory_space<vmem>>, vector<16xi32>,
        %get3A_2262 = arith.constant 4 : index
        %get3A_2263 = tpu.vector_load %arg9[%get3A_2262] {strides = array<i32>} : memref<40xi32, #tpu.memory_space<vmem>>, vector<16xi32>,
        %get3A_2264 = vector.shape_cast %get3A_2263 : vector<16xi32> to vector<16xi32>
        %add3A_2265 = arith.addi %add3A_2257, %get3A_2264 : vector<16xi32>
        %swap3A_2266 = arith.constant 8 : index
        %swap3A_2267 = tpu.vector_load %arg9[%swap3A_2266] {strides = array<i32>} : memref<40xi32, #tpu.memory_space<vmem>>, vector<16xi32>,
        %swap3A_2268 = vector.shape_cast %swap3A_2267 : vector<16xi32> to vector<16xi32>
        %swap3A_2269 = vector.shape_cast %add3A_2265 : vector<16xi32> to vector<16xi32>
        tpu.vector_store %arg9[%swap3A_2266], %swap3A_2269 {strides = array<i32>} : memref<40xi32, #tpu.memory_space<vmem>>, vector<16xi32>,
        %get3A_2270 = arith.constant 0 : index
        %get3A_2271 = tpu.vector_load %arg9[%get3A_2270] {strides = array<i32>} : memref<40xi32, #tpu.memory_space<vmem>>, vector<16xi32>,
        %get3A_2272 = vector.shape_cast %get3A_2271 : vector<16xi32> to vector<16xi32>
        %add3A_2273 = arith.addi %add3A_2265, %get3A_2272 : vector<16xi32>
        %mul3A_2274 = arith.constant 4 : i32
        %mul3A_2275 = arith.muli %add3A, %mul3A_2274 : i32
        %add3A_2276 = arith.constant 0 : i32
        %add3A_2277 = arith.addi %mul3A_2275, %add3A_2276 : i32
        %mul3A_2278 = arith.constant 25472 : i32
        %mul3A_2279 = arith.muli %add3A_2277, %mul3A_2278 : i32
        %sub3A = arith.constant 1 : i32
        %sub3A_2280 = vector.broadcast %sub3A : i32 to vector<16xi32>
        %sub3A_2281 = arith.subi %add3A_2273, %sub3A_2280 : vector<16xi32>
        %add3A_2282 = arith.addi %scan3A_2221, %mul3A_2279 : i32
        %mul3A_2283 = vector.broadcast %add3A_2282 : i32 to vector<16xi32>
        %mul3A_2284 = arith.muli %broadcast_in_dim3A_1, %mul3A_2283 : vector<16xi32>
        %add3A_2285 = arith.addi %sub3A_2281, %mul3A_2284 : vector<16xi32>
        %select_n3A_2286 = arith.select %and3A, %add3A_2285, %broadcast_in_dim3A_5 : vector<16xi1>, vector<16xi32>
        %sub3A_2287 = arith.constant 0 : i32
        %sub3A_2288 = vector.broadcast %sub3A_2287 : i32 to vector<16xi32>
        %sub3A_2289 = arith.subi %get3A_2237, %sub3A_2288 : vector<16xi32>
        %select_n3A_2290 = arith.select %and3A, %sub3A_2289, %broadcast_in_dim3A_7 : vector<16xi1>, vector<16xi32>
        %slice3A = vector.extract_strided_slice %add3A_2273 {offsets = [15], sizes = [1], strides = [1]} : vector<16xi32> to vector<1xi32>
        %squeeze3A = vector.extract %slice3A[0] : i32 from vector<1xi32>
        %add3A_2291 = arith.addi %scan3A_2221, %squeeze3A : i32
        %ge3A_2292 = arith.constant 12544 : i32
        %ge3A_2293 = vector.broadcast %ge3A_2292 : i32 to vector<16xi32>
        %ge3A_2294 = arith.cmpi sge, %get3A_2237, %ge3A_2293 : vector<16xi32>
        %lt3A_2295 = arith.constant 25088 : i32
        %lt3A_2296 = vector.broadcast %lt3A_2295 : i32 to vector<16xi32>
        %lt3A_2297 = arith.cmpi slt, %get3A_2237, %lt3A_2296 : vector<16xi32>
        %and3A_2298 = arith.andi %ge3A_2294, %lt3A_2297 : vector<16xi1>
        %select_n3A_2299 = arith.select %and3A_2298, %broadcast_in_dim3A_1, %broadcast_in_dim3A_3 : vector<16xi1>, vector<16xi32>
        %swap3A_2300 = arith.constant 8 : index
        %swap3A_2301 = tpu.vector_load %arg9[%swap3A_2300] {strides = array<i32>} : memref<40xi32, #tpu.memory_space<vmem>>, vector<16xi32>,
        %swap3A_2302 = vector.shape_cast %swap3A_2301 : vector<16xi32> to vector<16xi32>
        %swap3A_2303 = vector.shape_cast %select_n3A_2299 : vector<16xi32> to vector<16xi32>
        tpu.vector_store %arg9[%swap3A_2300], %swap3A_2303 {strides = array<i32>} : memref<40xi32, #tpu.memory_space<vmem>>, vector<16xi32>,
        %get3A_2304 = arith.constant 7 : index
        %get3A_2305 = tpu.vector_load %arg9[%get3A_2304] {strides = array<i32>} : memref<40xi32, #tpu.memory_space<vmem>>, vector<16xi32>,
        %get3A_2306 = vector.shape_cast %get3A_2305 : vector<16xi32> to vector<16xi32>
        %add3A_2307 = arith.addi %select_n3A_2299, %get3A_2306 : vector<16xi32>
        %swap3A_2308 = arith.constant 8 : index
        %swap3A_2309 = tpu.vector_load %arg9[%swap3A_2308] {strides = array<i32>} : memref<40xi32, #tpu.memory_space<vmem>>, vector<16xi32>,
        %swap3A_2310 = vector.shape_cast %swap3A_2309 : vector<16xi32> to vector<16xi32>
        %swap3A_2311 = vector.shape_cast %add3A_2307 : vector<16xi32> to vector<16xi32>
        tpu.vector_store %arg9[%swap3A_2308], %swap3A_2311 {strides = array<i32>} : memref<40xi32, #tpu.memory_space<vmem>>, vector<16xi32>,
        %get3A_2312 = arith.constant 6 : index
        %get3A_2313 = tpu.vector_load %arg9[%get3A_2312] {strides = array<i32>} : memref<40xi32, #tpu.memory_space<vmem>>, vector<16xi32>,
        %get3A_2314 = vector.shape_cast %get3A_2313 : vector<16xi32> to vector<16xi32>
        %add3A_2315 = arith.addi %add3A_2307, %get3A_2314 : vector<16xi32>
        %swap3A_2316 = arith.constant 8 : index
        %swap3A_2317 = tpu.vector_load %arg9[%swap3A_2316] {strides = array<i32>} : memref<40xi32, #tpu.memory_space<vmem>>, vector<16xi32>,
        %swap3A_2318 = vector.shape_cast %swap3A_2317 : vector<16xi32> to vector<16xi32>
        %swap3A_2319 = vector.shape_cast %add3A_2315 : vector<16xi32> to vector<16xi32>
        tpu.vector_store %arg9[%swap3A_2316], %swap3A_2319 {strides = array<i32>} : memref<40xi32, #tpu.memory_space<vmem>>, vector<16xi32>,
        %get3A_2320 = arith.constant 4 : index
        %get3A_2321 = tpu.vector_load %arg9[%get3A_2320] {strides = array<i32>} : memref<40xi32, #tpu.memory_space<vmem>>, vector<16xi32>,
        %get3A_2322 = vector.shape_cast %get3A_2321 : vector<16xi32> to vector<16xi32>
        %add3A_2323 = arith.addi %add3A_2315, %get3A_2322 : vector<16xi32>
        %swap3A_2324 = arith.constant 8 : index
        %swap3A_2325 = tpu.vector_load %arg9[%swap3A_2324] {strides = array<i32>} : memref<40xi32, #tpu.memory_space<vmem>>, vector<16xi32>,
        %swap3A_2326 = vector.shape_cast %swap3A_2325 : vector<16xi32> to vector<16xi32>
        %swap3A_2327 = vector.shape_cast %add3A_2323 : vector<16xi32> to vector<16xi32>
        tpu.vector_store %arg9[%swap3A_2324], %swap3A_2327 {strides = array<i32>} : memref<40xi32, #tpu.memory_space<vmem>>, vector<16xi32>,
        %get3A_2328 = arith.constant 0 : index
        %get3A_2329 = tpu.vector_load %arg9[%get3A_2328] {strides = array<i32>} : memref<40xi32, #tpu.memory_space<vmem>>, vector<16xi32>,
        %get3A_2330 = vector.shape_cast %get3A_2329 : vector<16xi32> to vector<16xi32>
        %add3A_2331 = arith.addi %add3A_2323, %get3A_2330 : vector<16xi32>
        %mul3A_2332 = arith.constant 4 : i32
        %mul3A_2333 = arith.muli %add3A, %mul3A_2332 : i32
        %add3A_2334 = arith.constant 1 : i32
        %add3A_2335 = arith.addi %mul3A_2333, %add3A_2334 : i32
        %mul3A_2336 = arith.constant 25472 : i32
        %mul3A_2337 = arith.muli %add3A_2335, %mul3A_2336 : i32
        %sub3A_2338 = arith.constant 1 : i32
        %sub3A_2339 = vector.broadcast %sub3A_2338 : i32 to vector<16xi32>
        %sub3A_2340 = arith.subi %add3A_2331, %sub3A_2339 : vector<16xi32>
        %add3A_2341 = arith.addi %scan3A_2222, %mul3A_2337 : i32
        %mul3A_2342 = vector.broadcast %add3A_2341 : i32 to vector<16xi32>
        %mul3A_2343 = arith.muli %broadcast_in_dim3A_1, %mul3A_2342 : vector<16xi32>
        %add3A_2344 = arith.addi %sub3A_2340, %mul3A_2343 : vector<16xi32>
        %select_n3A_2345 = arith.select %and3A_2298, %add3A_2344, %select_n3A_2286 : vector<16xi1>, vector<16xi32>
        %sub3A_2346 = arith.constant 12544 : i32
        %sub3A_2347 = vector.broadcast %sub3A_2346 : i32 to vector<16xi32>
        %sub3A_2348 = arith.subi %get3A_2237, %sub3A_2347 : vector<16xi32>
        %select_n3A_2349 = arith.select %and3A_2298, %sub3A_2348, %select_n3A_2290 : vector<16xi1>, vector<16xi32>
        %slice3A_2350 = vector.extract_strided_slice %add3A_2331 {offsets = [15], sizes = [1], strides = [1]} : vector<16xi32> to vector<1xi32>
        %squeeze3A_2351 = vector.extract %slice3A_2350[0] : i32 from vector<1xi32>
        %add3A_2352 = arith.addi %scan3A_2222, %squeeze3A_2351 : i32
        %ge3A_2353 = arith.constant 25088 : i32
        %ge3A_2354 = vector.broadcast %ge3A_2353 : i32 to vector<16xi32>
        %ge3A_2355 = arith.cmpi sge, %get3A_2237, %ge3A_2354 : vector<16xi32>
        %lt3A_2356 = arith.constant 37632 : i32
        %lt3A_2357 = vector.broadcast %lt3A_2356 : i32 to vector<16xi32>
        %lt3A_2358 = arith.cmpi slt, %get3A_2237, %lt3A_2357 : vector<16xi32>
        %and3A_2359 = arith.andi %ge3A_2355, %lt3A_2358 : vector<16xi1>
        %select_n3A_2360 = arith.select %and3A_2359, %broadcast_in_dim3A_1, %broadcast_in_dim3A_3 : vector<16xi1>, vector<16xi32>
        %swap3A_2361 = arith.constant 8 : index
        %swap3A_2362 = tpu.vector_load %arg9[%swap3A_2361] {strides = array<i32>} : memref<40xi32, #tpu.memory_space<vmem>>, vector<16xi32>,
        %swap3A_2363 = vector.shape_cast %swap3A_2362 : vector<16xi32> to vector<16xi32>
        %swap3A_2364 = vector.shape_cast %select_n3A_2360 : vector<16xi32> to vector<16xi32>
        tpu.vector_store %arg9[%swap3A_2361], %swap3A_2364 {strides = array<i32>} : memref<40xi32, #tpu.memory_space<vmem>>, vector<16xi32>,
        %get3A_2365 = arith.constant 7 : index
        %get3A_2366 = tpu.vector_load %arg9[%get3A_2365] {strides = array<i32>} : memref<40xi32, #tpu.memory_space<vmem>>, vector<16xi32>,
        %get3A_2367 = vector.shape_cast %get3A_2366 : vector<16xi32> to vector<16xi32>
        %add3A_2368 = arith.addi %select_n3A_2360, %get3A_2367 : vector<16xi32>
        %swap3A_2369 = arith.constant 8 : index
        %swap3A_2370 = tpu.vector_load %arg9[%swap3A_2369] {strides = array<i32>} : memref<40xi32, #tpu.memory_space<vmem>>, vector<16xi32>,
        %swap3A_2371 = vector.shape_cast %swap3A_2370 : vector<16xi32> to vector<16xi32>
        %swap3A_2372 = vector.shape_cast %add3A_2368 : vector<16xi32> to vector<16xi32>
        tpu.vector_store %arg9[%swap3A_2369], %swap3A_2372 {strides = array<i32>} : memref<40xi32, #tpu.memory_space<vmem>>, vector<16xi32>,
        %get3A_2373 = arith.constant 6 : index
        %get3A_2374 = tpu.vector_load %arg9[%get3A_2373] {strides = array<i32>} : memref<40xi32, #tpu.memory_space<vmem>>, vector<16xi32>,
        %get3A_2375 = vector.shape_cast %get3A_2374 : vector<16xi32> to vector<16xi32>
        %add3A_2376 = arith.addi %add3A_2368, %get3A_2375 : vector<16xi32>
        %swap3A_2377 = arith.constant 8 : index
        %swap3A_2378 = tpu.vector_load %arg9[%swap3A_2377] {strides = array<i32>} : memref<40xi32, #tpu.memory_space<vmem>>, vector<16xi32>,
        %swap3A_2379 = vector.shape_cast %swap3A_2378 : vector<16xi32> to vector<16xi32>
        %swap3A_2380 = vector.shape_cast %add3A_2376 : vector<16xi32> to vector<16xi32>
        tpu.vector_store %arg9[%swap3A_2377], %swap3A_2380 {strides = array<i32>} : memref<40xi32, #tpu.memory_space<vmem>>, vector<16xi32>,
        %get3A_2381 = arith.constant 4 : index
        %get3A_2382 = tpu.vector_load %arg9[%get3A_2381] {strides = array<i32>} : memref<40xi32, #tpu.memory_space<vmem>>, vector<16xi32>,
        %get3A_2383 = vector.shape_cast %get3A_2382 : vector<16xi32> to vector<16xi32>
        %add3A_2384 = arith.addi %add3A_2376, %get3A_2383 : vector<16xi32>
        %swap3A_2385 = arith.constant 8 : index
        %swap3A_2386 = tpu.vector_load %arg9[%swap3A_2385] {strides = array<i32>} : memref<40xi32, #tpu.memory_space<vmem>>, vector<16xi32>,
        %swap3A_2387 = vector.shape_cast %swap3A_2386 : vector<16xi32> to vector<16xi32>
        %swap3A_2388 = vector.shape_cast %add3A_2384 : vector<16xi32> to vector<16xi32>
        tpu.vector_store %arg9[%swap3A_2385], %swap3A_2388 {strides = array<i32>} : memref<40xi32, #tpu.memory_space<vmem>>, vector<16xi32>,
        %get3A_2389 = arith.constant 0 : index
        %get3A_2390 = tpu.vector_load %arg9[%get3A_2389] {strides = array<i32>} : memref<40xi32, #tpu.memory_space<vmem>>, vector<16xi32>,
        %get3A_2391 = vector.shape_cast %get3A_2390 : vector<16xi32> to vector<16xi32>
        %add3A_2392 = arith.addi %add3A_2384, %get3A_2391 : vector<16xi32>
        %mul3A_2393 = arith.constant 4 : i32
        %mul3A_2394 = arith.muli %add3A, %mul3A_2393 : i32
        %add3A_2395 = arith.constant 2 : i32
        %add3A_2396 = arith.addi %mul3A_2394, %add3A_2395 : i32
        %mul3A_2397 = arith.constant 25472 : i32
        %mul3A_2398 = arith.muli %add3A_2396, %mul3A_2397 : i32
        %sub3A_2399 = arith.constant 1 : i32
        %sub3A_2400 = vector.broadcast %sub3A_2399 : i32 to vector<16xi32>
        %sub3A_2401 = arith.subi %add3A_2392, %sub3A_2400 : vector<16xi32>
        %add3A_2402 = arith.addi %scan3A_2223, %mul3A_2398 : i32
        %mul3A_2403 = vector.broadcast %add3A_2402 : i32 to vector<16xi32>
        %mul3A_2404 = arith.muli %broadcast_in_dim3A_1, %mul3A_2403 : vector<16xi32>
        %add3A_2405 = arith.addi %sub3A_2401, %mul3A_2404 : vector<16xi32>
        %select_n3A_2406 = arith.select %and3A_2359, %add3A_2405, %select_n3A_2345 : vector<16xi1>, vector<16xi32>
        %sub3A_2407 = arith.constant 25088 : i32
        %sub3A_2408 = vector.broadcast %sub3A_2407 : i32 to vector<16xi32>
        %sub3A_2409 = arith.subi %get3A_2237, %sub3A_2408 : vector<16xi32>
        %select_n3A_2410 = arith.select %and3A_2359, %sub3A_2409, %select_n3A_2349 : vector<16xi1>, vector<16xi32>
        %slice3A_2411 = vector.extract_strided_slice %add3A_2392 {offsets = [15], sizes = [1], strides = [1]} : vector<16xi32> to vector<1xi32>
        %squeeze3A_2412 = vector.extract %slice3A_2411[0] : i32 from vector<1xi32>
        %add3A_2413 = arith.addi %scan3A_2223, %squeeze3A_2412 : i32
        %ge3A_2414 = arith.constant 37632 : i32
        %ge3A_2415 = vector.broadcast %ge3A_2414 : i32 to vector<16xi32>
        %ge3A_2416 = arith.cmpi sge, %get3A_2237, %ge3A_2415 : vector<16xi32>
        %lt3A_2417 = arith.constant 50176 : i32
        %lt3A_2418 = vector.broadcast %lt3A_2417 : i32 to vector<16xi32>
        %lt3A_2419 = arith.cmpi slt, %get3A_2237, %lt3A_2418 : vector<16xi32>
        %and3A_2420 = arith.andi %ge3A_2416, %lt3A_2419 : vector<16xi1>
        %select_n3A_2421 = arith.select %and3A_2420, %broadcast_in_dim3A_1, %broadcast_in_dim3A_3 : vector<16xi1>, vector<16xi32>
        %swap3A_2422 = arith.constant 8 : index
        %swap3A_2423 = tpu.vector_load %arg9[%swap3A_2422] {strides = array<i32>} : memref<40xi32, #tpu.memory_space<vmem>>, vector<16xi32>,
        %swap3A_2424 = vector.shape_cast %swap3A_2423 : vector<16xi32> to vector<16xi32>
        %swap3A_2425 = vector.shape_cast %select_n3A_2421 : vector<16xi32> to vector<16xi32>
        tpu.vector_store %arg9[%swap3A_2422], %swap3A_2425 {strides = array<i32>} : memref<40xi32, #tpu.memory_space<vmem>>, vector<16xi32>,
        %get3A_2426 = arith.constant 7 : index
        %get3A_2427 = tpu.vector_load %arg9[%get3A_2426] {strides = array<i32>} : memref<40xi32, #tpu.memory_space<vmem>>, vector<16xi32>,
        %get3A_2428 = vector.shape_cast %get3A_2427 : vector<16xi32> to vector<16xi32>
        %add3A_2429 = arith.addi %select_n3A_2421, %get3A_2428 : vector<16xi32>
        %swap3A_2430 = arith.constant 8 : index
        %swap3A_2431 = tpu.vector_load %arg9[%swap3A_2430] {strides = array<i32>} : memref<40xi32, #tpu.memory_space<vmem>>, vector<16xi32>,
        %swap3A_2432 = vector.shape_cast %swap3A_2431 : vector<16xi32> to vector<16xi32>
        %swap3A_2433 = vector.shape_cast %add3A_2429 : vector<16xi32> to vector<16xi32>
        tpu.vector_store %arg9[%swap3A_2430], %swap3A_2433 {strides = array<i32>} : memref<40xi32, #tpu.memory_space<vmem>>, vector<16xi32>,
        %get3A_2434 = arith.constant 6 : index
        %get3A_2435 = tpu.vector_load %arg9[%get3A_2434] {strides = array<i32>} : memref<40xi32, #tpu.memory_space<vmem>>, vector<16xi32>,
        %get3A_2436 = vector.shape_cast %get3A_2435 : vector<16xi32> to vector<16xi32>
        %add3A_2437 = arith.addi %add3A_2429, %get3A_2436 : vector<16xi32>
        %swap3A_2438 = arith.constant 8 : index
        %swap3A_2439 = tpu.vector_load %arg9[%swap3A_2438] {strides = array<i32>} : memref<40xi32, #tpu.memory_space<vmem>>, vector<16xi32>,
        %swap3A_2440 = vector.shape_cast %swap3A_2439 : vector<16xi32> to vector<16xi32>
        %swap3A_2441 = vector.shape_cast %add3A_2437 : vector<16xi32> to vector<16xi32>
        tpu.vector_store %arg9[%swap3A_2438], %swap3A_2441 {strides = array<i32>} : memref<40xi32, #tpu.memory_space<vmem>>, vector<16xi32>,
        %get3A_2442 = arith.constant 4 : index
        %get3A_2443 = tpu.vector_load %arg9[%get3A_2442] {strides = array<i32>} : memref<40xi32, #tpu.memory_space<vmem>>, vector<16xi32>,
        %get3A_2444 = vector.shape_cast %get3A_2443 : vector<16xi32> to vector<16xi32>
        %add3A_2445 = arith.addi %add3A_2437, %get3A_2444 : vector<16xi32>
        %swap3A_2446 = arith.constant 8 : index
        %swap3A_2447 = tpu.vector_load %arg9[%swap3A_2446] {strides = array<i32>} : memref<40xi32, #tpu.memory_space<vmem>>, vector<16xi32>,
        %swap3A_2448 = vector.shape_cast %swap3A_2447 : vector<16xi32> to vector<16xi32>
        %swap3A_2449 = vector.shape_cast %add3A_2445 : vector<16xi32> to vector<16xi32>
        tpu.vector_store %arg9[%swap3A_2446], %swap3A_2449 {strides = array<i32>} : memref<40xi32, #tpu.memory_space<vmem>>, vector<16xi32>,
        %get3A_2450 = arith.constant 0 : index
        %get3A_2451 = tpu.vector_load %arg9[%get3A_2450] {strides = array<i32>} : memref<40xi32, #tpu.memory_space<vmem>>, vector<16xi32>,
        %get3A_2452 = vector.shape_cast %get3A_2451 : vector<16xi32> to vector<16xi32>
        %add3A_2453 = arith.addi %add3A_2445, %get3A_2452 : vector<16xi32>
        %mul3A_2454 = arith.constant 4 : i32
        %mul3A_2455 = arith.muli %add3A, %mul3A_2454 : i32
        %add3A_2456 = arith.constant 3 : i32
        %add3A_2457 = arith.addi %mul3A_2455, %add3A_2456 : i32
        %mul3A_2458 = arith.constant 25472 : i32
        %mul3A_2459 = arith.muli %add3A_2457, %mul3A_2458 : i32
        %sub3A_2460 = arith.constant 1 : i32
        %sub3A_2461 = vector.broadcast %sub3A_2460 : i32 to vector<16xi32>
        %sub3A_2462 = arith.subi %add3A_2453, %sub3A_2461 : vector<16xi32>
        %add3A_2463 = arith.addi %scan3A_2224, %mul3A_2459 : i32
        %mul3A_2464 = vector.broadcast %add3A_2463 : i32 to vector<16xi32>
        %mul3A_2465 = arith.muli %broadcast_in_dim3A_1, %mul3A_2464 : vector<16xi32>
        %add3A_2466 = arith.addi %sub3A_2462, %mul3A_2465 : vector<16xi32>
        %select_n3A_2467 = arith.select %and3A_2420, %add3A_2466, %select_n3A_2406 : vector<16xi1>, vector<16xi32>
        %sub3A_2468 = arith.constant 37632 : i32
        %sub3A_2469 = vector.broadcast %sub3A_2468 : i32 to vector<16xi32>
        %sub3A_2470 = arith.subi %get3A_2237, %sub3A_2469 : vector<16xi32>
        %select_n3A_2471 = arith.select %and3A_2420, %sub3A_2470, %select_n3A_2410 : vector<16xi1>, vector<16xi32>
        %slice3A_2472 = vector.extract_strided_slice %add3A_2453 {offsets = [15], sizes = [1], strides = [1]} : vector<16xi32> to vector<1xi32>
        %squeeze3A_2473 = vector.extract %slice3A_2472[0] : i32 from vector<1xi32>
        %add3A_2474 = arith.addi %scan3A_2224, %squeeze3A_2473 : i32
        %swap3A_2475 = arith.constant 0 : index
        %swap3A_2476 = tpu.vector_load %arg10[%swap3A_2475] {strides = array<i32>} : memref<128xi32, #tpu.memory_space<vmem>>, vector<16xi32>,
        %swap3A_2477 = vector.shape_cast %swap3A_2476 : vector<16xi32> to vector<16xi32>
        %swap3A_2478 = vector.shape_cast %select_n3A_2467 : vector<16xi32> to vector<16xi32>
        tpu.vector_store %arg10[%swap3A_2475], %swap3A_2478 {strides = array<i32>} : memref<128xi32, #tpu.memory_space<vmem>>, vector<16xi32>,
        %swap3A_2479 = arith.constant 0 : index
        %swap3A_2480 = tpu.vector_load %arg11[%swap3A_2479] {strides = array<i32>} : memref<128xi32, #tpu.memory_space<vmem>>, vector<16xi32>,
        %swap3A_2481 = vector.shape_cast %swap3A_2480 : vector<16xi32> to vector<16xi32>
        %swap3A_2482 = vector.shape_cast %get3A_2230 : vector<16xi32> to vector<16xi32>
        tpu.vector_store %arg11[%swap3A_2479], %swap3A_2482 {strides = array<i32>} : memref<128xi32, #tpu.memory_space<vmem>>, vector<16xi32>,
        %swap3A_2483 = arith.constant 0 : index
        %swap3A_2484 = tpu.vector_load %arg12[%swap3A_2483] {strides = array<i32>} : memref<128xi32, #tpu.memory_space<vmem>>, vector<16xi32>,
        %swap3A_2485 = vector.shape_cast %swap3A_2484 : vector<16xi32> to vector<16xi32>
        %swap3A_2486 = vector.shape_cast %select_n3A_2471 : vector<16xi32> to vector<16xi32>
        tpu.vector_store %arg12[%swap3A_2483], %swap3A_2486 {strides = array<i32>} : memref<128xi32, #tpu.memory_space<vmem>>, vector<16xi32>,
        %mul3A_2487 = arith.constant 128 : i32
        %mul3A_2488 = arith.muli %scan3A_2220, %mul3A_2487 : i32
        %add3A_2489 = arith.constant 16 : i32
        %add3A_2490 = arith.addi %mul3A_2488, %add3A_2489 : i32
        %get3A_2491 = arith.index_cast %add3A_2490 : i32 to index
        %get3A_2492 = tpu.vector_load %arg7[%get3A_2491] {strides = array<i32>} : memref<6272xi32, #tpu.memory_space<vmem>>, vector<16xi32>,
        %get3A_2493 = vector.shape_cast %get3A_2492 : vector<16xi32> to vector<16xi32>
        %mul3A_2494 = arith.constant 128 : i32
        %mul3A_2495 = arith.muli %scan3A_2220, %mul3A_2494 : i32
        %add3A_2496 = arith.constant 16 : i32
        %add3A_2497 = arith.addi %mul3A_2495, %add3A_2496 : i32
        %get3A_2498 = arith.index_cast %add3A_2497 : i32 to index
        %get3A_2499 = tpu.vector_load %arg8[%get3A_2498] {strides = array<i32>} : memref<6272xi32, #tpu.memory_space<vmem>>, vector<16xi32>,
        %get3A_2500 = vector.shape_cast %get3A_2499 : vector<16xi32> to vector<16xi32>
        %ge3A_2501 = arith.constant 0 : i32
        %ge3A_2502 = vector.broadcast %ge3A_2501 : i32 to vector<16xi32>
        %ge3A_2503 = arith.cmpi sge, %get3A_2500, %ge3A_2502 : vector<16xi32>
        %lt3A_2504 = arith.constant 12544 : i32
        %lt3A_2505 = vector.broadcast %lt3A_2504 : i32 to vector<16xi32>
        %lt3A_2506 = arith.cmpi slt, %get3A_2500, %lt3A_2505 : vector<16xi32>
        %and3A_2507 = arith.andi %ge3A_2503, %lt3A_2506 : vector<16xi1>
        %select_n3A_2508 = arith.select %and3A_2507, %broadcast_in_dim3A_1, %broadcast_in_dim3A_3 : vector<16xi1>, vector<16xi32>
        %swap3A_2509 = arith.constant 8 : index
        %swap3A_2510 = tpu.vector_load %arg9[%swap3A_2509] {strides = array<i32>} : memref<40xi32, #tpu.memory_space<vmem>>, vector<16xi32>,
        %swap3A_2511 = vector.shape_cast %swap3A_2510 : vector<16xi32> to vector<16xi32>
        %swap3A_2512 = vector.shape_cast %select_n3A_2508 : vector<16xi32> to vector<16xi32>
        tpu.vector_store %arg9[%swap3A_2509], %swap3A_2512 {strides = array<i32>} : memref<40xi32, #tpu.memory_space<vmem>>, vector<16xi32>,
        %get3A_2513 = arith.constant 7 : index
        %get3A_2514 = tpu.vector_load %arg9[%get3A_2513] {strides = array<i32>} : memref<40xi32, #tpu.memory_space<vmem>>, vector<16xi32>,
        %get3A_2515 = vector.shape_cast %get3A_2514 : vector<16xi32> to vector<16xi32>
        %add3A_2516 = arith.addi %select_n3A_2508, %get3A_2515 : vector<16xi32>
        %swap3A_2517 = arith.constant 8 : index
        %swap3A_2518 = tpu.vector_load %arg9[%swap3A_2517] {strides = array<i32>} : memref<40xi32, #tpu.memory_space<vmem>>, vector<16xi32>,
        %swap3A_2519 = vector.shape_cast %swap3A_2518 : vector<16xi32> to vector<16xi32>
        %swap3A_2520 = vector.shape_cast %add3A_2516 : vector<16xi32> to vector<16xi32>
        tpu.vector_store %arg9[%swap3A_2517], %swap3A_2520 {strides = array<i32>} : memref<40xi32, #tpu.memory_space<vmem>>, vector<16xi32>,
        %get3A_2521 = arith.constant 6 : index
        %get3A_2522 = tpu.vector_load %arg9[%get3A_2521] {strides = array<i32>} : memref<40xi32, #tpu.memory_space<vmem>>, vector<16xi32>,
        %get3A_2523 = vector.shape_cast %get3A_2522 : vector<16xi32> to vector<16xi32>
        %add3A_2524 = arith.addi %add3A_2516, %get3A_2523 : vector<16xi32>
        %swap3A_2525 = arith.constant 8 : index
        %swap3A_2526 = tpu.vector_load %arg9[%swap3A_2525] {strides = array<i32>} : memref<40xi32, #tpu.memory_space<vmem>>, vector<16xi32>,
        %swap3A_2527 = vector.shape_cast %swap3A_2526 : vector<16xi32> to vector<16xi32>
        %swap3A_2528 = vector.shape_cast %add3A_2524 : vector<16xi32> to vector<16xi32>
        tpu.vector_store %arg9[%swap3A_2525], %swap3A_2528 {strides = array<i32>} : memref<40xi32, #tpu.memory_space<vmem>>, vector<16xi32>,
        %get3A_2529 = arith.constant 4 : index
        %get3A_2530 = tpu.vector_load %arg9[%get3A_2529] {strides = array<i32>} : memref<40xi32, #tpu.memory_space<vmem>>, vector<16xi32>,
        %get3A_2531 = vector.shape_cast %get3A_2530 : vector<16xi32> to vector<16xi32>
        %add3A_2532 = arith.addi %add3A_2524, %get3A_2531 : vector<16xi32>
        %swap3A_2533 = arith.constant 8 : index
        %swap3A_2534 = tpu.vector_load %arg9[%swap3A_2533] {strides = array<i32>} : memref<40xi32, #tpu.memory_space<vmem>>, vector<16xi32>,
        %swap3A_2535 = vector.shape_cast %swap3A_2534 : vector<16xi32> to vector<16xi32>
        %swap3A_2536 = vector.shape_cast %add3A_2532 : vector<16xi32> to vector<16xi32>
        tpu.vector_store %arg9[%swap3A_2533], %swap3A_2536 {strides = array<i32>} : memref<40xi32, #tpu.memory_space<vmem>>, vector<16xi32>,
        %get3A_2537 = arith.constant 0 : index
        %get3A_2538 = tpu.vector_load %arg9[%get3A_2537] {strides = array<i32>} : memref<40xi32, #tpu.memory_space<vmem>>, vector<16xi32>,
        %get3A_2539 = vector.shape_cast %get3A_2538 : vector<16xi32> to vector<16xi32>
        %add3A_2540 = arith.addi %add3A_2532, %get3A_2539 : vector<16xi32>
        %mul3A_2541 = arith.constant 4 : i32
        %mul3A_2542 = arith.muli %add3A, %mul3A_2541 : i32
        %add3A_2543 = arith.constant 0 : i32
        %add3A_2544 = arith.addi %mul3A_2542, %add3A_2543 : i32
        %mul3A_2545 = arith.constant 25472 : i32
        %mul3A_2546 = arith.muli %add3A_2544, %mul3A_2545 : i32
        %sub3A_2547 = arith.constant 1 : i32
        %sub3A_2548 = vector.broadcast %sub3A_2547 : i32 to vector<16xi32>
        %sub3A_2549 = arith.subi %add3A_2540, %sub3A_2548 : vector<16xi32>
        %add3A_2550 = arith.addi %add3A_2291, %mul3A_2546 : i32
        %mul3A_2551 = vector.broadcast %add3A_2550 : i32 to vector<16xi32>
        %mul3A_2552 = arith.muli %broadcast_in_dim3A_1, %mul3A_2551 : vector<16xi32>
        %add3A_2553 = arith.addi %sub3A_2549, %mul3A_2552 : vector<16xi32>
        %select_n3A_2554 = arith.select %and3A_2507, %add3A_2553, %broadcast_in_dim3A_5 : vector<16xi1>, vector<16xi32>
        %sub3A_2555 = arith.constant 0 : i32
        %sub3A_2556 = vector.broadcast %sub3A_2555 : i32 to vector<16xi32>
        %sub3A_2557 = arith.subi %get3A_2500, %sub3A_2556 : vector<16xi32>
        %select_n3A_2558 = arith.select %and3A_2507, %sub3A_2557, %broadcast_in_dim3A_7 : vector<16xi1>, vector<16xi32>
        %slice3A_2559 = vector.extract_strided_slice %add3A_2540 {offsets = [15], sizes = [1], strides = [1]} : vector<16xi32> to vector<1xi32>
        %squeeze3A_2560 = vector.extract %slice3A_2559[0] : i32 from vector<1xi32>
        %add3A_2561 = arith.addi %add3A_2291, %squeeze3A_2560 : i32
        %ge3A_2562 = arith.constant 12544 : i32
        %ge3A_2563 = vector.broadcast %ge3A_2562 : i32 to vector<16xi32>
        %ge3A_2564 = arith.cmpi sge, %get3A_2500, %ge3A_2563 : vector<16xi32>
        %lt3A_2565 = arith.constant 25088 : i32
        %lt3A_2566 = vector.broadcast %lt3A_2565 : i32 to vector<16xi32>
        %lt3A_2567 = arith.cmpi slt, %get3A_2500, %lt3A_2566 : vector<16xi32>
        %and3A_2568 = arith.andi %ge3A_2564, %lt3A_2567 : vector<16xi1>
        %select_n3A_2569 = arith.select %and3A_2568, %broadcast_in_dim3A_1, %broadcast_in_dim3A_3 : vector<16xi1>, vector<16xi32>
        %swap3A_2570 = arith.constant 8 : index
        %swap3A_2571 = tpu.vector_load %arg9[%swap3A_2570] {strides = array<i32>} : memref<40xi32, #tpu.memory_space<vmem>>, vector<16xi32>,
        %swap3A_2572 = vector.shape_cast %swap3A_2571 : vector<16xi32> to vector<16xi32>
        %swap3A_2573 = vector.shape_cast %select_n3A_2569 : vector<16xi32> to vector<16xi32>
        tpu.vector_store %arg9[%swap3A_2570], %swap3A_2573 {strides = array<i32>} : memref<40xi32, #tpu.memory_space<vmem>>, vector<16xi32>,
        %get3A_2574 = arith.constant 7 : index
        %get3A_2575 = tpu.vector_load %arg9[%get3A_2574] {strides = array<i32>} : memref<40xi32, #tpu.memory_space<vmem>>, vector<16xi32>,
        %get3A_2576 = vector.shape_cast %get3A_2575 : vector<16xi32> to vector<16xi32>
        %add3A_2577 = arith.addi %select_n3A_2569, %get3A_2576 : vector<16xi32>
        %swap3A_2578 = arith.constant 8 : index
        %swap3A_2579 = tpu.vector_load %arg9[%swap3A_2578] {strides = array<i32>} : memref<40xi32, #tpu.memory_space<vmem>>, vector<16xi32>,
        %swap3A_2580 = vector.shape_cast %swap3A_2579 : vector<16xi32> to vector<16xi32>
        %swap3A_2581 = vector.shape_cast %add3A_2577 : vector<16xi32> to vector<16xi32>
        tpu.vector_store %arg9[%swap3A_2578], %swap3A_2581 {strides = array<i32>} : memref<40xi32, #tpu.memory_space<vmem>>, vector<16xi32>,
        %get3A_2582 = arith.constant 6 : index
        %get3A_2583 = tpu.vector_load %arg9[%get3A_2582] {strides = array<i32>} : memref<40xi32, #tpu.memory_space<vmem>>, vector<16xi32>,
        %get3A_2584 = vector.shape_cast %get3A_2583 : vector<16xi32> to vector<16xi32>
        %add3A_2585 = arith.addi %add3A_2577, %get3A_2584 : vector<16xi32>
        %swap3A_2586 = arith.constant 8 : index
        %swap3A_2587 = tpu.vector_load %arg9[%swap3A_2586] {strides = array<i32>} : memref<40xi32, #tpu.memory_space<vmem>>, vector<16xi32>,
        %swap3A_2588 = vector.shape_cast %swap3A_2587 : vector<16xi32> to vector<16xi32>
        %swap3A_2589 = vector.shape_cast %add3A_2585 : vector<16xi32> to vector<16xi32>
        tpu.vector_store %arg9[%swap3A_2586], %swap3A_2589 {strides = array<i32>} : memref<40xi32, #tpu.memory_space<vmem>>, vector<16xi32>,
        %get3A_2590 = arith.constant 4 : index
        %get3A_2591 = tpu.vector_load %arg9[%get3A_2590] {strides = array<i32>} : memref<40xi32, #tpu.memory_space<vmem>>, vector<16xi32>,
        %get3A_2592 = vector.shape_cast %get3A_2591 : vector<16xi32> to vector<16xi32>
        %add3A_2593 = arith.addi %add3A_2585, %get3A_2592 : vector<16xi32>
        %swap3A_2594 = arith.constant 8 : index
        %swap3A_2595 = tpu.vector_load %arg9[%swap3A_2594] {strides = array<i32>} : memref<40xi32, #tpu.memory_space<vmem>>, vector<16xi32>,
        %swap3A_2596 = vector.shape_cast %swap3A_2595 : vector<16xi32> to vector<16xi32>
        %swap3A_2597 = vector.shape_cast %add3A_2593 : vector<16xi32> to vector<16xi32>
        tpu.vector_store %arg9[%swap3A_2594], %swap3A_2597 {strides = array<i32>} : memref<40xi32, #tpu.memory_space<vmem>>, vector<16xi32>,
        %get3A_2598 = arith.constant 0 : index
        %get3A_2599 = tpu.vector_load %arg9[%get3A_2598] {strides = array<i32>} : memref<40xi32, #tpu.memory_space<vmem>>, vector<16xi32>,
        %get3A_2600 = vector.shape_cast %get3A_2599 : vector<16xi32> to vector<16xi32>
        %add3A_2601 = arith.addi %add3A_2593, %get3A_2600 : vector<16xi32>
        %mul3A_2602 = arith.constant 4 : i32
        %mul3A_2603 = arith.muli %add3A, %mul3A_2602 : i32
        %add3A_2604 = arith.constant 1 : i32
        %add3A_2605 = arith.addi %mul3A_2603, %add3A_2604 : i32
        %mul3A_2606 = arith.constant 25472 : i32
        %mul3A_2607 = arith.muli %add3A_2605, %mul3A_2606 : i32
        %sub3A_2608 = arith.constant 1 : i32
        %sub3A_2609 = vector.broadcast %sub3A_2608 : i32 to vector<16xi32>
        %sub3A_2610 = arith.subi %add3A_2601, %sub3A_2609 : vector<16xi32>
        %add3A_2611 = arith.addi %add3A_2352, %mul3A_2607 : i32
        %mul3A_2612 = vector.broadcast %add3A_2611 : i32 to vector<16xi32>
        %mul3A_2613 = arith.muli %broadcast_in_dim3A_1, %mul3A_2612 : vector<16xi32>
        %add3A_2614 = arith.addi %sub3A_2610, %mul3A_2613 : vector<16xi32>
        %select_n3A_2615 = arith.select %and3A_2568, %add3A_2614, %select_n3A_2554 : vector<16xi1>, vector<16xi32>
        %sub3A_2616 = arith.constant 12544 : i32
        %sub3A_2617 = vector.broadcast %sub3A_2616 : i32 to vector<16xi32>
        %sub3A_2618 = arith.subi %get3A_2500, %sub3A_2617 : vector<16xi32>
        %select_n3A_2619 = arith.select %and3A_2568, %sub3A_2618, %select_n3A_2558 : vector<16xi1>, vector<16xi32>
        %slice3A_2620 = vector.extract_strided_slice %add3A_2601 {offsets = [15], sizes = [1], strides = [1]} : vector<16xi32> to vector<1xi32>
        %squeeze3A_2621 = vector.extract %slice3A_2620[0] : i32 from vector<1xi32>
        %add3A_2622 = arith.addi %add3A_2352, %squeeze3A_2621 : i32
        %ge3A_2623 = arith.constant 25088 : i32
        %ge3A_2624 = vector.broadcast %ge3A_2623 : i32 to vector<16xi32>
        %ge3A_2625 = arith.cmpi sge, %get3A_2500, %ge3A_2624 : vector<16xi32>
        %lt3A_2626 = arith.constant 37632 : i32
        %lt3A_2627 = vector.broadcast %lt3A_2626 : i32 to vector<16xi32>
        %lt3A_2628 = arith.cmpi slt, %get3A_2500, %lt3A_2627 : vector<16xi32>
        %and3A_2629 = arith.andi %ge3A_2625, %lt3A_2628 : vector<16xi1>
        %select_n3A_2630 = arith.select %and3A_2629, %broadcast_in_dim3A_1, %broadcast_in_dim3A_3 : vector<16xi1>, vector<16xi32>
        %swap3A_2631 = arith.constant 8 : index
        %swap3A_2632 = tpu.vector_load %arg9[%swap3A_2631] {strides = array<i32>} : memref<40xi32, #tpu.memory_space<vmem>>, vector<16xi32>,
        %swap3A_2633 = vector.shape_cast %swap3A_2632 : vector<16xi32> to vector<16xi32>
        %swap3A_2634 = vector.shape_cast %select_n3A_2630 : vector<16xi32> to vector<16xi32>
        tpu.vector_store %arg9[%swap3A_2631], %swap3A_2634 {strides = array<i32>} : memref<40xi32, #tpu.memory_space<vmem>>, vector<16xi32>,
        %get3A_2635 = arith.constant 7 : index
        %get3A_2636 = tpu.vector_load %arg9[%get3A_2635] {strides = array<i32>} : memref<40xi32, #tpu.memory_space<vmem>>, vector<16xi32>,
        %get3A_2637 = vector.shape_cast %get3A_2636 : vector<16xi32> to vector<16xi32>
        %add3A_2638 = arith.addi %select_n3A_2630, %get3A_2637 : vector<16xi32>
        %swap3A_2639 = arith.constant 8 : index
        %swap3A_2640 = tpu.vector_load %arg9[%swap3A_2639] {strides = array<i32>} : memref<40xi32, #tpu.memory_space<vmem>>, vector<16xi32>,
        %swap3A_2641 = vector.shape_cast %swap3A_2640 : vector<16xi32> to vector<16xi32>
        %swap3A_2642 = vector.shape_cast %add3A_2638 : vector<16xi32> to vector<16xi32>
        tpu.vector_store %arg9[%swap3A_2639], %swap3A_2642 {strides = array<i32>} : memref<40xi32, #tpu.memory_space<vmem>>, vector<16xi32>,
        %get3A_2643 = arith.constant 6 : index
        %get3A_2644 = tpu.vector_load %arg9[%get3A_2643] {strides = array<i32>} : memref<40xi32, #tpu.memory_space<vmem>>, vector<16xi32>,
        %get3A_2645 = vector.shape_cast %get3A_2644 : vector<16xi32> to vector<16xi32>
        %add3A_2646 = arith.addi %add3A_2638, %get3A_2645 : vector<16xi32>
        %swap3A_2647 = arith.constant 8 : index
        %swap3A_2648 = tpu.vector_load %arg9[%swap3A_2647] {strides = array<i32>} : memref<40xi32, #tpu.memory_space<vmem>>, vector<16xi32>,
        %swap3A_2649 = vector.shape_cast %swap3A_2648 : vector<16xi32> to vector<16xi32>
        %swap3A_2650 = vector.shape_cast %add3A_2646 : vector<16xi32> to vector<16xi32>
        tpu.vector_store %arg9[%swap3A_2647], %swap3A_2650 {strides = array<i32>} : memref<40xi32, #tpu.memory_space<vmem>>, vector<16xi32>,
        %get3A_2651 = arith.constant 4 : index
        %get3A_2652 = tpu.vector_load %arg9[%get3A_2651] {strides = array<i32>} : memref<40xi32, #tpu.memory_space<vmem>>, vector<16xi32>,
        %get3A_2653 = vector.shape_cast %get3A_2652 : vector<16xi32> to vector<16xi32>
        %add3A_2654 = arith.addi %add3A_2646, %get3A_2653 : vector<16xi32>
        %swap3A_2655 = arith.constant 8 : index
        %swap3A_2656 = tpu.vector_load %arg9[%swap3A_2655] {strides = array<i32>} : memref<40xi32, #tpu.memory_space<vmem>>, vector<16xi32>,
        %swap3A_2657 = vector.shape_cast %swap3A_2656 : vector<16xi32> to vector<16xi32>
        %swap3A_2658 = vector.shape_cast %add3A_2654 : vector<16xi32> to vector<16xi32>
        tpu.vector_store %arg9[%swap3A_2655], %swap3A_2658 {strides = array<i32>} : memref<40xi32, #tpu.memory_space<vmem>>, vector<16xi32>,
        %get3A_2659 = arith.constant 0 : index
        %get3A_2660 = tpu.vector_load %arg9[%get3A_2659] {strides = array<i32>} : memref<40xi32, #tpu.memory_space<vmem>>, vector<16xi32>,
        %get3A_2661 = vector.shape_cast %get3A_2660 : vector<16xi32> to vector<16xi32>
        %add3A_2662 = arith.addi %add3A_2654, %get3A_2661 : vector<16xi32>
        %mul3A_2663 = arith.constant 4 : i32
        %mul3A_2664 = arith.muli %add3A, %mul3A_2663 : i32
        %add3A_2665 = arith.constant 2 : i32
        %add3A_2666 = arith.addi %mul3A_2664, %add3A_2665 : i32
        %mul3A_2667 = arith.constant 25472 : i32
        %mul3A_2668 = arith.muli %add3A_2666, %mul3A_2667 : i32
        %sub3A_2669 = arith.constant 1 : i32
        %sub3A_2670 = vector.broadcast %sub3A_2669 : i32 to vector<16xi32>
        %sub3A_2671 = arith.subi %add3A_2662, %sub3A_2670 : vector<16xi32>
        %add3A_2672 = arith.addi %add3A_2413, %mul3A_2668 : i32
        %mul3A_2673 = vector.broadcast %add3A_2672 : i32 to vector<16xi32>
        %mul3A_2674 = arith.muli %broadcast_in_dim3A_1, %mul3A_2673 : vector<16xi32>
        %add3A_2675 = arith.addi %sub3A_2671, %mul3A_2674 : vector<16xi32>
        %select_n3A_2676 = arith.select %and3A_2629, %add3A_2675, %select_n3A_2615 : vector<16xi1>, vector<16xi32>
        %sub3A_2677 = arith.constant 25088 : i32
        %sub3A_2678 = vector.broadcast %sub3A_2677 : i32 to vector<16xi32>
        %sub3A_2679 = arith.subi %get3A_2500, %sub3A_2678 : vector<16xi32>
        %select_n3A_2680 = arith.select %and3A_2629, %sub3A_2679, %select_n3A_2619 : vector<16xi1>, vector<16xi32>
        %slice3A_2681 = vector.extract_strided_slice %add3A_2662 {offsets = [15], sizes = [1], strides = [1]} : vector<16xi32> to vector<1xi32>
        %squeeze3A_2682 = vector.extract %slice3A_2681[0] : i32 from vector<1xi32>
        %add3A_2683 = arith.addi %add3A_2413, %squeeze3A_2682 : i32
        %ge3A_2684 = arith.constant 37632 : i32
        %ge3A_2685 = vector.broadcast %ge3A_2684 : i32 to vector<16xi32>
        %ge3A_2686 = arith.cmpi sge, %get3A_2500, %ge3A_2685 : vector<16xi32>
        %lt3A_2687 = arith.constant 50176 : i32
        %lt3A_2688 = vector.broadcast %lt3A_2687 : i32 to vector<16xi32>
        %lt3A_2689 = arith.cmpi slt, %get3A_2500, %lt3A_2688 : vector<16xi32>
        %and3A_2690 = arith.andi %ge3A_2686, %lt3A_2689 : vector<16xi1>
        %select_n3A_2691 = arith.select %and3A_2690, %broadcast_in_dim3A_1, %broadcast_in_dim3A_3 : vector<16xi1>, vector<16xi32>
        %swap3A_2692 = arith.constant 8 : index
        %swap3A_2693 = tpu.vector_load %arg9[%swap3A_2692] {strides = array<i32>} : memref<40xi32, #tpu.memory_space<vmem>>, vector<16xi32>,
        %swap3A_2694 = vector.shape_cast %swap3A_2693 : vector<16xi32> to vector<16xi32>
        %swap3A_2695 = vector.shape_cast %select_n3A_2691 : vector<16xi32> to vector<16xi32>
        tpu.vector_store %arg9[%swap3A_2692], %swap3A_2695 {strides = array<i32>} : memref<40xi32, #tpu.memory_space<vmem>>, vector<16xi32>,
        %get3A_2696 = arith.constant 7 : index
        %get3A_2697 = tpu.vector_load %arg9[%get3A_2696] {strides = array<i32>} : memref<40xi32, #tpu.memory_space<vmem>>, vector<16xi32>,
        %get3A_2698 = vector.shape_cast %get3A_2697 : vector<16xi32> to vector<16xi32>
        %add3A_2699 = arith.addi %select_n3A_2691, %get3A_2698 : vector<16xi32>
        %swap3A_2700 = arith.constant 8 : index
        %swap3A_2701 = tpu.vector_load %arg9[%swap3A_2700] {strides = array<i32>} : memref<40xi32, #tpu.memory_space<vmem>>, vector<16xi32>,
        %swap3A_2702 = vector.shape_cast %swap3A_2701 : vector<16xi32> to vector<16xi32>
        %swap3A_2703 = vector.shape_cast %add3A_2699 : vector<16xi32> to vector<16xi32>
        tpu.vector_store %arg9[%swap3A_2700], %swap3A_2703 {strides = array<i32>} : memref<40xi32, #tpu.memory_space<vmem>>, vector<16xi32>,
        %get3A_2704 = arith.constant 6 : index
        %get3A_2705 = tpu.vector_load %arg9[%get3A_2704] {strides = array<i32>} : memref<40xi32, #tpu.memory_space<vmem>>, vector<16xi32>,
        %get3A_2706 = vector.shape_cast %get3A_2705 : vector<16xi32> to vector<16xi32>
        %add3A_2707 = arith.addi %add3A_2699, %get3A_2706 : vector<16xi32>
        %swap3A_2708 = arith.constant 8 : index
        %swap3A_2709 = tpu.vector_load %arg9[%swap3A_2708] {strides = array<i32>} : memref<40xi32, #tpu.memory_space<vmem>>, vector<16xi32>,
        %swap3A_2710 = vector.shape_cast %swap3A_2709 : vector<16xi32> to vector<16xi32>
        %swap3A_2711 = vector.shape_cast %add3A_2707 : vector<16xi32> to vector<16xi32>
        tpu.vector_store %arg9[%swap3A_2708], %swap3A_2711 {strides = array<i32>} : memref<40xi32, #tpu.memory_space<vmem>>, vector<16xi32>,
        %get3A_2712 = arith.constant 4 : index
        %get3A_2713 = tpu.vector_load %arg9[%get3A_2712] {strides = array<i32>} : memref<40xi32, #tpu.memory_space<vmem>>, vector<16xi32>,
        %get3A_2714 = vector.shape_cast %get3A_2713 : vector<16xi32> to vector<16xi32>
        %add3A_2715 = arith.addi %add3A_2707, %get3A_2714 : vector<16xi32>
        %swap3A_2716 = arith.constant 8 : index
        %swap3A_2717 = tpu.vector_load %arg9[%swap3A_2716] {strides = array<i32>} : memref<40xi32, #tpu.memory_space<vmem>>, vector<16xi32>,
        %swap3A_2718 = vector.shape_cast %swap3A_2717 : vector<16xi32> to vector<16xi32>
        %swap3A_2719 = vector.shape_cast %add3A_2715 : vector<16xi32> to vector<16xi32>
        tpu.vector_store %arg9[%swap3A_2716], %swap3A_2719 {strides = array<i32>} : memref<40xi32, #tpu.memory_space<vmem>>, vector<16xi32>,
        %get3A_2720 = arith.constant 0 : index
        %get3A_2721 = tpu.vector_load %arg9[%get3A_2720] {strides = array<i32>} : memref<40xi32, #tpu.memory_space<vmem>>, vector<16xi32>,
        %get3A_2722 = vector.shape_cast %get3A_2721 : vector<16xi32> to vector<16xi32>
        %add3A_2723 = arith.addi %add3A_2715, %get3A_2722 : vector<16xi32>
        %mul3A_2724 = arith.constant 4 : i32
        %mul3A_2725 = arith.muli %add3A, %mul3A_2724 : i32
        %add3A_2726 = arith.constant 3 : i32
        %add3A_2727 = arith.addi %mul3A_2725, %add3A_2726 : i32
        %mul3A_2728 = arith.constant 25472 : i32
        %mul3A_2729 = arith.muli %add3A_2727, %mul3A_2728 : i32
        %sub3A_2730 = arith.constant 1 : i32
        %sub3A_2731 = vector.broadcast %sub3A_2730 : i32 to vector<16xi32>
        %sub3A_2732 = arith.subi %add3A_2723, %sub3A_2731 : vector<16xi32>
        %add3A_2733 = arith.addi %add3A_2474, %mul3A_2729 : i32
        %mul3A_2734 = vector.broadcast %add3A_2733 : i32 to vector<16xi32>
        %mul3A_2735 = arith.muli %broadcast_in_dim3A_1, %mul3A_2734 : vector<16xi32>
        %add3A_2736 = arith.addi %sub3A_2732, %mul3A_2735 : vector<16xi32>
        %select_n3A_2737 = arith.select %and3A_2690, %add3A_2736, %select_n3A_2676 : vector<16xi1>, vector<16xi32>
        %sub3A_2738 = arith.constant 37632 : i32
        %sub3A_2739 = vector.broadcast %sub3A_2738 : i32 to vector<16xi32>
        %sub3A_2740 = arith.subi %get3A_2500, %sub3A_2739 : vector<16xi32>
        %select_n3A_2741 = arith.select %and3A_2690, %sub3A_2740, %select_n3A_2680 : vector<16xi1>, vector<16xi32>
        %slice3A_2742 = vector.extract_strided_slice %add3A_2723 {offsets = [15], sizes = [1], strides = [1]} : vector<16xi32> to vector<1xi32>
        %squeeze3A_2743 = vector.extract %slice3A_2742[0] : i32 from vector<1xi32>
        %add3A_2744 = arith.addi %add3A_2474, %squeeze3A_2743 : i32
        %swap3A_2745 = arith.constant 16 : index
        %swap3A_2746 = tpu.vector_load %arg10[%swap3A_2745] {strides = array<i32>} : memref<128xi32, #tpu.memory_space<vmem>>, vector<16xi32>,
        %swap3A_2747 = vector.shape_cast %swap3A_2746 : vector<16xi32> to vector<16xi32>
        %swap3A_2748 = vector.shape_cast %select_n3A_2737 : vector<16xi32> to vector<16xi32>
        tpu.vector_store %arg10[%swap3A_2745], %swap3A_2748 {strides = array<i32>} : memref<128xi32, #tpu.memory_space<vmem>>, vector<16xi32>,
        %swap3A_2749 = arith.constant 16 : index
        %swap3A_2750 = tpu.vector_load %arg11[%swap3A_2749] {strides = array<i32>} : memref<128xi32, #tpu.memory_space<vmem>>, vector<16xi32>,
        %swap3A_2751 = vector.shape_cast %swap3A_2750 : vector<16xi32> to vector<16xi32>
        %swap3A_2752 = vector.shape_cast %get3A_2493 : vector<16xi32> to vector<16xi32>
        tpu.vector_store %arg11[%swap3A_2749], %swap3A_2752 {strides = array<i32>} : memref<128xi32, #tpu.memory_space<vmem>>, vector<16xi32>,
        %swap3A_2753 = arith.constant 16 : index
        %swap3A_2754 = tpu.vector_load %arg12[%swap3A_2753] {strides = array<i32>} : memref<128xi32, #tpu.memory_space<vmem>>, vector<16xi32>,
        %swap3A_2755 = vector.shape_cast %swap3A_2754 : vector<16xi32> to vector<16xi32>
        %swap3A_2756 = vector.shape_cast %select_n3A_2741 : vector<16xi32> to vector<16xi32>
        tpu.vector_store %arg12[%swap3A_2753], %swap3A_2756 {strides = array<i32>} : memref<128xi32, #tpu.memory_space<vmem>>, vector<16xi32>,
        %mul3A_2757 = arith.constant 128 : i32
        %mul3A_2758 = arith.muli %scan3A_2220, %mul3A_2757 : i32
        %add3A_2759 = arith.constant 32 : i32
        %add3A_2760 = arith.addi %mul3A_2758, %add3A_2759 : i32
        %get3A_2761 = arith.index_cast %add3A_2760 : i32 to index
        %get3A_2762 = tpu.vector_load %arg7[%get3A_2761] {strides = array<i32>} : memref<6272xi32, #tpu.memory_space<vmem>>, vector<16xi32>,
        %get3A_2763 = vector.shape_cast %get3A_2762 : vector<16xi32> to vector<16xi32>
        %mul3A_2764 = arith.constant 128 : i32
        %mul3A_2765 = arith.muli %scan3A_2220, %mul3A_2764 : i32
        %add3A_2766 = arith.constant 32 : i32
        %add3A_2767 = arith.addi %mul3A_2765, %add3A_2766 : i32
        %get3A_2768 = arith.index_cast %add3A_2767 : i32 to index
        %get3A_2769 = tpu.vector_load %arg8[%get3A_2768] {strides = array<i32>} : memref<6272xi32, #tpu.memory_space<vmem>>, vector<16xi32>,
        %get3A_2770 = vector.shape_cast %get3A_2769 : vector<16xi32> to vector<16xi32>
        %ge3A_2771 = arith.constant 0 : i32
        %ge3A_2772 = vector.broadcast %ge3A_2771 : i32 to vector<16xi32>
        %ge3A_2773 = arith.cmpi sge, %get3A_2770, %ge3A_2772 : vector<16xi32>
        %lt3A_2774 = arith.constant 12544 : i32
        %lt3A_2775 = vector.broadcast %lt3A_2774 : i32 to vector<16xi32>
        %lt3A_2776 = arith.cmpi slt, %get3A_2770, %lt3A_2775 : vector<16xi32>
        %and3A_2777 = arith.andi %ge3A_2773, %lt3A_2776 : vector<16xi1>
        %select_n3A_2778 = arith.select %and3A_2777, %broadcast_in_dim3A_1, %broadcast_in_dim3A_3 : vector<16xi1>, vector<16xi32>
        %swap3A_2779 = arith.constant 8 : index
        %swap3A_2780 = tpu.vector_load %arg9[%swap3A_2779] {strides = array<i32>} : memref<40xi32, #tpu.memory_space<vmem>>, vector<16xi32>,
        %swap3A_2781 = vector.shape_cast %swap3A_2780 : vector<16xi32> to vector<16xi32>
        %swap3A_2782 = vector.shape_cast %select_n3A_2778 : vector<16xi32> to vector<16xi32>
        tpu.vector_store %arg9[%swap3A_2779], %swap3A_2782 {strides = array<i32>} : memref<40xi32, #tpu.memory_space<vmem>>, vector<16xi32>,
        %get3A_2783 = arith.constant 7 : index
        %get3A_2784 = tpu.vector_load %arg9[%get3A_2783] {strides = array<i32>} : memref<40xi32, #tpu.memory_space<vmem>>, vector<16xi32>,
        %get3A_2785 = vector.shape_cast %get3A_2784 : vector<16xi32> to vector<16xi32>
        %add3A_2786 = arith.addi %select_n3A_2778, %get3A_2785 : vector<16xi32>
        %swap3A_2787 = arith.constant 8 : index
        %swap3A_2788 = tpu.vector_load %arg9[%swap3A_2787] {strides = array<i32>} : memref<40xi32, #tpu.memory_space<vmem>>, vector<16xi32>,
        %swap3A_2789 = vector.shape_cast %swap3A_2788 : vector<16xi32> to vector<16xi32>
        %swap3A_2790 = vector.shape_cast %add3A_2786 : vector<16xi32> to vector<16xi32>
        tpu.vector_store %arg9[%swap3A_2787], %swap3A_2790 {strides = array<i32>} : memref<40xi32, #tpu.memory_space<vmem>>, vector<16xi32>,
        %get3A_2791 = arith.constant 6 : index
        %get3A_2792 = tpu.vector_load %arg9[%get3A_2791] {strides = array<i32>} : memref<40xi32, #tpu.memory_space<vmem>>, vector<16xi32>,
        %get3A_2793 = vector.shape_cast %get3A_2792 : vector<16xi32> to vector<16xi32>
        %add3A_2794 = arith.addi %add3A_2786, %get3A_2793 : vector<16xi32>
        %swap3A_2795 = arith.constant 8 : index
        %swap3A_2796 = tpu.vector_load %arg9[%swap3A_2795] {strides = array<i32>} : memref<40xi32, #tpu.memory_space<vmem>>, vector<16xi32>,
        %swap3A_2797 = vector.shape_cast %swap3A_2796 : vector<16xi32> to vector<16xi32>
        %swap3A_2798 = vector.shape_cast %add3A_2794 : vector<16xi32> to vector<16xi32>
        tpu.vector_store %arg9[%swap3A_2795], %swap3A_2798 {strides = array<i32>} : memref<40xi32, #tpu.memory_space<vmem>>, vector<16xi32>,
        %get3A_2799 = arith.constant 4 : index
        %get3A_2800 = tpu.vector_load %arg9[%get3A_2799] {strides = array<i32>} : memref<40xi32, #tpu.memory_space<vmem>>, vector<16xi32>,
        %get3A_2801 = vector.shape_cast %get3A_2800 : vector<16xi32> to vector<16xi32>
        %add3A_2802 = arith.addi %add3A_2794, %get3A_2801 : vector<16xi32>
        %swap3A_2803 = arith.constant 8 : index
        %swap3A_2804 = tpu.vector_load %arg9[%swap3A_2803] {strides = array<i32>} : memref<40xi32, #tpu.memory_space<vmem>>, vector<16xi32>,
        %swap3A_2805 = vector.shape_cast %swap3A_2804 : vector<16xi32> to vector<16xi32>
        %swap3A_2806 = vector.shape_cast %add3A_2802 : vector<16xi32> to vector<16xi32>
        tpu.vector_store %arg9[%swap3A_2803], %swap3A_2806 {strides = array<i32>} : memref<40xi32, #tpu.memory_space<vmem>>, vector<16xi32>,
        %get3A_2807 = arith.constant 0 : index
        %get3A_2808 = tpu.vector_load %arg9[%get3A_2807] {strides = array<i32>} : memref<40xi32, #tpu.memory_space<vmem>>, vector<16xi32>,
        %get3A_2809 = vector.shape_cast %get3A_2808 : vector<16xi32> to vector<16xi32>
        %add3A_2810 = arith.addi %add3A_2802, %get3A_2809 : vector<16xi32>
        %mul3A_2811 = arith.constant 4 : i32
        %mul3A_2812 = arith.muli %add3A, %mul3A_2811 : i32
        %add3A_2813 = arith.constant 0 : i32
        %add3A_2814 = arith.addi %mul3A_2812, %add3A_2813 : i32
        %mul3A_2815 = arith.constant 25472 : i32
        %mul3A_2816 = arith.muli %add3A_2814, %mul3A_2815 : i32
        %sub3A_2817 = arith.constant 1 : i32
        %sub3A_2818 = vector.broadcast %sub3A_2817 : i32 to vector<16xi32>
        %sub3A_2819 = arith.subi %add3A_2810, %sub3A_2818 : vector<16xi32>
        %add3A_2820 = arith.addi %add3A_2561, %mul3A_2816 : i32
        %mul3A_2821 = vector.broadcast %add3A_2820 : i32 to vector<16xi32>
        %mul3A_2822 = arith.muli %broadcast_in_dim3A_1, %mul3A_2821 : vector<16xi32>
        %add3A_2823 = arith.addi %sub3A_2819, %mul3A_2822 : vector<16xi32>
        %select_n3A_2824 = arith.select %and3A_2777, %add3A_2823, %broadcast_in_dim3A_5 : vector<16xi1>, vector<16xi32>
        %sub3A_2825 = arith.constant 0 : i32
        %sub3A_2826 = vector.broadcast %sub3A_2825 : i32 to vector<16xi32>
        %sub3A_2827 = arith.subi %get3A_2770, %sub3A_2826 : vector<16xi32>
        %select_n3A_2828 = arith.select %and3A_2777, %sub3A_2827, %broadcast_in_dim3A_7 : vector<16xi1>, vector<16xi32>
        %slice3A_2829 = vector.extract_strided_slice %add3A_2810 {offsets = [15], sizes = [1], strides = [1]} : vector<16xi32> to vector<1xi32>
        %squeeze3A_2830 = vector.extract %slice3A_2829[0] : i32 from vector<1xi32>
        %add3A_2831 = arith.addi %add3A_2561, %squeeze3A_2830 : i32
        %ge3A_2832 = arith.constant 12544 : i32
        %ge3A_2833 = vector.broadcast %ge3A_2832 : i32 to vector<16xi32>
        %ge3A_2834 = arith.cmpi sge, %get3A_2770, %ge3A_2833 : vector<16xi32>
        %lt3A_2835 = arith.constant 25088 : i32
        %lt3A_2836 = vector.broadcast %lt3A_2835 : i32 to vector<16xi32>
        %lt3A_2837 = arith.cmpi slt, %get3A_2770, %lt3A_2836 : vector<16xi32>
        %and3A_2838 = arith.andi %ge3A_2834, %lt3A_2837 : vector<16xi1>
        %select_n3A_2839 = arith.select %and3A_2838, %broadcast_in_dim3A_1, %broadcast_in_dim3A_3 : vector<16xi1>, vector<16xi32>
        %swap3A_2840 = arith.constant 8 : index
        %swap3A_2841 = tpu.vector_load %arg9[%swap3A_2840] {strides = array<i32>} : memref<40xi32, #tpu.memory_space<vmem>>, vector<16xi32>,
        %swap3A_2842 = vector.shape_cast %swap3A_2841 : vector<16xi32> to vector<16xi32>
        %swap3A_2843 = vector.shape_cast %select_n3A_2839 : vector<16xi32> to vector<16xi32>
        tpu.vector_store %arg9[%swap3A_2840], %swap3A_2843 {strides = array<i32>} : memref<40xi32, #tpu.memory_space<vmem>>, vector<16xi32>,
        %get3A_2844 = arith.constant 7 : index
        %get3A_2845 = tpu.vector_load %arg9[%get3A_2844] {strides = array<i32>} : memref<40xi32, #tpu.memory_space<vmem>>, vector<16xi32>,
        %get3A_2846 = vector.shape_cast %get3A_2845 : vector<16xi32> to vector<16xi32>
        %add3A_2847 = arith.addi %select_n3A_2839, %get3A_2846 : vector<16xi32>
        %swap3A_2848 = arith.constant 8 : index
        %swap3A_2849 = tpu.vector_load %arg9[%swap3A_2848] {strides = array<i32>} : memref<40xi32, #tpu.memory_space<vmem>>, vector<16xi32>,
        %swap3A_2850 = vector.shape_cast %swap3A_2849 : vector<16xi32> to vector<16xi32>
        %swap3A_2851 = vector.shape_cast %add3A_2847 : vector<16xi32> to vector<16xi32>
        tpu.vector_store %arg9[%swap3A_2848], %swap3A_2851 {strides = array<i32>} : memref<40xi32, #tpu.memory_space<vmem>>, vector<16xi32>,
        %get3A_2852 = arith.constant 6 : index
        %get3A_2853 = tpu.vector_load %arg9[%get3A_2852] {strides = array<i32>} : memref<40xi32, #tpu.memory_space<vmem>>, vector<16xi32>,
        %get3A_2854 = vector.shape_cast %get3A_2853 : vector<16xi32> to vector<16xi32>
        %add3A_2855 = arith.addi %add3A_2847, %get3A_2854 : vector<16xi32>
        %swap3A_2856 = arith.constant 8 : index
        %swap3A_2857 = tpu.vector_load %arg9[%swap3A_2856] {strides = array<i32>} : memref<40xi32, #tpu.memory_space<vmem>>, vector<16xi32>,
        %swap3A_2858 = vector.shape_cast %swap3A_2857 : vector<16xi32> to vector<16xi32>
        %swap3A_2859 = vector.shape_cast %add3A_2855 : vector<16xi32> to vector<16xi32>
        tpu.vector_store %arg9[%swap3A_2856], %swap3A_2859 {strides = array<i32>} : memref<40xi32, #tpu.memory_space<vmem>>, vector<16xi32>,
        %get3A_2860 = arith.constant 4 : index
        %get3A_2861 = tpu.vector_load %arg9[%get3A_2860] {strides = array<i32>} : memref<40xi32, #tpu.memory_space<vmem>>, vector<16xi32>,
        %get3A_2862 = vector.shape_cast %get3A_2861 : vector<16xi32> to vector<16xi32>
        %add3A_2863 = arith.addi %add3A_2855, %get3A_2862 : vector<16xi32>
        %swap3A_2864 = arith.constant 8 : index
        %swap3A_2865 = tpu.vector_load %arg9[%swap3A_2864] {strides = array<i32>} : memref<40xi32, #tpu.memory_space<vmem>>, vector<16xi32>,
        %swap3A_2866 = vector.shape_cast %swap3A_2865 : vector<16xi32> to vector<16xi32>
        %swap3A_2867 = vector.shape_cast %add3A_2863 : vector<16xi32> to vector<16xi32>
        tpu.vector_store %arg9[%swap3A_2864], %swap3A_2867 {strides = array<i32>} : memref<40xi32, #tpu.memory_space<vmem>>, vector<16xi32>,
        %get3A_2868 = arith.constant 0 : index
        %get3A_2869 = tpu.vector_load %arg9[%get3A_2868] {strides = array<i32>} : memref<40xi32, #tpu.memory_space<vmem>>, vector<16xi32>,
        %get3A_2870 = vector.shape_cast %get3A_2869 : vector<16xi32> to vector<16xi32>
        %add3A_2871 = arith.addi %add3A_2863, %get3A_2870 : vector<16xi32>
        %mul3A_2872 = arith.constant 4 : i32
        %mul3A_2873 = arith.muli %add3A, %mul3A_2872 : i32
        %add3A_2874 = arith.constant 1 : i32
        %add3A_2875 = arith.addi %mul3A_2873, %add3A_2874 : i32
        %mul3A_2876 = arith.constant 25472 : i32
        %mul3A_2877 = arith.muli %add3A_2875, %mul3A_2876 : i32
        %sub3A_2878 = arith.constant 1 : i32
        %sub3A_2879 = vector.broadcast %sub3A_2878 : i32 to vector<16xi32>
        %sub3A_2880 = arith.subi %add3A_2871, %sub3A_2879 : vector<16xi32>
        %add3A_2881 = arith.addi %add3A_2622, %mul3A_2877 : i32
        %mul3A_2882 = vector.broadcast %add3A_2881 : i32 to vector<16xi32>
        %mul3A_2883 = arith.muli %broadcast_in_dim3A_1, %mul3A_2882 : vector<16xi32>
        %add3A_2884 = arith.addi %sub3A_2880, %mul3A_2883 : vector<16xi32>
        %select_n3A_2885 = arith.select %and3A_2838, %add3A_2884, %select_n3A_2824 : vector<16xi1>, vector<16xi32>
        %sub3A_2886 = arith.constant 12544 : i32
        %sub3A_2887 = vector.broadcast %sub3A_2886 : i32 to vector<16xi32>
        %sub3A_2888 = arith.subi %get3A_2770, %sub3A_2887 : vector<16xi32>
        %select_n3A_2889 = arith.select %and3A_2838, %sub3A_2888, %select_n3A_2828 : vector<16xi1>, vector<16xi32>
        %slice3A_2890 = vector.extract_strided_slice %add3A_2871 {offsets = [15], sizes = [1], strides = [1]} : vector<16xi32> to vector<1xi32>
        %squeeze3A_2891 = vector.extract %slice3A_2890[0] : i32 from vector<1xi32>
        %add3A_2892 = arith.addi %add3A_2622, %squeeze3A_2891 : i32
        %ge3A_2893 = arith.constant 25088 : i32
        %ge3A_2894 = vector.broadcast %ge3A_2893 : i32 to vector<16xi32>
        %ge3A_2895 = arith.cmpi sge, %get3A_2770, %ge3A_2894 : vector<16xi32>
        %lt3A_2896 = arith.constant 37632 : i32
        %lt3A_2897 = vector.broadcast %lt3A_2896 : i32 to vector<16xi32>
        %lt3A_2898 = arith.cmpi slt, %get3A_2770, %lt3A_2897 : vector<16xi32>
        %and3A_2899 = arith.andi %ge3A_2895, %lt3A_2898 : vector<16xi1>
        %select_n3A_2900 = arith.select %and3A_2899, %broadcast_in_dim3A_1, %broadcast_in_dim3A_3 : vector<16xi1>, vector<16xi32>
        %swap3A_2901 = arith.constant 8 : index
        %swap3A_2902 = tpu.vector_load %arg9[%swap3A_2901] {strides = array<i32>} : memref<40xi32, #tpu.memory_space<vmem>>, vector<16xi32>,
        %swap3A_2903 = vector.shape_cast %swap3A_2902 : vector<16xi32> to vector<16xi32>
        %swap3A_2904 = vector.shape_cast %select_n3A_2900 : vector<16xi32> to vector<16xi32>
        tpu.vector_store %arg9[%swap3A_2901], %swap3A_2904 {strides = array<i32>} : memref<40xi32, #tpu.memory_space<vmem>>, vector<16xi32>,
        %get3A_2905 = arith.constant 7 : index
        %get3A_2906 = tpu.vector_load %arg9[%get3A_2905] {strides = array<i32>} : memref<40xi32, #tpu.memory_space<vmem>>, vector<16xi32>,
        %get3A_2907 = vector.shape_cast %get3A_2906 : vector<16xi32> to vector<16xi32>
        %add3A_2908 = arith.addi %select_n3A_2900, %get3A_2907 : vector<16xi32>
        %swap3A_2909 = arith.constant 8 : index
        %swap3A_2910 = tpu.vector_load %arg9[%swap3A_2909] {strides = array<i32>} : memref<40xi32, #tpu.memory_space<vmem>>, vector<16xi32>,
        %swap3A_2911 = vector.shape_cast %swap3A_2910 : vector<16xi32> to vector<16xi32>
        %swap3A_2912 = vector.shape_cast %add3A_2908 : vector<16xi32> to vector<16xi32>
        tpu.vector_store %arg9[%swap3A_2909], %swap3A_2912 {strides = array<i32>} : memref<40xi32, #tpu.memory_space<vmem>>, vector<16xi32>,
        %get3A_2913 = arith.constant 6 : index
        %get3A_2914 = tpu.vector_load %arg9[%get3A_2913] {strides = array<i32>} : memref<40xi32, #tpu.memory_space<vmem>>, vector<16xi32>,
        %get3A_2915 = vector.shape_cast %get3A_2914 : vector<16xi32> to vector<16xi32>
        %add3A_2916 = arith.addi %add3A_2908, %get3A_2915 : vector<16xi32>
        %swap3A_2917 = arith.constant 8 : index
        %swap3A_2918 = tpu.vector_load %arg9[%swap3A_2917] {strides = array<i32>} : memref<40xi32, #tpu.memory_space<vmem>>, vector<16xi32>,
        %swap3A_2919 = vector.shape_cast %swap3A_2918 : vector<16xi32> to vector<16xi32>
        %swap3A_2920 = vector.shape_cast %add3A_2916 : vector<16xi32> to vector<16xi32>
        tpu.vector_store %arg9[%swap3A_2917], %swap3A_2920 {strides = array<i32>} : memref<40xi32, #tpu.memory_space<vmem>>, vector<16xi32>,
        %get3A_2921 = arith.constant 4 : index
        %get3A_2922 = tpu.vector_load %arg9[%get3A_2921] {strides = array<i32>} : memref<40xi32, #tpu.memory_space<vmem>>, vector<16xi32>,
        %get3A_2923 = vector.shape_cast %get3A_2922 : vector<16xi32> to vector<16xi32>
        %add3A_2924 = arith.addi %add3A_2916, %get3A_2923 : vector<16xi32>
        %swap3A_2925 = arith.constant 8 : index
        %swap3A_2926 = tpu.vector_load %arg9[%swap3A_2925] {strides = array<i32>} : memref<40xi32, #tpu.memory_space<vmem>>, vector<16xi32>,
        %swap3A_2927 = vector.shape_cast %swap3A_2926 : vector<16xi32> to vector<16xi32>
        %swap3A_2928 = vector.shape_cast %add3A_2924 : vector<16xi32> to vector<16xi32>
        tpu.vector_store %arg9[%swap3A_2925], %swap3A_2928 {strides = array<i32>} : memref<40xi32, #tpu.memory_space<vmem>>, vector<16xi32>,
        %get3A_2929 = arith.constant 0 : index
        %get3A_2930 = tpu.vector_load %arg9[%get3A_2929] {strides = array<i32>} : memref<40xi32, #tpu.memory_space<vmem>>, vector<16xi32>,
        %get3A_2931 = vector.shape_cast %get3A_2930 : vector<16xi32> to vector<16xi32>
        %add3A_2932 = arith.addi %add3A_2924, %get3A_2931 : vector<16xi32>
        %mul3A_2933 = arith.constant 4 : i32
        %mul3A_2934 = arith.muli %add3A, %mul3A_2933 : i32
        %add3A_2935 = arith.constant 2 : i32
        %add3A_2936 = arith.addi %mul3A_2934, %add3A_2935 : i32
        %mul3A_2937 = arith.constant 25472 : i32
        %mul3A_2938 = arith.muli %add3A_2936, %mul3A_2937 : i32
        %sub3A_2939 = arith.constant 1 : i32
        %sub3A_2940 = vector.broadcast %sub3A_2939 : i32 to vector<16xi32>
        %sub3A_2941 = arith.subi %add3A_2932, %sub3A_2940 : vector<16xi32>
        %add3A_2942 = arith.addi %add3A_2683, %mul3A_2938 : i32
        %mul3A_2943 = vector.broadcast %add3A_2942 : i32 to vector<16xi32>
        %mul3A_2944 = arith.muli %broadcast_in_dim3A_1, %mul3A_2943 : vector<16xi32>
        %add3A_2945 = arith.addi %sub3A_2941, %mul3A_2944 : vector<16xi32>
        %select_n3A_2946 = arith.select %and3A_2899, %add3A_2945, %select_n3A_2885 : vector<16xi1>, vector<16xi32>
        %sub3A_2947 = arith.constant 25088 : i32
        %sub3A_2948 = vector.broadcast %sub3A_2947 : i32 to vector<16xi32>
        %sub3A_2949 = arith.subi %get3A_2770, %sub3A_2948 : vector<16xi32>
        %select_n3A_2950 = arith.select %and3A_2899, %sub3A_2949, %select_n3A_2889 : vector<16xi1>, vector<16xi32>
        %slice3A_2951 = vector.extract_strided_slice %add3A_2932 {offsets = [15], sizes = [1], strides = [1]} : vector<16xi32> to vector<1xi32>
        %squeeze3A_2952 = vector.extract %slice3A_2951[0] : i32 from vector<1xi32>
        %add3A_2953 = arith.addi %add3A_2683, %squeeze3A_2952 : i32
        %ge3A_2954 = arith.constant 37632 : i32
        %ge3A_2955 = vector.broadcast %ge3A_2954 : i32 to vector<16xi32>
        %ge3A_2956 = arith.cmpi sge, %get3A_2770, %ge3A_2955 : vector<16xi32>
        %lt3A_2957 = arith.constant 50176 : i32
        %lt3A_2958 = vector.broadcast %lt3A_2957 : i32 to vector<16xi32>
        %lt3A_2959 = arith.cmpi slt, %get3A_2770, %lt3A_2958 : vector<16xi32>
        %and3A_2960 = arith.andi %ge3A_2956, %lt3A_2959 : vector<16xi1>
        %select_n3A_2961 = arith.select %and3A_2960, %broadcast_in_dim3A_1, %broadcast_in_dim3A_3 : vector<16xi1>, vector<16xi32>
        %swap3A_2962 = arith.constant 8 : index
        %swap3A_2963 = tpu.vector_load %arg9[%swap3A_2962] {strides = array<i32>} : memref<40xi32, #tpu.memory_space<vmem>>, vector<16xi32>,
        %swap3A_2964 = vector.shape_cast %swap3A_2963 : vector<16xi32> to vector<16xi32>
        %swap3A_2965 = vector.shape_cast %select_n3A_2961 : vector<16xi32> to vector<16xi32>
        tpu.vector_store %arg9[%swap3A_2962], %swap3A_2965 {strides = array<i32>} : memref<40xi32, #tpu.memory_space<vmem>>, vector<16xi32>,
        %get3A_2966 = arith.constant 7 : index
        %get3A_2967 = tpu.vector_load %arg9[%get3A_2966] {strides = array<i32>} : memref<40xi32, #tpu.memory_space<vmem>>, vector<16xi32>,
        %get3A_2968 = vector.shape_cast %get3A_2967 : vector<16xi32> to vector<16xi32>
        %add3A_2969 = arith.addi %select_n3A_2961, %get3A_2968 : vector<16xi32>
        %swap3A_2970 = arith.constant 8 : index
        %swap3A_2971 = tpu.vector_load %arg9[%swap3A_2970] {strides = array<i32>} : memref<40xi32, #tpu.memory_space<vmem>>, vector<16xi32>,
        %swap3A_2972 = vector.shape_cast %swap3A_2971 : vector<16xi32> to vector<16xi32>
        %swap3A_2973 = vector.shape_cast %add3A_2969 : vector<16xi32> to vector<16xi32>
        tpu.vector_store %arg9[%swap3A_2970], %swap3A_2973 {strides = array<i32>} : memref<40xi32, #tpu.memory_space<vmem>>, vector<16xi32>,
        %get3A_2974 = arith.constant 6 : index
        %get3A_2975 = tpu.vector_load %arg9[%get3A_2974] {strides = array<i32>} : memref<40xi32, #tpu.memory_space<vmem>>, vector<16xi32>,
        %get3A_2976 = vector.shape_cast %get3A_2975 : vector<16xi32> to vector<16xi32>
        %add3A_2977 = arith.addi %add3A_2969, %get3A_2976 : vector<16xi32>
        %swap3A_2978 = arith.constant 8 : index
        %swap3A_2979 = tpu.vector_load %arg9[%swap3A_2978] {strides = array<i32>} : memref<40xi32, #tpu.memory_space<vmem>>, vector<16xi32>,
        %swap3A_2980 = vector.shape_cast %swap3A_2979 : vector<16xi32> to vector<16xi32>
        %swap3A_2981 = vector.shape_cast %add3A_2977 : vector<16xi32> to vector<16xi32>
        tpu.vector_store %arg9[%swap3A_2978], %swap3A_2981 {strides = array<i32>} : memref<40xi32, #tpu.memory_space<vmem>>, vector<16xi32>,
        %get3A_2982 = arith.constant 4 : index
        %get3A_2983 = tpu.vector_load %arg9[%get3A_2982] {strides = array<i32>} : memref<40xi32, #tpu.memory_space<vmem>>, vector<16xi32>,
        %get3A_2984 = vector.shape_cast %get3A_2983 : vector<16xi32> to vector<16xi32>
        %add3A_2985 = arith.addi %add3A_2977, %get3A_2984 : vector<16xi32>
        %swap3A_2986 = arith.constant 8 : index
        %swap3A_2987 = tpu.vector_load %arg9[%swap3A_2986] {strides = array<i32>} : memref<40xi32, #tpu.memory_space<vmem>>, vector<16xi32>,
        %swap3A_2988 = vector.shape_cast %swap3A_2987 : vector<16xi32> to vector<16xi32>
        %swap3A_2989 = vector.shape_cast %add3A_2985 : vector<16xi32> to vector<16xi32>
        tpu.vector_store %arg9[%swap3A_2986], %swap3A_2989 {strides = array<i32>} : memref<40xi32, #tpu.memory_space<vmem>>, vector<16xi32>,
        %get3A_2990 = arith.constant 0 : index
        %get3A_2991 = tpu.vector_load %arg9[%get3A_2990] {strides = array<i32>} : memref<40xi32, #tpu.memory_space<vmem>>, vector<16xi32>,
        %get3A_2992 = vector.shape_cast %get3A_2991 : vector<16xi32> to vector<16xi32>
        %add3A_2993 = arith.addi %add3A_2985, %get3A_2992 : vector<16xi32>
        %mul3A_2994 = arith.constant 4 : i32
        %mul3A_2995 = arith.muli %add3A, %mul3A_2994 : i32
        %add3A_2996 = arith.constant 3 : i32
        %add3A_2997 = arith.addi %mul3A_2995, %add3A_2996 : i32
        %mul3A_2998 = arith.constant 25472 : i32
        %mul3A_2999 = arith.muli %add3A_2997, %mul3A_2998 : i32
        %sub3A_3000 = arith.constant 1 : i32
        %sub3A_3001 = vector.broadcast %sub3A_3000 : i32 to vector<16xi32>
        %sub3A_3002 = arith.subi %add3A_2993, %sub3A_3001 : vector<16xi32>
        %add3A_3003 = arith.addi %add3A_2744, %mul3A_2999 : i32
        %mul3A_3004 = vector.broadcast %add3A_3003 : i32 to vector<16xi32>
        %mul3A_3005 = arith.muli %broadcast_in_dim3A_1, %mul3A_3004 : vector<16xi32>
        %add3A_3006 = arith.addi %sub3A_3002, %mul3A_3005 : vector<16xi32>
        %select_n3A_3007 = arith.select %and3A_2960, %add3A_3006, %select_n3A_2946 : vector<16xi1>, vector<16xi32>
        %sub3A_3008 = arith.constant 37632 : i32
        %sub3A_3009 = vector.broadcast %sub3A_3008 : i32 to vector<16xi32>
        %sub3A_3010 = arith.subi %get3A_2770, %sub3A_3009 : vector<16xi32>
        %select_n3A_3011 = arith.select %and3A_2960, %sub3A_3010, %select_n3A_2950 : vector<16xi1>, vector<16xi32>
        %slice3A_3012 = vector.extract_strided_slice %add3A_2993 {offsets = [15], sizes = [1], strides = [1]} : vector<16xi32> to vector<1xi32>
        %squeeze3A_3013 = vector.extract %slice3A_3012[0] : i32 from vector<1xi32>
        %add3A_3014 = arith.addi %add3A_2744, %squeeze3A_3013 : i32
        %swap3A_3015 = arith.constant 32 : index
        %swap3A_3016 = tpu.vector_load %arg10[%swap3A_3015] {strides = array<i32>} : memref<128xi32, #tpu.memory_space<vmem>>, vector<16xi32>,
        %swap3A_3017 = vector.shape_cast %swap3A_3016 : vector<16xi32> to vector<16xi32>
        %swap3A_3018 = vector.shape_cast %select_n3A_3007 : vector<16xi32> to vector<16xi32>
        tpu.vector_store %arg10[%swap3A_3015], %swap3A_3018 {strides = array<i32>} : memref<128xi32, #tpu.memory_space<vmem>>, vector<16xi32>,
        %swap3A_3019 = arith.constant 32 : index
        %swap3A_3020 = tpu.vector_load %arg11[%swap3A_3019] {strides = array<i32>} : memref<128xi32, #tpu.memory_space<vmem>>, vector<16xi32>,
        %swap3A_3021 = vector.shape_cast %swap3A_3020 : vector<16xi32> to vector<16xi32>
        %swap3A_3022 = vector.shape_cast %get3A_2763 : vector<16xi32> to vector<16xi32>
        tpu.vector_store %arg11[%swap3A_3019], %swap3A_3022 {strides = array<i32>} : memref<128xi32, #tpu.memory_space<vmem>>, vector<16xi32>,
        %swap3A_3023 = arith.constant 32 : index
        %swap3A_3024 = tpu.vector_load %arg12[%swap3A_3023] {strides = array<i32>} : memref<128xi32, #tpu.memory_space<vmem>>, vector<16xi32>,
        %swap3A_3025 = vector.shape_cast %swap3A_3024 : vector<16xi32> to vector<16xi32>
        %swap3A_3026 = vector.shape_cast %select_n3A_3011 : vector<16xi32> to vector<16xi32>
        tpu.vector_store %arg12[%swap3A_3023], %swap3A_3026 {strides = array<i32>} : memref<128xi32, #tpu.memory_space<vmem>>, vector<16xi32>,
        %mul3A_3027 = arith.constant 128 : i32
        %mul3A_3028 = arith.muli %scan3A_2220, %mul3A_3027 : i32
        %add3A_3029 = arith.constant 48 : i32
        %add3A_3030 = arith.addi %mul3A_3028, %add3A_3029 : i32
        %get3A_3031 = arith.index_cast %add3A_3030 : i32 to index
        %get3A_3032 = tpu.vector_load %arg7[%get3A_3031] {strides = array<i32>} : memref<6272xi32, #tpu.memory_space<vmem>>, vector<16xi32>,
        %get3A_3033 = vector.shape_cast %get3A_3032 : vector<16xi32> to vector<16xi32>
        %mul3A_3034 = arith.constant 128 : i32
        %mul3A_3035 = arith.muli %scan3A_2220, %mul3A_3034 : i32
        %add3A_3036 = arith.constant 48 : i32
        %add3A_3037 = arith.addi %mul3A_3035, %add3A_3036 : i32
        %get3A_3038 = arith.index_cast %add3A_3037 : i32 to index
        %get3A_3039 = tpu.vector_load %arg8[%get3A_3038] {strides = array<i32>} : memref<6272xi32, #tpu.memory_space<vmem>>, vector<16xi32>,
        %get3A_3040 = vector.shape_cast %get3A_3039 : vector<16xi32> to vector<16xi32>
        %ge3A_3041 = arith.constant 0 : i32
        %ge3A_3042 = vector.broadcast %ge3A_3041 : i32 to vector<16xi32>
        %ge3A_3043 = arith.cmpi sge, %get3A_3040, %ge3A_3042 : vector<16xi32>
        %lt3A_3044 = arith.constant 12544 : i32
        %lt3A_3045 = vector.broadcast %lt3A_3044 : i32 to vector<16xi32>
        %lt3A_3046 = arith.cmpi slt, %get3A_3040, %lt3A_3045 : vector<16xi32>
        %and3A_3047 = arith.andi %ge3A_3043, %lt3A_3046 : vector<16xi1>
        %select_n3A_3048 = arith.select %and3A_3047, %broadcast_in_dim3A_1, %broadcast_in_dim3A_3 : vector<16xi1>, vector<16xi32>
        %swap3A_3049 = arith.constant 8 : index
        %swap3A_3050 = tpu.vector_load %arg9[%swap3A_3049] {strides = array<i32>} : memref<40xi32, #tpu.memory_space<vmem>>, vector<16xi32>,
        %swap3A_3051 = vector.shape_cast %swap3A_3050 : vector<16xi32> to vector<16xi32>
        %swap3A_3052 = vector.shape_cast %select_n3A_3048 : vector<16xi32> to vector<16xi32>
        tpu.vector_store %arg9[%swap3A_3049], %swap3A_3052 {strides = array<i32>} : memref<40xi32, #tpu.memory_space<vmem>>, vector<16xi32>,
        %get3A_3053 = arith.constant 7 : index
        %get3A_3054 = tpu.vector_load %arg9[%get3A_3053] {strides = array<i32>} : memref<40xi32, #tpu.memory_space<vmem>>, vector<16xi32>,
        %get3A_3055 = vector.shape_cast %get3A_3054 : vector<16xi32> to vector<16xi32>
        %add3A_3056 = arith.addi %select_n3A_3048, %get3A_3055 : vector<16xi32>
        %swap3A_3057 = arith.constant 8 : index
        %swap3A_3058 = tpu.vector_load %arg9[%swap3A_3057] {strides = array<i32>} : memref<40xi32, #tpu.memory_space<vmem>>, vector<16xi32>,
        %swap3A_3059 = vector.shape_cast %swap3A_3058 : vector<16xi32> to vector<16xi32>
        %swap3A_3060 = vector.shape_cast %add3A_3056 : vector<16xi32> to vector<16xi32>
        tpu.vector_store %arg9[%swap3A_3057], %swap3A_3060 {strides = array<i32>} : memref<40xi32, #tpu.memory_space<vmem>>, vector<16xi32>,
        %get3A_3061 = arith.constant 6 : index
        %get3A_3062 = tpu.vector_load %arg9[%get3A_3061] {strides = array<i32>} : memref<40xi32, #tpu.memory_space<vmem>>, vector<16xi32>,
        %get3A_3063 = vector.shape_cast %get3A_3062 : vector<16xi32> to vector<16xi32>
        %add3A_3064 = arith.addi %add3A_3056, %get3A_3063 : vector<16xi32>
        %swap3A_3065 = arith.constant 8 : index
        %swap3A_3066 = tpu.vector_load %arg9[%swap3A_3065] {strides = array<i32>} : memref<40xi32, #tpu.memory_space<vmem>>, vector<16xi32>,
        %swap3A_3067 = vector.shape_cast %swap3A_3066 : vector<16xi32> to vector<16xi32>
        %swap3A_3068 = vector.shape_cast %add3A_3064 : vector<16xi32> to vector<16xi32>
        tpu.vector_store %arg9[%swap3A_3065], %swap3A_3068 {strides = array<i32>} : memref<40xi32, #tpu.memory_space<vmem>>, vector<16xi32>,
        %get3A_3069 = arith.constant 4 : index
        %get3A_3070 = tpu.vector_load %arg9[%get3A_3069] {strides = array<i32>} : memref<40xi32, #tpu.memory_space<vmem>>, vector<16xi32>,
        %get3A_3071 = vector.shape_cast %get3A_3070 : vector<16xi32> to vector<16xi32>
        %add3A_3072 = arith.addi %add3A_3064, %get3A_3071 : vector<16xi32>
        %swap3A_3073 = arith.constant 8 : index
        %swap3A_3074 = tpu.vector_load %arg9[%swap3A_3073] {strides = array<i32>} : memref<40xi32, #tpu.memory_space<vmem>>, vector<16xi32>,
        %swap3A_3075 = vector.shape_cast %swap3A_3074 : vector<16xi32> to vector<16xi32>
        %swap3A_3076 = vector.shape_cast %add3A_3072 : vector<16xi32> to vector<16xi32>
        tpu.vector_store %arg9[%swap3A_3073], %swap3A_3076 {strides = array<i32>} : memref<40xi32, #tpu.memory_space<vmem>>, vector<16xi32>,
        %get3A_3077 = arith.constant 0 : index
        %get3A_3078 = tpu.vector_load %arg9[%get3A_3077] {strides = array<i32>} : memref<40xi32, #tpu.memory_space<vmem>>, vector<16xi32>,
        %get3A_3079 = vector.shape_cast %get3A_3078 : vector<16xi32> to vector<16xi32>
        %add3A_3080 = arith.addi %add3A_3072, %get3A_3079 : vector<16xi32>
        %mul3A_3081 = arith.constant 4 : i32
        %mul3A_3082 = arith.muli %add3A, %mul3A_3081 : i32
        %add3A_3083 = arith.constant 0 : i32
        %add3A_3084 = arith.addi %mul3A_3082, %add3A_3083 : i32
        %mul3A_3085 = arith.constant 25472 : i32
        %mul3A_3086 = arith.muli %add3A_3084, %mul3A_3085 : i32
        %sub3A_3087 = arith.constant 1 : i32
        %sub3A_3088 = vector.broadcast %sub3A_3087 : i32 to vector<16xi32>
        %sub3A_3089 = arith.subi %add3A_3080, %sub3A_3088 : vector<16xi32>
        %add3A_3090 = arith.addi %add3A_2831, %mul3A_3086 : i32
        %mul3A_3091 = vector.broadcast %add3A_3090 : i32 to vector<16xi32>
        %mul3A_3092 = arith.muli %broadcast_in_dim3A_1, %mul3A_3091 : vector<16xi32>
        %add3A_3093 = arith.addi %sub3A_3089, %mul3A_3092 : vector<16xi32>
        %select_n3A_3094 = arith.select %and3A_3047, %add3A_3093, %broadcast_in_dim3A_5 : vector<16xi1>, vector<16xi32>
        %sub3A_3095 = arith.constant 0 : i32
        %sub3A_3096 = vector.broadcast %sub3A_3095 : i32 to vector<16xi32>
        %sub3A_3097 = arith.subi %get3A_3040, %sub3A_3096 : vector<16xi32>
        %select_n3A_3098 = arith.select %and3A_3047, %sub3A_3097, %broadcast_in_dim3A_7 : vector<16xi1>, vector<16xi32>
        %slice3A_3099 = vector.extract_strided_slice %add3A_3080 {offsets = [15], sizes = [1], strides = [1]} : vector<16xi32> to vector<1xi32>
        %squeeze3A_3100 = vector.extract %slice3A_3099[0] : i32 from vector<1xi32>
        %add3A_3101 = arith.addi %add3A_2831, %squeeze3A_3100 : i32
        %ge3A_3102 = arith.constant 12544 : i32
        %ge3A_3103 = vector.broadcast %ge3A_3102 : i32 to vector<16xi32>
        %ge3A_3104 = arith.cmpi sge, %get3A_3040, %ge3A_3103 : vector<16xi32>
        %lt3A_3105 = arith.constant 25088 : i32
        %lt3A_3106 = vector.broadcast %lt3A_3105 : i32 to vector<16xi32>
        %lt3A_3107 = arith.cmpi slt, %get3A_3040, %lt3A_3106 : vector<16xi32>
        %and3A_3108 = arith.andi %ge3A_3104, %lt3A_3107 : vector<16xi1>
        %select_n3A_3109 = arith.select %and3A_3108, %broadcast_in_dim3A_1, %broadcast_in_dim3A_3 : vector<16xi1>, vector<16xi32>
        %swap3A_3110 = arith.constant 8 : index
        %swap3A_3111 = tpu.vector_load %arg9[%swap3A_3110] {strides = array<i32>} : memref<40xi32, #tpu.memory_space<vmem>>, vector<16xi32>,
        %swap3A_3112 = vector.shape_cast %swap3A_3111 : vector<16xi32> to vector<16xi32>
        %swap3A_3113 = vector.shape_cast %select_n3A_3109 : vector<16xi32> to vector<16xi32>
        tpu.vector_store %arg9[%swap3A_3110], %swap3A_3113 {strides = array<i32>} : memref<40xi32, #tpu.memory_space<vmem>>, vector<16xi32>,
        %get3A_3114 = arith.constant 7 : index
        %get3A_3115 = tpu.vector_load %arg9[%get3A_3114] {strides = array<i32>} : memref<40xi32, #tpu.memory_space<vmem>>, vector<16xi32>,
        %get3A_3116 = vector.shape_cast %get3A_3115 : vector<16xi32> to vector<16xi32>
        %add3A_3117 = arith.addi %select_n3A_3109, %get3A_3116 : vector<16xi32>
        %swap3A_3118 = arith.constant 8 : index
        %swap3A_3119 = tpu.vector_load %arg9[%swap3A_3118] {strides = array<i32>} : memref<40xi32, #tpu.memory_space<vmem>>, vector<16xi32>,
        %swap3A_3120 = vector.shape_cast %swap3A_3119 : vector<16xi32> to vector<16xi32>
        %swap3A_3121 = vector.shape_cast %add3A_3117 : vector<16xi32> to vector<16xi32>
        tpu.vector_store %arg9[%swap3A_3118], %swap3A_3121 {strides = array<i32>} : memref<40xi32, #tpu.memory_space<vmem>>, vector<16xi32>,
        %get3A_3122 = arith.constant 6 : index
        %get3A_3123 = tpu.vector_load %arg9[%get3A_3122] {strides = array<i32>} : memref<40xi32, #tpu.memory_space<vmem>>, vector<16xi32>,
        %get3A_3124 = vector.shape_cast %get3A_3123 : vector<16xi32> to vector<16xi32>
        %add3A_3125 = arith.addi %add3A_3117, %get3A_3124 : vector<16xi32>
        %swap3A_3126 = arith.constant 8 : index
        %swap3A_3127 = tpu.vector_load %arg9[%swap3A_3126] {strides = array<i32>} : memref<40xi32, #tpu.memory_space<vmem>>, vector<16xi32>,
        %swap3A_3128 = vector.shape_cast %swap3A_3127 : vector<16xi32> to vector<16xi32>
        %swap3A_3129 = vector.shape_cast %add3A_3125 : vector<16xi32> to vector<16xi32>
        tpu.vector_store %arg9[%swap3A_3126], %swap3A_3129 {strides = array<i32>} : memref<40xi32, #tpu.memory_space<vmem>>, vector<16xi32>,
        %get3A_3130 = arith.constant 4 : index
        %get3A_3131 = tpu.vector_load %arg9[%get3A_3130] {strides = array<i32>} : memref<40xi32, #tpu.memory_space<vmem>>, vector<16xi32>,
        %get3A_3132 = vector.shape_cast %get3A_3131 : vector<16xi32> to vector<16xi32>
        %add3A_3133 = arith.addi %add3A_3125, %get3A_3132 : vector<16xi32>
        %swap3A_3134 = arith.constant 8 : index
        %swap3A_3135 = tpu.vector_load %arg9[%swap3A_3134] {strides = array<i32>} : memref<40xi32, #tpu.memory_space<vmem>>, vector<16xi32>,
        %swap3A_3136 = vector.shape_cast %swap3A_3135 : vector<16xi32> to vector<16xi32>
        %swap3A_3137 = vector.shape_cast %add3A_3133 : vector<16xi32> to vector<16xi32>
        tpu.vector_store %arg9[%swap3A_3134], %swap3A_3137 {strides = array<i32>} : memref<40xi32, #tpu.memory_space<vmem>>, vector<16xi32>,
        %get3A_3138 = arith.constant 0 : index
        %get3A_3139 = tpu.vector_load %arg9[%get3A_3138] {strides = array<i32>} : memref<40xi32, #tpu.memory_space<vmem>>, vector<16xi32>,
        %get3A_3140 = vector.shape_cast %get3A_3139 : vector<16xi32> to vector<16xi32>
        %add3A_3141 = arith.addi %add3A_3133, %get3A_3140 : vector<16xi32>
        %mul3A_3142 = arith.constant 4 : i32
        %mul3A_3143 = arith.muli %add3A, %mul3A_3142 : i32
        %add3A_3144 = arith.constant 1 : i32
        %add3A_3145 = arith.addi %mul3A_3143, %add3A_3144 : i32
        %mul3A_3146 = arith.constant 25472 : i32
        %mul3A_3147 = arith.muli %add3A_3145, %mul3A_3146 : i32
        %sub3A_3148 = arith.constant 1 : i32
        %sub3A_3149 = vector.broadcast %sub3A_3148 : i32 to vector<16xi32>
        %sub3A_3150 = arith.subi %add3A_3141, %sub3A_3149 : vector<16xi32>
        %add3A_3151 = arith.addi %add3A_2892, %mul3A_3147 : i32
        %mul3A_3152 = vector.broadcast %add3A_3151 : i32 to vector<16xi32>
        %mul3A_3153 = arith.muli %broadcast_in_dim3A_1, %mul3A_3152 : vector<16xi32>
        %add3A_3154 = arith.addi %sub3A_3150, %mul3A_3153 : vector<16xi32>
        %select_n3A_3155 = arith.select %and3A_3108, %add3A_3154, %select_n3A_3094 : vector<16xi1>, vector<16xi32>
        %sub3A_3156 = arith.constant 12544 : i32
        %sub3A_3157 = vector.broadcast %sub3A_3156 : i32 to vector<16xi32>
        %sub3A_3158 = arith.subi %get3A_3040, %sub3A_3157 : vector<16xi32>
        %select_n3A_3159 = arith.select %and3A_3108, %sub3A_3158, %select_n3A_3098 : vector<16xi1>, vector<16xi32>
        %slice3A_3160 = vector.extract_strided_slice %add3A_3141 {offsets = [15], sizes = [1], strides = [1]} : vector<16xi32> to vector<1xi32>
        %squeeze3A_3161 = vector.extract %slice3A_3160[0] : i32 from vector<1xi32>
        %add3A_3162 = arith.addi %add3A_2892, %squeeze3A_3161 : i32
        %ge3A_3163 = arith.constant 25088 : i32
        %ge3A_3164 = vector.broadcast %ge3A_3163 : i32 to vector<16xi32>
        %ge3A_3165 = arith.cmpi sge, %get3A_3040, %ge3A_3164 : vector<16xi32>
        %lt3A_3166 = arith.constant 37632 : i32
        %lt3A_3167 = vector.broadcast %lt3A_3166 : i32 to vector<16xi32>
        %lt3A_3168 = arith.cmpi slt, %get3A_3040, %lt3A_3167 : vector<16xi32>
        %and3A_3169 = arith.andi %ge3A_3165, %lt3A_3168 : vector<16xi1>
        %select_n3A_3170 = arith.select %and3A_3169, %broadcast_in_dim3A_1, %broadcast_in_dim3A_3 : vector<16xi1>, vector<16xi32>
        %swap3A_3171 = arith.constant 8 : index
        %swap3A_3172 = tpu.vector_load %arg9[%swap3A_3171] {strides = array<i32>} : memref<40xi32, #tpu.memory_space<vmem>>, vector<16xi32>,
        %swap3A_3173 = vector.shape_cast %swap3A_3172 : vector<16xi32> to vector<16xi32>
        %swap3A_3174 = vector.shape_cast %select_n3A_3170 : vector<16xi32> to vector<16xi32>
        tpu.vector_store %arg9[%swap3A_3171], %swap3A_3174 {strides = array<i32>} : memref<40xi32, #tpu.memory_space<vmem>>, vector<16xi32>,
        %get3A_3175 = arith.constant 7 : index
        %get3A_3176 = tpu.vector_load %arg9[%get3A_3175] {strides = array<i32>} : memref<40xi32, #tpu.memory_space<vmem>>, vector<16xi32>,
        %get3A_3177 = vector.shape_cast %get3A_3176 : vector<16xi32> to vector<16xi32>
        %add3A_3178 = arith.addi %select_n3A_3170, %get3A_3177 : vector<16xi32>
        %swap3A_3179 = arith.constant 8 : index
        %swap3A_3180 = tpu.vector_load %arg9[%swap3A_3179] {strides = array<i32>} : memref<40xi32, #tpu.memory_space<vmem>>, vector<16xi32>,
        %swap3A_3181 = vector.shape_cast %swap3A_3180 : vector<16xi32> to vector<16xi32>
        %swap3A_3182 = vector.shape_cast %add3A_3178 : vector<16xi32> to vector<16xi32>
        tpu.vector_store %arg9[%swap3A_3179], %swap3A_3182 {strides = array<i32>} : memref<40xi32, #tpu.memory_space<vmem>>, vector<16xi32>,
        %get3A_3183 = arith.constant 6 : index
        %get3A_3184 = tpu.vector_load %arg9[%get3A_3183] {strides = array<i32>} : memref<40xi32, #tpu.memory_space<vmem>>, vector<16xi32>,
        %get3A_3185 = vector.shape_cast %get3A_3184 : vector<16xi32> to vector<16xi32>
        %add3A_3186 = arith.addi %add3A_3178, %get3A_3185 : vector<16xi32>
        %swap3A_3187 = arith.constant 8 : index
        %swap3A_3188 = tpu.vector_load %arg9[%swap3A_3187] {strides = array<i32>} : memref<40xi32, #tpu.memory_space<vmem>>, vector<16xi32>,
        %swap3A_3189 = vector.shape_cast %swap3A_3188 : vector<16xi32> to vector<16xi32>
        %swap3A_3190 = vector.shape_cast %add3A_3186 : vector<16xi32> to vector<16xi32>
        tpu.vector_store %arg9[%swap3A_3187], %swap3A_3190 {strides = array<i32>} : memref<40xi32, #tpu.memory_space<vmem>>, vector<16xi32>,
        %get3A_3191 = arith.constant 4 : index
        %get3A_3192 = tpu.vector_load %arg9[%get3A_3191] {strides = array<i32>} : memref<40xi32, #tpu.memory_space<vmem>>, vector<16xi32>,
        %get3A_3193 = vector.shape_cast %get3A_3192 : vector<16xi32> to vector<16xi32>
        %add3A_3194 = arith.addi %add3A_3186, %get3A_3193 : vector<16xi32>
        %swap3A_3195 = arith.constant 8 : index
        %swap3A_3196 = tpu.vector_load %arg9[%swap3A_3195] {strides = array<i32>} : memref<40xi32, #tpu.memory_space<vmem>>, vector<16xi32>,
        %swap3A_3197 = vector.shape_cast %swap3A_3196 : vector<16xi32> to vector<16xi32>
        %swap3A_3198 = vector.shape_cast %add3A_3194 : vector<16xi32> to vector<16xi32>
        tpu.vector_store %arg9[%swap3A_3195], %swap3A_3198 {strides = array<i32>} : memref<40xi32, #tpu.memory_space<vmem>>, vector<16xi32>,
        %get3A_3199 = arith.constant 0 : index
        %get3A_3200 = tpu.vector_load %arg9[%get3A_3199] {strides = array<i32>} : memref<40xi32, #tpu.memory_space<vmem>>, vector<16xi32>,
        %get3A_3201 = vector.shape_cast %get3A_3200 : vector<16xi32> to vector<16xi32>
        %add3A_3202 = arith.addi %add3A_3194, %get3A_3201 : vector<16xi32>
        %mul3A_3203 = arith.constant 4 : i32
        %mul3A_3204 = arith.muli %add3A, %mul3A_3203 : i32
        %add3A_3205 = arith.constant 2 : i32
        %add3A_3206 = arith.addi %mul3A_3204, %add3A_3205 : i32
        %mul3A_3207 = arith.constant 25472 : i32
        %mul3A_3208 = arith.muli %add3A_3206, %mul3A_3207 : i32
        %sub3A_3209 = arith.constant 1 : i32
        %sub3A_3210 = vector.broadcast %sub3A_3209 : i32 to vector<16xi32>
        %sub3A_3211 = arith.subi %add3A_3202, %sub3A_3210 : vector<16xi32>
        %add3A_3212 = arith.addi %add3A_2953, %mul3A_3208 : i32
        %mul3A_3213 = vector.broadcast %add3A_3212 : i32 to vector<16xi32>
        %mul3A_3214 = arith.muli %broadcast_in_dim3A_1, %mul3A_3213 : vector<16xi32>
        %add3A_3215 = arith.addi %sub3A_3211, %mul3A_3214 : vector<16xi32>
        %select_n3A_3216 = arith.select %and3A_3169, %add3A_3215, %select_n3A_3155 : vector<16xi1>, vector<16xi32>
        %sub3A_3217 = arith.constant 25088 : i32
        %sub3A_3218 = vector.broadcast %sub3A_3217 : i32 to vector<16xi32>
        %sub3A_3219 = arith.subi %get3A_3040, %sub3A_3218 : vector<16xi32>
        %select_n3A_3220 = arith.select %and3A_3169, %sub3A_3219, %select_n3A_3159 : vector<16xi1>, vector<16xi32>
        %slice3A_3221 = vector.extract_strided_slice %add3A_3202 {offsets = [15], sizes = [1], strides = [1]} : vector<16xi32> to vector<1xi32>
        %squeeze3A_3222 = vector.extract %slice3A_3221[0] : i32 from vector<1xi32>
        %add3A_3223 = arith.addi %add3A_2953, %squeeze3A_3222 : i32
        %ge3A_3224 = arith.constant 37632 : i32
        %ge3A_3225 = vector.broadcast %ge3A_3224 : i32 to vector<16xi32>
        %ge3A_3226 = arith.cmpi sge, %get3A_3040, %ge3A_3225 : vector<16xi32>
        %lt3A_3227 = arith.constant 50176 : i32
        %lt3A_3228 = vector.broadcast %lt3A_3227 : i32 to vector<16xi32>
        %lt3A_3229 = arith.cmpi slt, %get3A_3040, %lt3A_3228 : vector<16xi32>
        %and3A_3230 = arith.andi %ge3A_3226, %lt3A_3229 : vector<16xi1>
        %select_n3A_3231 = arith.select %and3A_3230, %broadcast_in_dim3A_1, %broadcast_in_dim3A_3 : vector<16xi1>, vector<16xi32>
        %swap3A_3232 = arith.constant 8 : index
        %swap3A_3233 = tpu.vector_load %arg9[%swap3A_3232] {strides = array<i32>} : memref<40xi32, #tpu.memory_space<vmem>>, vector<16xi32>,
        %swap3A_3234 = vector.shape_cast %swap3A_3233 : vector<16xi32> to vector<16xi32>
        %swap3A_3235 = vector.shape_cast %select_n3A_3231 : vector<16xi32> to vector<16xi32>
        tpu.vector_store %arg9[%swap3A_3232], %swap3A_3235 {strides = array<i32>} : memref<40xi32, #tpu.memory_space<vmem>>, vector<16xi32>,
        %get3A_3236 = arith.constant 7 : index
        %get3A_3237 = tpu.vector_load %arg9[%get3A_3236] {strides = array<i32>} : memref<40xi32, #tpu.memory_space<vmem>>, vector<16xi32>,
        %get3A_3238 = vector.shape_cast %get3A_3237 : vector<16xi32> to vector<16xi32>
        %add3A_3239 = arith.addi %select_n3A_3231, %get3A_3238 : vector<16xi32>
        %swap3A_3240 = arith.constant 8 : index
        %swap3A_3241 = tpu.vector_load %arg9[%swap3A_3240] {strides = array<i32>} : memref<40xi32, #tpu.memory_space<vmem>>, vector<16xi32>,
        %swap3A_3242 = vector.shape_cast %swap3A_3241 : vector<16xi32> to vector<16xi32>
        %swap3A_3243 = vector.shape_cast %add3A_3239 : vector<16xi32> to vector<16xi32>
        tpu.vector_store %arg9[%swap3A_3240], %swap3A_3243 {strides = array<i32>} : memref<40xi32, #tpu.memory_space<vmem>>, vector<16xi32>,
        %get3A_3244 = arith.constant 6 : index
        %get3A_3245 = tpu.vector_load %arg9[%get3A_3244] {strides = array<i32>} : memref<40xi32, #tpu.memory_space<vmem>>, vector<16xi32>,
        %get3A_3246 = vector.shape_cast %get3A_3245 : vector<16xi32> to vector<16xi32>
        %add3A_3247 = arith.addi %add3A_3239, %get3A_3246 : vector<16xi32>
        %swap3A_3248 = arith.constant 8 : index
        %swap3A_3249 = tpu.vector_load %arg9[%swap3A_3248] {strides = array<i32>} : memref<40xi32, #tpu.memory_space<vmem>>, vector<16xi32>,
        %swap3A_3250 = vector.shape_cast %swap3A_3249 : vector<16xi32> to vector<16xi32>
        %swap3A_3251 = vector.shape_cast %add3A_3247 : vector<16xi32> to vector<16xi32>
        tpu.vector_store %arg9[%swap3A_3248], %swap3A_3251 {strides = array<i32>} : memref<40xi32, #tpu.memory_space<vmem>>, vector<16xi32>,
        %get3A_3252 = arith.constant 4 : index
        %get3A_3253 = tpu.vector_load %arg9[%get3A_3252] {strides = array<i32>} : memref<40xi32, #tpu.memory_space<vmem>>, vector<16xi32>,
        %get3A_3254 = vector.shape_cast %get3A_3253 : vector<16xi32> to vector<16xi32>
        %add3A_3255 = arith.addi %add3A_3247, %get3A_3254 : vector<16xi32>
        %swap3A_3256 = arith.constant 8 : index
        %swap3A_3257 = tpu.vector_load %arg9[%swap3A_3256] {strides = array<i32>} : memref<40xi32, #tpu.memory_space<vmem>>, vector<16xi32>,
        %swap3A_3258 = vector.shape_cast %swap3A_3257 : vector<16xi32> to vector<16xi32>
        %swap3A_3259 = vector.shape_cast %add3A_3255 : vector<16xi32> to vector<16xi32>
        tpu.vector_store %arg9[%swap3A_3256], %swap3A_3259 {strides = array<i32>} : memref<40xi32, #tpu.memory_space<vmem>>, vector<16xi32>,
        %get3A_3260 = arith.constant 0 : index
        %get3A_3261 = tpu.vector_load %arg9[%get3A_3260] {strides = array<i32>} : memref<40xi32, #tpu.memory_space<vmem>>, vector<16xi32>,
        %get3A_3262 = vector.shape_cast %get3A_3261 : vector<16xi32> to vector<16xi32>
        %add3A_3263 = arith.addi %add3A_3255, %get3A_3262 : vector<16xi32>
        %mul3A_3264 = arith.constant 4 : i32
        %mul3A_3265 = arith.muli %add3A, %mul3A_3264 : i32
        %add3A_3266 = arith.constant 3 : i32
        %add3A_3267 = arith.addi %mul3A_3265, %add3A_3266 : i32
        %mul3A_3268 = arith.constant 25472 : i32
        %mul3A_3269 = arith.muli %add3A_3267, %mul3A_3268 : i32
        %sub3A_3270 = arith.constant 1 : i32
        %sub3A_3271 = vector.broadcast %sub3A_3270 : i32 to vector<16xi32>
        %sub3A_3272 = arith.subi %add3A_3263, %sub3A_3271 : vector<16xi32>
        %add3A_3273 = arith.addi %add3A_3014, %mul3A_3269 : i32
        %mul3A_3274 = vector.broadcast %add3A_3273 : i32 to vector<16xi32>
        %mul3A_3275 = arith.muli %broadcast_in_dim3A_1, %mul3A_3274 : vector<16xi32>
        %add3A_3276 = arith.addi %sub3A_3272, %mul3A_3275 : vector<16xi32>
        %select_n3A_3277 = arith.select %and3A_3230, %add3A_3276, %select_n3A_3216 : vector<16xi1>, vector<16xi32>
        %sub3A_3278 = arith.constant 37632 : i32
        %sub3A_3279 = vector.broadcast %sub3A_3278 : i32 to vector<16xi32>
        %sub3A_3280 = arith.subi %get3A_3040, %sub3A_3279 : vector<16xi32>
        %select_n3A_3281 = arith.select %and3A_3230, %sub3A_3280, %select_n3A_3220 : vector<16xi1>, vector<16xi32>
        %slice3A_3282 = vector.extract_strided_slice %add3A_3263 {offsets = [15], sizes = [1], strides = [1]} : vector<16xi32> to vector<1xi32>
        %squeeze3A_3283 = vector.extract %slice3A_3282[0] : i32 from vector<1xi32>
        %add3A_3284 = arith.addi %add3A_3014, %squeeze3A_3283 : i32
        %swap3A_3285 = arith.constant 48 : index
        %swap3A_3286 = tpu.vector_load %arg10[%swap3A_3285] {strides = array<i32>} : memref<128xi32, #tpu.memory_space<vmem>>, vector<16xi32>,
        %swap3A_3287 = vector.shape_cast %swap3A_3286 : vector<16xi32> to vector<16xi32>
        %swap3A_3288 = vector.shape_cast %select_n3A_3277 : vector<16xi32> to vector<16xi32>
        tpu.vector_store %arg10[%swap3A_3285], %swap3A_3288 {strides = array<i32>} : memref<128xi32, #tpu.memory_space<vmem>>, vector<16xi32>,
        %swap3A_3289 = arith.constant 48 : index
        %swap3A_3290 = tpu.vector_load %arg11[%swap3A_3289] {strides = array<i32>} : memref<128xi32, #tpu.memory_space<vmem>>, vector<16xi32>,
        %swap3A_3291 = vector.shape_cast %swap3A_3290 : vector<16xi32> to vector<16xi32>
        %swap3A_3292 = vector.shape_cast %get3A_3033 : vector<16xi32> to vector<16xi32>
        tpu.vector_store %arg11[%swap3A_3289], %swap3A_3292 {strides = array<i32>} : memref<128xi32, #tpu.memory_space<vmem>>, vector<16xi32>,
        %swap3A_3293 = arith.constant 48 : index
        %swap3A_3294 = tpu.vector_load %arg12[%swap3A_3293] {strides = array<i32>} : memref<128xi32, #tpu.memory_space<vmem>>, vector<16xi32>,
        %swap3A_3295 = vector.shape_cast %swap3A_3294 : vector<16xi32> to vector<16xi32>
        %swap3A_3296 = vector.shape_cast %select_n3A_3281 : vector<16xi32> to vector<16xi32>
        tpu.vector_store %arg12[%swap3A_3293], %swap3A_3296 {strides = array<i32>} : memref<128xi32, #tpu.memory_space<vmem>>, vector<16xi32>,
        %mul3A_3297 = arith.constant 128 : i32
        %mul3A_3298 = arith.muli %scan3A_2220, %mul3A_3297 : i32
        %add3A_3299 = arith.constant 64 : i32
        %add3A_3300 = arith.addi %mul3A_3298, %add3A_3299 : i32
        %get3A_3301 = arith.index_cast %add3A_3300 : i32 to index
        %get3A_3302 = tpu.vector_load %arg7[%get3A_3301] {strides = array<i32>} : memref<6272xi32, #tpu.memory_space<vmem>>, vector<16xi32>,
        %get3A_3303 = vector.shape_cast %get3A_3302 : vector<16xi32> to vector<16xi32>
        %mul3A_3304 = arith.constant 128 : i32
        %mul3A_3305 = arith.muli %scan3A_2220, %mul3A_3304 : i32
        %add3A_3306 = arith.constant 64 : i32
        %add3A_3307 = arith.addi %mul3A_3305, %add3A_3306 : i32
        %get3A_3308 = arith.index_cast %add3A_3307 : i32 to index
        %get3A_3309 = tpu.vector_load %arg8[%get3A_3308] {strides = array<i32>} : memref<6272xi32, #tpu.memory_space<vmem>>, vector<16xi32>,
        %get3A_3310 = vector.shape_cast %get3A_3309 : vector<16xi32> to vector<16xi32>
        %ge3A_3311 = arith.constant 0 : i32
        %ge3A_3312 = vector.broadcast %ge3A_3311 : i32 to vector<16xi32>
        %ge3A_3313 = arith.cmpi sge, %get3A_3310, %ge3A_3312 : vector<16xi32>
        %lt3A_3314 = arith.constant 12544 : i32
        %lt3A_3315 = vector.broadcast %lt3A_3314 : i32 to vector<16xi32>
        %lt3A_3316 = arith.cmpi slt, %get3A_3310, %lt3A_3315 : vector<16xi32>
        %and3A_3317 = arith.andi %ge3A_3313, %lt3A_3316 : vector<16xi1>
        %select_n3A_3318 = arith.select %and3A_3317, %broadcast_in_dim3A_1, %broadcast_in_dim3A_3 : vector<16xi1>, vector<16xi32>
        %swap3A_3319 = arith.constant 8 : index
        %swap3A_3320 = tpu.vector_load %arg9[%swap3A_3319] {strides = array<i32>} : memref<40xi32, #tpu.memory_space<vmem>>, vector<16xi32>,
        %swap3A_3321 = vector.shape_cast %swap3A_3320 : vector<16xi32> to vector<16xi32>
        %swap3A_3322 = vector.shape_cast %select_n3A_3318 : vector<16xi32> to vector<16xi32>
        tpu.vector_store %arg9[%swap3A_3319], %swap3A_3322 {strides = array<i32>} : memref<40xi32, #tpu.memory_space<vmem>>, vector<16xi32>,
        %get3A_3323 = arith.constant 7 : index
        %get3A_3324 = tpu.vector_load %arg9[%get3A_3323] {strides = array<i32>} : memref<40xi32, #tpu.memory_space<vmem>>, vector<16xi32>,
        %get3A_3325 = vector.shape_cast %get3A_3324 : vector<16xi32> to vector<16xi32>
        %add3A_3326 = arith.addi %select_n3A_3318, %get3A_3325 : vector<16xi32>
        %swap3A_3327 = arith.constant 8 : index
        %swap3A_3328 = tpu.vector_load %arg9[%swap3A_3327] {strides = array<i32>} : memref<40xi32, #tpu.memory_space<vmem>>, vector<16xi32>,
        %swap3A_3329 = vector.shape_cast %swap3A_3328 : vector<16xi32> to vector<16xi32>
        %swap3A_3330 = vector.shape_cast %add3A_3326 : vector<16xi32> to vector<16xi32>
        tpu.vector_store %arg9[%swap3A_3327], %swap3A_3330 {strides = array<i32>} : memref<40xi32, #tpu.memory_space<vmem>>, vector<16xi32>,
        %get3A_3331 = arith.constant 6 : index
        %get3A_3332 = tpu.vector_load %arg9[%get3A_3331] {strides = array<i32>} : memref<40xi32, #tpu.memory_space<vmem>>, vector<16xi32>,
        %get3A_3333 = vector.shape_cast %get3A_3332 : vector<16xi32> to vector<16xi32>
        %add3A_3334 = arith.addi %add3A_3326, %get3A_3333 : vector<16xi32>
        %swap3A_3335 = arith.constant 8 : index
        %swap3A_3336 = tpu.vector_load %arg9[%swap3A_3335] {strides = array<i32>} : memref<40xi32, #tpu.memory_space<vmem>>, vector<16xi32>,
        %swap3A_3337 = vector.shape_cast %swap3A_3336 : vector<16xi32> to vector<16xi32>
        %swap3A_3338 = vector.shape_cast %add3A_3334 : vector<16xi32> to vector<16xi32>
        tpu.vector_store %arg9[%swap3A_3335], %swap3A_3338 {strides = array<i32>} : memref<40xi32, #tpu.memory_space<vmem>>, vector<16xi32>,
        %get3A_3339 = arith.constant 4 : index
        %get3A_3340 = tpu.vector_load %arg9[%get3A_3339] {strides = array<i32>} : memref<40xi32, #tpu.memory_space<vmem>>, vector<16xi32>,
        %get3A_3341 = vector.shape_cast %get3A_3340 : vector<16xi32> to vector<16xi32>
        %add3A_3342 = arith.addi %add3A_3334, %get3A_3341 : vector<16xi32>
        %swap3A_3343 = arith.constant 8 : index
        %swap3A_3344 = tpu.vector_load %arg9[%swap3A_3343] {strides = array<i32>} : memref<40xi32, #tpu.memory_space<vmem>>, vector<16xi32>,
        %swap3A_3345 = vector.shape_cast %swap3A_3344 : vector<16xi32> to vector<16xi32>
        %swap3A_3346 = vector.shape_cast %add3A_3342 : vector<16xi32> to vector<16xi32>
        tpu.vector_store %arg9[%swap3A_3343], %swap3A_3346 {strides = array<i32>} : memref<40xi32, #tpu.memory_space<vmem>>, vector<16xi32>,
        %get3A_3347 = arith.constant 0 : index
        %get3A_3348 = tpu.vector_load %arg9[%get3A_3347] {strides = array<i32>} : memref<40xi32, #tpu.memory_space<vmem>>, vector<16xi32>,
        %get3A_3349 = vector.shape_cast %get3A_3348 : vector<16xi32> to vector<16xi32>
        %add3A_3350 = arith.addi %add3A_3342, %get3A_3349 : vector<16xi32>
        %mul3A_3351 = arith.constant 4 : i32
        %mul3A_3352 = arith.muli %add3A, %mul3A_3351 : i32
        %add3A_3353 = arith.constant 0 : i32
        %add3A_3354 = arith.addi %mul3A_3352, %add3A_3353 : i32
        %mul3A_3355 = arith.constant 25472 : i32
        %mul3A_3356 = arith.muli %add3A_3354, %mul3A_3355 : i32
        %sub3A_3357 = arith.constant 1 : i32
        %sub3A_3358 = vector.broadcast %sub3A_3357 : i32 to vector<16xi32>
        %sub3A_3359 = arith.subi %add3A_3350, %sub3A_3358 : vector<16xi32>
        %add3A_3360 = arith.addi %add3A_3101, %mul3A_3356 : i32
        %mul3A_3361 = vector.broadcast %add3A_3360 : i32 to vector<16xi32>
        %mul3A_3362 = arith.muli %broadcast_in_dim3A_1, %mul3A_3361 : vector<16xi32>
        %add3A_3363 = arith.addi %sub3A_3359, %mul3A_3362 : vector<16xi32>
        %select_n3A_3364 = arith.select %and3A_3317, %add3A_3363, %broadcast_in_dim3A_5 : vector<16xi1>, vector<16xi32>
        %sub3A_3365 = arith.constant 0 : i32
        %sub3A_3366 = vector.broadcast %sub3A_3365 : i32 to vector<16xi32>
        %sub3A_3367 = arith.subi %get3A_3310, %sub3A_3366 : vector<16xi32>
        %select_n3A_3368 = arith.select %and3A_3317, %sub3A_3367, %broadcast_in_dim3A_7 : vector<16xi1>, vector<16xi32>
        %slice3A_3369 = vector.extract_strided_slice %add3A_3350 {offsets = [15], sizes = [1], strides = [1]} : vector<16xi32> to vector<1xi32>
        %squeeze3A_3370 = vector.extract %slice3A_3369[0] : i32 from vector<1xi32>
        %add3A_3371 = arith.addi %add3A_3101, %squeeze3A_3370 : i32
        %ge3A_3372 = arith.constant 12544 : i32
        %ge3A_3373 = vector.broadcast %ge3A_3372 : i32 to vector<16xi32>
        %ge3A_3374 = arith.cmpi sge, %get3A_3310, %ge3A_3373 : vector<16xi32>
        %lt3A_3375 = arith.constant 25088 : i32
        %lt3A_3376 = vector.broadcast %lt3A_3375 : i32 to vector<16xi32>
        %lt3A_3377 = arith.cmpi slt, %get3A_3310, %lt3A_3376 : vector<16xi32>
        %and3A_3378 = arith.andi %ge3A_3374, %lt3A_3377 : vector<16xi1>
        %select_n3A_3379 = arith.select %and3A_3378, %broadcast_in_dim3A_1, %broadcast_in_dim3A_3 : vector<16xi1>, vector<16xi32>
        %swap3A_3380 = arith.constant 8 : index
        %swap3A_3381 = tpu.vector_load %arg9[%swap3A_3380] {strides = array<i32>} : memref<40xi32, #tpu.memory_space<vmem>>, vector<16xi32>,
        %swap3A_3382 = vector.shape_cast %swap3A_3381 : vector<16xi32> to vector<16xi32>
        %swap3A_3383 = vector.shape_cast %select_n3A_3379 : vector<16xi32> to vector<16xi32>
        tpu.vector_store %arg9[%swap3A_3380], %swap3A_3383 {strides = array<i32>} : memref<40xi32, #tpu.memory_space<vmem>>, vector<16xi32>,
        %get3A_3384 = arith.constant 7 : index
        %get3A_3385 = tpu.vector_load %arg9[%get3A_3384] {strides = array<i32>} : memref<40xi32, #tpu.memory_space<vmem>>, vector<16xi32>,
        %get3A_3386 = vector.shape_cast %get3A_3385 : vector<16xi32> to vector<16xi32>
        %add3A_3387 = arith.addi %select_n3A_3379, %get3A_3386 : vector<16xi32>
        %swap3A_3388 = arith.constant 8 : index
        %swap3A_3389 = tpu.vector_load %arg9[%swap3A_3388] {strides = array<i32>} : memref<40xi32, #tpu.memory_space<vmem>>, vector<16xi32>,
        %swap3A_3390 = vector.shape_cast %swap3A_3389 : vector<16xi32> to vector<16xi32>
        %swap3A_3391 = vector.shape_cast %add3A_3387 : vector<16xi32> to vector<16xi32>
        tpu.vector_store %arg9[%swap3A_3388], %swap3A_3391 {strides = array<i32>} : memref<40xi32, #tpu.memory_space<vmem>>, vector<16xi32>,
        %get3A_3392 = arith.constant 6 : index
        %get3A_3393 = tpu.vector_load %arg9[%get3A_3392] {strides = array<i32>} : memref<40xi32, #tpu.memory_space<vmem>>, vector<16xi32>,
        %get3A_3394 = vector.shape_cast %get3A_3393 : vector<16xi32> to vector<16xi32>
        %add3A_3395 = arith.addi %add3A_3387, %get3A_3394 : vector<16xi32>
        %swap3A_3396 = arith.constant 8 : index
        %swap3A_3397 = tpu.vector_load %arg9[%swap3A_3396] {strides = array<i32>} : memref<40xi32, #tpu.memory_space<vmem>>, vector<16xi32>,
        %swap3A_3398 = vector.shape_cast %swap3A_3397 : vector<16xi32> to vector<16xi32>
        %swap3A_3399 = vector.shape_cast %add3A_3395 : vector<16xi32> to vector<16xi32>
        tpu.vector_store %arg9[%swap3A_3396], %swap3A_3399 {strides = array<i32>} : memref<40xi32, #tpu.memory_space<vmem>>, vector<16xi32>,
        %get3A_3400 = arith.constant 4 : index
        %get3A_3401 = tpu.vector_load %arg9[%get3A_3400] {strides = array<i32>} : memref<40xi32, #tpu.memory_space<vmem>>, vector<16xi32>,
        %get3A_3402 = vector.shape_cast %get3A_3401 : vector<16xi32> to vector<16xi32>
        %add3A_3403 = arith.addi %add3A_3395, %get3A_3402 : vector<16xi32>
        %swap3A_3404 = arith.constant 8 : index
        %swap3A_3405 = tpu.vector_load %arg9[%swap3A_3404] {strides = array<i32>} : memref<40xi32, #tpu.memory_space<vmem>>, vector<16xi32>,
        %swap3A_3406 = vector.shape_cast %swap3A_3405 : vector<16xi32> to vector<16xi32>
        %swap3A_3407 = vector.shape_cast %add3A_3403 : vector<16xi32> to vector<16xi32>
        tpu.vector_store %arg9[%swap3A_3404], %swap3A_3407 {strides = array<i32>} : memref<40xi32, #tpu.memory_space<vmem>>, vector<16xi32>,
        %get3A_3408 = arith.constant 0 : index
        %get3A_3409 = tpu.vector_load %arg9[%get3A_3408] {strides = array<i32>} : memref<40xi32, #tpu.memory_space<vmem>>, vector<16xi32>,
        %get3A_3410 = vector.shape_cast %get3A_3409 : vector<16xi32> to vector<16xi32>
        %add3A_3411 = arith.addi %add3A_3403, %get3A_3410 : vector<16xi32>
        %mul3A_3412 = arith.constant 4 : i32
        %mul3A_3413 = arith.muli %add3A, %mul3A_3412 : i32
        %add3A_3414 = arith.constant 1 : i32
        %add3A_3415 = arith.addi %mul3A_3413, %add3A_3414 : i32
        %mul3A_3416 = arith.constant 25472 : i32
        %mul3A_3417 = arith.muli %add3A_3415, %mul3A_3416 : i32
        %sub3A_3418 = arith.constant 1 : i32
        %sub3A_3419 = vector.broadcast %sub3A_3418 : i32 to vector<16xi32>
        %sub3A_3420 = arith.subi %add3A_3411, %sub3A_3419 : vector<16xi32>
        %add3A_3421 = arith.addi %add3A_3162, %mul3A_3417 : i32
        %mul3A_3422 = vector.broadcast %add3A_3421 : i32 to vector<16xi32>
        %mul3A_3423 = arith.muli %broadcast_in_dim3A_1, %mul3A_3422 : vector<16xi32>
        %add3A_3424 = arith.addi %sub3A_3420, %mul3A_3423 : vector<16xi32>
        %select_n3A_3425 = arith.select %and3A_3378, %add3A_3424, %select_n3A_3364 : vector<16xi1>, vector<16xi32>
        %sub3A_3426 = arith.constant 12544 : i32
        %sub3A_3427 = vector.broadcast %sub3A_3426 : i32 to vector<16xi32>
        %sub3A_3428 = arith.subi %get3A_3310, %sub3A_3427 : vector<16xi32>
        %select_n3A_3429 = arith.select %and3A_3378, %sub3A_3428, %select_n3A_3368 : vector<16xi1>, vector<16xi32>
        %slice3A_3430 = vector.extract_strided_slice %add3A_3411 {offsets = [15], sizes = [1], strides = [1]} : vector<16xi32> to vector<1xi32>
        %squeeze3A_3431 = vector.extract %slice3A_3430[0] : i32 from vector<1xi32>
        %add3A_3432 = arith.addi %add3A_3162, %squeeze3A_3431 : i32
        %ge3A_3433 = arith.constant 25088 : i32
        %ge3A_3434 = vector.broadcast %ge3A_3433 : i32 to vector<16xi32>
        %ge3A_3435 = arith.cmpi sge, %get3A_3310, %ge3A_3434 : vector<16xi32>
        %lt3A_3436 = arith.constant 37632 : i32
        %lt3A_3437 = vector.broadcast %lt3A_3436 : i32 to vector<16xi32>
        %lt3A_3438 = arith.cmpi slt, %get3A_3310, %lt3A_3437 : vector<16xi32>
        %and3A_3439 = arith.andi %ge3A_3435, %lt3A_3438 : vector<16xi1>
        %select_n3A_3440 = arith.select %and3A_3439, %broadcast_in_dim3A_1, %broadcast_in_dim3A_3 : vector<16xi1>, vector<16xi32>
        %swap3A_3441 = arith.constant 8 : index
        %swap3A_3442 = tpu.vector_load %arg9[%swap3A_3441] {strides = array<i32>} : memref<40xi32, #tpu.memory_space<vmem>>, vector<16xi32>,
        %swap3A_3443 = vector.shape_cast %swap3A_3442 : vector<16xi32> to vector<16xi32>
        %swap3A_3444 = vector.shape_cast %select_n3A_3440 : vector<16xi32> to vector<16xi32>
        tpu.vector_store %arg9[%swap3A_3441], %swap3A_3444 {strides = array<i32>} : memref<40xi32, #tpu.memory_space<vmem>>, vector<16xi32>,
        %get3A_3445 = arith.constant 7 : index
        %get3A_3446 = tpu.vector_load %arg9[%get3A_3445] {strides = array<i32>} : memref<40xi32, #tpu.memory_space<vmem>>, vector<16xi32>,
        %get3A_3447 = vector.shape_cast %get3A_3446 : vector<16xi32> to vector<16xi32>
        %add3A_3448 = arith.addi %select_n3A_3440, %get3A_3447 : vector<16xi32>
        %swap3A_3449 = arith.constant 8 : index
        %swap3A_3450 = tpu.vector_load %arg9[%swap3A_3449] {strides = array<i32>} : memref<40xi32, #tpu.memory_space<vmem>>, vector<16xi32>,
        %swap3A_3451 = vector.shape_cast %swap3A_3450 : vector<16xi32> to vector<16xi32>
        %swap3A_3452 = vector.shape_cast %add3A_3448 : vector<16xi32> to vector<16xi32>
        tpu.vector_store %arg9[%swap3A_3449], %swap3A_3452 {strides = array<i32>} : memref<40xi32, #tpu.memory_space<vmem>>, vector<16xi32>,
        %get3A_3453 = arith.constant 6 : index
        %get3A_3454 = tpu.vector_load %arg9[%get3A_3453] {strides = array<i32>} : memref<40xi32, #tpu.memory_space<vmem>>, vector<16xi32>,
        %get3A_3455 = vector.shape_cast %get3A_3454 : vector<16xi32> to vector<16xi32>
        %add3A_3456 = arith.addi %add3A_3448, %get3A_3455 : vector<16xi32>
        %swap3A_3457 = arith.constant 8 : index
        %swap3A_3458 = tpu.vector_load %arg9[%swap3A_3457] {strides = array<i32>} : memref<40xi32, #tpu.memory_space<vmem>>, vector<16xi32>,
        %swap3A_3459 = vector.shape_cast %swap3A_3458 : vector<16xi32> to vector<16xi32>
        %swap3A_3460 = vector.shape_cast %add3A_3456 : vector<16xi32> to vector<16xi32>
        tpu.vector_store %arg9[%swap3A_3457], %swap3A_3460 {strides = array<i32>} : memref<40xi32, #tpu.memory_space<vmem>>, vector<16xi32>,
        %get3A_3461 = arith.constant 4 : index
        %get3A_3462 = tpu.vector_load %arg9[%get3A_3461] {strides = array<i32>} : memref<40xi32, #tpu.memory_space<vmem>>, vector<16xi32>,
        %get3A_3463 = vector.shape_cast %get3A_3462 : vector<16xi32> to vector<16xi32>
        %add3A_3464 = arith.addi %add3A_3456, %get3A_3463 : vector<16xi32>
        %swap3A_3465 = arith.constant 8 : index
        %swap3A_3466 = tpu.vector_load %arg9[%swap3A_3465] {strides = array<i32>} : memref<40xi32, #tpu.memory_space<vmem>>, vector<16xi32>,
        %swap3A_3467 = vector.shape_cast %swap3A_3466 : vector<16xi32> to vector<16xi32>
        %swap3A_3468 = vector.shape_cast %add3A_3464 : vector<16xi32> to vector<16xi32>
        tpu.vector_store %arg9[%swap3A_3465], %swap3A_3468 {strides = array<i32>} : memref<40xi32, #tpu.memory_space<vmem>>, vector<16xi32>,
        %get3A_3469 = arith.constant 0 : index
        %get3A_3470 = tpu.vector_load %arg9[%get3A_3469] {strides = array<i32>} : memref<40xi32, #tpu.memory_space<vmem>>, vector<16xi32>,
        %get3A_3471 = vector.shape_cast %get3A_3470 : vector<16xi32> to vector<16xi32>
        %add3A_3472 = arith.addi %add3A_3464, %get3A_3471 : vector<16xi32>
        %mul3A_3473 = arith.constant 4 : i32
        %mul3A_3474 = arith.muli %add3A, %mul3A_3473 : i32
        %add3A_3475 = arith.constant 2 : i32
        %add3A_3476 = arith.addi %mul3A_3474, %add3A_3475 : i32
        %mul3A_3477 = arith.constant 25472 : i32
        %mul3A_3478 = arith.muli %add3A_3476, %mul3A_3477 : i32
        %sub3A_3479 = arith.constant 1 : i32
        %sub3A_3480 = vector.broadcast %sub3A_3479 : i32 to vector<16xi32>
        %sub3A_3481 = arith.subi %add3A_3472, %sub3A_3480 : vector<16xi32>
        %add3A_3482 = arith.addi %add3A_3223, %mul3A_3478 : i32
        %mul3A_3483 = vector.broadcast %add3A_3482 : i32 to vector<16xi32>
        %mul3A_3484 = arith.muli %broadcast_in_dim3A_1, %mul3A_3483 : vector<16xi32>
        %add3A_3485 = arith.addi %sub3A_3481, %mul3A_3484 : vector<16xi32>
        %select_n3A_3486 = arith.select %and3A_3439, %add3A_3485, %select_n3A_3425 : vector<16xi1>, vector<16xi32>
        %sub3A_3487 = arith.constant 25088 : i32
        %sub3A_3488 = vector.broadcast %sub3A_3487 : i32 to vector<16xi32>
        %sub3A_3489 = arith.subi %get3A_3310, %sub3A_3488 : vector<16xi32>
        %select_n3A_3490 = arith.select %and3A_3439, %sub3A_3489, %select_n3A_3429 : vector<16xi1>, vector<16xi32>
        %slice3A_3491 = vector.extract_strided_slice %add3A_3472 {offsets = [15], sizes = [1], strides = [1]} : vector<16xi32> to vector<1xi32>
        %squeeze3A_3492 = vector.extract %slice3A_3491[0] : i32 from vector<1xi32>
        %add3A_3493 = arith.addi %add3A_3223, %squeeze3A_3492 : i32
        %ge3A_3494 = arith.constant 37632 : i32
        %ge3A_3495 = vector.broadcast %ge3A_3494 : i32 to vector<16xi32>
        %ge3A_3496 = arith.cmpi sge, %get3A_3310, %ge3A_3495 : vector<16xi32>
        %lt3A_3497 = arith.constant 50176 : i32
        %lt3A_3498 = vector.broadcast %lt3A_3497 : i32 to vector<16xi32>
        %lt3A_3499 = arith.cmpi slt, %get3A_3310, %lt3A_3498 : vector<16xi32>
        %and3A_3500 = arith.andi %ge3A_3496, %lt3A_3499 : vector<16xi1>
        %select_n3A_3501 = arith.select %and3A_3500, %broadcast_in_dim3A_1, %broadcast_in_dim3A_3 : vector<16xi1>, vector<16xi32>
        %swap3A_3502 = arith.constant 8 : index
        %swap3A_3503 = tpu.vector_load %arg9[%swap3A_3502] {strides = array<i32>} : memref<40xi32, #tpu.memory_space<vmem>>, vector<16xi32>,
        %swap3A_3504 = vector.shape_cast %swap3A_3503 : vector<16xi32> to vector<16xi32>
        %swap3A_3505 = vector.shape_cast %select_n3A_3501 : vector<16xi32> to vector<16xi32>
        tpu.vector_store %arg9[%swap3A_3502], %swap3A_3505 {strides = array<i32>} : memref<40xi32, #tpu.memory_space<vmem>>, vector<16xi32>,
        %get3A_3506 = arith.constant 7 : index
        %get3A_3507 = tpu.vector_load %arg9[%get3A_3506] {strides = array<i32>} : memref<40xi32, #tpu.memory_space<vmem>>, vector<16xi32>,
        %get3A_3508 = vector.shape_cast %get3A_3507 : vector<16xi32> to vector<16xi32>
        %add3A_3509 = arith.addi %select_n3A_3501, %get3A_3508 : vector<16xi32>
        %swap3A_3510 = arith.constant 8 : index
        %swap3A_3511 = tpu.vector_load %arg9[%swap3A_3510] {strides = array<i32>} : memref<40xi32, #tpu.memory_space<vmem>>, vector<16xi32>,
        %swap3A_3512 = vector.shape_cast %swap3A_3511 : vector<16xi32> to vector<16xi32>
        %swap3A_3513 = vector.shape_cast %add3A_3509 : vector<16xi32> to vector<16xi32>
        tpu.vector_store %arg9[%swap3A_3510], %swap3A_3513 {strides = array<i32>} : memref<40xi32, #tpu.memory_space<vmem>>, vector<16xi32>,
        %get3A_3514 = arith.constant 6 : index
        %get3A_3515 = tpu.vector_load %arg9[%get3A_3514] {strides = array<i32>} : memref<40xi32, #tpu.memory_space<vmem>>, vector<16xi32>,
        %get3A_3516 = vector.shape_cast %get3A_3515 : vector<16xi32> to vector<16xi32>
        %add3A_3517 = arith.addi %add3A_3509, %get3A_3516 : vector<16xi32>
        %swap3A_3518 = arith.constant 8 : index
        %swap3A_3519 = tpu.vector_load %arg9[%swap3A_3518] {strides = array<i32>} : memref<40xi32, #tpu.memory_space<vmem>>, vector<16xi32>,
        %swap3A_3520 = vector.shape_cast %swap3A_3519 : vector<16xi32> to vector<16xi32>
        %swap3A_3521 = vector.shape_cast %add3A_3517 : vector<16xi32> to vector<16xi32>
        tpu.vector_store %arg9[%swap3A_3518], %swap3A_3521 {strides = array<i32>} : memref<40xi32, #tpu.memory_space<vmem>>, vector<16xi32>,
        %get3A_3522 = arith.constant 4 : index
        %get3A_3523 = tpu.vector_load %arg9[%get3A_3522] {strides = array<i32>} : memref<40xi32, #tpu.memory_space<vmem>>, vector<16xi32>,
        %get3A_3524 = vector.shape_cast %get3A_3523 : vector<16xi32> to vector<16xi32>
        %add3A_3525 = arith.addi %add3A_3517, %get3A_3524 : vector<16xi32>
        %swap3A_3526 = arith.constant 8 : index
        %swap3A_3527 = tpu.vector_load %arg9[%swap3A_3526] {strides = array<i32>} : memref<40xi32, #tpu.memory_space<vmem>>, vector<16xi32>,
        %swap3A_3528 = vector.shape_cast %swap3A_3527 : vector<16xi32> to vector<16xi32>
        %swap3A_3529 = vector.shape_cast %add3A_3525 : vector<16xi32> to vector<16xi32>
        tpu.vector_store %arg9[%swap3A_3526], %swap3A_3529 {strides = array<i32>} : memref<40xi32, #tpu.memory_space<vmem>>, vector<16xi32>,
        %get3A_3530 = arith.constant 0 : index
        %get3A_3531 = tpu.vector_load %arg9[%get3A_3530] {strides = array<i32>} : memref<40xi32, #tpu.memory_space<vmem>>, vector<16xi32>,
        %get3A_3532 = vector.shape_cast %get3A_3531 : vector<16xi32> to vector<16xi32>
        %add3A_3533 = arith.addi %add3A_3525, %get3A_3532 : vector<16xi32>
        %mul3A_3534 = arith.constant 4 : i32
        %mul3A_3535 = arith.muli %add3A, %mul3A_3534 : i32
        %add3A_3536 = arith.constant 3 : i32
        %add3A_3537 = arith.addi %mul3A_3535, %add3A_3536 : i32
        %mul3A_3538 = arith.constant 25472 : i32
        %mul3A_3539 = arith.muli %add3A_3537, %mul3A_3538 : i32
        %sub3A_3540 = arith.constant 1 : i32
        %sub3A_3541 = vector.broadcast %sub3A_3540 : i32 to vector<16xi32>
        %sub3A_3542 = arith.subi %add3A_3533, %sub3A_3541 : vector<16xi32>
        %add3A_3543 = arith.addi %add3A_3284, %mul3A_3539 : i32
        %mul3A_3544 = vector.broadcast %add3A_3543 : i32 to vector<16xi32>
        %mul3A_3545 = arith.muli %broadcast_in_dim3A_1, %mul3A_3544 : vector<16xi32>
        %add3A_3546 = arith.addi %sub3A_3542, %mul3A_3545 : vector<16xi32>
        %select_n3A_3547 = arith.select %and3A_3500, %add3A_3546, %select_n3A_3486 : vector<16xi1>, vector<16xi32>
        %sub3A_3548 = arith.constant 37632 : i32
        %sub3A_3549 = vector.broadcast %sub3A_3548 : i32 to vector<16xi32>
        %sub3A_3550 = arith.subi %get3A_3310, %sub3A_3549 : vector<16xi32>
        %select_n3A_3551 = arith.select %and3A_3500, %sub3A_3550, %select_n3A_3490 : vector<16xi1>, vector<16xi32>
        %slice3A_3552 = vector.extract_strided_slice %add3A_3533 {offsets = [15], sizes = [1], strides = [1]} : vector<16xi32> to vector<1xi32>
        %squeeze3A_3553 = vector.extract %slice3A_3552[0] : i32 from vector<1xi32>
        %add3A_3554 = arith.addi %add3A_3284, %squeeze3A_3553 : i32
        %swap3A_3555 = arith.constant 64 : index
        %swap3A_3556 = tpu.vector_load %arg10[%swap3A_3555] {strides = array<i32>} : memref<128xi32, #tpu.memory_space<vmem>>, vector<16xi32>,
        %swap3A_3557 = vector.shape_cast %swap3A_3556 : vector<16xi32> to vector<16xi32>
        %swap3A_3558 = vector.shape_cast %select_n3A_3547 : vector<16xi32> to vector<16xi32>
        tpu.vector_store %arg10[%swap3A_3555], %swap3A_3558 {strides = array<i32>} : memref<128xi32, #tpu.memory_space<vmem>>, vector<16xi32>,
        %swap3A_3559 = arith.constant 64 : index
        %swap3A_3560 = tpu.vector_load %arg11[%swap3A_3559] {strides = array<i32>} : memref<128xi32, #tpu.memory_space<vmem>>, vector<16xi32>,
        %swap3A_3561 = vector.shape_cast %swap3A_3560 : vector<16xi32> to vector<16xi32>
        %swap3A_3562 = vector.shape_cast %get3A_3303 : vector<16xi32> to vector<16xi32>
        tpu.vector_store %arg11[%swap3A_3559], %swap3A_3562 {strides = array<i32>} : memref<128xi32, #tpu.memory_space<vmem>>, vector<16xi32>,
        %swap3A_3563 = arith.constant 64 : index
        %swap3A_3564 = tpu.vector_load %arg12[%swap3A_3563] {strides = array<i32>} : memref<128xi32, #tpu.memory_space<vmem>>, vector<16xi32>,
        %swap3A_3565 = vector.shape_cast %swap3A_3564 : vector<16xi32> to vector<16xi32>
        %swap3A_3566 = vector.shape_cast %select_n3A_3551 : vector<16xi32> to vector<16xi32>
        tpu.vector_store %arg12[%swap3A_3563], %swap3A_3566 {strides = array<i32>} : memref<128xi32, #tpu.memory_space<vmem>>, vector<16xi32>,
        %mul3A_3567 = arith.constant 128 : i32
        %mul3A_3568 = arith.muli %scan3A_2220, %mul3A_3567 : i32
        %add3A_3569 = arith.constant 80 : i32
        %add3A_3570 = arith.addi %mul3A_3568, %add3A_3569 : i32
        %get3A_3571 = arith.index_cast %add3A_3570 : i32 to index
        %get3A_3572 = tpu.vector_load %arg7[%get3A_3571] {strides = array<i32>} : memref<6272xi32, #tpu.memory_space<vmem>>, vector<16xi32>,
        %get3A_3573 = vector.shape_cast %get3A_3572 : vector<16xi32> to vector<16xi32>
        %mul3A_3574 = arith.constant 128 : i32
        %mul3A_3575 = arith.muli %scan3A_2220, %mul3A_3574 : i32
        %add3A_3576 = arith.constant 80 : i32
        %add3A_3577 = arith.addi %mul3A_3575, %add3A_3576 : i32
        %get3A_3578 = arith.index_cast %add3A_3577 : i32 to index
        %get3A_3579 = tpu.vector_load %arg8[%get3A_3578] {strides = array<i32>} : memref<6272xi32, #tpu.memory_space<vmem>>, vector<16xi32>,
        %get3A_3580 = vector.shape_cast %get3A_3579 : vector<16xi32> to vector<16xi32>
        %ge3A_3581 = arith.constant 0 : i32
        %ge3A_3582 = vector.broadcast %ge3A_3581 : i32 to vector<16xi32>
        %ge3A_3583 = arith.cmpi sge, %get3A_3580, %ge3A_3582 : vector<16xi32>
        %lt3A_3584 = arith.constant 12544 : i32
        %lt3A_3585 = vector.broadcast %lt3A_3584 : i32 to vector<16xi32>
        %lt3A_3586 = arith.cmpi slt, %get3A_3580, %lt3A_3585 : vector<16xi32>
        %and3A_3587 = arith.andi %ge3A_3583, %lt3A_3586 : vector<16xi1>
        %select_n3A_3588 = arith.select %and3A_3587, %broadcast_in_dim3A_1, %broadcast_in_dim3A_3 : vector<16xi1>, vector<16xi32>
        %swap3A_3589 = arith.constant 8 : index
        %swap3A_3590 = tpu.vector_load %arg9[%swap3A_3589] {strides = array<i32>} : memref<40xi32, #tpu.memory_space<vmem>>, vector<16xi32>,
        %swap3A_3591 = vector.shape_cast %swap3A_3590 : vector<16xi32> to vector<16xi32>
        %swap3A_3592 = vector.shape_cast %select_n3A_3588 : vector<16xi32> to vector<16xi32>
        tpu.vector_store %arg9[%swap3A_3589], %swap3A_3592 {strides = array<i32>} : memref<40xi32, #tpu.memory_space<vmem>>, vector<16xi32>,
        %get3A_3593 = arith.constant 7 : index
        %get3A_3594 = tpu.vector_load %arg9[%get3A_3593] {strides = array<i32>} : memref<40xi32, #tpu.memory_space<vmem>>, vector<16xi32>,
        %get3A_3595 = vector.shape_cast %get3A_3594 : vector<16xi32> to vector<16xi32>
        %add3A_3596 = arith.addi %select_n3A_3588, %get3A_3595 : vector<16xi32>
        %swap3A_3597 = arith.constant 8 : index
        %swap3A_3598 = tpu.vector_load %arg9[%swap3A_3597] {strides = array<i32>} : memref<40xi32, #tpu.memory_space<vmem>>, vector<16xi32>,
        %swap3A_3599 = vector.shape_cast %swap3A_3598 : vector<16xi32> to vector<16xi32>
        %swap3A_3600 = vector.shape_cast %add3A_3596 : vector<16xi32> to vector<16xi32>
        tpu.vector_store %arg9[%swap3A_3597], %swap3A_3600 {strides = array<i32>} : memref<40xi32, #tpu.memory_space<vmem>>, vector<16xi32>,
        %get3A_3601 = arith.constant 6 : index
        %get3A_3602 = tpu.vector_load %arg9[%get3A_3601] {strides = array<i32>} : memref<40xi32, #tpu.memory_space<vmem>>, vector<16xi32>,
        %get3A_3603 = vector.shape_cast %get3A_3602 : vector<16xi32> to vector<16xi32>
        %add3A_3604 = arith.addi %add3A_3596, %get3A_3603 : vector<16xi32>
        %swap3A_3605 = arith.constant 8 : index
        %swap3A_3606 = tpu.vector_load %arg9[%swap3A_3605] {strides = array<i32>} : memref<40xi32, #tpu.memory_space<vmem>>, vector<16xi32>,
        %swap3A_3607 = vector.shape_cast %swap3A_3606 : vector<16xi32> to vector<16xi32>
        %swap3A_3608 = vector.shape_cast %add3A_3604 : vector<16xi32> to vector<16xi32>
        tpu.vector_store %arg9[%swap3A_3605], %swap3A_3608 {strides = array<i32>} : memref<40xi32, #tpu.memory_space<vmem>>, vector<16xi32>,
        %get3A_3609 = arith.constant 4 : index
        %get3A_3610 = tpu.vector_load %arg9[%get3A_3609] {strides = array<i32>} : memref<40xi32, #tpu.memory_space<vmem>>, vector<16xi32>,
        %get3A_3611 = vector.shape_cast %get3A_3610 : vector<16xi32> to vector<16xi32>
        %add3A_3612 = arith.addi %add3A_3604, %get3A_3611 : vector<16xi32>
        %swap3A_3613 = arith.constant 8 : index
        %swap3A_3614 = tpu.vector_load %arg9[%swap3A_3613] {strides = array<i32>} : memref<40xi32, #tpu.memory_space<vmem>>, vector<16xi32>,
        %swap3A_3615 = vector.shape_cast %swap3A_3614 : vector<16xi32> to vector<16xi32>
        %swap3A_3616 = vector.shape_cast %add3A_3612 : vector<16xi32> to vector<16xi32>
        tpu.vector_store %arg9[%swap3A_3613], %swap3A_3616 {strides = array<i32>} : memref<40xi32, #tpu.memory_space<vmem>>, vector<16xi32>,
        %get3A_3617 = arith.constant 0 : index
        %get3A_3618 = tpu.vector_load %arg9[%get3A_3617] {strides = array<i32>} : memref<40xi32, #tpu.memory_space<vmem>>, vector<16xi32>,
        %get3A_3619 = vector.shape_cast %get3A_3618 : vector<16xi32> to vector<16xi32>
        %add3A_3620 = arith.addi %add3A_3612, %get3A_3619 : vector<16xi32>
        %mul3A_3621 = arith.constant 4 : i32
        %mul3A_3622 = arith.muli %add3A, %mul3A_3621 : i32
        %add3A_3623 = arith.constant 0 : i32
        %add3A_3624 = arith.addi %mul3A_3622, %add3A_3623 : i32
        %mul3A_3625 = arith.constant 25472 : i32
        %mul3A_3626 = arith.muli %add3A_3624, %mul3A_3625 : i32
        %sub3A_3627 = arith.constant 1 : i32
        %sub3A_3628 = vector.broadcast %sub3A_3627 : i32 to vector<16xi32>
        %sub3A_3629 = arith.subi %add3A_3620, %sub3A_3628 : vector<16xi32>
        %add3A_3630 = arith.addi %add3A_3371, %mul3A_3626 : i32
        %mul3A_3631 = vector.broadcast %add3A_3630 : i32 to vector<16xi32>
        %mul3A_3632 = arith.muli %broadcast_in_dim3A_1, %mul3A_3631 : vector<16xi32>
        %add3A_3633 = arith.addi %sub3A_3629, %mul3A_3632 : vector<16xi32>
        %select_n3A_3634 = arith.select %and3A_3587, %add3A_3633, %broadcast_in_dim3A_5 : vector<16xi1>, vector<16xi32>
        %sub3A_3635 = arith.constant 0 : i32
        %sub3A_3636 = vector.broadcast %sub3A_3635 : i32 to vector<16xi32>
        %sub3A_3637 = arith.subi %get3A_3580, %sub3A_3636 : vector<16xi32>
        %select_n3A_3638 = arith.select %and3A_3587, %sub3A_3637, %broadcast_in_dim3A_7 : vector<16xi1>, vector<16xi32>
        %slice3A_3639 = vector.extract_strided_slice %add3A_3620 {offsets = [15], sizes = [1], strides = [1]} : vector<16xi32> to vector<1xi32>
        %squeeze3A_3640 = vector.extract %slice3A_3639[0] : i32 from vector<1xi32>
        %add3A_3641 = arith.addi %add3A_3371, %squeeze3A_3640 : i32
        %ge3A_3642 = arith.constant 12544 : i32
        %ge3A_3643 = vector.broadcast %ge3A_3642 : i32 to vector<16xi32>
        %ge3A_3644 = arith.cmpi sge, %get3A_3580, %ge3A_3643 : vector<16xi32>
        %lt3A_3645 = arith.constant 25088 : i32
        %lt3A_3646 = vector.broadcast %lt3A_3645 : i32 to vector<16xi32>
        %lt3A_3647 = arith.cmpi slt, %get3A_3580, %lt3A_3646 : vector<16xi32>
        %and3A_3648 = arith.andi %ge3A_3644, %lt3A_3647 : vector<16xi1>
        %select_n3A_3649 = arith.select %and3A_3648, %broadcast_in_dim3A_1, %broadcast_in_dim3A_3 : vector<16xi1>, vector<16xi32>
        %swap3A_3650 = arith.constant 8 : index
        %swap3A_3651 = tpu.vector_load %arg9[%swap3A_3650] {strides = array<i32>} : memref<40xi32, #tpu.memory_space<vmem>>, vector<16xi32>,
        %swap3A_3652 = vector.shape_cast %swap3A_3651 : vector<16xi32> to vector<16xi32>
        %swap3A_3653 = vector.shape_cast %select_n3A_3649 : vector<16xi32> to vector<16xi32>
        tpu.vector_store %arg9[%swap3A_3650], %swap3A_3653 {strides = array<i32>} : memref<40xi32, #tpu.memory_space<vmem>>, vector<16xi32>,
        %get3A_3654 = arith.constant 7 : index
        %get3A_3655 = tpu.vector_load %arg9[%get3A_3654] {strides = array<i32>} : memref<40xi32, #tpu.memory_space<vmem>>, vector<16xi32>,
        %get3A_3656 = vector.shape_cast %get3A_3655 : vector<16xi32> to vector<16xi32>
        %add3A_3657 = arith.addi %select_n3A_3649, %get3A_3656 : vector<16xi32>
        %swap3A_3658 = arith.constant 8 : index
        %swap3A_3659 = tpu.vector_load %arg9[%swap3A_3658] {strides = array<i32>} : memref<40xi32, #tpu.memory_space<vmem>>, vector<16xi32>,
        %swap3A_3660 = vector.shape_cast %swap3A_3659 : vector<16xi32> to vector<16xi32>
        %swap3A_3661 = vector.shape_cast %add3A_3657 : vector<16xi32> to vector<16xi32>
        tpu.vector_store %arg9[%swap3A_3658], %swap3A_3661 {strides = array<i32>} : memref<40xi32, #tpu.memory_space<vmem>>, vector<16xi32>,
        %get3A_3662 = arith.constant 6 : index
        %get3A_3663 = tpu.vector_load %arg9[%get3A_3662] {strides = array<i32>} : memref<40xi32, #tpu.memory_space<vmem>>, vector<16xi32>,
        %get3A_3664 = vector.shape_cast %get3A_3663 : vector<16xi32> to vector<16xi32>
        %add3A_3665 = arith.addi %add3A_3657, %get3A_3664 : vector<16xi32>
        %swap3A_3666 = arith.constant 8 : index
        %swap3A_3667 = tpu.vector_load %arg9[%swap3A_3666] {strides = array<i32>} : memref<40xi32, #tpu.memory_space<vmem>>, vector<16xi32>,
        %swap3A_3668 = vector.shape_cast %swap3A_3667 : vector<16xi32> to vector<16xi32>
        %swap3A_3669 = vector.shape_cast %add3A_3665 : vector<16xi32> to vector<16xi32>
        tpu.vector_store %arg9[%swap3A_3666], %swap3A_3669 {strides = array<i32>} : memref<40xi32, #tpu.memory_space<vmem>>, vector<16xi32>,
        %get3A_3670 = arith.constant 4 : index
        %get3A_3671 = tpu.vector_load %arg9[%get3A_3670] {strides = array<i32>} : memref<40xi32, #tpu.memory_space<vmem>>, vector<16xi32>,
        %get3A_3672 = vector.shape_cast %get3A_3671 : vector<16xi32> to vector<16xi32>
        %add3A_3673 = arith.addi %add3A_3665, %get3A_3672 : vector<16xi32>
        %swap3A_3674 = arith.constant 8 : index
        %swap3A_3675 = tpu.vector_load %arg9[%swap3A_3674] {strides = array<i32>} : memref<40xi32, #tpu.memory_space<vmem>>, vector<16xi32>,
        %swap3A_3676 = vector.shape_cast %swap3A_3675 : vector<16xi32> to vector<16xi32>
        %swap3A_3677 = vector.shape_cast %add3A_3673 : vector<16xi32> to vector<16xi32>
        tpu.vector_store %arg9[%swap3A_3674], %swap3A_3677 {strides = array<i32>} : memref<40xi32, #tpu.memory_space<vmem>>, vector<16xi32>,
        %get3A_3678 = arith.constant 0 : index
        %get3A_3679 = tpu.vector_load %arg9[%get3A_3678] {strides = array<i32>} : memref<40xi32, #tpu.memory_space<vmem>>, vector<16xi32>,
        %get3A_3680 = vector.shape_cast %get3A_3679 : vector<16xi32> to vector<16xi32>
        %add3A_3681 = arith.addi %add3A_3673, %get3A_3680 : vector<16xi32>
        %mul3A_3682 = arith.constant 4 : i32
        %mul3A_3683 = arith.muli %add3A, %mul3A_3682 : i32
        %add3A_3684 = arith.constant 1 : i32
        %add3A_3685 = arith.addi %mul3A_3683, %add3A_3684 : i32
        %mul3A_3686 = arith.constant 25472 : i32
        %mul3A_3687 = arith.muli %add3A_3685, %mul3A_3686 : i32
        %sub3A_3688 = arith.constant 1 : i32
        %sub3A_3689 = vector.broadcast %sub3A_3688 : i32 to vector<16xi32>
        %sub3A_3690 = arith.subi %add3A_3681, %sub3A_3689 : vector<16xi32>
        %add3A_3691 = arith.addi %add3A_3432, %mul3A_3687 : i32
        %mul3A_3692 = vector.broadcast %add3A_3691 : i32 to vector<16xi32>
        %mul3A_3693 = arith.muli %broadcast_in_dim3A_1, %mul3A_3692 : vector<16xi32>
        %add3A_3694 = arith.addi %sub3A_3690, %mul3A_3693 : vector<16xi32>
        %select_n3A_3695 = arith.select %and3A_3648, %add3A_3694, %select_n3A_3634 : vector<16xi1>, vector<16xi32>
        %sub3A_3696 = arith.constant 12544 : i32
        %sub3A_3697 = vector.broadcast %sub3A_3696 : i32 to vector<16xi32>
        %sub3A_3698 = arith.subi %get3A_3580, %sub3A_3697 : vector<16xi32>
        %select_n3A_3699 = arith.select %and3A_3648, %sub3A_3698, %select_n3A_3638 : vector<16xi1>, vector<16xi32>
        %slice3A_3700 = vector.extract_strided_slice %add3A_3681 {offsets = [15], sizes = [1], strides = [1]} : vector<16xi32> to vector<1xi32>
        %squeeze3A_3701 = vector.extract %slice3A_3700[0] : i32 from vector<1xi32>
        %add3A_3702 = arith.addi %add3A_3432, %squeeze3A_3701 : i32
        %ge3A_3703 = arith.constant 25088 : i32
        %ge3A_3704 = vector.broadcast %ge3A_3703 : i32 to vector<16xi32>
        %ge3A_3705 = arith.cmpi sge, %get3A_3580, %ge3A_3704 : vector<16xi32>
        %lt3A_3706 = arith.constant 37632 : i32
        %lt3A_3707 = vector.broadcast %lt3A_3706 : i32 to vector<16xi32>
        %lt3A_3708 = arith.cmpi slt, %get3A_3580, %lt3A_3707 : vector<16xi32>
        %and3A_3709 = arith.andi %ge3A_3705, %lt3A_3708 : vector<16xi1>
        %select_n3A_3710 = arith.select %and3A_3709, %broadcast_in_dim3A_1, %broadcast_in_dim3A_3 : vector<16xi1>, vector<16xi32>
        %swap3A_3711 = arith.constant 8 : index
        %swap3A_3712 = tpu.vector_load %arg9[%swap3A_3711] {strides = array<i32>} : memref<40xi32, #tpu.memory_space<vmem>>, vector<16xi32>,
        %swap3A_3713 = vector.shape_cast %swap3A_3712 : vector<16xi32> to vector<16xi32>
        %swap3A_3714 = vector.shape_cast %select_n3A_3710 : vector<16xi32> to vector<16xi32>
        tpu.vector_store %arg9[%swap3A_3711], %swap3A_3714 {strides = array<i32>} : memref<40xi32, #tpu.memory_space<vmem>>, vector<16xi32>,
        %get3A_3715 = arith.constant 7 : index
        %get3A_3716 = tpu.vector_load %arg9[%get3A_3715] {strides = array<i32>} : memref<40xi32, #tpu.memory_space<vmem>>, vector<16xi32>,
        %get3A_3717 = vector.shape_cast %get3A_3716 : vector<16xi32> to vector<16xi32>
        %add3A_3718 = arith.addi %select_n3A_3710, %get3A_3717 : vector<16xi32>
        %swap3A_3719 = arith.constant 8 : index
        %swap3A_3720 = tpu.vector_load %arg9[%swap3A_3719] {strides = array<i32>} : memref<40xi32, #tpu.memory_space<vmem>>, vector<16xi32>,
        %swap3A_3721 = vector.shape_cast %swap3A_3720 : vector<16xi32> to vector<16xi32>
        %swap3A_3722 = vector.shape_cast %add3A_3718 : vector<16xi32> to vector<16xi32>
        tpu.vector_store %arg9[%swap3A_3719], %swap3A_3722 {strides = array<i32>} : memref<40xi32, #tpu.memory_space<vmem>>, vector<16xi32>,
        %get3A_3723 = arith.constant 6 : index
        %get3A_3724 = tpu.vector_load %arg9[%get3A_3723] {strides = array<i32>} : memref<40xi32, #tpu.memory_space<vmem>>, vector<16xi32>,
        %get3A_3725 = vector.shape_cast %get3A_3724 : vector<16xi32> to vector<16xi32>
        %add3A_3726 = arith.addi %add3A_3718, %get3A_3725 : vector<16xi32>
        %swap3A_3727 = arith.constant 8 : index
        %swap3A_3728 = tpu.vector_load %arg9[%swap3A_3727] {strides = array<i32>} : memref<40xi32, #tpu.memory_space<vmem>>, vector<16xi32>,
        %swap3A_3729 = vector.shape_cast %swap3A_3728 : vector<16xi32> to vector<16xi32>
        %swap3A_3730 = vector.shape_cast %add3A_3726 : vector<16xi32> to vector<16xi32>
        tpu.vector_store %arg9[%swap3A_3727], %swap3A_3730 {strides = array<i32>} : memref<40xi32, #tpu.memory_space<vmem>>, vector<16xi32>,
        %get3A_3731 = arith.constant 4 : index
        %get3A_3732 = tpu.vector_load %arg9[%get3A_3731] {strides = array<i32>} : memref<40xi32, #tpu.memory_space<vmem>>, vector<16xi32>,
        %get3A_3733 = vector.shape_cast %get3A_3732 : vector<16xi32> to vector<16xi32>
        %add3A_3734 = arith.addi %add3A_3726, %get3A_3733 : vector<16xi32>
        %swap3A_3735 = arith.constant 8 : index
        %swap3A_3736 = tpu.vector_load %arg9[%swap3A_3735] {strides = array<i32>} : memref<40xi32, #tpu.memory_space<vmem>>, vector<16xi32>,
        %swap3A_3737 = vector.shape_cast %swap3A_3736 : vector<16xi32> to vector<16xi32>
        %swap3A_3738 = vector.shape_cast %add3A_3734 : vector<16xi32> to vector<16xi32>
        tpu.vector_store %arg9[%swap3A_3735], %swap3A_3738 {strides = array<i32>} : memref<40xi32, #tpu.memory_space<vmem>>, vector<16xi32>,
        %get3A_3739 = arith.constant 0 : index
        %get3A_3740 = tpu.vector_load %arg9[%get3A_3739] {strides = array<i32>} : memref<40xi32, #tpu.memory_space<vmem>>, vector<16xi32>,
        %get3A_3741 = vector.shape_cast %get3A_3740 : vector<16xi32> to vector<16xi32>
        %add3A_3742 = arith.addi %add3A_3734, %get3A_3741 : vector<16xi32>
        %mul3A_3743 = arith.constant 4 : i32
        %mul3A_3744 = arith.muli %add3A, %mul3A_3743 : i32
        %add3A_3745 = arith.constant 2 : i32
        %add3A_3746 = arith.addi %mul3A_3744, %add3A_3745 : i32
        %mul3A_3747 = arith.constant 25472 : i32
        %mul3A_3748 = arith.muli %add3A_3746, %mul3A_3747 : i32
        %sub3A_3749 = arith.constant 1 : i32
        %sub3A_3750 = vector.broadcast %sub3A_3749 : i32 to vector<16xi32>
        %sub3A_3751 = arith.subi %add3A_3742, %sub3A_3750 : vector<16xi32>
        %add3A_3752 = arith.addi %add3A_3493, %mul3A_3748 : i32
        %mul3A_3753 = vector.broadcast %add3A_3752 : i32 to vector<16xi32>
        %mul3A_3754 = arith.muli %broadcast_in_dim3A_1, %mul3A_3753 : vector<16xi32>
        %add3A_3755 = arith.addi %sub3A_3751, %mul3A_3754 : vector<16xi32>
        %select_n3A_3756 = arith.select %and3A_3709, %add3A_3755, %select_n3A_3695 : vector<16xi1>, vector<16xi32>
        %sub3A_3757 = arith.constant 25088 : i32
        %sub3A_3758 = vector.broadcast %sub3A_3757 : i32 to vector<16xi32>
        %sub3A_3759 = arith.subi %get3A_3580, %sub3A_3758 : vector<16xi32>
        %select_n3A_3760 = arith.select %and3A_3709, %sub3A_3759, %select_n3A_3699 : vector<16xi1>, vector<16xi32>
        %slice3A_3761 = vector.extract_strided_slice %add3A_3742 {offsets = [15], sizes = [1], strides = [1]} : vector<16xi32> to vector<1xi32>
        %squeeze3A_3762 = vector.extract %slice3A_3761[0] : i32 from vector<1xi32>
        %add3A_3763 = arith.addi %add3A_3493, %squeeze3A_3762 : i32
        %ge3A_3764 = arith.constant 37632 : i32
        %ge3A_3765 = vector.broadcast %ge3A_3764 : i32 to vector<16xi32>
        %ge3A_3766 = arith.cmpi sge, %get3A_3580, %ge3A_3765 : vector<16xi32>
        %lt3A_3767 = arith.constant 50176 : i32
        %lt3A_3768 = vector.broadcast %lt3A_3767 : i32 to vector<16xi32>
        %lt3A_3769 = arith.cmpi slt, %get3A_3580, %lt3A_3768 : vector<16xi32>
        %and3A_3770 = arith.andi %ge3A_3766, %lt3A_3769 : vector<16xi1>
        %select_n3A_3771 = arith.select %and3A_3770, %broadcast_in_dim3A_1, %broadcast_in_dim3A_3 : vector<16xi1>, vector<16xi32>
        %swap3A_3772 = arith.constant 8 : index
        %swap3A_3773 = tpu.vector_load %arg9[%swap3A_3772] {strides = array<i32>} : memref<40xi32, #tpu.memory_space<vmem>>, vector<16xi32>,
        %swap3A_3774 = vector.shape_cast %swap3A_3773 : vector<16xi32> to vector<16xi32>
        %swap3A_3775 = vector.shape_cast %select_n3A_3771 : vector<16xi32> to vector<16xi32>
        tpu.vector_store %arg9[%swap3A_3772], %swap3A_3775 {strides = array<i32>} : memref<40xi32, #tpu.memory_space<vmem>>, vector<16xi32>,
        %get3A_3776 = arith.constant 7 : index
        %get3A_3777 = tpu.vector_load %arg9[%get3A_3776] {strides = array<i32>} : memref<40xi32, #tpu.memory_space<vmem>>, vector<16xi32>,
        %get3A_3778 = vector.shape_cast %get3A_3777 : vector<16xi32> to vector<16xi32>
        %add3A_3779 = arith.addi %select_n3A_3771, %get3A_3778 : vector<16xi32>
        %swap3A_3780 = arith.constant 8 : index
        %swap3A_3781 = tpu.vector_load %arg9[%swap3A_3780] {strides = array<i32>} : memref<40xi32, #tpu.memory_space<vmem>>, vector<16xi32>,
        %swap3A_3782 = vector.shape_cast %swap3A_3781 : vector<16xi32> to vector<16xi32>
        %swap3A_3783 = vector.shape_cast %add3A_3779 : vector<16xi32> to vector<16xi32>
        tpu.vector_store %arg9[%swap3A_3780], %swap3A_3783 {strides = array<i32>} : memref<40xi32, #tpu.memory_space<vmem>>, vector<16xi32>,
        %get3A_3784 = arith.constant 6 : index
        %get3A_3785 = tpu.vector_load %arg9[%get3A_3784] {strides = array<i32>} : memref<40xi32, #tpu.memory_space<vmem>>, vector<16xi32>,
        %get3A_3786 = vector.shape_cast %get3A_3785 : vector<16xi32> to vector<16xi32>
        %add3A_3787 = arith.addi %add3A_3779, %get3A_3786 : vector<16xi32>
        %swap3A_3788 = arith.constant 8 : index
        %swap3A_3789 = tpu.vector_load %arg9[%swap3A_3788] {strides = array<i32>} : memref<40xi32, #tpu.memory_space<vmem>>, vector<16xi32>,
        %swap3A_3790 = vector.shape_cast %swap3A_3789 : vector<16xi32> to vector<16xi32>
        %swap3A_3791 = vector.shape_cast %add3A_3787 : vector<16xi32> to vector<16xi32>
        tpu.vector_store %arg9[%swap3A_3788], %swap3A_3791 {strides = array<i32>} : memref<40xi32, #tpu.memory_space<vmem>>, vector<16xi32>,
        %get3A_3792 = arith.constant 4 : index
        %get3A_3793 = tpu.vector_load %arg9[%get3A_3792] {strides = array<i32>} : memref<40xi32, #tpu.memory_space<vmem>>, vector<16xi32>,
        %get3A_3794 = vector.shape_cast %get3A_3793 : vector<16xi32> to vector<16xi32>
        %add3A_3795 = arith.addi %add3A_3787, %get3A_3794 : vector<16xi32>
        %swap3A_3796 = arith.constant 8 : index
        %swap3A_3797 = tpu.vector_load %arg9[%swap3A_3796] {strides = array<i32>} : memref<40xi32, #tpu.memory_space<vmem>>, vector<16xi32>,
        %swap3A_3798 = vector.shape_cast %swap3A_3797 : vector<16xi32> to vector<16xi32>
        %swap3A_3799 = vector.shape_cast %add3A_3795 : vector<16xi32> to vector<16xi32>
        tpu.vector_store %arg9[%swap3A_3796], %swap3A_3799 {strides = array<i32>} : memref<40xi32, #tpu.memory_space<vmem>>, vector<16xi32>,
        %get3A_3800 = arith.constant 0 : index
        %get3A_3801 = tpu.vector_load %arg9[%get3A_3800] {strides = array<i32>} : memref<40xi32, #tpu.memory_space<vmem>>, vector<16xi32>,
        %get3A_3802 = vector.shape_cast %get3A_3801 : vector<16xi32> to vector<16xi32>
        %add3A_3803 = arith.addi %add3A_3795, %get3A_3802 : vector<16xi32>
        %mul3A_3804 = arith.constant 4 : i32
        %mul3A_3805 = arith.muli %add3A, %mul3A_3804 : i32
        %add3A_3806 = arith.constant 3 : i32
        %add3A_3807 = arith.addi %mul3A_3805, %add3A_3806 : i32
        %mul3A_3808 = arith.constant 25472 : i32
        %mul3A_3809 = arith.muli %add3A_3807, %mul3A_3808 : i32
        %sub3A_3810 = arith.constant 1 : i32
        %sub3A_3811 = vector.broadcast %sub3A_3810 : i32 to vector<16xi32>
        %sub3A_3812 = arith.subi %add3A_3803, %sub3A_3811 : vector<16xi32>
        %add3A_3813 = arith.addi %add3A_3554, %mul3A_3809 : i32
        %mul3A_3814 = vector.broadcast %add3A_3813 : i32 to vector<16xi32>
        %mul3A_3815 = arith.muli %broadcast_in_dim3A_1, %mul3A_3814 : vector<16xi32>
        %add3A_3816 = arith.addi %sub3A_3812, %mul3A_3815 : vector<16xi32>
        %select_n3A_3817 = arith.select %and3A_3770, %add3A_3816, %select_n3A_3756 : vector<16xi1>, vector<16xi32>
        %sub3A_3818 = arith.constant 37632 : i32
        %sub3A_3819 = vector.broadcast %sub3A_3818 : i32 to vector<16xi32>
        %sub3A_3820 = arith.subi %get3A_3580, %sub3A_3819 : vector<16xi32>
        %select_n3A_3821 = arith.select %and3A_3770, %sub3A_3820, %select_n3A_3760 : vector<16xi1>, vector<16xi32>
        %slice3A_3822 = vector.extract_strided_slice %add3A_3803 {offsets = [15], sizes = [1], strides = [1]} : vector<16xi32> to vector<1xi32>
        %squeeze3A_3823 = vector.extract %slice3A_3822[0] : i32 from vector<1xi32>
        %add3A_3824 = arith.addi %add3A_3554, %squeeze3A_3823 : i32
        %swap3A_3825 = arith.constant 80 : index
        %swap3A_3826 = tpu.vector_load %arg10[%swap3A_3825] {strides = array<i32>} : memref<128xi32, #tpu.memory_space<vmem>>, vector<16xi32>,
        %swap3A_3827 = vector.shape_cast %swap3A_3826 : vector<16xi32> to vector<16xi32>
        %swap3A_3828 = vector.shape_cast %select_n3A_3817 : vector<16xi32> to vector<16xi32>
        tpu.vector_store %arg10[%swap3A_3825], %swap3A_3828 {strides = array<i32>} : memref<128xi32, #tpu.memory_space<vmem>>, vector<16xi32>,
        %swap3A_3829 = arith.constant 80 : index
        %swap3A_3830 = tpu.vector_load %arg11[%swap3A_3829] {strides = array<i32>} : memref<128xi32, #tpu.memory_space<vmem>>, vector<16xi32>,
        %swap3A_3831 = vector.shape_cast %swap3A_3830 : vector<16xi32> to vector<16xi32>
        %swap3A_3832 = vector.shape_cast %get3A_3573 : vector<16xi32> to vector<16xi32>
        tpu.vector_store %arg11[%swap3A_3829], %swap3A_3832 {strides = array<i32>} : memref<128xi32, #tpu.memory_space<vmem>>, vector<16xi32>,
        %swap3A_3833 = arith.constant 80 : index
        %swap3A_3834 = tpu.vector_load %arg12[%swap3A_3833] {strides = array<i32>} : memref<128xi32, #tpu.memory_space<vmem>>, vector<16xi32>,
        %swap3A_3835 = vector.shape_cast %swap3A_3834 : vector<16xi32> to vector<16xi32>
        %swap3A_3836 = vector.shape_cast %select_n3A_3821 : vector<16xi32> to vector<16xi32>
        tpu.vector_store %arg12[%swap3A_3833], %swap3A_3836 {strides = array<i32>} : memref<128xi32, #tpu.memory_space<vmem>>, vector<16xi32>,
        %mul3A_3837 = arith.constant 128 : i32
        %mul3A_3838 = arith.muli %scan3A_2220, %mul3A_3837 : i32
        %add3A_3839 = arith.constant 96 : i32
        %add3A_3840 = arith.addi %mul3A_3838, %add3A_3839 : i32
        %get3A_3841 = arith.index_cast %add3A_3840 : i32 to index
        %get3A_3842 = tpu.vector_load %arg7[%get3A_3841] {strides = array<i32>} : memref<6272xi32, #tpu.memory_space<vmem>>, vector<16xi32>,
        %get3A_3843 = vector.shape_cast %get3A_3842 : vector<16xi32> to vector<16xi32>
        %mul3A_3844 = arith.constant 128 : i32
        %mul3A_3845 = arith.muli %scan3A_2220, %mul3A_3844 : i32
        %add3A_3846 = arith.constant 96 : i32
        %add3A_3847 = arith.addi %mul3A_3845, %add3A_3846 : i32
        %get3A_3848 = arith.index_cast %add3A_3847 : i32 to index
        %get3A_3849 = tpu.vector_load %arg8[%get3A_3848] {strides = array<i32>} : memref<6272xi32, #tpu.memory_space<vmem>>, vector<16xi32>,
        %get3A_3850 = vector.shape_cast %get3A_3849 : vector<16xi32> to vector<16xi32>
        %ge3A_3851 = arith.constant 0 : i32
        %ge3A_3852 = vector.broadcast %ge3A_3851 : i32 to vector<16xi32>
        %ge3A_3853 = arith.cmpi sge, %get3A_3850, %ge3A_3852 : vector<16xi32>
        %lt3A_3854 = arith.constant 12544 : i32
        %lt3A_3855 = vector.broadcast %lt3A_3854 : i32 to vector<16xi32>
        %lt3A_3856 = arith.cmpi slt, %get3A_3850, %lt3A_3855 : vector<16xi32>
        %and3A_3857 = arith.andi %ge3A_3853, %lt3A_3856 : vector<16xi1>
        %select_n3A_3858 = arith.select %and3A_3857, %broadcast_in_dim3A_1, %broadcast_in_dim3A_3 : vector<16xi1>, vector<16xi32>
        %swap3A_3859 = arith.constant 8 : index
        %swap3A_3860 = tpu.vector_load %arg9[%swap3A_3859] {strides = array<i32>} : memref<40xi32, #tpu.memory_space<vmem>>, vector<16xi32>,
        %swap3A_3861 = vector.shape_cast %swap3A_3860 : vector<16xi32> to vector<16xi32>
        %swap3A_3862 = vector.shape_cast %select_n3A_3858 : vector<16xi32> to vector<16xi32>
        tpu.vector_store %arg9[%swap3A_3859], %swap3A_3862 {strides = array<i32>} : memref<40xi32, #tpu.memory_space<vmem>>, vector<16xi32>,
        %get3A_3863 = arith.constant 7 : index
        %get3A_3864 = tpu.vector_load %arg9[%get3A_3863] {strides = array<i32>} : memref<40xi32, #tpu.memory_space<vmem>>, vector<16xi32>,
        %get3A_3865 = vector.shape_cast %get3A_3864 : vector<16xi32> to vector<16xi32>
        %add3A_3866 = arith.addi %select_n3A_3858, %get3A_3865 : vector<16xi32>
        %swap3A_3867 = arith.constant 8 : index
        %swap3A_3868 = tpu.vector_load %arg9[%swap3A_3867] {strides = array<i32>} : memref<40xi32, #tpu.memory_space<vmem>>, vector<16xi32>,
        %swap3A_3869 = vector.shape_cast %swap3A_3868 : vector<16xi32> to vector<16xi32>
        %swap3A_3870 = vector.shape_cast %add3A_3866 : vector<16xi32> to vector<16xi32>
        tpu.vector_store %arg9[%swap3A_3867], %swap3A_3870 {strides = array<i32>} : memref<40xi32, #tpu.memory_space<vmem>>, vector<16xi32>,
        %get3A_3871 = arith.constant 6 : index
        %get3A_3872 = tpu.vector_load %arg9[%get3A_3871] {strides = array<i32>} : memref<40xi32, #tpu.memory_space<vmem>>, vector<16xi32>,
        %get3A_3873 = vector.shape_cast %get3A_3872 : vector<16xi32> to vector<16xi32>
        %add3A_3874 = arith.addi %add3A_3866, %get3A_3873 : vector<16xi32>
        %swap3A_3875 = arith.constant 8 : index
        %swap3A_3876 = tpu.vector_load %arg9[%swap3A_3875] {strides = array<i32>} : memref<40xi32, #tpu.memory_space<vmem>>, vector<16xi32>,
        %swap3A_3877 = vector.shape_cast %swap3A_3876 : vector<16xi32> to vector<16xi32>
        %swap3A_3878 = vector.shape_cast %add3A_3874 : vector<16xi32> to vector<16xi32>
        tpu.vector_store %arg9[%swap3A_3875], %swap3A_3878 {strides = array<i32>} : memref<40xi32, #tpu.memory_space<vmem>>, vector<16xi32>,
        %get3A_3879 = arith.constant 4 : index
        %get3A_3880 = tpu.vector_load %arg9[%get3A_3879] {strides = array<i32>} : memref<40xi32, #tpu.memory_space<vmem>>, vector<16xi32>,
        %get3A_3881 = vector.shape_cast %get3A_3880 : vector<16xi32> to vector<16xi32>
        %add3A_3882 = arith.addi %add3A_3874, %get3A_3881 : vector<16xi32>
        %swap3A_3883 = arith.constant 8 : index
        %swap3A_3884 = tpu.vector_load %arg9[%swap3A_3883] {strides = array<i32>} : memref<40xi32, #tpu.memory_space<vmem>>, vector<16xi32>,
        %swap3A_3885 = vector.shape_cast %swap3A_3884 : vector<16xi32> to vector<16xi32>
        %swap3A_3886 = vector.shape_cast %add3A_3882 : vector<16xi32> to vector<16xi32>
        tpu.vector_store %arg9[%swap3A_3883], %swap3A_3886 {strides = array<i32>} : memref<40xi32, #tpu.memory_space<vmem>>, vector<16xi32>,
        %get3A_3887 = arith.constant 0 : index
        %get3A_3888 = tpu.vector_load %arg9[%get3A_3887] {strides = array<i32>} : memref<40xi32, #tpu.memory_space<vmem>>, vector<16xi32>,
        %get3A_3889 = vector.shape_cast %get3A_3888 : vector<16xi32> to vector<16xi32>
        %add3A_3890 = arith.addi %add3A_3882, %get3A_3889 : vector<16xi32>
        %mul3A_3891 = arith.constant 4 : i32
        %mul3A_3892 = arith.muli %add3A, %mul3A_3891 : i32
        %add3A_3893 = arith.constant 0 : i32
        %add3A_3894 = arith.addi %mul3A_3892, %add3A_3893 : i32
        %mul3A_3895 = arith.constant 25472 : i32
        %mul3A_3896 = arith.muli %add3A_3894, %mul3A_3895 : i32
        %sub3A_3897 = arith.constant 1 : i32
        %sub3A_3898 = vector.broadcast %sub3A_3897 : i32 to vector<16xi32>
        %sub3A_3899 = arith.subi %add3A_3890, %sub3A_3898 : vector<16xi32>
        %add3A_3900 = arith.addi %add3A_3641, %mul3A_3896 : i32
        %mul3A_3901 = vector.broadcast %add3A_3900 : i32 to vector<16xi32>
        %mul3A_3902 = arith.muli %broadcast_in_dim3A_1, %mul3A_3901 : vector<16xi32>
        %add3A_3903 = arith.addi %sub3A_3899, %mul3A_3902 : vector<16xi32>
        %select_n3A_3904 = arith.select %and3A_3857, %add3A_3903, %broadcast_in_dim3A_5 : vector<16xi1>, vector<16xi32>
        %sub3A_3905 = arith.constant 0 : i32
        %sub3A_3906 = vector.broadcast %sub3A_3905 : i32 to vector<16xi32>
        %sub3A_3907 = arith.subi %get3A_3850, %sub3A_3906 : vector<16xi32>
        %select_n3A_3908 = arith.select %and3A_3857, %sub3A_3907, %broadcast_in_dim3A_7 : vector<16xi1>, vector<16xi32>
        %slice3A_3909 = vector.extract_strided_slice %add3A_3890 {offsets = [15], sizes = [1], strides = [1]} : vector<16xi32> to vector<1xi32>
        %squeeze3A_3910 = vector.extract %slice3A_3909[0] : i32 from vector<1xi32>
        %add3A_3911 = arith.addi %add3A_3641, %squeeze3A_3910 : i32
        %ge3A_3912 = arith.constant 12544 : i32
        %ge3A_3913 = vector.broadcast %ge3A_3912 : i32 to vector<16xi32>
        %ge3A_3914 = arith.cmpi sge, %get3A_3850, %ge3A_3913 : vector<16xi32>
        %lt3A_3915 = arith.constant 25088 : i32
        %lt3A_3916 = vector.broadcast %lt3A_3915 : i32 to vector<16xi32>
        %lt3A_3917 = arith.cmpi slt, %get3A_3850, %lt3A_3916 : vector<16xi32>
        %and3A_3918 = arith.andi %ge3A_3914, %lt3A_3917 : vector<16xi1>
        %select_n3A_3919 = arith.select %and3A_3918, %broadcast_in_dim3A_1, %broadcast_in_dim3A_3 : vector<16xi1>, vector<16xi32>
        %swap3A_3920 = arith.constant 8 : index
        %swap3A_3921 = tpu.vector_load %arg9[%swap3A_3920] {strides = array<i32>} : memref<40xi32, #tpu.memory_space<vmem>>, vector<16xi32>,
        %swap3A_3922 = vector.shape_cast %swap3A_3921 : vector<16xi32> to vector<16xi32>
        %swap3A_3923 = vector.shape_cast %select_n3A_3919 : vector<16xi32> to vector<16xi32>
        tpu.vector_store %arg9[%swap3A_3920], %swap3A_3923 {strides = array<i32>} : memref<40xi32, #tpu.memory_space<vmem>>, vector<16xi32>,
        %get3A_3924 = arith.constant 7 : index
        %get3A_3925 = tpu.vector_load %arg9[%get3A_3924] {strides = array<i32>} : memref<40xi32, #tpu.memory_space<vmem>>, vector<16xi32>,
        %get3A_3926 = vector.shape_cast %get3A_3925 : vector<16xi32> to vector<16xi32>
        %add3A_3927 = arith.addi %select_n3A_3919, %get3A_3926 : vector<16xi32>
        %swap3A_3928 = arith.constant 8 : index
        %swap3A_3929 = tpu.vector_load %arg9[%swap3A_3928] {strides = array<i32>} : memref<40xi32, #tpu.memory_space<vmem>>, vector<16xi32>,
        %swap3A_3930 = vector.shape_cast %swap3A_3929 : vector<16xi32> to vector<16xi32>
        %swap3A_3931 = vector.shape_cast %add3A_3927 : vector<16xi32> to vector<16xi32>
        tpu.vector_store %arg9[%swap3A_3928], %swap3A_3931 {strides = array<i32>} : memref<40xi32, #tpu.memory_space<vmem>>, vector<16xi32>,
        %get3A_3932 = arith.constant 6 : index
        %get3A_3933 = tpu.vector_load %arg9[%get3A_3932] {strides = array<i32>} : memref<40xi32, #tpu.memory_space<vmem>>, vector<16xi32>,
        %get3A_3934 = vector.shape_cast %get3A_3933 : vector<16xi32> to vector<16xi32>
        %add3A_3935 = arith.addi %add3A_3927, %get3A_3934 : vector<16xi32>
        %swap3A_3936 = arith.constant 8 : index
        %swap3A_3937 = tpu.vector_load %arg9[%swap3A_3936] {strides = array<i32>} : memref<40xi32, #tpu.memory_space<vmem>>, vector<16xi32>,
        %swap3A_3938 = vector.shape_cast %swap3A_3937 : vector<16xi32> to vector<16xi32>
        %swap3A_3939 = vector.shape_cast %add3A_3935 : vector<16xi32> to vector<16xi32>
        tpu.vector_store %arg9[%swap3A_3936], %swap3A_3939 {strides = array<i32>} : memref<40xi32, #tpu.memory_space<vmem>>, vector<16xi32>,
        %get3A_3940 = arith.constant 4 : index
        %get3A_3941 = tpu.vector_load %arg9[%get3A_3940] {strides = array<i32>} : memref<40xi32, #tpu.memory_space<vmem>>, vector<16xi32>,
        %get3A_3942 = vector.shape_cast %get3A_3941 : vector<16xi32> to vector<16xi32>
        %add3A_3943 = arith.addi %add3A_3935, %get3A_3942 : vector<16xi32>
        %swap3A_3944 = arith.constant 8 : index
        %swap3A_3945 = tpu.vector_load %arg9[%swap3A_3944] {strides = array<i32>} : memref<40xi32, #tpu.memory_space<vmem>>, vector<16xi32>,
        %swap3A_3946 = vector.shape_cast %swap3A_3945 : vector<16xi32> to vector<16xi32>
        %swap3A_3947 = vector.shape_cast %add3A_3943 : vector<16xi32> to vector<16xi32>
        tpu.vector_store %arg9[%swap3A_3944], %swap3A_3947 {strides = array<i32>} : memref<40xi32, #tpu.memory_space<vmem>>, vector<16xi32>,
        %get3A_3948 = arith.constant 0 : index
        %get3A_3949 = tpu.vector_load %arg9[%get3A_3948] {strides = array<i32>} : memref<40xi32, #tpu.memory_space<vmem>>, vector<16xi32>,
        %get3A_3950 = vector.shape_cast %get3A_3949 : vector<16xi32> to vector<16xi32>
        %add3A_3951 = arith.addi %add3A_3943, %get3A_3950 : vector<16xi32>
        %mul3A_3952 = arith.constant 4 : i32
        %mul3A_3953 = arith.muli %add3A, %mul3A_3952 : i32
        %add3A_3954 = arith.constant 1 : i32
        %add3A_3955 = arith.addi %mul3A_3953, %add3A_3954 : i32
        %mul3A_3956 = arith.constant 25472 : i32
        %mul3A_3957 = arith.muli %add3A_3955, %mul3A_3956 : i32
        %sub3A_3958 = arith.constant 1 : i32
        %sub3A_3959 = vector.broadcast %sub3A_3958 : i32 to vector<16xi32>
        %sub3A_3960 = arith.subi %add3A_3951, %sub3A_3959 : vector<16xi32>
        %add3A_3961 = arith.addi %add3A_3702, %mul3A_3957 : i32
        %mul3A_3962 = vector.broadcast %add3A_3961 : i32 to vector<16xi32>
        %mul3A_3963 = arith.muli %broadcast_in_dim3A_1, %mul3A_3962 : vector<16xi32>
        %add3A_3964 = arith.addi %sub3A_3960, %mul3A_3963 : vector<16xi32>
        %select_n3A_3965 = arith.select %and3A_3918, %add3A_3964, %select_n3A_3904 : vector<16xi1>, vector<16xi32>
        %sub3A_3966 = arith.constant 12544 : i32
        %sub3A_3967 = vector.broadcast %sub3A_3966 : i32 to vector<16xi32>
        %sub3A_3968 = arith.subi %get3A_3850, %sub3A_3967 : vector<16xi32>
        %select_n3A_3969 = arith.select %and3A_3918, %sub3A_3968, %select_n3A_3908 : vector<16xi1>, vector<16xi32>
        %slice3A_3970 = vector.extract_strided_slice %add3A_3951 {offsets = [15], sizes = [1], strides = [1]} : vector<16xi32> to vector<1xi32>
        %squeeze3A_3971 = vector.extract %slice3A_3970[0] : i32 from vector<1xi32>
        %add3A_3972 = arith.addi %add3A_3702, %squeeze3A_3971 : i32
        %ge3A_3973 = arith.constant 25088 : i32
        %ge3A_3974 = vector.broadcast %ge3A_3973 : i32 to vector<16xi32>
        %ge3A_3975 = arith.cmpi sge, %get3A_3850, %ge3A_3974 : vector<16xi32>
        %lt3A_3976 = arith.constant 37632 : i32
        %lt3A_3977 = vector.broadcast %lt3A_3976 : i32 to vector<16xi32>
        %lt3A_3978 = arith.cmpi slt, %get3A_3850, %lt3A_3977 : vector<16xi32>
        %and3A_3979 = arith.andi %ge3A_3975, %lt3A_3978 : vector<16xi1>
        %select_n3A_3980 = arith.select %and3A_3979, %broadcast_in_dim3A_1, %broadcast_in_dim3A_3 : vector<16xi1>, vector<16xi32>
        %swap3A_3981 = arith.constant 8 : index
        %swap3A_3982 = tpu.vector_load %arg9[%swap3A_3981] {strides = array<i32>} : memref<40xi32, #tpu.memory_space<vmem>>, vector<16xi32>,
        %swap3A_3983 = vector.shape_cast %swap3A_3982 : vector<16xi32> to vector<16xi32>
        %swap3A_3984 = vector.shape_cast %select_n3A_3980 : vector<16xi32> to vector<16xi32>
        tpu.vector_store %arg9[%swap3A_3981], %swap3A_3984 {strides = array<i32>} : memref<40xi32, #tpu.memory_space<vmem>>, vector<16xi32>,
        %get3A_3985 = arith.constant 7 : index
        %get3A_3986 = tpu.vector_load %arg9[%get3A_3985] {strides = array<i32>} : memref<40xi32, #tpu.memory_space<vmem>>, vector<16xi32>,
        %get3A_3987 = vector.shape_cast %get3A_3986 : vector<16xi32> to vector<16xi32>
        %add3A_3988 = arith.addi %select_n3A_3980, %get3A_3987 : vector<16xi32>
        %swap3A_3989 = arith.constant 8 : index
        %swap3A_3990 = tpu.vector_load %arg9[%swap3A_3989] {strides = array<i32>} : memref<40xi32, #tpu.memory_space<vmem>>, vector<16xi32>,
        %swap3A_3991 = vector.shape_cast %swap3A_3990 : vector<16xi32> to vector<16xi32>
        %swap3A_3992 = vector.shape_cast %add3A_3988 : vector<16xi32> to vector<16xi32>
        tpu.vector_store %arg9[%swap3A_3989], %swap3A_3992 {strides = array<i32>} : memref<40xi32, #tpu.memory_space<vmem>>, vector<16xi32>,
        %get3A_3993 = arith.constant 6 : index
        %get3A_3994 = tpu.vector_load %arg9[%get3A_3993] {strides = array<i32>} : memref<40xi32, #tpu.memory_space<vmem>>, vector<16xi32>,
        %get3A_3995 = vector.shape_cast %get3A_3994 : vector<16xi32> to vector<16xi32>
        %add3A_3996 = arith.addi %add3A_3988, %get3A_3995 : vector<16xi32>
        %swap3A_3997 = arith.constant 8 : index
        %swap3A_3998 = tpu.vector_load %arg9[%swap3A_3997] {strides = array<i32>} : memref<40xi32, #tpu.memory_space<vmem>>, vector<16xi32>,
        %swap3A_3999 = vector.shape_cast %swap3A_3998 : vector<16xi32> to vector<16xi32>
        %swap3A_4000 = vector.shape_cast %add3A_3996 : vector<16xi32> to vector<16xi32>
        tpu.vector_store %arg9[%swap3A_3997], %swap3A_4000 {strides = array<i32>} : memref<40xi32, #tpu.memory_space<vmem>>, vector<16xi32>,
        %get3A_4001 = arith.constant 4 : index
        %get3A_4002 = tpu.vector_load %arg9[%get3A_4001] {strides = array<i32>} : memref<40xi32, #tpu.memory_space<vmem>>, vector<16xi32>,
        %get3A_4003 = vector.shape_cast %get3A_4002 : vector<16xi32> to vector<16xi32>
        %add3A_4004 = arith.addi %add3A_3996, %get3A_4003 : vector<16xi32>
        %swap3A_4005 = arith.constant 8 : index
        %swap3A_4006 = tpu.vector_load %arg9[%swap3A_4005] {strides = array<i32>} : memref<40xi32, #tpu.memory_space<vmem>>, vector<16xi32>,
        %swap3A_4007 = vector.shape_cast %swap3A_4006 : vector<16xi32> to vector<16xi32>
        %swap3A_4008 = vector.shape_cast %add3A_4004 : vector<16xi32> to vector<16xi32>
        tpu.vector_store %arg9[%swap3A_4005], %swap3A_4008 {strides = array<i32>} : memref<40xi32, #tpu.memory_space<vmem>>, vector<16xi32>,
        %get3A_4009 = arith.constant 0 : index
        %get3A_4010 = tpu.vector_load %arg9[%get3A_4009] {strides = array<i32>} : memref<40xi32, #tpu.memory_space<vmem>>, vector<16xi32>,
        %get3A_4011 = vector.shape_cast %get3A_4010 : vector<16xi32> to vector<16xi32>
        %add3A_4012 = arith.addi %add3A_4004, %get3A_4011 : vector<16xi32>
        %mul3A_4013 = arith.constant 4 : i32
        %mul3A_4014 = arith.muli %add3A, %mul3A_4013 : i32
        %add3A_4015 = arith.constant 2 : i32
        %add3A_4016 = arith.addi %mul3A_4014, %add3A_4015 : i32
        %mul3A_4017 = arith.constant 25472 : i32
        %mul3A_4018 = arith.muli %add3A_4016, %mul3A_4017 : i32
        %sub3A_4019 = arith.constant 1 : i32
        %sub3A_4020 = vector.broadcast %sub3A_4019 : i32 to vector<16xi32>
        %sub3A_4021 = arith.subi %add3A_4012, %sub3A_4020 : vector<16xi32>
        %add3A_4022 = arith.addi %add3A_3763, %mul3A_4018 : i32
        %mul3A_4023 = vector.broadcast %add3A_4022 : i32 to vector<16xi32>
        %mul3A_4024 = arith.muli %broadcast_in_dim3A_1, %mul3A_4023 : vector<16xi32>
        %add3A_4025 = arith.addi %sub3A_4021, %mul3A_4024 : vector<16xi32>
        %select_n3A_4026 = arith.select %and3A_3979, %add3A_4025, %select_n3A_3965 : vector<16xi1>, vector<16xi32>
        %sub3A_4027 = arith.constant 25088 : i32
        %sub3A_4028 = vector.broadcast %sub3A_4027 : i32 to vector<16xi32>
        %sub3A_4029 = arith.subi %get3A_3850, %sub3A_4028 : vector<16xi32>
        %select_n3A_4030 = arith.select %and3A_3979, %sub3A_4029, %select_n3A_3969 : vector<16xi1>, vector<16xi32>
        %slice3A_4031 = vector.extract_strided_slice %add3A_4012 {offsets = [15], sizes = [1], strides = [1]} : vector<16xi32> to vector<1xi32>
        %squeeze3A_4032 = vector.extract %slice3A_4031[0] : i32 from vector<1xi32>
        %add3A_4033 = arith.addi %add3A_3763, %squeeze3A_4032 : i32
        %ge3A_4034 = arith.constant 37632 : i32
        %ge3A_4035 = vector.broadcast %ge3A_4034 : i32 to vector<16xi32>
        %ge3A_4036 = arith.cmpi sge, %get3A_3850, %ge3A_4035 : vector<16xi32>
        %lt3A_4037 = arith.constant 50176 : i32
        %lt3A_4038 = vector.broadcast %lt3A_4037 : i32 to vector<16xi32>
        %lt3A_4039 = arith.cmpi slt, %get3A_3850, %lt3A_4038 : vector<16xi32>
        %and3A_4040 = arith.andi %ge3A_4036, %lt3A_4039 : vector<16xi1>
        %select_n3A_4041 = arith.select %and3A_4040, %broadcast_in_dim3A_1, %broadcast_in_dim3A_3 : vector<16xi1>, vector<16xi32>
        %swap3A_4042 = arith.constant 8 : index
        %swap3A_4043 = tpu.vector_load %arg9[%swap3A_4042] {strides = array<i32>} : memref<40xi32, #tpu.memory_space<vmem>>, vector<16xi32>,
        %swap3A_4044 = vector.shape_cast %swap3A_4043 : vector<16xi32> to vector<16xi32>
        %swap3A_4045 = vector.shape_cast %select_n3A_4041 : vector<16xi32> to vector<16xi32>
        tpu.vector_store %arg9[%swap3A_4042], %swap3A_4045 {strides = array<i32>} : memref<40xi32, #tpu.memory_space<vmem>>, vector<16xi32>,
        %get3A_4046 = arith.constant 7 : index
        %get3A_4047 = tpu.vector_load %arg9[%get3A_4046] {strides = array<i32>} : memref<40xi32, #tpu.memory_space<vmem>>, vector<16xi32>,
        %get3A_4048 = vector.shape_cast %get3A_4047 : vector<16xi32> to vector<16xi32>
        %add3A_4049 = arith.addi %select_n3A_4041, %get3A_4048 : vector<16xi32>
        %swap3A_4050 = arith.constant 8 : index
        %swap3A_4051 = tpu.vector_load %arg9[%swap3A_4050] {strides = array<i32>} : memref<40xi32, #tpu.memory_space<vmem>>, vector<16xi32>,
        %swap3A_4052 = vector.shape_cast %swap3A_4051 : vector<16xi32> to vector<16xi32>
        %swap3A_4053 = vector.shape_cast %add3A_4049 : vector<16xi32> to vector<16xi32>
        tpu.vector_store %arg9[%swap3A_4050], %swap3A_4053 {strides = array<i32>} : memref<40xi32, #tpu.memory_space<vmem>>, vector<16xi32>,
        %get3A_4054 = arith.constant 6 : index
        %get3A_4055 = tpu.vector_load %arg9[%get3A_4054] {strides = array<i32>} : memref<40xi32, #tpu.memory_space<vmem>>, vector<16xi32>,
        %get3A_4056 = vector.shape_cast %get3A_4055 : vector<16xi32> to vector<16xi32>
        %add3A_4057 = arith.addi %add3A_4049, %get3A_4056 : vector<16xi32>
        %swap3A_4058 = arith.constant 8 : index
        %swap3A_4059 = tpu.vector_load %arg9[%swap3A_4058] {strides = array<i32>} : memref<40xi32, #tpu.memory_space<vmem>>, vector<16xi32>,
        %swap3A_4060 = vector.shape_cast %swap3A_4059 : vector<16xi32> to vector<16xi32>
        %swap3A_4061 = vector.shape_cast %add3A_4057 : vector<16xi32> to vector<16xi32>
        tpu.vector_store %arg9[%swap3A_4058], %swap3A_4061 {strides = array<i32>} : memref<40xi32, #tpu.memory_space<vmem>>, vector<16xi32>,
        %get3A_4062 = arith.constant 4 : index
        %get3A_4063 = tpu.vector_load %arg9[%get3A_4062] {strides = array<i32>} : memref<40xi32, #tpu.memory_space<vmem>>, vector<16xi32>,
        %get3A_4064 = vector.shape_cast %get3A_4063 : vector<16xi32> to vector<16xi32>
        %add3A_4065 = arith.addi %add3A_4057, %get3A_4064 : vector<16xi32>
        %swap3A_4066 = arith.constant 8 : index
        %swap3A_4067 = tpu.vector_load %arg9[%swap3A_4066] {strides = array<i32>} : memref<40xi32, #tpu.memory_space<vmem>>, vector<16xi32>,
        %swap3A_4068 = vector.shape_cast %swap3A_4067 : vector<16xi32> to vector<16xi32>
        %swap3A_4069 = vector.shape_cast %add3A_4065 : vector<16xi32> to vector<16xi32>
        tpu.vector_store %arg9[%swap3A_4066], %swap3A_4069 {strides = array<i32>} : memref<40xi32, #tpu.memory_space<vmem>>, vector<16xi32>,
        %get3A_4070 = arith.constant 0 : index
        %get3A_4071 = tpu.vector_load %arg9[%get3A_4070] {strides = array<i32>} : memref<40xi32, #tpu.memory_space<vmem>>, vector<16xi32>,
        %get3A_4072 = vector.shape_cast %get3A_4071 : vector<16xi32> to vector<16xi32>
        %add3A_4073 = arith.addi %add3A_4065, %get3A_4072 : vector<16xi32>
        %mul3A_4074 = arith.constant 4 : i32
        %mul3A_4075 = arith.muli %add3A, %mul3A_4074 : i32
        %add3A_4076 = arith.constant 3 : i32
        %add3A_4077 = arith.addi %mul3A_4075, %add3A_4076 : i32
        %mul3A_4078 = arith.constant 25472 : i32
        %mul3A_4079 = arith.muli %add3A_4077, %mul3A_4078 : i32
        %sub3A_4080 = arith.constant 1 : i32
        %sub3A_4081 = vector.broadcast %sub3A_4080 : i32 to vector<16xi32>
        %sub3A_4082 = arith.subi %add3A_4073, %sub3A_4081 : vector<16xi32>
        %add3A_4083 = arith.addi %add3A_3824, %mul3A_4079 : i32
        %mul3A_4084 = vector.broadcast %add3A_4083 : i32 to vector<16xi32>
        %mul3A_4085 = arith.muli %broadcast_in_dim3A_1, %mul3A_4084 : vector<16xi32>
        %add3A_4086 = arith.addi %sub3A_4082, %mul3A_4085 : vector<16xi32>
        %select_n3A_4087 = arith.select %and3A_4040, %add3A_4086, %select_n3A_4026 : vector<16xi1>, vector<16xi32>
        %sub3A_4088 = arith.constant 37632 : i32
        %sub3A_4089 = vector.broadcast %sub3A_4088 : i32 to vector<16xi32>
        %sub3A_4090 = arith.subi %get3A_3850, %sub3A_4089 : vector<16xi32>
        %select_n3A_4091 = arith.select %and3A_4040, %sub3A_4090, %select_n3A_4030 : vector<16xi1>, vector<16xi32>
        %slice3A_4092 = vector.extract_strided_slice %add3A_4073 {offsets = [15], sizes = [1], strides = [1]} : vector<16xi32> to vector<1xi32>
        %squeeze3A_4093 = vector.extract %slice3A_4092[0] : i32 from vector<1xi32>
        %add3A_4094 = arith.addi %add3A_3824, %squeeze3A_4093 : i32
        %swap3A_4095 = arith.constant 96 : index
        %swap3A_4096 = tpu.vector_load %arg10[%swap3A_4095] {strides = array<i32>} : memref<128xi32, #tpu.memory_space<vmem>>, vector<16xi32>,
        %swap3A_4097 = vector.shape_cast %swap3A_4096 : vector<16xi32> to vector<16xi32>
        %swap3A_4098 = vector.shape_cast %select_n3A_4087 : vector<16xi32> to vector<16xi32>
        tpu.vector_store %arg10[%swap3A_4095], %swap3A_4098 {strides = array<i32>} : memref<128xi32, #tpu.memory_space<vmem>>, vector<16xi32>,
        %swap3A_4099 = arith.constant 96 : index
        %swap3A_4100 = tpu.vector_load %arg11[%swap3A_4099] {strides = array<i32>} : memref<128xi32, #tpu.memory_space<vmem>>, vector<16xi32>,
        %swap3A_4101 = vector.shape_cast %swap3A_4100 : vector<16xi32> to vector<16xi32>
        %swap3A_4102 = vector.shape_cast %get3A_3843 : vector<16xi32> to vector<16xi32>
        tpu.vector_store %arg11[%swap3A_4099], %swap3A_4102 {strides = array<i32>} : memref<128xi32, #tpu.memory_space<vmem>>, vector<16xi32>,
        %swap3A_4103 = arith.constant 96 : index
        %swap3A_4104 = tpu.vector_load %arg12[%swap3A_4103] {strides = array<i32>} : memref<128xi32, #tpu.memory_space<vmem>>, vector<16xi32>,
        %swap3A_4105 = vector.shape_cast %swap3A_4104 : vector<16xi32> to vector<16xi32>
        %swap3A_4106 = vector.shape_cast %select_n3A_4091 : vector<16xi32> to vector<16xi32>
        tpu.vector_store %arg12[%swap3A_4103], %swap3A_4106 {strides = array<i32>} : memref<128xi32, #tpu.memory_space<vmem>>, vector<16xi32>,
        %mul3A_4107 = arith.constant 128 : i32
        %mul3A_4108 = arith.muli %scan3A_2220, %mul3A_4107 : i32
        %add3A_4109 = arith.constant 112 : i32
        %add3A_4110 = arith.addi %mul3A_4108, %add3A_4109 : i32
        %get3A_4111 = arith.index_cast %add3A_4110 : i32 to index
        %get3A_4112 = tpu.vector_load %arg7[%get3A_4111] {strides = array<i32>} : memref<6272xi32, #tpu.memory_space<vmem>>, vector<16xi32>,
        %get3A_4113 = vector.shape_cast %get3A_4112 : vector<16xi32> to vector<16xi32>
        %mul3A_4114 = arith.constant 128 : i32
        %mul3A_4115 = arith.muli %scan3A_2220, %mul3A_4114 : i32
        %add3A_4116 = arith.constant 112 : i32
        %add3A_4117 = arith.addi %mul3A_4115, %add3A_4116 : i32
        %get3A_4118 = arith.index_cast %add3A_4117 : i32 to index
        %get3A_4119 = tpu.vector_load %arg8[%get3A_4118] {strides = array<i32>} : memref<6272xi32, #tpu.memory_space<vmem>>, vector<16xi32>,
        %get3A_4120 = vector.shape_cast %get3A_4119 : vector<16xi32> to vector<16xi32>
        %ge3A_4121 = arith.constant 0 : i32
        %ge3A_4122 = vector.broadcast %ge3A_4121 : i32 to vector<16xi32>
        %ge3A_4123 = arith.cmpi sge, %get3A_4120, %ge3A_4122 : vector<16xi32>
        %lt3A_4124 = arith.constant 12544 : i32
        %lt3A_4125 = vector.broadcast %lt3A_4124 : i32 to vector<16xi32>
        %lt3A_4126 = arith.cmpi slt, %get3A_4120, %lt3A_4125 : vector<16xi32>
        %and3A_4127 = arith.andi %ge3A_4123, %lt3A_4126 : vector<16xi1>
        %select_n3A_4128 = arith.select %and3A_4127, %broadcast_in_dim3A_1, %broadcast_in_dim3A_3 : vector<16xi1>, vector<16xi32>
        %swap3A_4129 = arith.constant 8 : index
        %swap3A_4130 = tpu.vector_load %arg9[%swap3A_4129] {strides = array<i32>} : memref<40xi32, #tpu.memory_space<vmem>>, vector<16xi32>,
        %swap3A_4131 = vector.shape_cast %swap3A_4130 : vector<16xi32> to vector<16xi32>
        %swap3A_4132 = vector.shape_cast %select_n3A_4128 : vector<16xi32> to vector<16xi32>
        tpu.vector_store %arg9[%swap3A_4129], %swap3A_4132 {strides = array<i32>} : memref<40xi32, #tpu.memory_space<vmem>>, vector<16xi32>,
        %get3A_4133 = arith.constant 7 : index
        %get3A_4134 = tpu.vector_load %arg9[%get3A_4133] {strides = array<i32>} : memref<40xi32, #tpu.memory_space<vmem>>, vector<16xi32>,
        %get3A_4135 = vector.shape_cast %get3A_4134 : vector<16xi32> to vector<16xi32>
        %add3A_4136 = arith.addi %select_n3A_4128, %get3A_4135 : vector<16xi32>
        %swap3A_4137 = arith.constant 8 : index
        %swap3A_4138 = tpu.vector_load %arg9[%swap3A_4137] {strides = array<i32>} : memref<40xi32, #tpu.memory_space<vmem>>, vector<16xi32>,
        %swap3A_4139 = vector.shape_cast %swap3A_4138 : vector<16xi32> to vector<16xi32>
        %swap3A_4140 = vector.shape_cast %add3A_4136 : vector<16xi32> to vector<16xi32>
        tpu.vector_store %arg9[%swap3A_4137], %swap3A_4140 {strides = array<i32>} : memref<40xi32, #tpu.memory_space<vmem>>, vector<16xi32>,
        %get3A_4141 = arith.constant 6 : index
        %get3A_4142 = tpu.vector_load %arg9[%get3A_4141] {strides = array<i32>} : memref<40xi32, #tpu.memory_space<vmem>>, vector<16xi32>,
        %get3A_4143 = vector.shape_cast %get3A_4142 : vector<16xi32> to vector<16xi32>
        %add3A_4144 = arith.addi %add3A_4136, %get3A_4143 : vector<16xi32>
        %swap3A_4145 = arith.constant 8 : index
        %swap3A_4146 = tpu.vector_load %arg9[%swap3A_4145] {strides = array<i32>} : memref<40xi32, #tpu.memory_space<vmem>>, vector<16xi32>,
        %swap3A_4147 = vector.shape_cast %swap3A_4146 : vector<16xi32> to vector<16xi32>
        %swap3A_4148 = vector.shape_cast %add3A_4144 : vector<16xi32> to vector<16xi32>
        tpu.vector_store %arg9[%swap3A_4145], %swap3A_4148 {strides = array<i32>} : memref<40xi32, #tpu.memory_space<vmem>>, vector<16xi32>,
        %get3A_4149 = arith.constant 4 : index
        %get3A_4150 = tpu.vector_load %arg9[%get3A_4149] {strides = array<i32>} : memref<40xi32, #tpu.memory_space<vmem>>, vector<16xi32>,
        %get3A_4151 = vector.shape_cast %get3A_4150 : vector<16xi32> to vector<16xi32>
        %add3A_4152 = arith.addi %add3A_4144, %get3A_4151 : vector<16xi32>
        %swap3A_4153 = arith.constant 8 : index
        %swap3A_4154 = tpu.vector_load %arg9[%swap3A_4153] {strides = array<i32>} : memref<40xi32, #tpu.memory_space<vmem>>, vector<16xi32>,
        %swap3A_4155 = vector.shape_cast %swap3A_4154 : vector<16xi32> to vector<16xi32>
        %swap3A_4156 = vector.shape_cast %add3A_4152 : vector<16xi32> to vector<16xi32>
        tpu.vector_store %arg9[%swap3A_4153], %swap3A_4156 {strides = array<i32>} : memref<40xi32, #tpu.memory_space<vmem>>, vector<16xi32>,
        %get3A_4157 = arith.constant 0 : index
        %get3A_4158 = tpu.vector_load %arg9[%get3A_4157] {strides = array<i32>} : memref<40xi32, #tpu.memory_space<vmem>>, vector<16xi32>,
        %get3A_4159 = vector.shape_cast %get3A_4158 : vector<16xi32> to vector<16xi32>
        %add3A_4160 = arith.addi %add3A_4152, %get3A_4159 : vector<16xi32>
        %mul3A_4161 = arith.constant 4 : i32
        %mul3A_4162 = arith.muli %add3A, %mul3A_4161 : i32
        %add3A_4163 = arith.constant 0 : i32
        %add3A_4164 = arith.addi %mul3A_4162, %add3A_4163 : i32
        %mul3A_4165 = arith.constant 25472 : i32
        %mul3A_4166 = arith.muli %add3A_4164, %mul3A_4165 : i32
        %sub3A_4167 = arith.constant 1 : i32
        %sub3A_4168 = vector.broadcast %sub3A_4167 : i32 to vector<16xi32>
        %sub3A_4169 = arith.subi %add3A_4160, %sub3A_4168 : vector<16xi32>
        %add3A_4170 = arith.addi %add3A_3911, %mul3A_4166 : i32
        %mul3A_4171 = vector.broadcast %add3A_4170 : i32 to vector<16xi32>
        %mul3A_4172 = arith.muli %broadcast_in_dim3A_1, %mul3A_4171 : vector<16xi32>
        %add3A_4173 = arith.addi %sub3A_4169, %mul3A_4172 : vector<16xi32>
        %select_n3A_4174 = arith.select %and3A_4127, %add3A_4173, %broadcast_in_dim3A_5 : vector<16xi1>, vector<16xi32>
        %sub3A_4175 = arith.constant 0 : i32
        %sub3A_4176 = vector.broadcast %sub3A_4175 : i32 to vector<16xi32>
        %sub3A_4177 = arith.subi %get3A_4120, %sub3A_4176 : vector<16xi32>
        %select_n3A_4178 = arith.select %and3A_4127, %sub3A_4177, %broadcast_in_dim3A_7 : vector<16xi1>, vector<16xi32>
        %slice3A_4179 = vector.extract_strided_slice %add3A_4160 {offsets = [15], sizes = [1], strides = [1]} : vector<16xi32> to vector<1xi32>
        %squeeze3A_4180 = vector.extract %slice3A_4179[0] : i32 from vector<1xi32>
        %add3A_4181 = arith.addi %add3A_3911, %squeeze3A_4180 : i32
        %ge3A_4182 = arith.constant 12544 : i32
        %ge3A_4183 = vector.broadcast %ge3A_4182 : i32 to vector<16xi32>
        %ge3A_4184 = arith.cmpi sge, %get3A_4120, %ge3A_4183 : vector<16xi32>
        %lt3A_4185 = arith.constant 25088 : i32
        %lt3A_4186 = vector.broadcast %lt3A_4185 : i32 to vector<16xi32>
        %lt3A_4187 = arith.cmpi slt, %get3A_4120, %lt3A_4186 : vector<16xi32>
        %and3A_4188 = arith.andi %ge3A_4184, %lt3A_4187 : vector<16xi1>
        %select_n3A_4189 = arith.select %and3A_4188, %broadcast_in_dim3A_1, %broadcast_in_dim3A_3 : vector<16xi1>, vector<16xi32>
        %swap3A_4190 = arith.constant 8 : index
        %swap3A_4191 = tpu.vector_load %arg9[%swap3A_4190] {strides = array<i32>} : memref<40xi32, #tpu.memory_space<vmem>>, vector<16xi32>,
        %swap3A_4192 = vector.shape_cast %swap3A_4191 : vector<16xi32> to vector<16xi32>
        %swap3A_4193 = vector.shape_cast %select_n3A_4189 : vector<16xi32> to vector<16xi32>
        tpu.vector_store %arg9[%swap3A_4190], %swap3A_4193 {strides = array<i32>} : memref<40xi32, #tpu.memory_space<vmem>>, vector<16xi32>,
        %get3A_4194 = arith.constant 7 : index
        %get3A_4195 = tpu.vector_load %arg9[%get3A_4194] {strides = array<i32>} : memref<40xi32, #tpu.memory_space<vmem>>, vector<16xi32>,
        %get3A_4196 = vector.shape_cast %get3A_4195 : vector<16xi32> to vector<16xi32>
        %add3A_4197 = arith.addi %select_n3A_4189, %get3A_4196 : vector<16xi32>
        %swap3A_4198 = arith.constant 8 : index
        %swap3A_4199 = tpu.vector_load %arg9[%swap3A_4198] {strides = array<i32>} : memref<40xi32, #tpu.memory_space<vmem>>, vector<16xi32>,
        %swap3A_4200 = vector.shape_cast %swap3A_4199 : vector<16xi32> to vector<16xi32>
        %swap3A_4201 = vector.shape_cast %add3A_4197 : vector<16xi32> to vector<16xi32>
        tpu.vector_store %arg9[%swap3A_4198], %swap3A_4201 {strides = array<i32>} : memref<40xi32, #tpu.memory_space<vmem>>, vector<16xi32>,
        %get3A_4202 = arith.constant 6 : index
        %get3A_4203 = tpu.vector_load %arg9[%get3A_4202] {strides = array<i32>} : memref<40xi32, #tpu.memory_space<vmem>>, vector<16xi32>,
        %get3A_4204 = vector.shape_cast %get3A_4203 : vector<16xi32> to vector<16xi32>
        %add3A_4205 = arith.addi %add3A_4197, %get3A_4204 : vector<16xi32>
        %swap3A_4206 = arith.constant 8 : index
        %swap3A_4207 = tpu.vector_load %arg9[%swap3A_4206] {strides = array<i32>} : memref<40xi32, #tpu.memory_space<vmem>>, vector<16xi32>,
        %swap3A_4208 = vector.shape_cast %swap3A_4207 : vector<16xi32> to vector<16xi32>
        %swap3A_4209 = vector.shape_cast %add3A_4205 : vector<16xi32> to vector<16xi32>
        tpu.vector_store %arg9[%swap3A_4206], %swap3A_4209 {strides = array<i32>} : memref<40xi32, #tpu.memory_space<vmem>>, vector<16xi32>,
        %get3A_4210 = arith.constant 4 : index
        %get3A_4211 = tpu.vector_load %arg9[%get3A_4210] {strides = array<i32>} : memref<40xi32, #tpu.memory_space<vmem>>, vector<16xi32>,
        %get3A_4212 = vector.shape_cast %get3A_4211 : vector<16xi32> to vector<16xi32>
        %add3A_4213 = arith.addi %add3A_4205, %get3A_4212 : vector<16xi32>
        %swap3A_4214 = arith.constant 8 : index
        %swap3A_4215 = tpu.vector_load %arg9[%swap3A_4214] {strides = array<i32>} : memref<40xi32, #tpu.memory_space<vmem>>, vector<16xi32>,
        %swap3A_4216 = vector.shape_cast %swap3A_4215 : vector<16xi32> to vector<16xi32>
        %swap3A_4217 = vector.shape_cast %add3A_4213 : vector<16xi32> to vector<16xi32>
        tpu.vector_store %arg9[%swap3A_4214], %swap3A_4217 {strides = array<i32>} : memref<40xi32, #tpu.memory_space<vmem>>, vector<16xi32>,
        %get3A_4218 = arith.constant 0 : index
        %get3A_4219 = tpu.vector_load %arg9[%get3A_4218] {strides = array<i32>} : memref<40xi32, #tpu.memory_space<vmem>>, vector<16xi32>,
        %get3A_4220 = vector.shape_cast %get3A_4219 : vector<16xi32> to vector<16xi32>
        %add3A_4221 = arith.addi %add3A_4213, %get3A_4220 : vector<16xi32>
        %mul3A_4222 = arith.constant 4 : i32
        %mul3A_4223 = arith.muli %add3A, %mul3A_4222 : i32
        %add3A_4224 = arith.constant 1 : i32
        %add3A_4225 = arith.addi %mul3A_4223, %add3A_4224 : i32
        %mul3A_4226 = arith.constant 25472 : i32
        %mul3A_4227 = arith.muli %add3A_4225, %mul3A_4226 : i32
        %sub3A_4228 = arith.constant 1 : i32
        %sub3A_4229 = vector.broadcast %sub3A_4228 : i32 to vector<16xi32>
        %sub3A_4230 = arith.subi %add3A_4221, %sub3A_4229 : vector<16xi32>
        %add3A_4231 = arith.addi %add3A_3972, %mul3A_4227 : i32
        %mul3A_4232 = vector.broadcast %add3A_4231 : i32 to vector<16xi32>
        %mul3A_4233 = arith.muli %broadcast_in_dim3A_1, %mul3A_4232 : vector<16xi32>
        %add3A_4234 = arith.addi %sub3A_4230, %mul3A_4233 : vector<16xi32>
        %select_n3A_4235 = arith.select %and3A_4188, %add3A_4234, %select_n3A_4174 : vector<16xi1>, vector<16xi32>
        %sub3A_4236 = arith.constant 12544 : i32
        %sub3A_4237 = vector.broadcast %sub3A_4236 : i32 to vector<16xi32>
        %sub3A_4238 = arith.subi %get3A_4120, %sub3A_4237 : vector<16xi32>
        %select_n3A_4239 = arith.select %and3A_4188, %sub3A_4238, %select_n3A_4178 : vector<16xi1>, vector<16xi32>
        %slice3A_4240 = vector.extract_strided_slice %add3A_4221 {offsets = [15], sizes = [1], strides = [1]} : vector<16xi32> to vector<1xi32>
        %squeeze3A_4241 = vector.extract %slice3A_4240[0] : i32 from vector<1xi32>
        %add3A_4242 = arith.addi %add3A_3972, %squeeze3A_4241 : i32
        %ge3A_4243 = arith.constant 25088 : i32
        %ge3A_4244 = vector.broadcast %ge3A_4243 : i32 to vector<16xi32>
        %ge3A_4245 = arith.cmpi sge, %get3A_4120, %ge3A_4244 : vector<16xi32>
        %lt3A_4246 = arith.constant 37632 : i32
        %lt3A_4247 = vector.broadcast %lt3A_4246 : i32 to vector<16xi32>
        %lt3A_4248 = arith.cmpi slt, %get3A_4120, %lt3A_4247 : vector<16xi32>
        %and3A_4249 = arith.andi %ge3A_4245, %lt3A_4248 : vector<16xi1>
        %select_n3A_4250 = arith.select %and3A_4249, %broadcast_in_dim3A_1, %broadcast_in_dim3A_3 : vector<16xi1>, vector<16xi32>
        %swap3A_4251 = arith.constant 8 : index
        %swap3A_4252 = tpu.vector_load %arg9[%swap3A_4251] {strides = array<i32>} : memref<40xi32, #tpu.memory_space<vmem>>, vector<16xi32>,
        %swap3A_4253 = vector.shape_cast %swap3A_4252 : vector<16xi32> to vector<16xi32>
        %swap3A_4254 = vector.shape_cast %select_n3A_4250 : vector<16xi32> to vector<16xi32>
        tpu.vector_store %arg9[%swap3A_4251], %swap3A_4254 {strides = array<i32>} : memref<40xi32, #tpu.memory_space<vmem>>, vector<16xi32>,
        %get3A_4255 = arith.constant 7 : index
        %get3A_4256 = tpu.vector_load %arg9[%get3A_4255] {strides = array<i32>} : memref<40xi32, #tpu.memory_space<vmem>>, vector<16xi32>,
        %get3A_4257 = vector.shape_cast %get3A_4256 : vector<16xi32> to vector<16xi32>
        %add3A_4258 = arith.addi %select_n3A_4250, %get3A_4257 : vector<16xi32>
        %swap3A_4259 = arith.constant 8 : index
        %swap3A_4260 = tpu.vector_load %arg9[%swap3A_4259] {strides = array<i32>} : memref<40xi32, #tpu.memory_space<vmem>>, vector<16xi32>,
        %swap3A_4261 = vector.shape_cast %swap3A_4260 : vector<16xi32> to vector<16xi32>
        %swap3A_4262 = vector.shape_cast %add3A_4258 : vector<16xi32> to vector<16xi32>
        tpu.vector_store %arg9[%swap3A_4259], %swap3A_4262 {strides = array<i32>} : memref<40xi32, #tpu.memory_space<vmem>>, vector<16xi32>,
        %get3A_4263 = arith.constant 6 : index
        %get3A_4264 = tpu.vector_load %arg9[%get3A_4263] {strides = array<i32>} : memref<40xi32, #tpu.memory_space<vmem>>, vector<16xi32>,
        %get3A_4265 = vector.shape_cast %get3A_4264 : vector<16xi32> to vector<16xi32>
        %add3A_4266 = arith.addi %add3A_4258, %get3A_4265 : vector<16xi32>
        %swap3A_4267 = arith.constant 8 : index
        %swap3A_4268 = tpu.vector_load %arg9[%swap3A_4267] {strides = array<i32>} : memref<40xi32, #tpu.memory_space<vmem>>, vector<16xi32>,
        %swap3A_4269 = vector.shape_cast %swap3A_4268 : vector<16xi32> to vector<16xi32>
        %swap3A_4270 = vector.shape_cast %add3A_4266 : vector<16xi32> to vector<16xi32>
        tpu.vector_store %arg9[%swap3A_4267], %swap3A_4270 {strides = array<i32>} : memref<40xi32, #tpu.memory_space<vmem>>, vector<16xi32>,
        %get3A_4271 = arith.constant 4 : index
        %get3A_4272 = tpu.vector_load %arg9[%get3A_4271] {strides = array<i32>} : memref<40xi32, #tpu.memory_space<vmem>>, vector<16xi32>,
        %get3A_4273 = vector.shape_cast %get3A_4272 : vector<16xi32> to vector<16xi32>
        %add3A_4274 = arith.addi %add3A_4266, %get3A_4273 : vector<16xi32>
        %swap3A_4275 = arith.constant 8 : index
        %swap3A_4276 = tpu.vector_load %arg9[%swap3A_4275] {strides = array<i32>} : memref<40xi32, #tpu.memory_space<vmem>>, vector<16xi32>,
        %swap3A_4277 = vector.shape_cast %swap3A_4276 : vector<16xi32> to vector<16xi32>
        %swap3A_4278 = vector.shape_cast %add3A_4274 : vector<16xi32> to vector<16xi32>
        tpu.vector_store %arg9[%swap3A_4275], %swap3A_4278 {strides = array<i32>} : memref<40xi32, #tpu.memory_space<vmem>>, vector<16xi32>,
        %get3A_4279 = arith.constant 0 : index
        %get3A_4280 = tpu.vector_load %arg9[%get3A_4279] {strides = array<i32>} : memref<40xi32, #tpu.memory_space<vmem>>, vector<16xi32>,
        %get3A_4281 = vector.shape_cast %get3A_4280 : vector<16xi32> to vector<16xi32>
        %add3A_4282 = arith.addi %add3A_4274, %get3A_4281 : vector<16xi32>
        %mul3A_4283 = arith.constant 4 : i32
        %mul3A_4284 = arith.muli %add3A, %mul3A_4283 : i32
        %add3A_4285 = arith.constant 2 : i32
        %add3A_4286 = arith.addi %mul3A_4284, %add3A_4285 : i32
        %mul3A_4287 = arith.constant 25472 : i32
        %mul3A_4288 = arith.muli %add3A_4286, %mul3A_4287 : i32
        %sub3A_4289 = arith.constant 1 : i32
        %sub3A_4290 = vector.broadcast %sub3A_4289 : i32 to vector<16xi32>
        %sub3A_4291 = arith.subi %add3A_4282, %sub3A_4290 : vector<16xi32>
        %add3A_4292 = arith.addi %add3A_4033, %mul3A_4288 : i32
        %mul3A_4293 = vector.broadcast %add3A_4292 : i32 to vector<16xi32>
        %mul3A_4294 = arith.muli %broadcast_in_dim3A_1, %mul3A_4293 : vector<16xi32>
        %add3A_4295 = arith.addi %sub3A_4291, %mul3A_4294 : vector<16xi32>
        %select_n3A_4296 = arith.select %and3A_4249, %add3A_4295, %select_n3A_4235 : vector<16xi1>, vector<16xi32>
        %sub3A_4297 = arith.constant 25088 : i32
        %sub3A_4298 = vector.broadcast %sub3A_4297 : i32 to vector<16xi32>
        %sub3A_4299 = arith.subi %get3A_4120, %sub3A_4298 : vector<16xi32>
        %select_n3A_4300 = arith.select %and3A_4249, %sub3A_4299, %select_n3A_4239 : vector<16xi1>, vector<16xi32>
        %slice3A_4301 = vector.extract_strided_slice %add3A_4282 {offsets = [15], sizes = [1], strides = [1]} : vector<16xi32> to vector<1xi32>
        %squeeze3A_4302 = vector.extract %slice3A_4301[0] : i32 from vector<1xi32>
        %add3A_4303 = arith.addi %add3A_4033, %squeeze3A_4302 : i32
        %ge3A_4304 = arith.constant 37632 : i32
        %ge3A_4305 = vector.broadcast %ge3A_4304 : i32 to vector<16xi32>
        %ge3A_4306 = arith.cmpi sge, %get3A_4120, %ge3A_4305 : vector<16xi32>
        %lt3A_4307 = arith.constant 50176 : i32
        %lt3A_4308 = vector.broadcast %lt3A_4307 : i32 to vector<16xi32>
        %lt3A_4309 = arith.cmpi slt, %get3A_4120, %lt3A_4308 : vector<16xi32>
        %and3A_4310 = arith.andi %ge3A_4306, %lt3A_4309 : vector<16xi1>
        %select_n3A_4311 = arith.select %and3A_4310, %broadcast_in_dim3A_1, %broadcast_in_dim3A_3 : vector<16xi1>, vector<16xi32>
        %swap3A_4312 = arith.constant 8 : index
        %swap3A_4313 = tpu.vector_load %arg9[%swap3A_4312] {strides = array<i32>} : memref<40xi32, #tpu.memory_space<vmem>>, vector<16xi32>,
        %swap3A_4314 = vector.shape_cast %swap3A_4313 : vector<16xi32> to vector<16xi32>
        %swap3A_4315 = vector.shape_cast %select_n3A_4311 : vector<16xi32> to vector<16xi32>
        tpu.vector_store %arg9[%swap3A_4312], %swap3A_4315 {strides = array<i32>} : memref<40xi32, #tpu.memory_space<vmem>>, vector<16xi32>,
        %get3A_4316 = arith.constant 7 : index
        %get3A_4317 = tpu.vector_load %arg9[%get3A_4316] {strides = array<i32>} : memref<40xi32, #tpu.memory_space<vmem>>, vector<16xi32>,
        %get3A_4318 = vector.shape_cast %get3A_4317 : vector<16xi32> to vector<16xi32>
        %add3A_4319 = arith.addi %select_n3A_4311, %get3A_4318 : vector<16xi32>
        %swap3A_4320 = arith.constant 8 : index
        %swap3A_4321 = tpu.vector_load %arg9[%swap3A_4320] {strides = array<i32>} : memref<40xi32, #tpu.memory_space<vmem>>, vector<16xi32>,
        %swap3A_4322 = vector.shape_cast %swap3A_4321 : vector<16xi32> to vector<16xi32>
        %swap3A_4323 = vector.shape_cast %add3A_4319 : vector<16xi32> to vector<16xi32>
        tpu.vector_store %arg9[%swap3A_4320], %swap3A_4323 {strides = array<i32>} : memref<40xi32, #tpu.memory_space<vmem>>, vector<16xi32>,
        %get3A_4324 = arith.constant 6 : index
        %get3A_4325 = tpu.vector_load %arg9[%get3A_4324] {strides = array<i32>} : memref<40xi32, #tpu.memory_space<vmem>>, vector<16xi32>,
        %get3A_4326 = vector.shape_cast %get3A_4325 : vector<16xi32> to vector<16xi32>
        %add3A_4327 = arith.addi %add3A_4319, %get3A_4326 : vector<16xi32>
        %swap3A_4328 = arith.constant 8 : index
        %swap3A_4329 = tpu.vector_load %arg9[%swap3A_4328] {strides = array<i32>} : memref<40xi32, #tpu.memory_space<vmem>>, vector<16xi32>,
        %swap3A_4330 = vector.shape_cast %swap3A_4329 : vector<16xi32> to vector<16xi32>
        %swap3A_4331 = vector.shape_cast %add3A_4327 : vector<16xi32> to vector<16xi32>
        tpu.vector_store %arg9[%swap3A_4328], %swap3A_4331 {strides = array<i32>} : memref<40xi32, #tpu.memory_space<vmem>>, vector<16xi32>,
        %get3A_4332 = arith.constant 4 : index
        %get3A_4333 = tpu.vector_load %arg9[%get3A_4332] {strides = array<i32>} : memref<40xi32, #tpu.memory_space<vmem>>, vector<16xi32>,
        %get3A_4334 = vector.shape_cast %get3A_4333 : vector<16xi32> to vector<16xi32>
        %add3A_4335 = arith.addi %add3A_4327, %get3A_4334 : vector<16xi32>
        %swap3A_4336 = arith.constant 8 : index
        %swap3A_4337 = tpu.vector_load %arg9[%swap3A_4336] {strides = array<i32>} : memref<40xi32, #tpu.memory_space<vmem>>, vector<16xi32>,
        %swap3A_4338 = vector.shape_cast %swap3A_4337 : vector<16xi32> to vector<16xi32>
        %swap3A_4339 = vector.shape_cast %add3A_4335 : vector<16xi32> to vector<16xi32>
        tpu.vector_store %arg9[%swap3A_4336], %swap3A_4339 {strides = array<i32>} : memref<40xi32, #tpu.memory_space<vmem>>, vector<16xi32>,
        %get3A_4340 = arith.constant 0 : index
        %get3A_4341 = tpu.vector_load %arg9[%get3A_4340] {strides = array<i32>} : memref<40xi32, #tpu.memory_space<vmem>>, vector<16xi32>,
        %get3A_4342 = vector.shape_cast %get3A_4341 : vector<16xi32> to vector<16xi32>
        %add3A_4343 = arith.addi %add3A_4335, %get3A_4342 : vector<16xi32>
        %mul3A_4344 = arith.constant 4 : i32
        %mul3A_4345 = arith.muli %add3A, %mul3A_4344 : i32
        %add3A_4346 = arith.constant 3 : i32
        %add3A_4347 = arith.addi %mul3A_4345, %add3A_4346 : i32
        %mul3A_4348 = arith.constant 25472 : i32
        %mul3A_4349 = arith.muli %add3A_4347, %mul3A_4348 : i32
        %sub3A_4350 = arith.constant 1 : i32
        %sub3A_4351 = vector.broadcast %sub3A_4350 : i32 to vector<16xi32>
        %sub3A_4352 = arith.subi %add3A_4343, %sub3A_4351 : vector<16xi32>
        %add3A_4353 = arith.addi %add3A_4094, %mul3A_4349 : i32
        %mul3A_4354 = vector.broadcast %add3A_4353 : i32 to vector<16xi32>
        %mul3A_4355 = arith.muli %broadcast_in_dim3A_1, %mul3A_4354 : vector<16xi32>
        %add3A_4356 = arith.addi %sub3A_4352, %mul3A_4355 : vector<16xi32>
        %select_n3A_4357 = arith.select %and3A_4310, %add3A_4356, %select_n3A_4296 : vector<16xi1>, vector<16xi32>
        %sub3A_4358 = arith.constant 37632 : i32
        %sub3A_4359 = vector.broadcast %sub3A_4358 : i32 to vector<16xi32>
        %sub3A_4360 = arith.subi %get3A_4120, %sub3A_4359 : vector<16xi32>
        %select_n3A_4361 = arith.select %and3A_4310, %sub3A_4360, %select_n3A_4300 : vector<16xi1>, vector<16xi32>
        %slice3A_4362 = vector.extract_strided_slice %add3A_4343 {offsets = [15], sizes = [1], strides = [1]} : vector<16xi32> to vector<1xi32>
        %squeeze3A_4363 = vector.extract %slice3A_4362[0] : i32 from vector<1xi32>
        %add3A_4364 = arith.addi %add3A_4094, %squeeze3A_4363 : i32
        %swap3A_4365 = arith.constant 112 : index
        %swap3A_4366 = tpu.vector_load %arg10[%swap3A_4365] {strides = array<i32>} : memref<128xi32, #tpu.memory_space<vmem>>, vector<16xi32>,
        %swap3A_4367 = vector.shape_cast %swap3A_4366 : vector<16xi32> to vector<16xi32>
        %swap3A_4368 = vector.shape_cast %select_n3A_4357 : vector<16xi32> to vector<16xi32>
        tpu.vector_store %arg10[%swap3A_4365], %swap3A_4368 {strides = array<i32>} : memref<128xi32, #tpu.memory_space<vmem>>, vector<16xi32>,
        %swap3A_4369 = arith.constant 112 : index
        %swap3A_4370 = tpu.vector_load %arg11[%swap3A_4369] {strides = array<i32>} : memref<128xi32, #tpu.memory_space<vmem>>, vector<16xi32>,
        %swap3A_4371 = vector.shape_cast %swap3A_4370 : vector<16xi32> to vector<16xi32>
        %swap3A_4372 = vector.shape_cast %get3A_4113 : vector<16xi32> to vector<16xi32>
        tpu.vector_store %arg11[%swap3A_4369], %swap3A_4372 {strides = array<i32>} : memref<128xi32, #tpu.memory_space<vmem>>, vector<16xi32>,
        %swap3A_4373 = arith.constant 112 : index
        %swap3A_4374 = tpu.vector_load %arg12[%swap3A_4373] {strides = array<i32>} : memref<128xi32, #tpu.memory_space<vmem>>, vector<16xi32>,
        %swap3A_4375 = vector.shape_cast %swap3A_4374 : vector<16xi32> to vector<16xi32>
        %swap3A_4376 = vector.shape_cast %select_n3A_4361 : vector<16xi32> to vector<16xi32>
        tpu.vector_store %arg12[%swap3A_4373], %swap3A_4376 {strides = array<i32>} : memref<128xi32, #tpu.memory_space<vmem>>, vector<16xi32>,
        "tpu.region"() ({
          %run_scoped3A = tpu.sem_alloc : memref<!tpu.dma_semaphore, #tpu.memory_space<semaphore_mem>>
          %dma_start3A = arith.constant 0 : i32
          %dma_start3A_4377 = tpu.memref_slice %arg4[%dma_start3A] : memref<3260432xi32, #tpu.memory_space<hbm>> -> memref<3260432xi32, #tpu.memory_space<hbm>>
          tpu.enqueue_indirect_dma source(%arg11 : memref<128xi32, #tpu.memory_space<vmem>>) target(%dma_start3A_4377 : memref<3260432xi32, #tpu.memory_space<hbm>>) offsets(%arg10 : memref<128xi32, #tpu.memory_space<vmem>>) semaphore(%run_scoped3A : memref<!tpu.dma_semaphore, #tpu.memory_space<semaphore_mem>>)
          %dma_wait3A = arith.constant 0 : i32
          %dma_wait3A_4378 = tpu.memref_slice %arg4[%dma_wait3A] : memref<3260432xi32, #tpu.memory_space<hbm>> -> memref<3260432xi32, #tpu.memory_space<hbm>>
          tpu.wait_indirect_dma semaphore(%run_scoped3A : memref<!tpu.dma_semaphore, #tpu.memory_space<semaphore_mem>>) src(%arg11 : memref<128xi32, #tpu.memory_space<vmem>>) dst(%dma_wait3A_4378 : memref<3260432xi32, #tpu.memory_space<hbm>>)
          tpu.yield
        }) : () -> ()
        "tpu.region"() ({
          %run_scoped3A = tpu.sem_alloc : memref<!tpu.dma_semaphore, #tpu.memory_space<semaphore_mem>>
          %dma_start3A = arith.constant 0 : i32
          %dma_start3A_4377 = tpu.memref_slice %arg5[%dma_start3A] : memref<3260432xi32, #tpu.memory_space<hbm>> -> memref<3260432xi32, #tpu.memory_space<hbm>>
          tpu.enqueue_indirect_dma source(%arg12 : memref<128xi32, #tpu.memory_space<vmem>>) target(%dma_start3A_4377 : memref<3260432xi32, #tpu.memory_space<hbm>>) offsets(%arg10 : memref<128xi32, #tpu.memory_space<vmem>>) semaphore(%run_scoped3A : memref<!tpu.dma_semaphore, #tpu.memory_space<semaphore_mem>>)
          %dma_wait3A = arith.constant 0 : i32
          %dma_wait3A_4378 = tpu.memref_slice %arg5[%dma_wait3A] : memref<3260432xi32, #tpu.memory_space<hbm>> -> memref<3260432xi32, #tpu.memory_space<hbm>>
          tpu.wait_indirect_dma semaphore(%run_scoped3A : memref<!tpu.dma_semaphore, #tpu.memory_space<semaphore_mem>>) src(%arg12 : memref<128xi32, #tpu.memory_space<vmem>>) dst(%dma_wait3A_4378 : memref<3260432xi32, #tpu.memory_space<hbm>>)
          tpu.yield
        }) : () -> ()
        scf.yield %add3A_4181, %add3A_4242, %add3A_4303, %add3A_4364 : i32, i32, i32, i32
      }
      %scan3A_2219 = arith.constant 49 : i32
      scf.yield %scan3A_2218#0, %scan3A_2218#1, %scan3A_2218#2, %scan3A_2218#3 : i32, i32, i32, i32
    }
    %scan3A_19 = arith.constant 4 : i32
    %mul3A_20 = arith.constant 4 : i32
    %mul3A_21 = arith.muli %add3A, %mul3A_20 : i32
    %add3A_22 = arith.constant 0 : i32
    %add3A_23 = arith.addi %mul3A_21, %add3A_22 : i32
    %mul3A_24 = arith.constant 25472 : i32
    %mul3A_25 = arith.muli %add3A_23, %mul3A_24 : i32
    %add3A_26 = arith.addi %scan3A_18#0, %mul3A_25 : i32
    %mul3A_27 = vector.broadcast %add3A_26 : i32 to vector<16xi32>
    %mul3A_28 = arith.muli %broadcast_in_dim3A_1, %mul3A_27 : vector<16xi32>
    %add3A_29 = arith.addi %mul3A_28, %iota3A : vector<16xi32>
    %add3A_30 = arith.constant 0 : i32
    %add3A_31 = vector.broadcast %add3A_30 : i32 to vector<16xi32>
    %add3A_32 = arith.addi %add3A_29, %add3A_31 : vector<16xi32>
    %add3A_33 = arith.constant 0 : i32
    %add3A_34 = vector.broadcast %add3A_33 : i32 to vector<16xi32>
    %add3A_35 = arith.addi %add3A_32, %add3A_34 : vector<16xi32>
    %swap3A_36 = arith.constant 0 : index
    %swap3A_37 = tpu.vector_load %arg10[%swap3A_36] {strides = array<i32>} : memref<128xi32, #tpu.memory_space<vmem>>, vector<16xi32>,
    %swap3A_38 = vector.shape_cast %swap3A_37 : vector<16xi32> to vector<16xi32>
    %swap3A_39 = vector.shape_cast %add3A_35 : vector<16xi32> to vector<16xi32>
    tpu.vector_store %arg10[%swap3A_36], %swap3A_39 {strides = array<i32>} : memref<128xi32, #tpu.memory_space<vmem>>, vector<16xi32>,
    %swap3A_40 = arith.constant 0 : index
    %swap3A_41 = tpu.vector_load %arg11[%swap3A_40] {strides = array<i32>} : memref<128xi32, #tpu.memory_space<vmem>>, vector<16xi32>,
    %swap3A_42 = vector.shape_cast %swap3A_41 : vector<16xi32> to vector<16xi32>
    %swap3A_43 = vector.shape_cast %broadcast_in_dim3A_3 : vector<16xi32> to vector<16xi32>
    tpu.vector_store %arg11[%swap3A_40], %swap3A_43 {strides = array<i32>} : memref<128xi32, #tpu.memory_space<vmem>>, vector<16xi32>,
    %swap3A_44 = arith.constant 0 : index
    %swap3A_45 = tpu.vector_load %arg12[%swap3A_44] {strides = array<i32>} : memref<128xi32, #tpu.memory_space<vmem>>, vector<16xi32>,
    %swap3A_46 = vector.shape_cast %swap3A_45 : vector<16xi32> to vector<16xi32>
    %swap3A_47 = vector.shape_cast %broadcast_in_dim3A_7 : vector<16xi32> to vector<16xi32>
    tpu.vector_store %arg12[%swap3A_44], %swap3A_47 {strides = array<i32>} : memref<128xi32, #tpu.memory_space<vmem>>, vector<16xi32>,
    %add3A_48 = arith.addi %scan3A_18#0, %mul3A_25 : i32
    %mul3A_49 = vector.broadcast %add3A_48 : i32 to vector<16xi32>
    %mul3A_50 = arith.muli %broadcast_in_dim3A_1, %mul3A_49 : vector<16xi32>
    %add3A_51 = arith.addi %mul3A_50, %iota3A : vector<16xi32>
    %add3A_52 = arith.constant 0 : i32
    %add3A_53 = vector.broadcast %add3A_52 : i32 to vector<16xi32>
    %add3A_54 = arith.addi %add3A_51, %add3A_53 : vector<16xi32>
    %add3A_55 = arith.constant 16 : i32
    %add3A_56 = vector.broadcast %add3A_55 : i32 to vector<16xi32>
    %add3A_57 = arith.addi %add3A_54, %add3A_56 : vector<16xi32>
    %swap3A_58 = arith.constant 16 : index
    %swap3A_59 = tpu.vector_load %arg10[%swap3A_58] {strides = array<i32>} : memref<128xi32, #tpu.memory_space<vmem>>, vector<16xi32>,
    %swap3A_60 = vector.shape_cast %swap3A_59 : vector<16xi32> to vector<16xi32>
    %swap3A_61 = vector.shape_cast %add3A_57 : vector<16xi32> to vector<16xi32>
    tpu.vector_store %arg10[%swap3A_58], %swap3A_61 {strides = array<i32>} : memref<128xi32, #tpu.memory_space<vmem>>, vector<16xi32>,
    %swap3A_62 = arith.constant 16 : index
    %swap3A_63 = tpu.vector_load %arg11[%swap3A_62] {strides = array<i32>} : memref<128xi32, #tpu.memory_space<vmem>>, vector<16xi32>,
    %swap3A_64 = vector.shape_cast %swap3A_63 : vector<16xi32> to vector<16xi32>
    %swap3A_65 = vector.shape_cast %broadcast_in_dim3A_3 : vector<16xi32> to vector<16xi32>
    tpu.vector_store %arg11[%swap3A_62], %swap3A_65 {strides = array<i32>} : memref<128xi32, #tpu.memory_space<vmem>>, vector<16xi32>,
    %swap3A_66 = arith.constant 16 : index
    %swap3A_67 = tpu.vector_load %arg12[%swap3A_66] {strides = array<i32>} : memref<128xi32, #tpu.memory_space<vmem>>, vector<16xi32>,
    %swap3A_68 = vector.shape_cast %swap3A_67 : vector<16xi32> to vector<16xi32>
    %swap3A_69 = vector.shape_cast %broadcast_in_dim3A_7 : vector<16xi32> to vector<16xi32>
    tpu.vector_store %arg12[%swap3A_66], %swap3A_69 {strides = array<i32>} : memref<128xi32, #tpu.memory_space<vmem>>, vector<16xi32>,
    %add3A_70 = arith.addi %scan3A_18#0, %mul3A_25 : i32
    %mul3A_71 = vector.broadcast %add3A_70 : i32 to vector<16xi32>
    %mul3A_72 = arith.muli %broadcast_in_dim3A_1, %mul3A_71 : vector<16xi32>
    %add3A_73 = arith.addi %mul3A_72, %iota3A : vector<16xi32>
    %add3A_74 = arith.constant 0 : i32
    %add3A_75 = vector.broadcast %add3A_74 : i32 to vector<16xi32>
    %add3A_76 = arith.addi %add3A_73, %add3A_75 : vector<16xi32>
    %add3A_77 = arith.constant 32 : i32
    %add3A_78 = vector.broadcast %add3A_77 : i32 to vector<16xi32>
    %add3A_79 = arith.addi %add3A_76, %add3A_78 : vector<16xi32>
    %swap3A_80 = arith.constant 32 : index
    %swap3A_81 = tpu.vector_load %arg10[%swap3A_80] {strides = array<i32>} : memref<128xi32, #tpu.memory_space<vmem>>, vector<16xi32>,
    %swap3A_82 = vector.shape_cast %swap3A_81 : vector<16xi32> to vector<16xi32>
    %swap3A_83 = vector.shape_cast %add3A_79 : vector<16xi32> to vector<16xi32>
    tpu.vector_store %arg10[%swap3A_80], %swap3A_83 {strides = array<i32>} : memref<128xi32, #tpu.memory_space<vmem>>, vector<16xi32>,
    %swap3A_84 = arith.constant 32 : index
    %swap3A_85 = tpu.vector_load %arg11[%swap3A_84] {strides = array<i32>} : memref<128xi32, #tpu.memory_space<vmem>>, vector<16xi32>,
    %swap3A_86 = vector.shape_cast %swap3A_85 : vector<16xi32> to vector<16xi32>
    %swap3A_87 = vector.shape_cast %broadcast_in_dim3A_3 : vector<16xi32> to vector<16xi32>
    tpu.vector_store %arg11[%swap3A_84], %swap3A_87 {strides = array<i32>} : memref<128xi32, #tpu.memory_space<vmem>>, vector<16xi32>,
    %swap3A_88 = arith.constant 32 : index
    %swap3A_89 = tpu.vector_load %arg12[%swap3A_88] {strides = array<i32>} : memref<128xi32, #tpu.memory_space<vmem>>, vector<16xi32>,
    %swap3A_90 = vector.shape_cast %swap3A_89 : vector<16xi32> to vector<16xi32>
    %swap3A_91 = vector.shape_cast %broadcast_in_dim3A_7 : vector<16xi32> to vector<16xi32>
    tpu.vector_store %arg12[%swap3A_88], %swap3A_91 {strides = array<i32>} : memref<128xi32, #tpu.memory_space<vmem>>, vector<16xi32>,
    %add3A_92 = arith.addi %scan3A_18#0, %mul3A_25 : i32
    %mul3A_93 = vector.broadcast %add3A_92 : i32 to vector<16xi32>
    %mul3A_94 = arith.muli %broadcast_in_dim3A_1, %mul3A_93 : vector<16xi32>
    %add3A_95 = arith.addi %mul3A_94, %iota3A : vector<16xi32>
    %add3A_96 = arith.constant 0 : i32
    %add3A_97 = vector.broadcast %add3A_96 : i32 to vector<16xi32>
    %add3A_98 = arith.addi %add3A_95, %add3A_97 : vector<16xi32>
    %add3A_99 = arith.constant 48 : i32
    %add3A_100 = vector.broadcast %add3A_99 : i32 to vector<16xi32>
    %add3A_101 = arith.addi %add3A_98, %add3A_100 : vector<16xi32>
    %swap3A_102 = arith.constant 48 : index
    %swap3A_103 = tpu.vector_load %arg10[%swap3A_102] {strides = array<i32>} : memref<128xi32, #tpu.memory_space<vmem>>, vector<16xi32>,
    %swap3A_104 = vector.shape_cast %swap3A_103 : vector<16xi32> to vector<16xi32>
    %swap3A_105 = vector.shape_cast %add3A_101 : vector<16xi32> to vector<16xi32>
    tpu.vector_store %arg10[%swap3A_102], %swap3A_105 {strides = array<i32>} : memref<128xi32, #tpu.memory_space<vmem>>, vector<16xi32>,
    %swap3A_106 = arith.constant 48 : index
    %swap3A_107 = tpu.vector_load %arg11[%swap3A_106] {strides = array<i32>} : memref<128xi32, #tpu.memory_space<vmem>>, vector<16xi32>,
    %swap3A_108 = vector.shape_cast %swap3A_107 : vector<16xi32> to vector<16xi32>
    %swap3A_109 = vector.shape_cast %broadcast_in_dim3A_3 : vector<16xi32> to vector<16xi32>
    tpu.vector_store %arg11[%swap3A_106], %swap3A_109 {strides = array<i32>} : memref<128xi32, #tpu.memory_space<vmem>>, vector<16xi32>,
    %swap3A_110 = arith.constant 48 : index
    %swap3A_111 = tpu.vector_load %arg12[%swap3A_110] {strides = array<i32>} : memref<128xi32, #tpu.memory_space<vmem>>, vector<16xi32>,
    %swap3A_112 = vector.shape_cast %swap3A_111 : vector<16xi32> to vector<16xi32>
    %swap3A_113 = vector.shape_cast %broadcast_in_dim3A_7 : vector<16xi32> to vector<16xi32>
    tpu.vector_store %arg12[%swap3A_110], %swap3A_113 {strides = array<i32>} : memref<128xi32, #tpu.memory_space<vmem>>, vector<16xi32>,
    %add3A_114 = arith.addi %scan3A_18#0, %mul3A_25 : i32
    %mul3A_115 = vector.broadcast %add3A_114 : i32 to vector<16xi32>
    %mul3A_116 = arith.muli %broadcast_in_dim3A_1, %mul3A_115 : vector<16xi32>
    %add3A_117 = arith.addi %mul3A_116, %iota3A : vector<16xi32>
    %add3A_118 = arith.constant 0 : i32
    %add3A_119 = vector.broadcast %add3A_118 : i32 to vector<16xi32>
    %add3A_120 = arith.addi %add3A_117, %add3A_119 : vector<16xi32>
    %add3A_121 = arith.constant 64 : i32
    %add3A_122 = vector.broadcast %add3A_121 : i32 to vector<16xi32>
    %add3A_123 = arith.addi %add3A_120, %add3A_122 : vector<16xi32>
    %swap3A_124 = arith.constant 64 : index
    %swap3A_125 = tpu.vector_load %arg10[%swap3A_124] {strides = array<i32>} : memref<128xi32, #tpu.memory_space<vmem>>, vector<16xi32>,
    %swap3A_126 = vector.shape_cast %swap3A_125 : vector<16xi32> to vector<16xi32>
    %swap3A_127 = vector.shape_cast %add3A_123 : vector<16xi32> to vector<16xi32>
    tpu.vector_store %arg10[%swap3A_124], %swap3A_127 {strides = array<i32>} : memref<128xi32, #tpu.memory_space<vmem>>, vector<16xi32>,
    %swap3A_128 = arith.constant 64 : index
    %swap3A_129 = tpu.vector_load %arg11[%swap3A_128] {strides = array<i32>} : memref<128xi32, #tpu.memory_space<vmem>>, vector<16xi32>,
    %swap3A_130 = vector.shape_cast %swap3A_129 : vector<16xi32> to vector<16xi32>
    %swap3A_131 = vector.shape_cast %broadcast_in_dim3A_3 : vector<16xi32> to vector<16xi32>
    tpu.vector_store %arg11[%swap3A_128], %swap3A_131 {strides = array<i32>} : memref<128xi32, #tpu.memory_space<vmem>>, vector<16xi32>,
    %swap3A_132 = arith.constant 64 : index
    %swap3A_133 = tpu.vector_load %arg12[%swap3A_132] {strides = array<i32>} : memref<128xi32, #tpu.memory_space<vmem>>, vector<16xi32>,
    %swap3A_134 = vector.shape_cast %swap3A_133 : vector<16xi32> to vector<16xi32>
    %swap3A_135 = vector.shape_cast %broadcast_in_dim3A_7 : vector<16xi32> to vector<16xi32>
    tpu.vector_store %arg12[%swap3A_132], %swap3A_135 {strides = array<i32>} : memref<128xi32, #tpu.memory_space<vmem>>, vector<16xi32>,
    %add3A_136 = arith.addi %scan3A_18#0, %mul3A_25 : i32
    %mul3A_137 = vector.broadcast %add3A_136 : i32 to vector<16xi32>
    %mul3A_138 = arith.muli %broadcast_in_dim3A_1, %mul3A_137 : vector<16xi32>
    %add3A_139 = arith.addi %mul3A_138, %iota3A : vector<16xi32>
    %add3A_140 = arith.constant 0 : i32
    %add3A_141 = vector.broadcast %add3A_140 : i32 to vector<16xi32>
    %add3A_142 = arith.addi %add3A_139, %add3A_141 : vector<16xi32>
    %add3A_143 = arith.constant 80 : i32
    %add3A_144 = vector.broadcast %add3A_143 : i32 to vector<16xi32>
    %add3A_145 = arith.addi %add3A_142, %add3A_144 : vector<16xi32>
    %swap3A_146 = arith.constant 80 : index
    %swap3A_147 = tpu.vector_load %arg10[%swap3A_146] {strides = array<i32>} : memref<128xi32, #tpu.memory_space<vmem>>, vector<16xi32>,
    %swap3A_148 = vector.shape_cast %swap3A_147 : vector<16xi32> to vector<16xi32>
    %swap3A_149 = vector.shape_cast %add3A_145 : vector<16xi32> to vector<16xi32>
    tpu.vector_store %arg10[%swap3A_146], %swap3A_149 {strides = array<i32>} : memref<128xi32, #tpu.memory_space<vmem>>, vector<16xi32>,
    %swap3A_150 = arith.constant 80 : index
    %swap3A_151 = tpu.vector_load %arg11[%swap3A_150] {strides = array<i32>} : memref<128xi32, #tpu.memory_space<vmem>>, vector<16xi32>,
    %swap3A_152 = vector.shape_cast %swap3A_151 : vector<16xi32> to vector<16xi32>
    %swap3A_153 = vector.shape_cast %broadcast_in_dim3A_3 : vector<16xi32> to vector<16xi32>
    tpu.vector_store %arg11[%swap3A_150], %swap3A_153 {strides = array<i32>} : memref<128xi32, #tpu.memory_space<vmem>>, vector<16xi32>,
    %swap3A_154 = arith.constant 80 : index
    %swap3A_155 = tpu.vector_load %arg12[%swap3A_154] {strides = array<i32>} : memref<128xi32, #tpu.memory_space<vmem>>, vector<16xi32>,
    %swap3A_156 = vector.shape_cast %swap3A_155 : vector<16xi32> to vector<16xi32>
    %swap3A_157 = vector.shape_cast %broadcast_in_dim3A_7 : vector<16xi32> to vector<16xi32>
    tpu.vector_store %arg12[%swap3A_154], %swap3A_157 {strides = array<i32>} : memref<128xi32, #tpu.memory_space<vmem>>, vector<16xi32>,
    %add3A_158 = arith.addi %scan3A_18#0, %mul3A_25 : i32
    %mul3A_159 = vector.broadcast %add3A_158 : i32 to vector<16xi32>
    %mul3A_160 = arith.muli %broadcast_in_dim3A_1, %mul3A_159 : vector<16xi32>
    %add3A_161 = arith.addi %mul3A_160, %iota3A : vector<16xi32>
    %add3A_162 = arith.constant 0 : i32
    %add3A_163 = vector.broadcast %add3A_162 : i32 to vector<16xi32>
    %add3A_164 = arith.addi %add3A_161, %add3A_163 : vector<16xi32>
    %add3A_165 = arith.constant 96 : i32
    %add3A_166 = vector.broadcast %add3A_165 : i32 to vector<16xi32>
    %add3A_167 = arith.addi %add3A_164, %add3A_166 : vector<16xi32>
    %swap3A_168 = arith.constant 96 : index
    %swap3A_169 = tpu.vector_load %arg10[%swap3A_168] {strides = array<i32>} : memref<128xi32, #tpu.memory_space<vmem>>, vector<16xi32>,
    %swap3A_170 = vector.shape_cast %swap3A_169 : vector<16xi32> to vector<16xi32>
    %swap3A_171 = vector.shape_cast %add3A_167 : vector<16xi32> to vector<16xi32>
    tpu.vector_store %arg10[%swap3A_168], %swap3A_171 {strides = array<i32>} : memref<128xi32, #tpu.memory_space<vmem>>, vector<16xi32>,
    %swap3A_172 = arith.constant 96 : index
    %swap3A_173 = tpu.vector_load %arg11[%swap3A_172] {strides = array<i32>} : memref<128xi32, #tpu.memory_space<vmem>>, vector<16xi32>,
    %swap3A_174 = vector.shape_cast %swap3A_173 : vector<16xi32> to vector<16xi32>
    %swap3A_175 = vector.shape_cast %broadcast_in_dim3A_3 : vector<16xi32> to vector<16xi32>
    tpu.vector_store %arg11[%swap3A_172], %swap3A_175 {strides = array<i32>} : memref<128xi32, #tpu.memory_space<vmem>>, vector<16xi32>,
    %swap3A_176 = arith.constant 96 : index
    %swap3A_177 = tpu.vector_load %arg12[%swap3A_176] {strides = array<i32>} : memref<128xi32, #tpu.memory_space<vmem>>, vector<16xi32>,
    %swap3A_178 = vector.shape_cast %swap3A_177 : vector<16xi32> to vector<16xi32>
    %swap3A_179 = vector.shape_cast %broadcast_in_dim3A_7 : vector<16xi32> to vector<16xi32>
    tpu.vector_store %arg12[%swap3A_176], %swap3A_179 {strides = array<i32>} : memref<128xi32, #tpu.memory_space<vmem>>, vector<16xi32>,
    %add3A_180 = arith.addi %scan3A_18#0, %mul3A_25 : i32
    %mul3A_181 = vector.broadcast %add3A_180 : i32 to vector<16xi32>
    %mul3A_182 = arith.muli %broadcast_in_dim3A_1, %mul3A_181 : vector<16xi32>
    %add3A_183 = arith.addi %mul3A_182, %iota3A : vector<16xi32>
    %add3A_184 = arith.constant 0 : i32
    %add3A_185 = vector.broadcast %add3A_184 : i32 to vector<16xi32>
    %add3A_186 = arith.addi %add3A_183, %add3A_185 : vector<16xi32>
    %add3A_187 = arith.constant 112 : i32
    %add3A_188 = vector.broadcast %add3A_187 : i32 to vector<16xi32>
    %add3A_189 = arith.addi %add3A_186, %add3A_188 : vector<16xi32>
    %swap3A_190 = arith.constant 112 : index
    %swap3A_191 = tpu.vector_load %arg10[%swap3A_190] {strides = array<i32>} : memref<128xi32, #tpu.memory_space<vmem>>, vector<16xi32>,
    %swap3A_192 = vector.shape_cast %swap3A_191 : vector<16xi32> to vector<16xi32>
    %swap3A_193 = vector.shape_cast %add3A_189 : vector<16xi32> to vector<16xi32>
    tpu.vector_store %arg10[%swap3A_190], %swap3A_193 {strides = array<i32>} : memref<128xi32, #tpu.memory_space<vmem>>, vector<16xi32>,
    %swap3A_194 = arith.constant 112 : index
    %swap3A_195 = tpu.vector_load %arg11[%swap3A_194] {strides = array<i32>} : memref<128xi32, #tpu.memory_space<vmem>>, vector<16xi32>,
    %swap3A_196 = vector.shape_cast %swap3A_195 : vector<16xi32> to vector<16xi32>
    %swap3A_197 = vector.shape_cast %broadcast_in_dim3A_3 : vector<16xi32> to vector<16xi32>
    tpu.vector_store %arg11[%swap3A_194], %swap3A_197 {strides = array<i32>} : memref<128xi32, #tpu.memory_space<vmem>>, vector<16xi32>,
    %swap3A_198 = arith.constant 112 : index
    %swap3A_199 = tpu.vector_load %arg12[%swap3A_198] {strides = array<i32>} : memref<128xi32, #tpu.memory_space<vmem>>, vector<16xi32>,
    %swap3A_200 = vector.shape_cast %swap3A_199 : vector<16xi32> to vector<16xi32>
    %swap3A_201 = vector.shape_cast %broadcast_in_dim3A_7 : vector<16xi32> to vector<16xi32>
    tpu.vector_store %arg12[%swap3A_198], %swap3A_201 {strides = array<i32>} : memref<128xi32, #tpu.memory_space<vmem>>, vector<16xi32>,
    "tpu.region"() ({
      %run_scoped3A = tpu.sem_alloc : memref<!tpu.dma_semaphore, #tpu.memory_space<semaphore_mem>>
      %dma_start3A = arith.constant 0 : i32
      %dma_start3A_2204 = tpu.memref_slice %arg4[%dma_start3A] : memref<3260432xi32, #tpu.memory_space<hbm>> -> memref<3260432xi32, #tpu.memory_space<hbm>>
      tpu.enqueue_indirect_dma source(%arg11 : memref<128xi32, #tpu.memory_space<vmem>>) target(%dma_start3A_2204 : memref<3260432xi32, #tpu.memory_space<hbm>>) offsets(%arg10 : memref<128xi32, #tpu.memory_space<vmem>>) semaphore(%run_scoped3A : memref<!tpu.dma_semaphore, #tpu.memory_space<semaphore_mem>>)
      %dma_wait3A = arith.constant 0 : i32
      %dma_wait3A_2205 = tpu.memref_slice %arg4[%dma_wait3A] : memref<3260432xi32, #tpu.memory_space<hbm>> -> memref<3260432xi32, #tpu.memory_space<hbm>>
      tpu.wait_indirect_dma semaphore(%run_scoped3A : memref<!tpu.dma_semaphore, #tpu.memory_space<semaphore_mem>>) src(%arg11 : memref<128xi32, #tpu.memory_space<vmem>>) dst(%dma_wait3A_2205 : memref<3260432xi32, #tpu.memory_space<hbm>>)
      tpu.yield
    }) : () -> ()
    "tpu.region"() ({
      %run_scoped3A = tpu.sem_alloc : memref<!tpu.dma_semaphore, #tpu.memory_space<semaphore_mem>>
      %dma_start3A = arith.constant 0 : i32
      %dma_start3A_2204 = tpu.memref_slice %arg5[%dma_start3A] : memref<3260432xi32, #tpu.memory_space<hbm>> -> memref<3260432xi32, #tpu.memory_space<hbm>>
      tpu.enqueue_indirect_dma source(%arg12 : memref<128xi32, #tpu.memory_space<vmem>>) target(%dma_start3A_2204 : memref<3260432xi32, #tpu.memory_space<hbm>>) offsets(%arg10 : memref<128xi32, #tpu.memory_space<vmem>>) semaphore(%run_scoped3A : memref<!tpu.dma_semaphore, #tpu.memory_space<semaphore_mem>>)
      %dma_wait3A = arith.constant 0 : i32
      %dma_wait3A_2205 = tpu.memref_slice %arg5[%dma_wait3A] : memref<3260432xi32, #tpu.memory_space<hbm>> -> memref<3260432xi32, #tpu.memory_space<hbm>>
      tpu.wait_indirect_dma semaphore(%run_scoped3A : memref<!tpu.dma_semaphore, #tpu.memory_space<semaphore_mem>>) src(%arg12 : memref<128xi32, #tpu.memory_space<vmem>>) dst(%dma_wait3A_2205 : memref<3260432xi32, #tpu.memory_space<hbm>>)
      tpu.yield
    }) : () -> ()
    %add3A_202 = arith.addi %scan3A_18#0, %mul3A_25 : i32
    %mul3A_203 = vector.broadcast %add3A_202 : i32 to vector<16xi32>
    %mul3A_204 = arith.muli %broadcast_in_dim3A_1, %mul3A_203 : vector<16xi32>
    %add3A_205 = arith.addi %mul3A_204, %iota3A : vector<16xi32>
    %add3A_206 = arith.constant 128 : i32
    %add3A_207 = vector.broadcast %add3A_206 : i32 to vector<16xi32>
    %add3A_208 = arith.addi %add3A_205, %add3A_207 : vector<16xi32>
    %add3A_209 = arith.constant 0 : i32
    %add3A_210 = vector.broadcast %add3A_209 : i32 to vector<16xi32>
    %add3A_211 = arith.addi %add3A_208, %add3A_210 : vector<16xi32>
    %swap3A_212 = arith.constant 0 : index
    %swap3A_213 = tpu.vector_load %arg10[%swap3A_212] {strides = array<i32>} : memref<128xi32, #tpu.memory_space<vmem>>, vector<16xi32>,
    %swap3A_214 = vector.shape_cast %swap3A_213 : vector<16xi32> to vector<16xi32>
    %swap3A_215 = vector.shape_cast %add3A_211 : vector<16xi32> to vector<16xi32>
    tpu.vector_store %arg10[%swap3A_212], %swap3A_215 {strides = array<i32>} : memref<128xi32, #tpu.memory_space<vmem>>, vector<16xi32>,
    %swap3A_216 = arith.constant 0 : index
    %swap3A_217 = tpu.vector_load %arg11[%swap3A_216] {strides = array<i32>} : memref<128xi32, #tpu.memory_space<vmem>>, vector<16xi32>,
    %swap3A_218 = vector.shape_cast %swap3A_217 : vector<16xi32> to vector<16xi32>
    %swap3A_219 = vector.shape_cast %broadcast_in_dim3A_3 : vector<16xi32> to vector<16xi32>
    tpu.vector_store %arg11[%swap3A_216], %swap3A_219 {strides = array<i32>} : memref<128xi32, #tpu.memory_space<vmem>>, vector<16xi32>,
    %swap3A_220 = arith.constant 0 : index
    %swap3A_221 = tpu.vector_load %arg12[%swap3A_220] {strides = array<i32>} : memref<128xi32, #tpu.memory_space<vmem>>, vector<16xi32>,
    %swap3A_222 = vector.shape_cast %swap3A_221 : vector<16xi32> to vector<16xi32>
    %swap3A_223 = vector.shape_cast %broadcast_in_dim3A_7 : vector<16xi32> to vector<16xi32>
    tpu.vector_store %arg12[%swap3A_220], %swap3A_223 {strides = array<i32>} : memref<128xi32, #tpu.memory_space<vmem>>, vector<16xi32>,
    %add3A_224 = arith.addi %scan3A_18#0, %mul3A_25 : i32
    %mul3A_225 = vector.broadcast %add3A_224 : i32 to vector<16xi32>
    %mul3A_226 = arith.muli %broadcast_in_dim3A_1, %mul3A_225 : vector<16xi32>
    %add3A_227 = arith.addi %mul3A_226, %iota3A : vector<16xi32>
    %add3A_228 = arith.constant 128 : i32
    %add3A_229 = vector.broadcast %add3A_228 : i32 to vector<16xi32>
    %add3A_230 = arith.addi %add3A_227, %add3A_229 : vector<16xi32>
    %add3A_231 = arith.constant 16 : i32
    %add3A_232 = vector.broadcast %add3A_231 : i32 to vector<16xi32>
    %add3A_233 = arith.addi %add3A_230, %add3A_232 : vector<16xi32>
    %swap3A_234 = arith.constant 16 : index
    %swap3A_235 = tpu.vector_load %arg10[%swap3A_234] {strides = array<i32>} : memref<128xi32, #tpu.memory_space<vmem>>, vector<16xi32>,
    %swap3A_236 = vector.shape_cast %swap3A_235 : vector<16xi32> to vector<16xi32>
    %swap3A_237 = vector.shape_cast %add3A_233 : vector<16xi32> to vector<16xi32>
    tpu.vector_store %arg10[%swap3A_234], %swap3A_237 {strides = array<i32>} : memref<128xi32, #tpu.memory_space<vmem>>, vector<16xi32>,
    %swap3A_238 = arith.constant 16 : index
    %swap3A_239 = tpu.vector_load %arg11[%swap3A_238] {strides = array<i32>} : memref<128xi32, #tpu.memory_space<vmem>>, vector<16xi32>,
    %swap3A_240 = vector.shape_cast %swap3A_239 : vector<16xi32> to vector<16xi32>
    %swap3A_241 = vector.shape_cast %broadcast_in_dim3A_3 : vector<16xi32> to vector<16xi32>
    tpu.vector_store %arg11[%swap3A_238], %swap3A_241 {strides = array<i32>} : memref<128xi32, #tpu.memory_space<vmem>>, vector<16xi32>,
    %swap3A_242 = arith.constant 16 : index
    %swap3A_243 = tpu.vector_load %arg12[%swap3A_242] {strides = array<i32>} : memref<128xi32, #tpu.memory_space<vmem>>, vector<16xi32>,
    %swap3A_244 = vector.shape_cast %swap3A_243 : vector<16xi32> to vector<16xi32>
    %swap3A_245 = vector.shape_cast %broadcast_in_dim3A_7 : vector<16xi32> to vector<16xi32>
    tpu.vector_store %arg12[%swap3A_242], %swap3A_245 {strides = array<i32>} : memref<128xi32, #tpu.memory_space<vmem>>, vector<16xi32>,
    %add3A_246 = arith.addi %scan3A_18#0, %mul3A_25 : i32
    %mul3A_247 = vector.broadcast %add3A_246 : i32 to vector<16xi32>
    %mul3A_248 = arith.muli %broadcast_in_dim3A_1, %mul3A_247 : vector<16xi32>
    %add3A_249 = arith.addi %mul3A_248, %iota3A : vector<16xi32>
    %add3A_250 = arith.constant 128 : i32
    %add3A_251 = vector.broadcast %add3A_250 : i32 to vector<16xi32>
    %add3A_252 = arith.addi %add3A_249, %add3A_251 : vector<16xi32>
    %add3A_253 = arith.constant 32 : i32
    %add3A_254 = vector.broadcast %add3A_253 : i32 to vector<16xi32>
    %add3A_255 = arith.addi %add3A_252, %add3A_254 : vector<16xi32>
    %swap3A_256 = arith.constant 32 : index
    %swap3A_257 = tpu.vector_load %arg10[%swap3A_256] {strides = array<i32>} : memref<128xi32, #tpu.memory_space<vmem>>, vector<16xi32>,
    %swap3A_258 = vector.shape_cast %swap3A_257 : vector<16xi32> to vector<16xi32>
    %swap3A_259 = vector.shape_cast %add3A_255 : vector<16xi32> to vector<16xi32>
    tpu.vector_store %arg10[%swap3A_256], %swap3A_259 {strides = array<i32>} : memref<128xi32, #tpu.memory_space<vmem>>, vector<16xi32>,
    %swap3A_260 = arith.constant 32 : index
    %swap3A_261 = tpu.vector_load %arg11[%swap3A_260] {strides = array<i32>} : memref<128xi32, #tpu.memory_space<vmem>>, vector<16xi32>,
    %swap3A_262 = vector.shape_cast %swap3A_261 : vector<16xi32> to vector<16xi32>
    %swap3A_263 = vector.shape_cast %broadcast_in_dim3A_3 : vector<16xi32> to vector<16xi32>
    tpu.vector_store %arg11[%swap3A_260], %swap3A_263 {strides = array<i32>} : memref<128xi32, #tpu.memory_space<vmem>>, vector<16xi32>,
    %swap3A_264 = arith.constant 32 : index
    %swap3A_265 = tpu.vector_load %arg12[%swap3A_264] {strides = array<i32>} : memref<128xi32, #tpu.memory_space<vmem>>, vector<16xi32>,
    %swap3A_266 = vector.shape_cast %swap3A_265 : vector<16xi32> to vector<16xi32>
    %swap3A_267 = vector.shape_cast %broadcast_in_dim3A_7 : vector<16xi32> to vector<16xi32>
    tpu.vector_store %arg12[%swap3A_264], %swap3A_267 {strides = array<i32>} : memref<128xi32, #tpu.memory_space<vmem>>, vector<16xi32>,
    %add3A_268 = arith.addi %scan3A_18#0, %mul3A_25 : i32
    %mul3A_269 = vector.broadcast %add3A_268 : i32 to vector<16xi32>
    %mul3A_270 = arith.muli %broadcast_in_dim3A_1, %mul3A_269 : vector<16xi32>
    %add3A_271 = arith.addi %mul3A_270, %iota3A : vector<16xi32>
    %add3A_272 = arith.constant 128 : i32
    %add3A_273 = vector.broadcast %add3A_272 : i32 to vector<16xi32>
    %add3A_274 = arith.addi %add3A_271, %add3A_273 : vector<16xi32>
    %add3A_275 = arith.constant 48 : i32
    %add3A_276 = vector.broadcast %add3A_275 : i32 to vector<16xi32>
    %add3A_277 = arith.addi %add3A_274, %add3A_276 : vector<16xi32>
    %swap3A_278 = arith.constant 48 : index
    %swap3A_279 = tpu.vector_load %arg10[%swap3A_278] {strides = array<i32>} : memref<128xi32, #tpu.memory_space<vmem>>, vector<16xi32>,
    %swap3A_280 = vector.shape_cast %swap3A_279 : vector<16xi32> to vector<16xi32>
    %swap3A_281 = vector.shape_cast %add3A_277 : vector<16xi32> to vector<16xi32>
    tpu.vector_store %arg10[%swap3A_278], %swap3A_281 {strides = array<i32>} : memref<128xi32, #tpu.memory_space<vmem>>, vector<16xi32>,
    %swap3A_282 = arith.constant 48 : index
    %swap3A_283 = tpu.vector_load %arg11[%swap3A_282] {strides = array<i32>} : memref<128xi32, #tpu.memory_space<vmem>>, vector<16xi32>,
    %swap3A_284 = vector.shape_cast %swap3A_283 : vector<16xi32> to vector<16xi32>
    %swap3A_285 = vector.shape_cast %broadcast_in_dim3A_3 : vector<16xi32> to vector<16xi32>
    tpu.vector_store %arg11[%swap3A_282], %swap3A_285 {strides = array<i32>} : memref<128xi32, #tpu.memory_space<vmem>>, vector<16xi32>,
    %swap3A_286 = arith.constant 48 : index
    %swap3A_287 = tpu.vector_load %arg12[%swap3A_286] {strides = array<i32>} : memref<128xi32, #tpu.memory_space<vmem>>, vector<16xi32>,
    %swap3A_288 = vector.shape_cast %swap3A_287 : vector<16xi32> to vector<16xi32>
    %swap3A_289 = vector.shape_cast %broadcast_in_dim3A_7 : vector<16xi32> to vector<16xi32>
    tpu.vector_store %arg12[%swap3A_286], %swap3A_289 {strides = array<i32>} : memref<128xi32, #tpu.memory_space<vmem>>, vector<16xi32>,
    %add3A_290 = arith.addi %scan3A_18#0, %mul3A_25 : i32
    %mul3A_291 = vector.broadcast %add3A_290 : i32 to vector<16xi32>
    %mul3A_292 = arith.muli %broadcast_in_dim3A_1, %mul3A_291 : vector<16xi32>
    %add3A_293 = arith.addi %mul3A_292, %iota3A : vector<16xi32>
    %add3A_294 = arith.constant 128 : i32
    %add3A_295 = vector.broadcast %add3A_294 : i32 to vector<16xi32>
    %add3A_296 = arith.addi %add3A_293, %add3A_295 : vector<16xi32>
    %add3A_297 = arith.constant 64 : i32
    %add3A_298 = vector.broadcast %add3A_297 : i32 to vector<16xi32>
    %add3A_299 = arith.addi %add3A_296, %add3A_298 : vector<16xi32>
    %swap3A_300 = arith.constant 64 : index
    %swap3A_301 = tpu.vector_load %arg10[%swap3A_300] {strides = array<i32>} : memref<128xi32, #tpu.memory_space<vmem>>, vector<16xi32>,
    %swap3A_302 = vector.shape_cast %swap3A_301 : vector<16xi32> to vector<16xi32>
    %swap3A_303 = vector.shape_cast %add3A_299 : vector<16xi32> to vector<16xi32>
    tpu.vector_store %arg10[%swap3A_300], %swap3A_303 {strides = array<i32>} : memref<128xi32, #tpu.memory_space<vmem>>, vector<16xi32>,
    %swap3A_304 = arith.constant 64 : index
    %swap3A_305 = tpu.vector_load %arg11[%swap3A_304] {strides = array<i32>} : memref<128xi32, #tpu.memory_space<vmem>>, vector<16xi32>,
    %swap3A_306 = vector.shape_cast %swap3A_305 : vector<16xi32> to vector<16xi32>
    %swap3A_307 = vector.shape_cast %broadcast_in_dim3A_3 : vector<16xi32> to vector<16xi32>
    tpu.vector_store %arg11[%swap3A_304], %swap3A_307 {strides = array<i32>} : memref<128xi32, #tpu.memory_space<vmem>>, vector<16xi32>,
    %swap3A_308 = arith.constant 64 : index
    %swap3A_309 = tpu.vector_load %arg12[%swap3A_308] {strides = array<i32>} : memref<128xi32, #tpu.memory_space<vmem>>, vector<16xi32>,
    %swap3A_310 = vector.shape_cast %swap3A_309 : vector<16xi32> to vector<16xi32>
    %swap3A_311 = vector.shape_cast %broadcast_in_dim3A_7 : vector<16xi32> to vector<16xi32>
    tpu.vector_store %arg12[%swap3A_308], %swap3A_311 {strides = array<i32>} : memref<128xi32, #tpu.memory_space<vmem>>, vector<16xi32>,
    %add3A_312 = arith.addi %scan3A_18#0, %mul3A_25 : i32
    %mul3A_313 = vector.broadcast %add3A_312 : i32 to vector<16xi32>
    %mul3A_314 = arith.muli %broadcast_in_dim3A_1, %mul3A_313 : vector<16xi32>
    %add3A_315 = arith.addi %mul3A_314, %iota3A : vector<16xi32>
    %add3A_316 = arith.constant 128 : i32
    %add3A_317 = vector.broadcast %add3A_316 : i32 to vector<16xi32>
    %add3A_318 = arith.addi %add3A_315, %add3A_317 : vector<16xi32>
    %add3A_319 = arith.constant 80 : i32
    %add3A_320 = vector.broadcast %add3A_319 : i32 to vector<16xi32>
    %add3A_321 = arith.addi %add3A_318, %add3A_320 : vector<16xi32>
    %swap3A_322 = arith.constant 80 : index
    %swap3A_323 = tpu.vector_load %arg10[%swap3A_322] {strides = array<i32>} : memref<128xi32, #tpu.memory_space<vmem>>, vector<16xi32>,
    %swap3A_324 = vector.shape_cast %swap3A_323 : vector<16xi32> to vector<16xi32>
    %swap3A_325 = vector.shape_cast %add3A_321 : vector<16xi32> to vector<16xi32>
    tpu.vector_store %arg10[%swap3A_322], %swap3A_325 {strides = array<i32>} : memref<128xi32, #tpu.memory_space<vmem>>, vector<16xi32>,
    %swap3A_326 = arith.constant 80 : index
    %swap3A_327 = tpu.vector_load %arg11[%swap3A_326] {strides = array<i32>} : memref<128xi32, #tpu.memory_space<vmem>>, vector<16xi32>,
    %swap3A_328 = vector.shape_cast %swap3A_327 : vector<16xi32> to vector<16xi32>
    %swap3A_329 = vector.shape_cast %broadcast_in_dim3A_3 : vector<16xi32> to vector<16xi32>
    tpu.vector_store %arg11[%swap3A_326], %swap3A_329 {strides = array<i32>} : memref<128xi32, #tpu.memory_space<vmem>>, vector<16xi32>,
    %swap3A_330 = arith.constant 80 : index
    %swap3A_331 = tpu.vector_load %arg12[%swap3A_330] {strides = array<i32>} : memref<128xi32, #tpu.memory_space<vmem>>, vector<16xi32>,
    %swap3A_332 = vector.shape_cast %swap3A_331 : vector<16xi32> to vector<16xi32>
    %swap3A_333 = vector.shape_cast %broadcast_in_dim3A_7 : vector<16xi32> to vector<16xi32>
    tpu.vector_store %arg12[%swap3A_330], %swap3A_333 {strides = array<i32>} : memref<128xi32, #tpu.memory_space<vmem>>, vector<16xi32>,
    %add3A_334 = arith.addi %scan3A_18#0, %mul3A_25 : i32
    %mul3A_335 = vector.broadcast %add3A_334 : i32 to vector<16xi32>
    %mul3A_336 = arith.muli %broadcast_in_dim3A_1, %mul3A_335 : vector<16xi32>
    %add3A_337 = arith.addi %mul3A_336, %iota3A : vector<16xi32>
    %add3A_338 = arith.constant 128 : i32
    %add3A_339 = vector.broadcast %add3A_338 : i32 to vector<16xi32>
    %add3A_340 = arith.addi %add3A_337, %add3A_339 : vector<16xi32>
    %add3A_341 = arith.constant 96 : i32
    %add3A_342 = vector.broadcast %add3A_341 : i32 to vector<16xi32>
    %add3A_343 = arith.addi %add3A_340, %add3A_342 : vector<16xi32>
    %swap3A_344 = arith.constant 96 : index
    %swap3A_345 = tpu.vector_load %arg10[%swap3A_344] {strides = array<i32>} : memref<128xi32, #tpu.memory_space<vmem>>, vector<16xi32>,
    %swap3A_346 = vector.shape_cast %swap3A_345 : vector<16xi32> to vector<16xi32>
    %swap3A_347 = vector.shape_cast %add3A_343 : vector<16xi32> to vector<16xi32>
    tpu.vector_store %arg10[%swap3A_344], %swap3A_347 {strides = array<i32>} : memref<128xi32, #tpu.memory_space<vmem>>, vector<16xi32>,
    %swap3A_348 = arith.constant 96 : index
    %swap3A_349 = tpu.vector_load %arg11[%swap3A_348] {strides = array<i32>} : memref<128xi32, #tpu.memory_space<vmem>>, vector<16xi32>,
    %swap3A_350 = vector.shape_cast %swap3A_349 : vector<16xi32> to vector<16xi32>
    %swap3A_351 = vector.shape_cast %broadcast_in_dim3A_3 : vector<16xi32> to vector<16xi32>
    tpu.vector_store %arg11[%swap3A_348], %swap3A_351 {strides = array<i32>} : memref<128xi32, #tpu.memory_space<vmem>>, vector<16xi32>,
    %swap3A_352 = arith.constant 96 : index
    %swap3A_353 = tpu.vector_load %arg12[%swap3A_352] {strides = array<i32>} : memref<128xi32, #tpu.memory_space<vmem>>, vector<16xi32>,
    %swap3A_354 = vector.shape_cast %swap3A_353 : vector<16xi32> to vector<16xi32>
    %swap3A_355 = vector.shape_cast %broadcast_in_dim3A_7 : vector<16xi32> to vector<16xi32>
    tpu.vector_store %arg12[%swap3A_352], %swap3A_355 {strides = array<i32>} : memref<128xi32, #tpu.memory_space<vmem>>, vector<16xi32>,
    %add3A_356 = arith.addi %scan3A_18#0, %mul3A_25 : i32
    %mul3A_357 = vector.broadcast %add3A_356 : i32 to vector<16xi32>
    %mul3A_358 = arith.muli %broadcast_in_dim3A_1, %mul3A_357 : vector<16xi32>
    %add3A_359 = arith.addi %mul3A_358, %iota3A : vector<16xi32>
    %add3A_360 = arith.constant 128 : i32
    %add3A_361 = vector.broadcast %add3A_360 : i32 to vector<16xi32>
    %add3A_362 = arith.addi %add3A_359, %add3A_361 : vector<16xi32>
    %add3A_363 = arith.constant 112 : i32
    %add3A_364 = vector.broadcast %add3A_363 : i32 to vector<16xi32>
    %add3A_365 = arith.addi %add3A_362, %add3A_364 : vector<16xi32>
    %swap3A_366 = arith.constant 112 : index
    %swap3A_367 = tpu.vector_load %arg10[%swap3A_366] {strides = array<i32>} : memref<128xi32, #tpu.memory_space<vmem>>, vector<16xi32>,
    %swap3A_368 = vector.shape_cast %swap3A_367 : vector<16xi32> to vector<16xi32>
    %swap3A_369 = vector.shape_cast %add3A_365 : vector<16xi32> to vector<16xi32>
    tpu.vector_store %arg10[%swap3A_366], %swap3A_369 {strides = array<i32>} : memref<128xi32, #tpu.memory_space<vmem>>, vector<16xi32>,
    %swap3A_370 = arith.constant 112 : index
    %swap3A_371 = tpu.vector_load %arg11[%swap3A_370] {strides = array<i32>} : memref<128xi32, #tpu.memory_space<vmem>>, vector<16xi32>,
    %swap3A_372 = vector.shape_cast %swap3A_371 : vector<16xi32> to vector<16xi32>
    %swap3A_373 = vector.shape_cast %broadcast_in_dim3A_3 : vector<16xi32> to vector<16xi32>
    tpu.vector_store %arg11[%swap3A_370], %swap3A_373 {strides = array<i32>} : memref<128xi32, #tpu.memory_space<vmem>>, vector<16xi32>,
    %swap3A_374 = arith.constant 112 : index
    %swap3A_375 = tpu.vector_load %arg12[%swap3A_374] {strides = array<i32>} : memref<128xi32, #tpu.memory_space<vmem>>, vector<16xi32>,
    %swap3A_376 = vector.shape_cast %swap3A_375 : vector<16xi32> to vector<16xi32>
    %swap3A_377 = vector.shape_cast %broadcast_in_dim3A_7 : vector<16xi32> to vector<16xi32>
    tpu.vector_store %arg12[%swap3A_374], %swap3A_377 {strides = array<i32>} : memref<128xi32, #tpu.memory_space<vmem>>, vector<16xi32>,
    "tpu.region"() ({
      %run_scoped3A = tpu.sem_alloc : memref<!tpu.dma_semaphore, #tpu.memory_space<semaphore_mem>>
      %dma_start3A = arith.constant 0 : i32
      %dma_start3A_2204 = tpu.memref_slice %arg4[%dma_start3A] : memref<3260432xi32, #tpu.memory_space<hbm>> -> memref<3260432xi32, #tpu.memory_space<hbm>>
      tpu.enqueue_indirect_dma source(%arg11 : memref<128xi32, #tpu.memory_space<vmem>>) target(%dma_start3A_2204 : memref<3260432xi32, #tpu.memory_space<hbm>>) offsets(%arg10 : memref<128xi32, #tpu.memory_space<vmem>>) semaphore(%run_scoped3A : memref<!tpu.dma_semaphore, #tpu.memory_space<semaphore_mem>>)
      %dma_wait3A = arith.constant 0 : i32
      %dma_wait3A_2205 = tpu.memref_slice %arg4[%dma_wait3A] : memref<3260432xi32, #tpu.memory_space<hbm>> -> memref<3260432xi32, #tpu.memory_space<hbm>>
      tpu.wait_indirect_dma semaphore(%run_scoped3A : memref<!tpu.dma_semaphore, #tpu.memory_space<semaphore_mem>>) src(%arg11 : memref<128xi32, #tpu.memory_space<vmem>>) dst(%dma_wait3A_2205 : memref<3260432xi32, #tpu.memory_space<hbm>>)
      tpu.yield
    }) : () -> ()
    "tpu.region"() ({
      %run_scoped3A = tpu.sem_alloc : memref<!tpu.dma_semaphore, #tpu.memory_space<semaphore_mem>>
      %dma_start3A = arith.constant 0 : i32
      %dma_start3A_2204 = tpu.memref_slice %arg5[%dma_start3A] : memref<3260432xi32, #tpu.memory_space<hbm>> -> memref<3260432xi32, #tpu.memory_space<hbm>>
      tpu.enqueue_indirect_dma source(%arg12 : memref<128xi32, #tpu.memory_space<vmem>>) target(%dma_start3A_2204 : memref<3260432xi32, #tpu.memory_space<hbm>>) offsets(%arg10 : memref<128xi32, #tpu.memory_space<vmem>>) semaphore(%run_scoped3A : memref<!tpu.dma_semaphore, #tpu.memory_space<semaphore_mem>>)
      %dma_wait3A = arith.constant 0 : i32
      %dma_wait3A_2205 = tpu.memref_slice %arg5[%dma_wait3A] : memref<3260432xi32, #tpu.memory_space<hbm>> -> memref<3260432xi32, #tpu.memory_space<hbm>>
      tpu.wait_indirect_dma semaphore(%run_scoped3A : memref<!tpu.dma_semaphore, #tpu.memory_space<semaphore_mem>>) src(%arg12 : memref<128xi32, #tpu.memory_space<vmem>>) dst(%dma_wait3A_2205 : memref<3260432xi32, #tpu.memory_space<hbm>>)
      tpu.yield
    }) : () -> ()
    %add3A_378 = arith.addi %scan3A_18#0, %mul3A_25 : i32
    %mul3A_379 = vector.broadcast %add3A_378 : i32 to vector<16xi32>
    %mul3A_380 = arith.muli %broadcast_in_dim3A_1, %mul3A_379 : vector<16xi32>
    %add3A_381 = arith.addi %mul3A_380, %iota3A : vector<16xi32>
    %add3A_382 = arith.constant 256 : i32
    %add3A_383 = vector.broadcast %add3A_382 : i32 to vector<16xi32>
    %add3A_384 = arith.addi %add3A_381, %add3A_383 : vector<16xi32>
    %add3A_385 = arith.constant 0 : i32
    %add3A_386 = vector.broadcast %add3A_385 : i32 to vector<16xi32>
    %add3A_387 = arith.addi %add3A_384, %add3A_386 : vector<16xi32>
    %swap3A_388 = arith.constant 0 : index
    %swap3A_389 = tpu.vector_load %arg10[%swap3A_388] {strides = array<i32>} : memref<128xi32, #tpu.memory_space<vmem>>, vector<16xi32>,
    %swap3A_390 = vector.shape_cast %swap3A_389 : vector<16xi32> to vector<16xi32>
    %swap3A_391 = vector.shape_cast %add3A_387 : vector<16xi32> to vector<16xi32>
    tpu.vector_store %arg10[%swap3A_388], %swap3A_391 {strides = array<i32>} : memref<128xi32, #tpu.memory_space<vmem>>, vector<16xi32>,
    %swap3A_392 = arith.constant 0 : index
    %swap3A_393 = tpu.vector_load %arg11[%swap3A_392] {strides = array<i32>} : memref<128xi32, #tpu.memory_space<vmem>>, vector<16xi32>,
    %swap3A_394 = vector.shape_cast %swap3A_393 : vector<16xi32> to vector<16xi32>
    %swap3A_395 = vector.shape_cast %broadcast_in_dim3A_3 : vector<16xi32> to vector<16xi32>
    tpu.vector_store %arg11[%swap3A_392], %swap3A_395 {strides = array<i32>} : memref<128xi32, #tpu.memory_space<vmem>>, vector<16xi32>,
    %swap3A_396 = arith.constant 0 : index
    %swap3A_397 = tpu.vector_load %arg12[%swap3A_396] {strides = array<i32>} : memref<128xi32, #tpu.memory_space<vmem>>, vector<16xi32>,
    %swap3A_398 = vector.shape_cast %swap3A_397 : vector<16xi32> to vector<16xi32>
    %swap3A_399 = vector.shape_cast %broadcast_in_dim3A_7 : vector<16xi32> to vector<16xi32>
    tpu.vector_store %arg12[%swap3A_396], %swap3A_399 {strides = array<i32>} : memref<128xi32, #tpu.memory_space<vmem>>, vector<16xi32>,
    %add3A_400 = arith.addi %scan3A_18#0, %mul3A_25 : i32
    %mul3A_401 = vector.broadcast %add3A_400 : i32 to vector<16xi32>
    %mul3A_402 = arith.muli %broadcast_in_dim3A_1, %mul3A_401 : vector<16xi32>
    %add3A_403 = arith.addi %mul3A_402, %iota3A : vector<16xi32>
    %add3A_404 = arith.constant 256 : i32
    %add3A_405 = vector.broadcast %add3A_404 : i32 to vector<16xi32>
    %add3A_406 = arith.addi %add3A_403, %add3A_405 : vector<16xi32>
    %add3A_407 = arith.constant 16 : i32
    %add3A_408 = vector.broadcast %add3A_407 : i32 to vector<16xi32>
    %add3A_409 = arith.addi %add3A_406, %add3A_408 : vector<16xi32>
    %swap3A_410 = arith.constant 16 : index
    %swap3A_411 = tpu.vector_load %arg10[%swap3A_410] {strides = array<i32>} : memref<128xi32, #tpu.memory_space<vmem>>, vector<16xi32>,
    %swap3A_412 = vector.shape_cast %swap3A_411 : vector<16xi32> to vector<16xi32>
    %swap3A_413 = vector.shape_cast %add3A_409 : vector<16xi32> to vector<16xi32>
    tpu.vector_store %arg10[%swap3A_410], %swap3A_413 {strides = array<i32>} : memref<128xi32, #tpu.memory_space<vmem>>, vector<16xi32>,
    %swap3A_414 = arith.constant 16 : index
    %swap3A_415 = tpu.vector_load %arg11[%swap3A_414] {strides = array<i32>} : memref<128xi32, #tpu.memory_space<vmem>>, vector<16xi32>,
    %swap3A_416 = vector.shape_cast %swap3A_415 : vector<16xi32> to vector<16xi32>
    %swap3A_417 = vector.shape_cast %broadcast_in_dim3A_3 : vector<16xi32> to vector<16xi32>
    tpu.vector_store %arg11[%swap3A_414], %swap3A_417 {strides = array<i32>} : memref<128xi32, #tpu.memory_space<vmem>>, vector<16xi32>,
    %swap3A_418 = arith.constant 16 : index
    %swap3A_419 = tpu.vector_load %arg12[%swap3A_418] {strides = array<i32>} : memref<128xi32, #tpu.memory_space<vmem>>, vector<16xi32>,
    %swap3A_420 = vector.shape_cast %swap3A_419 : vector<16xi32> to vector<16xi32>
    %swap3A_421 = vector.shape_cast %broadcast_in_dim3A_7 : vector<16xi32> to vector<16xi32>
    tpu.vector_store %arg12[%swap3A_418], %swap3A_421 {strides = array<i32>} : memref<128xi32, #tpu.memory_space<vmem>>, vector<16xi32>,
    %add3A_422 = arith.addi %scan3A_18#0, %mul3A_25 : i32
    %mul3A_423 = vector.broadcast %add3A_422 : i32 to vector<16xi32>
    %mul3A_424 = arith.muli %broadcast_in_dim3A_1, %mul3A_423 : vector<16xi32>
    %add3A_425 = arith.addi %mul3A_424, %iota3A : vector<16xi32>
    %add3A_426 = arith.constant 256 : i32
    %add3A_427 = vector.broadcast %add3A_426 : i32 to vector<16xi32>
    %add3A_428 = arith.addi %add3A_425, %add3A_427 : vector<16xi32>
    %add3A_429 = arith.constant 32 : i32
    %add3A_430 = vector.broadcast %add3A_429 : i32 to vector<16xi32>
    %add3A_431 = arith.addi %add3A_428, %add3A_430 : vector<16xi32>
    %swap3A_432 = arith.constant 32 : index
    %swap3A_433 = tpu.vector_load %arg10[%swap3A_432] {strides = array<i32>} : memref<128xi32, #tpu.memory_space<vmem>>, vector<16xi32>,
    %swap3A_434 = vector.shape_cast %swap3A_433 : vector<16xi32> to vector<16xi32>
    %swap3A_435 = vector.shape_cast %add3A_431 : vector<16xi32> to vector<16xi32>
    tpu.vector_store %arg10[%swap3A_432], %swap3A_435 {strides = array<i32>} : memref<128xi32, #tpu.memory_space<vmem>>, vector<16xi32>,
    %swap3A_436 = arith.constant 32 : index
    %swap3A_437 = tpu.vector_load %arg11[%swap3A_436] {strides = array<i32>} : memref<128xi32, #tpu.memory_space<vmem>>, vector<16xi32>,
    %swap3A_438 = vector.shape_cast %swap3A_437 : vector<16xi32> to vector<16xi32>
    %swap3A_439 = vector.shape_cast %broadcast_in_dim3A_3 : vector<16xi32> to vector<16xi32>
    tpu.vector_store %arg11[%swap3A_436], %swap3A_439 {strides = array<i32>} : memref<128xi32, #tpu.memory_space<vmem>>, vector<16xi32>,
    %swap3A_440 = arith.constant 32 : index
    %swap3A_441 = tpu.vector_load %arg12[%swap3A_440] {strides = array<i32>} : memref<128xi32, #tpu.memory_space<vmem>>, vector<16xi32>,
    %swap3A_442 = vector.shape_cast %swap3A_441 : vector<16xi32> to vector<16xi32>
    %swap3A_443 = vector.shape_cast %broadcast_in_dim3A_7 : vector<16xi32> to vector<16xi32>
    tpu.vector_store %arg12[%swap3A_440], %swap3A_443 {strides = array<i32>} : memref<128xi32, #tpu.memory_space<vmem>>, vector<16xi32>,
    %add3A_444 = arith.addi %scan3A_18#0, %mul3A_25 : i32
    %mul3A_445 = vector.broadcast %add3A_444 : i32 to vector<16xi32>
    %mul3A_446 = arith.muli %broadcast_in_dim3A_1, %mul3A_445 : vector<16xi32>
    %add3A_447 = arith.addi %mul3A_446, %iota3A : vector<16xi32>
    %add3A_448 = arith.constant 256 : i32
    %add3A_449 = vector.broadcast %add3A_448 : i32 to vector<16xi32>
    %add3A_450 = arith.addi %add3A_447, %add3A_449 : vector<16xi32>
    %add3A_451 = arith.constant 48 : i32
    %add3A_452 = vector.broadcast %add3A_451 : i32 to vector<16xi32>
    %add3A_453 = arith.addi %add3A_450, %add3A_452 : vector<16xi32>
    %swap3A_454 = arith.constant 48 : index
    %swap3A_455 = tpu.vector_load %arg10[%swap3A_454] {strides = array<i32>} : memref<128xi32, #tpu.memory_space<vmem>>, vector<16xi32>,
    %swap3A_456 = vector.shape_cast %swap3A_455 : vector<16xi32> to vector<16xi32>
    %swap3A_457 = vector.shape_cast %add3A_453 : vector<16xi32> to vector<16xi32>
    tpu.vector_store %arg10[%swap3A_454], %swap3A_457 {strides = array<i32>} : memref<128xi32, #tpu.memory_space<vmem>>, vector<16xi32>,
    %swap3A_458 = arith.constant 48 : index
    %swap3A_459 = tpu.vector_load %arg11[%swap3A_458] {strides = array<i32>} : memref<128xi32, #tpu.memory_space<vmem>>, vector<16xi32>,
    %swap3A_460 = vector.shape_cast %swap3A_459 : vector<16xi32> to vector<16xi32>
    %swap3A_461 = vector.shape_cast %broadcast_in_dim3A_3 : vector<16xi32> to vector<16xi32>
    tpu.vector_store %arg11[%swap3A_458], %swap3A_461 {strides = array<i32>} : memref<128xi32, #tpu.memory_space<vmem>>, vector<16xi32>,
    %swap3A_462 = arith.constant 48 : index
    %swap3A_463 = tpu.vector_load %arg12[%swap3A_462] {strides = array<i32>} : memref<128xi32, #tpu.memory_space<vmem>>, vector<16xi32>,
    %swap3A_464 = vector.shape_cast %swap3A_463 : vector<16xi32> to vector<16xi32>
    %swap3A_465 = vector.shape_cast %broadcast_in_dim3A_7 : vector<16xi32> to vector<16xi32>
    tpu.vector_store %arg12[%swap3A_462], %swap3A_465 {strides = array<i32>} : memref<128xi32, #tpu.memory_space<vmem>>, vector<16xi32>,
    %add3A_466 = arith.addi %scan3A_18#0, %mul3A_25 : i32
    %mul3A_467 = vector.broadcast %add3A_466 : i32 to vector<16xi32>
    %mul3A_468 = arith.muli %broadcast_in_dim3A_1, %mul3A_467 : vector<16xi32>
    %add3A_469 = arith.addi %mul3A_468, %iota3A : vector<16xi32>
    %add3A_470 = arith.constant 256 : i32
    %add3A_471 = vector.broadcast %add3A_470 : i32 to vector<16xi32>
    %add3A_472 = arith.addi %add3A_469, %add3A_471 : vector<16xi32>
    %add3A_473 = arith.constant 64 : i32
    %add3A_474 = vector.broadcast %add3A_473 : i32 to vector<16xi32>
    %add3A_475 = arith.addi %add3A_472, %add3A_474 : vector<16xi32>
    %swap3A_476 = arith.constant 64 : index
    %swap3A_477 = tpu.vector_load %arg10[%swap3A_476] {strides = array<i32>} : memref<128xi32, #tpu.memory_space<vmem>>, vector<16xi32>,
    %swap3A_478 = vector.shape_cast %swap3A_477 : vector<16xi32> to vector<16xi32>
    %swap3A_479 = vector.shape_cast %add3A_475 : vector<16xi32> to vector<16xi32>
    tpu.vector_store %arg10[%swap3A_476], %swap3A_479 {strides = array<i32>} : memref<128xi32, #tpu.memory_space<vmem>>, vector<16xi32>,
    %swap3A_480 = arith.constant 64 : index
    %swap3A_481 = tpu.vector_load %arg11[%swap3A_480] {strides = array<i32>} : memref<128xi32, #tpu.memory_space<vmem>>, vector<16xi32>,
    %swap3A_482 = vector.shape_cast %swap3A_481 : vector<16xi32> to vector<16xi32>
    %swap3A_483 = vector.shape_cast %broadcast_in_dim3A_3 : vector<16xi32> to vector<16xi32>
    tpu.vector_store %arg11[%swap3A_480], %swap3A_483 {strides = array<i32>} : memref<128xi32, #tpu.memory_space<vmem>>, vector<16xi32>,
    %swap3A_484 = arith.constant 64 : index
    %swap3A_485 = tpu.vector_load %arg12[%swap3A_484] {strides = array<i32>} : memref<128xi32, #tpu.memory_space<vmem>>, vector<16xi32>,
    %swap3A_486 = vector.shape_cast %swap3A_485 : vector<16xi32> to vector<16xi32>
    %swap3A_487 = vector.shape_cast %broadcast_in_dim3A_7 : vector<16xi32> to vector<16xi32>
    tpu.vector_store %arg12[%swap3A_484], %swap3A_487 {strides = array<i32>} : memref<128xi32, #tpu.memory_space<vmem>>, vector<16xi32>,
    %add3A_488 = arith.addi %scan3A_18#0, %mul3A_25 : i32
    %mul3A_489 = vector.broadcast %add3A_488 : i32 to vector<16xi32>
    %mul3A_490 = arith.muli %broadcast_in_dim3A_1, %mul3A_489 : vector<16xi32>
    %add3A_491 = arith.addi %mul3A_490, %iota3A : vector<16xi32>
    %add3A_492 = arith.constant 256 : i32
    %add3A_493 = vector.broadcast %add3A_492 : i32 to vector<16xi32>
    %add3A_494 = arith.addi %add3A_491, %add3A_493 : vector<16xi32>
    %add3A_495 = arith.constant 80 : i32
    %add3A_496 = vector.broadcast %add3A_495 : i32 to vector<16xi32>
    %add3A_497 = arith.addi %add3A_494, %add3A_496 : vector<16xi32>
    %swap3A_498 = arith.constant 80 : index
    %swap3A_499 = tpu.vector_load %arg10[%swap3A_498] {strides = array<i32>} : memref<128xi32, #tpu.memory_space<vmem>>, vector<16xi32>,
    %swap3A_500 = vector.shape_cast %swap3A_499 : vector<16xi32> to vector<16xi32>
    %swap3A_501 = vector.shape_cast %add3A_497 : vector<16xi32> to vector<16xi32>
    tpu.vector_store %arg10[%swap3A_498], %swap3A_501 {strides = array<i32>} : memref<128xi32, #tpu.memory_space<vmem>>, vector<16xi32>,
    %swap3A_502 = arith.constant 80 : index
    %swap3A_503 = tpu.vector_load %arg11[%swap3A_502] {strides = array<i32>} : memref<128xi32, #tpu.memory_space<vmem>>, vector<16xi32>,
    %swap3A_504 = vector.shape_cast %swap3A_503 : vector<16xi32> to vector<16xi32>
    %swap3A_505 = vector.shape_cast %broadcast_in_dim3A_3 : vector<16xi32> to vector<16xi32>
    tpu.vector_store %arg11[%swap3A_502], %swap3A_505 {strides = array<i32>} : memref<128xi32, #tpu.memory_space<vmem>>, vector<16xi32>,
    %swap3A_506 = arith.constant 80 : index
    %swap3A_507 = tpu.vector_load %arg12[%swap3A_506] {strides = array<i32>} : memref<128xi32, #tpu.memory_space<vmem>>, vector<16xi32>,
    %swap3A_508 = vector.shape_cast %swap3A_507 : vector<16xi32> to vector<16xi32>
    %swap3A_509 = vector.shape_cast %broadcast_in_dim3A_7 : vector<16xi32> to vector<16xi32>
    tpu.vector_store %arg12[%swap3A_506], %swap3A_509 {strides = array<i32>} : memref<128xi32, #tpu.memory_space<vmem>>, vector<16xi32>,
    %add3A_510 = arith.addi %scan3A_18#0, %mul3A_25 : i32
    %mul3A_511 = vector.broadcast %add3A_510 : i32 to vector<16xi32>
    %mul3A_512 = arith.muli %broadcast_in_dim3A_1, %mul3A_511 : vector<16xi32>
    %add3A_513 = arith.addi %mul3A_512, %iota3A : vector<16xi32>
    %add3A_514 = arith.constant 256 : i32
    %add3A_515 = vector.broadcast %add3A_514 : i32 to vector<16xi32>
    %add3A_516 = arith.addi %add3A_513, %add3A_515 : vector<16xi32>
    %add3A_517 = arith.constant 96 : i32
    %add3A_518 = vector.broadcast %add3A_517 : i32 to vector<16xi32>
    %add3A_519 = arith.addi %add3A_516, %add3A_518 : vector<16xi32>
    %swap3A_520 = arith.constant 96 : index
    %swap3A_521 = tpu.vector_load %arg10[%swap3A_520] {strides = array<i32>} : memref<128xi32, #tpu.memory_space<vmem>>, vector<16xi32>,
    %swap3A_522 = vector.shape_cast %swap3A_521 : vector<16xi32> to vector<16xi32>
    %swap3A_523 = vector.shape_cast %add3A_519 : vector<16xi32> to vector<16xi32>
    tpu.vector_store %arg10[%swap3A_520], %swap3A_523 {strides = array<i32>} : memref<128xi32, #tpu.memory_space<vmem>>, vector<16xi32>,
    %swap3A_524 = arith.constant 96 : index
    %swap3A_525 = tpu.vector_load %arg11[%swap3A_524] {strides = array<i32>} : memref<128xi32, #tpu.memory_space<vmem>>, vector<16xi32>,
    %swap3A_526 = vector.shape_cast %swap3A_525 : vector<16xi32> to vector<16xi32>
    %swap3A_527 = vector.shape_cast %broadcast_in_dim3A_3 : vector<16xi32> to vector<16xi32>
    tpu.vector_store %arg11[%swap3A_524], %swap3A_527 {strides = array<i32>} : memref<128xi32, #tpu.memory_space<vmem>>, vector<16xi32>,
    %swap3A_528 = arith.constant 96 : index
    %swap3A_529 = tpu.vector_load %arg12[%swap3A_528] {strides = array<i32>} : memref<128xi32, #tpu.memory_space<vmem>>, vector<16xi32>,
    %swap3A_530 = vector.shape_cast %swap3A_529 : vector<16xi32> to vector<16xi32>
    %swap3A_531 = vector.shape_cast %broadcast_in_dim3A_7 : vector<16xi32> to vector<16xi32>
    tpu.vector_store %arg12[%swap3A_528], %swap3A_531 {strides = array<i32>} : memref<128xi32, #tpu.memory_space<vmem>>, vector<16xi32>,
    %add3A_532 = arith.addi %scan3A_18#0, %mul3A_25 : i32
    %mul3A_533 = vector.broadcast %add3A_532 : i32 to vector<16xi32>
    %mul3A_534 = arith.muli %broadcast_in_dim3A_1, %mul3A_533 : vector<16xi32>
    %add3A_535 = arith.addi %mul3A_534, %iota3A : vector<16xi32>
    %add3A_536 = arith.constant 256 : i32
    %add3A_537 = vector.broadcast %add3A_536 : i32 to vector<16xi32>
    %add3A_538 = arith.addi %add3A_535, %add3A_537 : vector<16xi32>
    %add3A_539 = arith.constant 112 : i32
    %add3A_540 = vector.broadcast %add3A_539 : i32 to vector<16xi32>
    %add3A_541 = arith.addi %add3A_538, %add3A_540 : vector<16xi32>
    %swap3A_542 = arith.constant 112 : index
    %swap3A_543 = tpu.vector_load %arg10[%swap3A_542] {strides = array<i32>} : memref<128xi32, #tpu.memory_space<vmem>>, vector<16xi32>,
    %swap3A_544 = vector.shape_cast %swap3A_543 : vector<16xi32> to vector<16xi32>
    %swap3A_545 = vector.shape_cast %add3A_541 : vector<16xi32> to vector<16xi32>
    tpu.vector_store %arg10[%swap3A_542], %swap3A_545 {strides = array<i32>} : memref<128xi32, #tpu.memory_space<vmem>>, vector<16xi32>,
    %swap3A_546 = arith.constant 112 : index
    %swap3A_547 = tpu.vector_load %arg11[%swap3A_546] {strides = array<i32>} : memref<128xi32, #tpu.memory_space<vmem>>, vector<16xi32>,
    %swap3A_548 = vector.shape_cast %swap3A_547 : vector<16xi32> to vector<16xi32>
    %swap3A_549 = vector.shape_cast %broadcast_in_dim3A_3 : vector<16xi32> to vector<16xi32>
    tpu.vector_store %arg11[%swap3A_546], %swap3A_549 {strides = array<i32>} : memref<128xi32, #tpu.memory_space<vmem>>, vector<16xi32>,
    %swap3A_550 = arith.constant 112 : index
    %swap3A_551 = tpu.vector_load %arg12[%swap3A_550] {strides = array<i32>} : memref<128xi32, #tpu.memory_space<vmem>>, vector<16xi32>,
    %swap3A_552 = vector.shape_cast %swap3A_551 : vector<16xi32> to vector<16xi32>
    %swap3A_553 = vector.shape_cast %broadcast_in_dim3A_7 : vector<16xi32> to vector<16xi32>
    tpu.vector_store %arg12[%swap3A_550], %swap3A_553 {strides = array<i32>} : memref<128xi32, #tpu.memory_space<vmem>>, vector<16xi32>,
    "tpu.region"() ({
      %run_scoped3A = tpu.sem_alloc : memref<!tpu.dma_semaphore, #tpu.memory_space<semaphore_mem>>
      %dma_start3A = arith.constant 0 : i32
      %dma_start3A_2204 = tpu.memref_slice %arg4[%dma_start3A] : memref<3260432xi32, #tpu.memory_space<hbm>> -> memref<3260432xi32, #tpu.memory_space<hbm>>
      tpu.enqueue_indirect_dma source(%arg11 : memref<128xi32, #tpu.memory_space<vmem>>) target(%dma_start3A_2204 : memref<3260432xi32, #tpu.memory_space<hbm>>) offsets(%arg10 : memref<128xi32, #tpu.memory_space<vmem>>) semaphore(%run_scoped3A : memref<!tpu.dma_semaphore, #tpu.memory_space<semaphore_mem>>)
      %dma_wait3A = arith.constant 0 : i32
      %dma_wait3A_2205 = tpu.memref_slice %arg4[%dma_wait3A] : memref<3260432xi32, #tpu.memory_space<hbm>> -> memref<3260432xi32, #tpu.memory_space<hbm>>
      tpu.wait_indirect_dma semaphore(%run_scoped3A : memref<!tpu.dma_semaphore, #tpu.memory_space<semaphore_mem>>) src(%arg11 : memref<128xi32, #tpu.memory_space<vmem>>) dst(%dma_wait3A_2205 : memref<3260432xi32, #tpu.memory_space<hbm>>)
      tpu.yield
    }) : () -> ()
    "tpu.region"() ({
      %run_scoped3A = tpu.sem_alloc : memref<!tpu.dma_semaphore, #tpu.memory_space<semaphore_mem>>
      %dma_start3A = arith.constant 0 : i32
      %dma_start3A_2204 = tpu.memref_slice %arg5[%dma_start3A] : memref<3260432xi32, #tpu.memory_space<hbm>> -> memref<3260432xi32, #tpu.memory_space<hbm>>
      tpu.enqueue_indirect_dma source(%arg12 : memref<128xi32, #tpu.memory_space<vmem>>) target(%dma_start3A_2204 : memref<3260432xi32, #tpu.memory_space<hbm>>) offsets(%arg10 : memref<128xi32, #tpu.memory_space<vmem>>) semaphore(%run_scoped3A : memref<!tpu.dma_semaphore, #tpu.memory_space<semaphore_mem>>)
      %dma_wait3A = arith.constant 0 : i32
      %dma_wait3A_2205 = tpu.memref_slice %arg5[%dma_wait3A] : memref<3260432xi32, #tpu.memory_space<hbm>> -> memref<3260432xi32, #tpu.memory_space<hbm>>
      tpu.wait_indirect_dma semaphore(%run_scoped3A : memref<!tpu.dma_semaphore, #tpu.memory_space<semaphore_mem>>) src(%arg12 : memref<128xi32, #tpu.memory_space<vmem>>) dst(%dma_wait3A_2205 : memref<3260432xi32, #tpu.memory_space<hbm>>)
      tpu.yield
    }) : () -> ()
    %mul3A_554 = vector.broadcast %scan3A_18#0 : i32 to vector<16xi32>
    %mul3A_555 = arith.muli %broadcast_in_dim3A_1, %mul3A_554 : vector<16xi32>
    %swap3A_556 = arith.constant 0 : index
    %swap3A_557 = tpu.vector_load %arg13[%swap3A_556] {strides = array<i32>} : memref<16xi32, #tpu.memory_space<vmem>>, vector<16xi32>,
    %swap3A_558 = vector.shape_cast %swap3A_557 : vector<16xi32> to vector<16xi32>
    %swap3A_559 = vector.shape_cast %mul3A_555 : vector<16xi32> to vector<16xi32>
    tpu.vector_store %arg13[%swap3A_556], %swap3A_559 {strides = array<i32>} : memref<16xi32, #tpu.memory_space<vmem>>, vector<16xi32>,
    %mul3A_560 = arith.constant 4 : i32
    %mul3A_561 = arith.muli %add3A, %mul3A_560 : i32
    %add3A_562 = arith.constant 0 : i32
    %add3A_563 = arith.addi %mul3A_561, %add3A_562 : i32
    %mul3A_564 = arith.constant 16 : i32
    %mul3A_565 = arith.muli %add3A_563, %mul3A_564 : i32
    "tpu.region"() ({
      %run_scoped3A = tpu.sem_alloc : memref<!tpu.dma_semaphore, #tpu.memory_space<semaphore_mem>>
      %dma_start3A = tpu.memref_slice %arg6[%mul3A_565] : memref<2048xi32, #tpu.memory_space<hbm>> -> memref<16xi32, #tpu.memory_space<hbm>>
      %dma_start3A_2204 = tpu.memref_slice %arg6[%mul3A_565] : memref<2048xi32, #tpu.memory_space<hbm>> -> memref<16xi32, #tpu.memory_space<hbm>>
      tpu.enqueue_dma source(%arg13 : memref<16xi32, #tpu.memory_space<vmem>>) target(%dma_start3A_2204 : memref<16xi32, #tpu.memory_space<hbm>>) target_semaphore(%run_scoped3A : memref<!tpu.dma_semaphore, #tpu.memory_space<semaphore_mem>>)
      %dma_wait3A = tpu.memref_slice %arg6[%mul3A_565] : memref<2048xi32, #tpu.memory_space<hbm>> -> memref<16xi32, #tpu.memory_space<hbm>>
      %dma_wait3A_2205 = tpu.memref_slice %arg6[%mul3A_565] : memref<2048xi32, #tpu.memory_space<hbm>> -> memref<16xi32, #tpu.memory_space<hbm>>
      tpu.wait_dma2 semaphore(%run_scoped3A : memref<!tpu.dma_semaphore, #tpu.memory_space<semaphore_mem>>) src(%arg13 : memref<16xi32, #tpu.memory_space<vmem>>) dst(%dma_wait3A_2205 : memref<16xi32, #tpu.memory_space<hbm>>)
      tpu.yield
    }) : () -> ()
    %mul3A_566 = arith.constant 4 : i32
    %mul3A_567 = arith.muli %add3A, %mul3A_566 : i32
    %add3A_568 = arith.constant 1 : i32
    %add3A_569 = arith.addi %mul3A_567, %add3A_568 : i32
    %mul3A_570 = arith.constant 25472 : i32
    %mul3A_571 = arith.muli %add3A_569, %mul3A_570 : i32
    %add3A_572 = arith.addi %scan3A_18#1, %mul3A_571 : i32
    %mul3A_573 = vector.broadcast %add3A_572 : i32 to vector<16xi32>
    %mul3A_574 = arith.muli %broadcast_in_dim3A_1, %mul3A_573 : vector<16xi32>
    %add3A_575 = arith.addi %mul3A_574, %iota3A : vector<16xi32>
    %add3A_576 = arith.constant 0 : i32
    %add3A_577 = vector.broadcast %add3A_576 : i32 to vector<16xi32>
    %add3A_578 = arith.addi %add3A_575, %add3A_577 : vector<16xi32>
    %add3A_579 = arith.constant 0 : i32
    %add3A_580 = vector.broadcast %add3A_579 : i32 to vector<16xi32>
    %add3A_581 = arith.addi %add3A_578, %add3A_580 : vector<16xi32>
    %swap3A_582 = arith.constant 0 : index
    %swap3A_583 = tpu.vector_load %arg10[%swap3A_582] {strides = array<i32>} : memref<128xi32, #tpu.memory_space<vmem>>, vector<16xi32>,
    %swap3A_584 = vector.shape_cast %swap3A_583 : vector<16xi32> to vector<16xi32>
    %swap3A_585 = vector.shape_cast %add3A_581 : vector<16xi32> to vector<16xi32>
    tpu.vector_store %arg10[%swap3A_582], %swap3A_585 {strides = array<i32>} : memref<128xi32, #tpu.memory_space<vmem>>, vector<16xi32>,
    %swap3A_586 = arith.constant 0 : index
    %swap3A_587 = tpu.vector_load %arg11[%swap3A_586] {strides = array<i32>} : memref<128xi32, #tpu.memory_space<vmem>>, vector<16xi32>,
    %swap3A_588 = vector.shape_cast %swap3A_587 : vector<16xi32> to vector<16xi32>
    %swap3A_589 = vector.shape_cast %broadcast_in_dim3A_3 : vector<16xi32> to vector<16xi32>
    tpu.vector_store %arg11[%swap3A_586], %swap3A_589 {strides = array<i32>} : memref<128xi32, #tpu.memory_space<vmem>>, vector<16xi32>,
    %swap3A_590 = arith.constant 0 : index
    %swap3A_591 = tpu.vector_load %arg12[%swap3A_590] {strides = array<i32>} : memref<128xi32, #tpu.memory_space<vmem>>, vector<16xi32>,
    %swap3A_592 = vector.shape_cast %swap3A_591 : vector<16xi32> to vector<16xi32>
    %swap3A_593 = vector.shape_cast %broadcast_in_dim3A_7 : vector<16xi32> to vector<16xi32>
    tpu.vector_store %arg12[%swap3A_590], %swap3A_593 {strides = array<i32>} : memref<128xi32, #tpu.memory_space<vmem>>, vector<16xi32>,
    %add3A_594 = arith.addi %scan3A_18#1, %mul3A_571 : i32
    %mul3A_595 = vector.broadcast %add3A_594 : i32 to vector<16xi32>
    %mul3A_596 = arith.muli %broadcast_in_dim3A_1, %mul3A_595 : vector<16xi32>
    %add3A_597 = arith.addi %mul3A_596, %iota3A : vector<16xi32>
    %add3A_598 = arith.constant 0 : i32
    %add3A_599 = vector.broadcast %add3A_598 : i32 to vector<16xi32>
    %add3A_600 = arith.addi %add3A_597, %add3A_599 : vector<16xi32>
    %add3A_601 = arith.constant 16 : i32
    %add3A_602 = vector.broadcast %add3A_601 : i32 to vector<16xi32>
    %add3A_603 = arith.addi %add3A_600, %add3A_602 : vector<16xi32>
    %swap3A_604 = arith.constant 16 : index
    %swap3A_605 = tpu.vector_load %arg10[%swap3A_604] {strides = array<i32>} : memref<128xi32, #tpu.memory_space<vmem>>, vector<16xi32>,
    %swap3A_606 = vector.shape_cast %swap3A_605 : vector<16xi32> to vector<16xi32>
    %swap3A_607 = vector.shape_cast %add3A_603 : vector<16xi32> to vector<16xi32>
    tpu.vector_store %arg10[%swap3A_604], %swap3A_607 {strides = array<i32>} : memref<128xi32, #tpu.memory_space<vmem>>, vector<16xi32>,
    %swap3A_608 = arith.constant 16 : index
    %swap3A_609 = tpu.vector_load %arg11[%swap3A_608] {strides = array<i32>} : memref<128xi32, #tpu.memory_space<vmem>>, vector<16xi32>,
    %swap3A_610 = vector.shape_cast %swap3A_609 : vector<16xi32> to vector<16xi32>
    %swap3A_611 = vector.shape_cast %broadcast_in_dim3A_3 : vector<16xi32> to vector<16xi32>
    tpu.vector_store %arg11[%swap3A_608], %swap3A_611 {strides = array<i32>} : memref<128xi32, #tpu.memory_space<vmem>>, vector<16xi32>,
    %swap3A_612 = arith.constant 16 : index
    %swap3A_613 = tpu.vector_load %arg12[%swap3A_612] {strides = array<i32>} : memref<128xi32, #tpu.memory_space<vmem>>, vector<16xi32>,
    %swap3A_614 = vector.shape_cast %swap3A_613 : vector<16xi32> to vector<16xi32>
    %swap3A_615 = vector.shape_cast %broadcast_in_dim3A_7 : vector<16xi32> to vector<16xi32>
    tpu.vector_store %arg12[%swap3A_612], %swap3A_615 {strides = array<i32>} : memref<128xi32, #tpu.memory_space<vmem>>, vector<16xi32>,
    %add3A_616 = arith.addi %scan3A_18#1, %mul3A_571 : i32
    %mul3A_617 = vector.broadcast %add3A_616 : i32 to vector<16xi32>
    %mul3A_618 = arith.muli %broadcast_in_dim3A_1, %mul3A_617 : vector<16xi32>
    %add3A_619 = arith.addi %mul3A_618, %iota3A : vector<16xi32>
    %add3A_620 = arith.constant 0 : i32
    %add3A_621 = vector.broadcast %add3A_620 : i32 to vector<16xi32>
    %add3A_622 = arith.addi %add3A_619, %add3A_621 : vector<16xi32>
    %add3A_623 = arith.constant 32 : i32
    %add3A_624 = vector.broadcast %add3A_623 : i32 to vector<16xi32>
    %add3A_625 = arith.addi %add3A_622, %add3A_624 : vector<16xi32>
    %swap3A_626 = arith.constant 32 : index
    %swap3A_627 = tpu.vector_load %arg10[%swap3A_626] {strides = array<i32>} : memref<128xi32, #tpu.memory_space<vmem>>, vector<16xi32>,
    %swap3A_628 = vector.shape_cast %swap3A_627 : vector<16xi32> to vector<16xi32>
    %swap3A_629 = vector.shape_cast %add3A_625 : vector<16xi32> to vector<16xi32>
    tpu.vector_store %arg10[%swap3A_626], %swap3A_629 {strides = array<i32>} : memref<128xi32, #tpu.memory_space<vmem>>, vector<16xi32>,
    %swap3A_630 = arith.constant 32 : index
    %swap3A_631 = tpu.vector_load %arg11[%swap3A_630] {strides = array<i32>} : memref<128xi32, #tpu.memory_space<vmem>>, vector<16xi32>,
    %swap3A_632 = vector.shape_cast %swap3A_631 : vector<16xi32> to vector<16xi32>
    %swap3A_633 = vector.shape_cast %broadcast_in_dim3A_3 : vector<16xi32> to vector<16xi32>
    tpu.vector_store %arg11[%swap3A_630], %swap3A_633 {strides = array<i32>} : memref<128xi32, #tpu.memory_space<vmem>>, vector<16xi32>,
    %swap3A_634 = arith.constant 32 : index
    %swap3A_635 = tpu.vector_load %arg12[%swap3A_634] {strides = array<i32>} : memref<128xi32, #tpu.memory_space<vmem>>, vector<16xi32>,
    %swap3A_636 = vector.shape_cast %swap3A_635 : vector<16xi32> to vector<16xi32>
    %swap3A_637 = vector.shape_cast %broadcast_in_dim3A_7 : vector<16xi32> to vector<16xi32>
    tpu.vector_store %arg12[%swap3A_634], %swap3A_637 {strides = array<i32>} : memref<128xi32, #tpu.memory_space<vmem>>, vector<16xi32>,
    %add3A_638 = arith.addi %scan3A_18#1, %mul3A_571 : i32
    %mul3A_639 = vector.broadcast %add3A_638 : i32 to vector<16xi32>
    %mul3A_640 = arith.muli %broadcast_in_dim3A_1, %mul3A_639 : vector<16xi32>
    %add3A_641 = arith.addi %mul3A_640, %iota3A : vector<16xi32>
    %add3A_642 = arith.constant 0 : i32
    %add3A_643 = vector.broadcast %add3A_642 : i32 to vector<16xi32>
    %add3A_644 = arith.addi %add3A_641, %add3A_643 : vector<16xi32>
    %add3A_645 = arith.constant 48 : i32
    %add3A_646 = vector.broadcast %add3A_645 : i32 to vector<16xi32>
    %add3A_647 = arith.addi %add3A_644, %add3A_646 : vector<16xi32>
    %swap3A_648 = arith.constant 48 : index
    %swap3A_649 = tpu.vector_load %arg10[%swap3A_648] {strides = array<i32>} : memref<128xi32, #tpu.memory_space<vmem>>, vector<16xi32>,
    %swap3A_650 = vector.shape_cast %swap3A_649 : vector<16xi32> to vector<16xi32>
    %swap3A_651 = vector.shape_cast %add3A_647 : vector<16xi32> to vector<16xi32>
    tpu.vector_store %arg10[%swap3A_648], %swap3A_651 {strides = array<i32>} : memref<128xi32, #tpu.memory_space<vmem>>, vector<16xi32>,
    %swap3A_652 = arith.constant 48 : index
    %swap3A_653 = tpu.vector_load %arg11[%swap3A_652] {strides = array<i32>} : memref<128xi32, #tpu.memory_space<vmem>>, vector<16xi32>,
    %swap3A_654 = vector.shape_cast %swap3A_653 : vector<16xi32> to vector<16xi32>
    %swap3A_655 = vector.shape_cast %broadcast_in_dim3A_3 : vector<16xi32> to vector<16xi32>
    tpu.vector_store %arg11[%swap3A_652], %swap3A_655 {strides = array<i32>} : memref<128xi32, #tpu.memory_space<vmem>>, vector<16xi32>,
    %swap3A_656 = arith.constant 48 : index
    %swap3A_657 = tpu.vector_load %arg12[%swap3A_656] {strides = array<i32>} : memref<128xi32, #tpu.memory_space<vmem>>, vector<16xi32>,
    %swap3A_658 = vector.shape_cast %swap3A_657 : vector<16xi32> to vector<16xi32>
    %swap3A_659 = vector.shape_cast %broadcast_in_dim3A_7 : vector<16xi32> to vector<16xi32>
    tpu.vector_store %arg12[%swap3A_656], %swap3A_659 {strides = array<i32>} : memref<128xi32, #tpu.memory_space<vmem>>, vector<16xi32>,
    %add3A_660 = arith.addi %scan3A_18#1, %mul3A_571 : i32
    %mul3A_661 = vector.broadcast %add3A_660 : i32 to vector<16xi32>
    %mul3A_662 = arith.muli %broadcast_in_dim3A_1, %mul3A_661 : vector<16xi32>
    %add3A_663 = arith.addi %mul3A_662, %iota3A : vector<16xi32>
    %add3A_664 = arith.constant 0 : i32
    %add3A_665 = vector.broadcast %add3A_664 : i32 to vector<16xi32>
    %add3A_666 = arith.addi %add3A_663, %add3A_665 : vector<16xi32>
    %add3A_667 = arith.constant 64 : i32
    %add3A_668 = vector.broadcast %add3A_667 : i32 to vector<16xi32>
    %add3A_669 = arith.addi %add3A_666, %add3A_668 : vector<16xi32>
    %swap3A_670 = arith.constant 64 : index
    %swap3A_671 = tpu.vector_load %arg10[%swap3A_670] {strides = array<i32>} : memref<128xi32, #tpu.memory_space<vmem>>, vector<16xi32>,
    %swap3A_672 = vector.shape_cast %swap3A_671 : vector<16xi32> to vector<16xi32>
    %swap3A_673 = vector.shape_cast %add3A_669 : vector<16xi32> to vector<16xi32>
    tpu.vector_store %arg10[%swap3A_670], %swap3A_673 {strides = array<i32>} : memref<128xi32, #tpu.memory_space<vmem>>, vector<16xi32>,
    %swap3A_674 = arith.constant 64 : index
    %swap3A_675 = tpu.vector_load %arg11[%swap3A_674] {strides = array<i32>} : memref<128xi32, #tpu.memory_space<vmem>>, vector<16xi32>,
    %swap3A_676 = vector.shape_cast %swap3A_675 : vector<16xi32> to vector<16xi32>
    %swap3A_677 = vector.shape_cast %broadcast_in_dim3A_3 : vector<16xi32> to vector<16xi32>
    tpu.vector_store %arg11[%swap3A_674], %swap3A_677 {strides = array<i32>} : memref<128xi32, #tpu.memory_space<vmem>>, vector<16xi32>,
    %swap3A_678 = arith.constant 64 : index
    %swap3A_679 = tpu.vector_load %arg12[%swap3A_678] {strides = array<i32>} : memref<128xi32, #tpu.memory_space<vmem>>, vector<16xi32>,
    %swap3A_680 = vector.shape_cast %swap3A_679 : vector<16xi32> to vector<16xi32>
    %swap3A_681 = vector.shape_cast %broadcast_in_dim3A_7 : vector<16xi32> to vector<16xi32>
    tpu.vector_store %arg12[%swap3A_678], %swap3A_681 {strides = array<i32>} : memref<128xi32, #tpu.memory_space<vmem>>, vector<16xi32>,
    %add3A_682 = arith.addi %scan3A_18#1, %mul3A_571 : i32
    %mul3A_683 = vector.broadcast %add3A_682 : i32 to vector<16xi32>
    %mul3A_684 = arith.muli %broadcast_in_dim3A_1, %mul3A_683 : vector<16xi32>
    %add3A_685 = arith.addi %mul3A_684, %iota3A : vector<16xi32>
    %add3A_686 = arith.constant 0 : i32
    %add3A_687 = vector.broadcast %add3A_686 : i32 to vector<16xi32>
    %add3A_688 = arith.addi %add3A_685, %add3A_687 : vector<16xi32>
    %add3A_689 = arith.constant 80 : i32
    %add3A_690 = vector.broadcast %add3A_689 : i32 to vector<16xi32>
    %add3A_691 = arith.addi %add3A_688, %add3A_690 : vector<16xi32>
    %swap3A_692 = arith.constant 80 : index
    %swap3A_693 = tpu.vector_load %arg10[%swap3A_692] {strides = array<i32>} : memref<128xi32, #tpu.memory_space<vmem>>, vector<16xi32>,
    %swap3A_694 = vector.shape_cast %swap3A_693 : vector<16xi32> to vector<16xi32>
    %swap3A_695 = vector.shape_cast %add3A_691 : vector<16xi32> to vector<16xi32>
    tpu.vector_store %arg10[%swap3A_692], %swap3A_695 {strides = array<i32>} : memref<128xi32, #tpu.memory_space<vmem>>, vector<16xi32>,
    %swap3A_696 = arith.constant 80 : index
    %swap3A_697 = tpu.vector_load %arg11[%swap3A_696] {strides = array<i32>} : memref<128xi32, #tpu.memory_space<vmem>>, vector<16xi32>,
    %swap3A_698 = vector.shape_cast %swap3A_697 : vector<16xi32> to vector<16xi32>
    %swap3A_699 = vector.shape_cast %broadcast_in_dim3A_3 : vector<16xi32> to vector<16xi32>
    tpu.vector_store %arg11[%swap3A_696], %swap3A_699 {strides = array<i32>} : memref<128xi32, #tpu.memory_space<vmem>>, vector<16xi32>,
    %swap3A_700 = arith.constant 80 : index
    %swap3A_701 = tpu.vector_load %arg12[%swap3A_700] {strides = array<i32>} : memref<128xi32, #tpu.memory_space<vmem>>, vector<16xi32>,
    %swap3A_702 = vector.shape_cast %swap3A_701 : vector<16xi32> to vector<16xi32>
    %swap3A_703 = vector.shape_cast %broadcast_in_dim3A_7 : vector<16xi32> to vector<16xi32>
    tpu.vector_store %arg12[%swap3A_700], %swap3A_703 {strides = array<i32>} : memref<128xi32, #tpu.memory_space<vmem>>, vector<16xi32>,
    %add3A_704 = arith.addi %scan3A_18#1, %mul3A_571 : i32
    %mul3A_705 = vector.broadcast %add3A_704 : i32 to vector<16xi32>
    %mul3A_706 = arith.muli %broadcast_in_dim3A_1, %mul3A_705 : vector<16xi32>
    %add3A_707 = arith.addi %mul3A_706, %iota3A : vector<16xi32>
    %add3A_708 = arith.constant 0 : i32
    %add3A_709 = vector.broadcast %add3A_708 : i32 to vector<16xi32>
    %add3A_710 = arith.addi %add3A_707, %add3A_709 : vector<16xi32>
    %add3A_711 = arith.constant 96 : i32
    %add3A_712 = vector.broadcast %add3A_711 : i32 to vector<16xi32>
    %add3A_713 = arith.addi %add3A_710, %add3A_712 : vector<16xi32>
    %swap3A_714 = arith.constant 96 : index
    %swap3A_715 = tpu.vector_load %arg10[%swap3A_714] {strides = array<i32>} : memref<128xi32, #tpu.memory_space<vmem>>, vector<16xi32>,
    %swap3A_716 = vector.shape_cast %swap3A_715 : vector<16xi32> to vector<16xi32>
    %swap3A_717 = vector.shape_cast %add3A_713 : vector<16xi32> to vector<16xi32>
    tpu.vector_store %arg10[%swap3A_714], %swap3A_717 {strides = array<i32>} : memref<128xi32, #tpu.memory_space<vmem>>, vector<16xi32>,
    %swap3A_718 = arith.constant 96 : index
    %swap3A_719 = tpu.vector_load %arg11[%swap3A_718] {strides = array<i32>} : memref<128xi32, #tpu.memory_space<vmem>>, vector<16xi32>,
    %swap3A_720 = vector.shape_cast %swap3A_719 : vector<16xi32> to vector<16xi32>
    %swap3A_721 = vector.shape_cast %broadcast_in_dim3A_3 : vector<16xi32> to vector<16xi32>
    tpu.vector_store %arg11[%swap3A_718], %swap3A_721 {strides = array<i32>} : memref<128xi32, #tpu.memory_space<vmem>>, vector<16xi32>,
    %swap3A_722 = arith.constant 96 : index
    %swap3A_723 = tpu.vector_load %arg12[%swap3A_722] {strides = array<i32>} : memref<128xi32, #tpu.memory_space<vmem>>, vector<16xi32>,
    %swap3A_724 = vector.shape_cast %swap3A_723 : vector<16xi32> to vector<16xi32>
    %swap3A_725 = vector.shape_cast %broadcast_in_dim3A_7 : vector<16xi32> to vector<16xi32>
    tpu.vector_store %arg12[%swap3A_722], %swap3A_725 {strides = array<i32>} : memref<128xi32, #tpu.memory_space<vmem>>, vector<16xi32>,
    %add3A_726 = arith.addi %scan3A_18#1, %mul3A_571 : i32
    %mul3A_727 = vector.broadcast %add3A_726 : i32 to vector<16xi32>
    %mul3A_728 = arith.muli %broadcast_in_dim3A_1, %mul3A_727 : vector<16xi32>
    %add3A_729 = arith.addi %mul3A_728, %iota3A : vector<16xi32>
    %add3A_730 = arith.constant 0 : i32
    %add3A_731 = vector.broadcast %add3A_730 : i32 to vector<16xi32>
    %add3A_732 = arith.addi %add3A_729, %add3A_731 : vector<16xi32>
    %add3A_733 = arith.constant 112 : i32
    %add3A_734 = vector.broadcast %add3A_733 : i32 to vector<16xi32>
    %add3A_735 = arith.addi %add3A_732, %add3A_734 : vector<16xi32>
    %swap3A_736 = arith.constant 112 : index
    %swap3A_737 = tpu.vector_load %arg10[%swap3A_736] {strides = array<i32>} : memref<128xi32, #tpu.memory_space<vmem>>, vector<16xi32>,
    %swap3A_738 = vector.shape_cast %swap3A_737 : vector<16xi32> to vector<16xi32>
    %swap3A_739 = vector.shape_cast %add3A_735 : vector<16xi32> to vector<16xi32>
    tpu.vector_store %arg10[%swap3A_736], %swap3A_739 {strides = array<i32>} : memref<128xi32, #tpu.memory_space<vmem>>, vector<16xi32>,
    %swap3A_740 = arith.constant 112 : index
    %swap3A_741 = tpu.vector_load %arg11[%swap3A_740] {strides = array<i32>} : memref<128xi32, #tpu.memory_space<vmem>>, vector<16xi32>,
    %swap3A_742 = vector.shape_cast %swap3A_741 : vector<16xi32> to vector<16xi32>
    %swap3A_743 = vector.shape_cast %broadcast_in_dim3A_3 : vector<16xi32> to vector<16xi32>
    tpu.vector_store %arg11[%swap3A_740], %swap3A_743 {strides = array<i32>} : memref<128xi32, #tpu.memory_space<vmem>>, vector<16xi32>,
    %swap3A_744 = arith.constant 112 : index
    %swap3A_745 = tpu.vector_load %arg12[%swap3A_744] {strides = array<i32>} : memref<128xi32, #tpu.memory_space<vmem>>, vector<16xi32>,
    %swap3A_746 = vector.shape_cast %swap3A_745 : vector<16xi32> to vector<16xi32>
    %swap3A_747 = vector.shape_cast %broadcast_in_dim3A_7 : vector<16xi32> to vector<16xi32>
    tpu.vector_store %arg12[%swap3A_744], %swap3A_747 {strides = array<i32>} : memref<128xi32, #tpu.memory_space<vmem>>, vector<16xi32>,
    "tpu.region"() ({
      %run_scoped3A = tpu.sem_alloc : memref<!tpu.dma_semaphore, #tpu.memory_space<semaphore_mem>>
      %dma_start3A = arith.constant 0 : i32
      %dma_start3A_2204 = tpu.memref_slice %arg4[%dma_start3A] : memref<3260432xi32, #tpu.memory_space<hbm>> -> memref<3260432xi32, #tpu.memory_space<hbm>>
      tpu.enqueue_indirect_dma source(%arg11 : memref<128xi32, #tpu.memory_space<vmem>>) target(%dma_start3A_2204 : memref<3260432xi32, #tpu.memory_space<hbm>>) offsets(%arg10 : memref<128xi32, #tpu.memory_space<vmem>>) semaphore(%run_scoped3A : memref<!tpu.dma_semaphore, #tpu.memory_space<semaphore_mem>>)
      %dma_wait3A = arith.constant 0 : i32
      %dma_wait3A_2205 = tpu.memref_slice %arg4[%dma_wait3A] : memref<3260432xi32, #tpu.memory_space<hbm>> -> memref<3260432xi32, #tpu.memory_space<hbm>>
      tpu.wait_indirect_dma semaphore(%run_scoped3A : memref<!tpu.dma_semaphore, #tpu.memory_space<semaphore_mem>>) src(%arg11 : memref<128xi32, #tpu.memory_space<vmem>>) dst(%dma_wait3A_2205 : memref<3260432xi32, #tpu.memory_space<hbm>>)
      tpu.yield
    }) : () -> ()
    "tpu.region"() ({
      %run_scoped3A = tpu.sem_alloc : memref<!tpu.dma_semaphore, #tpu.memory_space<semaphore_mem>>
      %dma_start3A = arith.constant 0 : i32
      %dma_start3A_2204 = tpu.memref_slice %arg5[%dma_start3A] : memref<3260432xi32, #tpu.memory_space<hbm>> -> memref<3260432xi32, #tpu.memory_space<hbm>>
      tpu.enqueue_indirect_dma source(%arg12 : memref<128xi32, #tpu.memory_space<vmem>>) target(%dma_start3A_2204 : memref<3260432xi32, #tpu.memory_space<hbm>>) offsets(%arg10 : memref<128xi32, #tpu.memory_space<vmem>>) semaphore(%run_scoped3A : memref<!tpu.dma_semaphore, #tpu.memory_space<semaphore_mem>>)
      %dma_wait3A = arith.constant 0 : i32
      %dma_wait3A_2205 = tpu.memref_slice %arg5[%dma_wait3A] : memref<3260432xi32, #tpu.memory_space<hbm>> -> memref<3260432xi32, #tpu.memory_space<hbm>>
      tpu.wait_indirect_dma semaphore(%run_scoped3A : memref<!tpu.dma_semaphore, #tpu.memory_space<semaphore_mem>>) src(%arg12 : memref<128xi32, #tpu.memory_space<vmem>>) dst(%dma_wait3A_2205 : memref<3260432xi32, #tpu.memory_space<hbm>>)
      tpu.yield
    }) : () -> ()
    %add3A_748 = arith.addi %scan3A_18#1, %mul3A_571 : i32
    %mul3A_749 = vector.broadcast %add3A_748 : i32 to vector<16xi32>
    %mul3A_750 = arith.muli %broadcast_in_dim3A_1, %mul3A_749 : vector<16xi32>
    %add3A_751 = arith.addi %mul3A_750, %iota3A : vector<16xi32>
    %add3A_752 = arith.constant 128 : i32
    %add3A_753 = vector.broadcast %add3A_752 : i32 to vector<16xi32>
    %add3A_754 = arith.addi %add3A_751, %add3A_753 : vector<16xi32>
    %add3A_755 = arith.constant 0 : i32
    %add3A_756 = vector.broadcast %add3A_755 : i32 to vector<16xi32>
    %add3A_757 = arith.addi %add3A_754, %add3A_756 : vector<16xi32>
    %swap3A_758 = arith.constant 0 : index
    %swap3A_759 = tpu.vector_load %arg10[%swap3A_758] {strides = array<i32>} : memref<128xi32, #tpu.memory_space<vmem>>, vector<16xi32>,
    %swap3A_760 = vector.shape_cast %swap3A_759 : vector<16xi32> to vector<16xi32>
    %swap3A_761 = vector.shape_cast %add3A_757 : vector<16xi32> to vector<16xi32>
    tpu.vector_store %arg10[%swap3A_758], %swap3A_761 {strides = array<i32>} : memref<128xi32, #tpu.memory_space<vmem>>, vector<16xi32>,
    %swap3A_762 = arith.constant 0 : index
    %swap3A_763 = tpu.vector_load %arg11[%swap3A_762] {strides = array<i32>} : memref<128xi32, #tpu.memory_space<vmem>>, vector<16xi32>,
    %swap3A_764 = vector.shape_cast %swap3A_763 : vector<16xi32> to vector<16xi32>
    %swap3A_765 = vector.shape_cast %broadcast_in_dim3A_3 : vector<16xi32> to vector<16xi32>
    tpu.vector_store %arg11[%swap3A_762], %swap3A_765 {strides = array<i32>} : memref<128xi32, #tpu.memory_space<vmem>>, vector<16xi32>,
    %swap3A_766 = arith.constant 0 : index
    %swap3A_767 = tpu.vector_load %arg12[%swap3A_766] {strides = array<i32>} : memref<128xi32, #tpu.memory_space<vmem>>, vector<16xi32>,
    %swap3A_768 = vector.shape_cast %swap3A_767 : vector<16xi32> to vector<16xi32>
    %swap3A_769 = vector.shape_cast %broadcast_in_dim3A_7 : vector<16xi32> to vector<16xi32>
    tpu.vector_store %arg12[%swap3A_766], %swap3A_769 {strides = array<i32>} : memref<128xi32, #tpu.memory_space<vmem>>, vector<16xi32>,
    %add3A_770 = arith.addi %scan3A_18#1, %mul3A_571 : i32
    %mul3A_771 = vector.broadcast %add3A_770 : i32 to vector<16xi32>
    %mul3A_772 = arith.muli %broadcast_in_dim3A_1, %mul3A_771 : vector<16xi32>
    %add3A_773 = arith.addi %mul3A_772, %iota3A : vector<16xi32>
    %add3A_774 = arith.constant 128 : i32
    %add3A_775 = vector.broadcast %add3A_774 : i32 to vector<16xi32>
    %add3A_776 = arith.addi %add3A_773, %add3A_775 : vector<16xi32>
    %add3A_777 = arith.constant 16 : i32
    %add3A_778 = vector.broadcast %add3A_777 : i32 to vector<16xi32>
    %add3A_779 = arith.addi %add3A_776, %add3A_778 : vector<16xi32>
    %swap3A_780 = arith.constant 16 : index
    %swap3A_781 = tpu.vector_load %arg10[%swap3A_780] {strides = array<i32>} : memref<128xi32, #tpu.memory_space<vmem>>, vector<16xi32>,
    %swap3A_782 = vector.shape_cast %swap3A_781 : vector<16xi32> to vector<16xi32>
    %swap3A_783 = vector.shape_cast %add3A_779 : vector<16xi32> to vector<16xi32>
    tpu.vector_store %arg10[%swap3A_780], %swap3A_783 {strides = array<i32>} : memref<128xi32, #tpu.memory_space<vmem>>, vector<16xi32>,
    %swap3A_784 = arith.constant 16 : index
    %swap3A_785 = tpu.vector_load %arg11[%swap3A_784] {strides = array<i32>} : memref<128xi32, #tpu.memory_space<vmem>>, vector<16xi32>,
    %swap3A_786 = vector.shape_cast %swap3A_785 : vector<16xi32> to vector<16xi32>
    %swap3A_787 = vector.shape_cast %broadcast_in_dim3A_3 : vector<16xi32> to vector<16xi32>
    tpu.vector_store %arg11[%swap3A_784], %swap3A_787 {strides = array<i32>} : memref<128xi32, #tpu.memory_space<vmem>>, vector<16xi32>,
    %swap3A_788 = arith.constant 16 : index
    %swap3A_789 = tpu.vector_load %arg12[%swap3A_788] {strides = array<i32>} : memref<128xi32, #tpu.memory_space<vmem>>, vector<16xi32>,
    %swap3A_790 = vector.shape_cast %swap3A_789 : vector<16xi32> to vector<16xi32>
    %swap3A_791 = vector.shape_cast %broadcast_in_dim3A_7 : vector<16xi32> to vector<16xi32>
    tpu.vector_store %arg12[%swap3A_788], %swap3A_791 {strides = array<i32>} : memref<128xi32, #tpu.memory_space<vmem>>, vector<16xi32>,
    %add3A_792 = arith.addi %scan3A_18#1, %mul3A_571 : i32
    %mul3A_793 = vector.broadcast %add3A_792 : i32 to vector<16xi32>
    %mul3A_794 = arith.muli %broadcast_in_dim3A_1, %mul3A_793 : vector<16xi32>
    %add3A_795 = arith.addi %mul3A_794, %iota3A : vector<16xi32>
    %add3A_796 = arith.constant 128 : i32
    %add3A_797 = vector.broadcast %add3A_796 : i32 to vector<16xi32>
    %add3A_798 = arith.addi %add3A_795, %add3A_797 : vector<16xi32>
    %add3A_799 = arith.constant 32 : i32
    %add3A_800 = vector.broadcast %add3A_799 : i32 to vector<16xi32>
    %add3A_801 = arith.addi %add3A_798, %add3A_800 : vector<16xi32>
    %swap3A_802 = arith.constant 32 : index
    %swap3A_803 = tpu.vector_load %arg10[%swap3A_802] {strides = array<i32>} : memref<128xi32, #tpu.memory_space<vmem>>, vector<16xi32>,
    %swap3A_804 = vector.shape_cast %swap3A_803 : vector<16xi32> to vector<16xi32>
    %swap3A_805 = vector.shape_cast %add3A_801 : vector<16xi32> to vector<16xi32>
    tpu.vector_store %arg10[%swap3A_802], %swap3A_805 {strides = array<i32>} : memref<128xi32, #tpu.memory_space<vmem>>, vector<16xi32>,
    %swap3A_806 = arith.constant 32 : index
    %swap3A_807 = tpu.vector_load %arg11[%swap3A_806] {strides = array<i32>} : memref<128xi32, #tpu.memory_space<vmem>>, vector<16xi32>,
    %swap3A_808 = vector.shape_cast %swap3A_807 : vector<16xi32> to vector<16xi32>
    %swap3A_809 = vector.shape_cast %broadcast_in_dim3A_3 : vector<16xi32> to vector<16xi32>
    tpu.vector_store %arg11[%swap3A_806], %swap3A_809 {strides = array<i32>} : memref<128xi32, #tpu.memory_space<vmem>>, vector<16xi32>,
    %swap3A_810 = arith.constant 32 : index
    %swap3A_811 = tpu.vector_load %arg12[%swap3A_810] {strides = array<i32>} : memref<128xi32, #tpu.memory_space<vmem>>, vector<16xi32>,
    %swap3A_812 = vector.shape_cast %swap3A_811 : vector<16xi32> to vector<16xi32>
    %swap3A_813 = vector.shape_cast %broadcast_in_dim3A_7 : vector<16xi32> to vector<16xi32>
    tpu.vector_store %arg12[%swap3A_810], %swap3A_813 {strides = array<i32>} : memref<128xi32, #tpu.memory_space<vmem>>, vector<16xi32>,
    %add3A_814 = arith.addi %scan3A_18#1, %mul3A_571 : i32
    %mul3A_815 = vector.broadcast %add3A_814 : i32 to vector<16xi32>
    %mul3A_816 = arith.muli %broadcast_in_dim3A_1, %mul3A_815 : vector<16xi32>
    %add3A_817 = arith.addi %mul3A_816, %iota3A : vector<16xi32>
    %add3A_818 = arith.constant 128 : i32
    %add3A_819 = vector.broadcast %add3A_818 : i32 to vector<16xi32>
    %add3A_820 = arith.addi %add3A_817, %add3A_819 : vector<16xi32>
    %add3A_821 = arith.constant 48 : i32
    %add3A_822 = vector.broadcast %add3A_821 : i32 to vector<16xi32>
    %add3A_823 = arith.addi %add3A_820, %add3A_822 : vector<16xi32>
    %swap3A_824 = arith.constant 48 : index
    %swap3A_825 = tpu.vector_load %arg10[%swap3A_824] {strides = array<i32>} : memref<128xi32, #tpu.memory_space<vmem>>, vector<16xi32>,
    %swap3A_826 = vector.shape_cast %swap3A_825 : vector<16xi32> to vector<16xi32>
    %swap3A_827 = vector.shape_cast %add3A_823 : vector<16xi32> to vector<16xi32>
    tpu.vector_store %arg10[%swap3A_824], %swap3A_827 {strides = array<i32>} : memref<128xi32, #tpu.memory_space<vmem>>, vector<16xi32>,
    %swap3A_828 = arith.constant 48 : index
    %swap3A_829 = tpu.vector_load %arg11[%swap3A_828] {strides = array<i32>} : memref<128xi32, #tpu.memory_space<vmem>>, vector<16xi32>,
    %swap3A_830 = vector.shape_cast %swap3A_829 : vector<16xi32> to vector<16xi32>
    %swap3A_831 = vector.shape_cast %broadcast_in_dim3A_3 : vector<16xi32> to vector<16xi32>
    tpu.vector_store %arg11[%swap3A_828], %swap3A_831 {strides = array<i32>} : memref<128xi32, #tpu.memory_space<vmem>>, vector<16xi32>,
    %swap3A_832 = arith.constant 48 : index
    %swap3A_833 = tpu.vector_load %arg12[%swap3A_832] {strides = array<i32>} : memref<128xi32, #tpu.memory_space<vmem>>, vector<16xi32>,
    %swap3A_834 = vector.shape_cast %swap3A_833 : vector<16xi32> to vector<16xi32>
    %swap3A_835 = vector.shape_cast %broadcast_in_dim3A_7 : vector<16xi32> to vector<16xi32>
    tpu.vector_store %arg12[%swap3A_832], %swap3A_835 {strides = array<i32>} : memref<128xi32, #tpu.memory_space<vmem>>, vector<16xi32>,
    %add3A_836 = arith.addi %scan3A_18#1, %mul3A_571 : i32
    %mul3A_837 = vector.broadcast %add3A_836 : i32 to vector<16xi32>
    %mul3A_838 = arith.muli %broadcast_in_dim3A_1, %mul3A_837 : vector<16xi32>
    %add3A_839 = arith.addi %mul3A_838, %iota3A : vector<16xi32>
    %add3A_840 = arith.constant 128 : i32
    %add3A_841 = vector.broadcast %add3A_840 : i32 to vector<16xi32>
    %add3A_842 = arith.addi %add3A_839, %add3A_841 : vector<16xi32>
    %add3A_843 = arith.constant 64 : i32
    %add3A_844 = vector.broadcast %add3A_843 : i32 to vector<16xi32>
    %add3A_845 = arith.addi %add3A_842, %add3A_844 : vector<16xi32>
    %swap3A_846 = arith.constant 64 : index
    %swap3A_847 = tpu.vector_load %arg10[%swap3A_846] {strides = array<i32>} : memref<128xi32, #tpu.memory_space<vmem>>, vector<16xi32>,
    %swap3A_848 = vector.shape_cast %swap3A_847 : vector<16xi32> to vector<16xi32>
    %swap3A_849 = vector.shape_cast %add3A_845 : vector<16xi32> to vector<16xi32>
    tpu.vector_store %arg10[%swap3A_846], %swap3A_849 {strides = array<i32>} : memref<128xi32, #tpu.memory_space<vmem>>, vector<16xi32>,
    %swap3A_850 = arith.constant 64 : index
    %swap3A_851 = tpu.vector_load %arg11[%swap3A_850] {strides = array<i32>} : memref<128xi32, #tpu.memory_space<vmem>>, vector<16xi32>,
    %swap3A_852 = vector.shape_cast %swap3A_851 : vector<16xi32> to vector<16xi32>
    %swap3A_853 = vector.shape_cast %broadcast_in_dim3A_3 : vector<16xi32> to vector<16xi32>
    tpu.vector_store %arg11[%swap3A_850], %swap3A_853 {strides = array<i32>} : memref<128xi32, #tpu.memory_space<vmem>>, vector<16xi32>,
    %swap3A_854 = arith.constant 64 : index
    %swap3A_855 = tpu.vector_load %arg12[%swap3A_854] {strides = array<i32>} : memref<128xi32, #tpu.memory_space<vmem>>, vector<16xi32>,
    %swap3A_856 = vector.shape_cast %swap3A_855 : vector<16xi32> to vector<16xi32>
    %swap3A_857 = vector.shape_cast %broadcast_in_dim3A_7 : vector<16xi32> to vector<16xi32>
    tpu.vector_store %arg12[%swap3A_854], %swap3A_857 {strides = array<i32>} : memref<128xi32, #tpu.memory_space<vmem>>, vector<16xi32>,
    %add3A_858 = arith.addi %scan3A_18#1, %mul3A_571 : i32
    %mul3A_859 = vector.broadcast %add3A_858 : i32 to vector<16xi32>
    %mul3A_860 = arith.muli %broadcast_in_dim3A_1, %mul3A_859 : vector<16xi32>
    %add3A_861 = arith.addi %mul3A_860, %iota3A : vector<16xi32>
    %add3A_862 = arith.constant 128 : i32
    %add3A_863 = vector.broadcast %add3A_862 : i32 to vector<16xi32>
    %add3A_864 = arith.addi %add3A_861, %add3A_863 : vector<16xi32>
    %add3A_865 = arith.constant 80 : i32
    %add3A_866 = vector.broadcast %add3A_865 : i32 to vector<16xi32>
    %add3A_867 = arith.addi %add3A_864, %add3A_866 : vector<16xi32>
    %swap3A_868 = arith.constant 80 : index
    %swap3A_869 = tpu.vector_load %arg10[%swap3A_868] {strides = array<i32>} : memref<128xi32, #tpu.memory_space<vmem>>, vector<16xi32>,
    %swap3A_870 = vector.shape_cast %swap3A_869 : vector<16xi32> to vector<16xi32>
    %swap3A_871 = vector.shape_cast %add3A_867 : vector<16xi32> to vector<16xi32>
    tpu.vector_store %arg10[%swap3A_868], %swap3A_871 {strides = array<i32>} : memref<128xi32, #tpu.memory_space<vmem>>, vector<16xi32>,
    %swap3A_872 = arith.constant 80 : index
    %swap3A_873 = tpu.vector_load %arg11[%swap3A_872] {strides = array<i32>} : memref<128xi32, #tpu.memory_space<vmem>>, vector<16xi32>,
    %swap3A_874 = vector.shape_cast %swap3A_873 : vector<16xi32> to vector<16xi32>
    %swap3A_875 = vector.shape_cast %broadcast_in_dim3A_3 : vector<16xi32> to vector<16xi32>
    tpu.vector_store %arg11[%swap3A_872], %swap3A_875 {strides = array<i32>} : memref<128xi32, #tpu.memory_space<vmem>>, vector<16xi32>,
    %swap3A_876 = arith.constant 80 : index
    %swap3A_877 = tpu.vector_load %arg12[%swap3A_876] {strides = array<i32>} : memref<128xi32, #tpu.memory_space<vmem>>, vector<16xi32>,
    %swap3A_878 = vector.shape_cast %swap3A_877 : vector<16xi32> to vector<16xi32>
    %swap3A_879 = vector.shape_cast %broadcast_in_dim3A_7 : vector<16xi32> to vector<16xi32>
    tpu.vector_store %arg12[%swap3A_876], %swap3A_879 {strides = array<i32>} : memref<128xi32, #tpu.memory_space<vmem>>, vector<16xi32>,
    %add3A_880 = arith.addi %scan3A_18#1, %mul3A_571 : i32
    %mul3A_881 = vector.broadcast %add3A_880 : i32 to vector<16xi32>
    %mul3A_882 = arith.muli %broadcast_in_dim3A_1, %mul3A_881 : vector<16xi32>
    %add3A_883 = arith.addi %mul3A_882, %iota3A : vector<16xi32>
    %add3A_884 = arith.constant 128 : i32
    %add3A_885 = vector.broadcast %add3A_884 : i32 to vector<16xi32>
    %add3A_886 = arith.addi %add3A_883, %add3A_885 : vector<16xi32>
    %add3A_887 = arith.constant 96 : i32
    %add3A_888 = vector.broadcast %add3A_887 : i32 to vector<16xi32>
    %add3A_889 = arith.addi %add3A_886, %add3A_888 : vector<16xi32>
    %swap3A_890 = arith.constant 96 : index
    %swap3A_891 = tpu.vector_load %arg10[%swap3A_890] {strides = array<i32>} : memref<128xi32, #tpu.memory_space<vmem>>, vector<16xi32>,
    %swap3A_892 = vector.shape_cast %swap3A_891 : vector<16xi32> to vector<16xi32>
    %swap3A_893 = vector.shape_cast %add3A_889 : vector<16xi32> to vector<16xi32>
    tpu.vector_store %arg10[%swap3A_890], %swap3A_893 {strides = array<i32>} : memref<128xi32, #tpu.memory_space<vmem>>, vector<16xi32>,
    %swap3A_894 = arith.constant 96 : index
    %swap3A_895 = tpu.vector_load %arg11[%swap3A_894] {strides = array<i32>} : memref<128xi32, #tpu.memory_space<vmem>>, vector<16xi32>,
    %swap3A_896 = vector.shape_cast %swap3A_895 : vector<16xi32> to vector<16xi32>
    %swap3A_897 = vector.shape_cast %broadcast_in_dim3A_3 : vector<16xi32> to vector<16xi32>
    tpu.vector_store %arg11[%swap3A_894], %swap3A_897 {strides = array<i32>} : memref<128xi32, #tpu.memory_space<vmem>>, vector<16xi32>,
    %swap3A_898 = arith.constant 96 : index
    %swap3A_899 = tpu.vector_load %arg12[%swap3A_898] {strides = array<i32>} : memref<128xi32, #tpu.memory_space<vmem>>, vector<16xi32>,
    %swap3A_900 = vector.shape_cast %swap3A_899 : vector<16xi32> to vector<16xi32>
    %swap3A_901 = vector.shape_cast %broadcast_in_dim3A_7 : vector<16xi32> to vector<16xi32>
    tpu.vector_store %arg12[%swap3A_898], %swap3A_901 {strides = array<i32>} : memref<128xi32, #tpu.memory_space<vmem>>, vector<16xi32>,
    %add3A_902 = arith.addi %scan3A_18#1, %mul3A_571 : i32
    %mul3A_903 = vector.broadcast %add3A_902 : i32 to vector<16xi32>
    %mul3A_904 = arith.muli %broadcast_in_dim3A_1, %mul3A_903 : vector<16xi32>
    %add3A_905 = arith.addi %mul3A_904, %iota3A : vector<16xi32>
    %add3A_906 = arith.constant 128 : i32
    %add3A_907 = vector.broadcast %add3A_906 : i32 to vector<16xi32>
    %add3A_908 = arith.addi %add3A_905, %add3A_907 : vector<16xi32>
    %add3A_909 = arith.constant 112 : i32
    %add3A_910 = vector.broadcast %add3A_909 : i32 to vector<16xi32>
    %add3A_911 = arith.addi %add3A_908, %add3A_910 : vector<16xi32>
    %swap3A_912 = arith.constant 112 : index
    %swap3A_913 = tpu.vector_load %arg10[%swap3A_912] {strides = array<i32>} : memref<128xi32, #tpu.memory_space<vmem>>, vector<16xi32>,
    %swap3A_914 = vector.shape_cast %swap3A_913 : vector<16xi32> to vector<16xi32>
    %swap3A_915 = vector.shape_cast %add3A_911 : vector<16xi32> to vector<16xi32>
    tpu.vector_store %arg10[%swap3A_912], %swap3A_915 {strides = array<i32>} : memref<128xi32, #tpu.memory_space<vmem>>, vector<16xi32>,
    %swap3A_916 = arith.constant 112 : index
    %swap3A_917 = tpu.vector_load %arg11[%swap3A_916] {strides = array<i32>} : memref<128xi32, #tpu.memory_space<vmem>>, vector<16xi32>,
    %swap3A_918 = vector.shape_cast %swap3A_917 : vector<16xi32> to vector<16xi32>
    %swap3A_919 = vector.shape_cast %broadcast_in_dim3A_3 : vector<16xi32> to vector<16xi32>
    tpu.vector_store %arg11[%swap3A_916], %swap3A_919 {strides = array<i32>} : memref<128xi32, #tpu.memory_space<vmem>>, vector<16xi32>,
    %swap3A_920 = arith.constant 112 : index
    %swap3A_921 = tpu.vector_load %arg12[%swap3A_920] {strides = array<i32>} : memref<128xi32, #tpu.memory_space<vmem>>, vector<16xi32>,
    %swap3A_922 = vector.shape_cast %swap3A_921 : vector<16xi32> to vector<16xi32>
    %swap3A_923 = vector.shape_cast %broadcast_in_dim3A_7 : vector<16xi32> to vector<16xi32>
    tpu.vector_store %arg12[%swap3A_920], %swap3A_923 {strides = array<i32>} : memref<128xi32, #tpu.memory_space<vmem>>, vector<16xi32>,
    "tpu.region"() ({
      %run_scoped3A = tpu.sem_alloc : memref<!tpu.dma_semaphore, #tpu.memory_space<semaphore_mem>>
      %dma_start3A = arith.constant 0 : i32
      %dma_start3A_2204 = tpu.memref_slice %arg4[%dma_start3A] : memref<3260432xi32, #tpu.memory_space<hbm>> -> memref<3260432xi32, #tpu.memory_space<hbm>>
      tpu.enqueue_indirect_dma source(%arg11 : memref<128xi32, #tpu.memory_space<vmem>>) target(%dma_start3A_2204 : memref<3260432xi32, #tpu.memory_space<hbm>>) offsets(%arg10 : memref<128xi32, #tpu.memory_space<vmem>>) semaphore(%run_scoped3A : memref<!tpu.dma_semaphore, #tpu.memory_space<semaphore_mem>>)
      %dma_wait3A = arith.constant 0 : i32
      %dma_wait3A_2205 = tpu.memref_slice %arg4[%dma_wait3A] : memref<3260432xi32, #tpu.memory_space<hbm>> -> memref<3260432xi32, #tpu.memory_space<hbm>>
      tpu.wait_indirect_dma semaphore(%run_scoped3A : memref<!tpu.dma_semaphore, #tpu.memory_space<semaphore_mem>>) src(%arg11 : memref<128xi32, #tpu.memory_space<vmem>>) dst(%dma_wait3A_2205 : memref<3260432xi32, #tpu.memory_space<hbm>>)
      tpu.yield
    }) : () -> ()
    "tpu.region"() ({
      %run_scoped3A = tpu.sem_alloc : memref<!tpu.dma_semaphore, #tpu.memory_space<semaphore_mem>>
      %dma_start3A = arith.constant 0 : i32
      %dma_start3A_2204 = tpu.memref_slice %arg5[%dma_start3A] : memref<3260432xi32, #tpu.memory_space<hbm>> -> memref<3260432xi32, #tpu.memory_space<hbm>>
      tpu.enqueue_indirect_dma source(%arg12 : memref<128xi32, #tpu.memory_space<vmem>>) target(%dma_start3A_2204 : memref<3260432xi32, #tpu.memory_space<hbm>>) offsets(%arg10 : memref<128xi32, #tpu.memory_space<vmem>>) semaphore(%run_scoped3A : memref<!tpu.dma_semaphore, #tpu.memory_space<semaphore_mem>>)
      %dma_wait3A = arith.constant 0 : i32
      %dma_wait3A_2205 = tpu.memref_slice %arg5[%dma_wait3A] : memref<3260432xi32, #tpu.memory_space<hbm>> -> memref<3260432xi32, #tpu.memory_space<hbm>>
      tpu.wait_indirect_dma semaphore(%run_scoped3A : memref<!tpu.dma_semaphore, #tpu.memory_space<semaphore_mem>>) src(%arg12 : memref<128xi32, #tpu.memory_space<vmem>>) dst(%dma_wait3A_2205 : memref<3260432xi32, #tpu.memory_space<hbm>>)
      tpu.yield
    }) : () -> ()
    %add3A_924 = arith.addi %scan3A_18#1, %mul3A_571 : i32
    %mul3A_925 = vector.broadcast %add3A_924 : i32 to vector<16xi32>
    %mul3A_926 = arith.muli %broadcast_in_dim3A_1, %mul3A_925 : vector<16xi32>
    %add3A_927 = arith.addi %mul3A_926, %iota3A : vector<16xi32>
    %add3A_928 = arith.constant 256 : i32
    %add3A_929 = vector.broadcast %add3A_928 : i32 to vector<16xi32>
    %add3A_930 = arith.addi %add3A_927, %add3A_929 : vector<16xi32>
    %add3A_931 = arith.constant 0 : i32
    %add3A_932 = vector.broadcast %add3A_931 : i32 to vector<16xi32>
    %add3A_933 = arith.addi %add3A_930, %add3A_932 : vector<16xi32>
    %swap3A_934 = arith.constant 0 : index
    %swap3A_935 = tpu.vector_load %arg10[%swap3A_934] {strides = array<i32>} : memref<128xi32, #tpu.memory_space<vmem>>, vector<16xi32>,
    %swap3A_936 = vector.shape_cast %swap3A_935 : vector<16xi32> to vector<16xi32>
    %swap3A_937 = vector.shape_cast %add3A_933 : vector<16xi32> to vector<16xi32>
    tpu.vector_store %arg10[%swap3A_934], %swap3A_937 {strides = array<i32>} : memref<128xi32, #tpu.memory_space<vmem>>, vector<16xi32>,
    %swap3A_938 = arith.constant 0 : index
    %swap3A_939 = tpu.vector_load %arg11[%swap3A_938] {strides = array<i32>} : memref<128xi32, #tpu.memory_space<vmem>>, vector<16xi32>,
    %swap3A_940 = vector.shape_cast %swap3A_939 : vector<16xi32> to vector<16xi32>
    %swap3A_941 = vector.shape_cast %broadcast_in_dim3A_3 : vector<16xi32> to vector<16xi32>
    tpu.vector_store %arg11[%swap3A_938], %swap3A_941 {strides = array<i32>} : memref<128xi32, #tpu.memory_space<vmem>>, vector<16xi32>,
    %swap3A_942 = arith.constant 0 : index
    %swap3A_943 = tpu.vector_load %arg12[%swap3A_942] {strides = array<i32>} : memref<128xi32, #tpu.memory_space<vmem>>, vector<16xi32>,
    %swap3A_944 = vector.shape_cast %swap3A_943 : vector<16xi32> to vector<16xi32>
    %swap3A_945 = vector.shape_cast %broadcast_in_dim3A_7 : vector<16xi32> to vector<16xi32>
    tpu.vector_store %arg12[%swap3A_942], %swap3A_945 {strides = array<i32>} : memref<128xi32, #tpu.memory_space<vmem>>, vector<16xi32>,
    %add3A_946 = arith.addi %scan3A_18#1, %mul3A_571 : i32
    %mul3A_947 = vector.broadcast %add3A_946 : i32 to vector<16xi32>
    %mul3A_948 = arith.muli %broadcast_in_dim3A_1, %mul3A_947 : vector<16xi32>
    %add3A_949 = arith.addi %mul3A_948, %iota3A : vector<16xi32>
    %add3A_950 = arith.constant 256 : i32
    %add3A_951 = vector.broadcast %add3A_950 : i32 to vector<16xi32>
    %add3A_952 = arith.addi %add3A_949, %add3A_951 : vector<16xi32>
    %add3A_953 = arith.constant 16 : i32
    %add3A_954 = vector.broadcast %add3A_953 : i32 to vector<16xi32>
    %add3A_955 = arith.addi %add3A_952, %add3A_954 : vector<16xi32>
    %swap3A_956 = arith.constant 16 : index
    %swap3A_957 = tpu.vector_load %arg10[%swap3A_956] {strides = array<i32>} : memref<128xi32, #tpu.memory_space<vmem>>, vector<16xi32>,
    %swap3A_958 = vector.shape_cast %swap3A_957 : vector<16xi32> to vector<16xi32>
    %swap3A_959 = vector.shape_cast %add3A_955 : vector<16xi32> to vector<16xi32>
    tpu.vector_store %arg10[%swap3A_956], %swap3A_959 {strides = array<i32>} : memref<128xi32, #tpu.memory_space<vmem>>, vector<16xi32>,
    %swap3A_960 = arith.constant 16 : index
    %swap3A_961 = tpu.vector_load %arg11[%swap3A_960] {strides = array<i32>} : memref<128xi32, #tpu.memory_space<vmem>>, vector<16xi32>,
    %swap3A_962 = vector.shape_cast %swap3A_961 : vector<16xi32> to vector<16xi32>
    %swap3A_963 = vector.shape_cast %broadcast_in_dim3A_3 : vector<16xi32> to vector<16xi32>
    tpu.vector_store %arg11[%swap3A_960], %swap3A_963 {strides = array<i32>} : memref<128xi32, #tpu.memory_space<vmem>>, vector<16xi32>,
    %swap3A_964 = arith.constant 16 : index
    %swap3A_965 = tpu.vector_load %arg12[%swap3A_964] {strides = array<i32>} : memref<128xi32, #tpu.memory_space<vmem>>, vector<16xi32>,
    %swap3A_966 = vector.shape_cast %swap3A_965 : vector<16xi32> to vector<16xi32>
    %swap3A_967 = vector.shape_cast %broadcast_in_dim3A_7 : vector<16xi32> to vector<16xi32>
    tpu.vector_store %arg12[%swap3A_964], %swap3A_967 {strides = array<i32>} : memref<128xi32, #tpu.memory_space<vmem>>, vector<16xi32>,
    %add3A_968 = arith.addi %scan3A_18#1, %mul3A_571 : i32
    %mul3A_969 = vector.broadcast %add3A_968 : i32 to vector<16xi32>
    %mul3A_970 = arith.muli %broadcast_in_dim3A_1, %mul3A_969 : vector<16xi32>
    %add3A_971 = arith.addi %mul3A_970, %iota3A : vector<16xi32>
    %add3A_972 = arith.constant 256 : i32
    %add3A_973 = vector.broadcast %add3A_972 : i32 to vector<16xi32>
    %add3A_974 = arith.addi %add3A_971, %add3A_973 : vector<16xi32>
    %add3A_975 = arith.constant 32 : i32
    %add3A_976 = vector.broadcast %add3A_975 : i32 to vector<16xi32>
    %add3A_977 = arith.addi %add3A_974, %add3A_976 : vector<16xi32>
    %swap3A_978 = arith.constant 32 : index
    %swap3A_979 = tpu.vector_load %arg10[%swap3A_978] {strides = array<i32>} : memref<128xi32, #tpu.memory_space<vmem>>, vector<16xi32>,
    %swap3A_980 = vector.shape_cast %swap3A_979 : vector<16xi32> to vector<16xi32>
    %swap3A_981 = vector.shape_cast %add3A_977 : vector<16xi32> to vector<16xi32>
    tpu.vector_store %arg10[%swap3A_978], %swap3A_981 {strides = array<i32>} : memref<128xi32, #tpu.memory_space<vmem>>, vector<16xi32>,
    %swap3A_982 = arith.constant 32 : index
    %swap3A_983 = tpu.vector_load %arg11[%swap3A_982] {strides = array<i32>} : memref<128xi32, #tpu.memory_space<vmem>>, vector<16xi32>,
    %swap3A_984 = vector.shape_cast %swap3A_983 : vector<16xi32> to vector<16xi32>
    %swap3A_985 = vector.shape_cast %broadcast_in_dim3A_3 : vector<16xi32> to vector<16xi32>
    tpu.vector_store %arg11[%swap3A_982], %swap3A_985 {strides = array<i32>} : memref<128xi32, #tpu.memory_space<vmem>>, vector<16xi32>,
    %swap3A_986 = arith.constant 32 : index
    %swap3A_987 = tpu.vector_load %arg12[%swap3A_986] {strides = array<i32>} : memref<128xi32, #tpu.memory_space<vmem>>, vector<16xi32>,
    %swap3A_988 = vector.shape_cast %swap3A_987 : vector<16xi32> to vector<16xi32>
    %swap3A_989 = vector.shape_cast %broadcast_in_dim3A_7 : vector<16xi32> to vector<16xi32>
    tpu.vector_store %arg12[%swap3A_986], %swap3A_989 {strides = array<i32>} : memref<128xi32, #tpu.memory_space<vmem>>, vector<16xi32>,
    %add3A_990 = arith.addi %scan3A_18#1, %mul3A_571 : i32
    %mul3A_991 = vector.broadcast %add3A_990 : i32 to vector<16xi32>
    %mul3A_992 = arith.muli %broadcast_in_dim3A_1, %mul3A_991 : vector<16xi32>
    %add3A_993 = arith.addi %mul3A_992, %iota3A : vector<16xi32>
    %add3A_994 = arith.constant 256 : i32
    %add3A_995 = vector.broadcast %add3A_994 : i32 to vector<16xi32>
    %add3A_996 = arith.addi %add3A_993, %add3A_995 : vector<16xi32>
    %add3A_997 = arith.constant 48 : i32
    %add3A_998 = vector.broadcast %add3A_997 : i32 to vector<16xi32>
    %add3A_999 = arith.addi %add3A_996, %add3A_998 : vector<16xi32>
    %swap3A_1000 = arith.constant 48 : index
    %swap3A_1001 = tpu.vector_load %arg10[%swap3A_1000] {strides = array<i32>} : memref<128xi32, #tpu.memory_space<vmem>>, vector<16xi32>,
    %swap3A_1002 = vector.shape_cast %swap3A_1001 : vector<16xi32> to vector<16xi32>
    %swap3A_1003 = vector.shape_cast %add3A_999 : vector<16xi32> to vector<16xi32>
    tpu.vector_store %arg10[%swap3A_1000], %swap3A_1003 {strides = array<i32>} : memref<128xi32, #tpu.memory_space<vmem>>, vector<16xi32>,
    %swap3A_1004 = arith.constant 48 : index
    %swap3A_1005 = tpu.vector_load %arg11[%swap3A_1004] {strides = array<i32>} : memref<128xi32, #tpu.memory_space<vmem>>, vector<16xi32>,
    %swap3A_1006 = vector.shape_cast %swap3A_1005 : vector<16xi32> to vector<16xi32>
    %swap3A_1007 = vector.shape_cast %broadcast_in_dim3A_3 : vector<16xi32> to vector<16xi32>
    tpu.vector_store %arg11[%swap3A_1004], %swap3A_1007 {strides = array<i32>} : memref<128xi32, #tpu.memory_space<vmem>>, vector<16xi32>,
    %swap3A_1008 = arith.constant 48 : index
    %swap3A_1009 = tpu.vector_load %arg12[%swap3A_1008] {strides = array<i32>} : memref<128xi32, #tpu.memory_space<vmem>>, vector<16xi32>,
    %swap3A_1010 = vector.shape_cast %swap3A_1009 : vector<16xi32> to vector<16xi32>
    %swap3A_1011 = vector.shape_cast %broadcast_in_dim3A_7 : vector<16xi32> to vector<16xi32>
    tpu.vector_store %arg12[%swap3A_1008], %swap3A_1011 {strides = array<i32>} : memref<128xi32, #tpu.memory_space<vmem>>, vector<16xi32>,
    %add3A_1012 = arith.addi %scan3A_18#1, %mul3A_571 : i32
    %mul3A_1013 = vector.broadcast %add3A_1012 : i32 to vector<16xi32>
    %mul3A_1014 = arith.muli %broadcast_in_dim3A_1, %mul3A_1013 : vector<16xi32>
    %add3A_1015 = arith.addi %mul3A_1014, %iota3A : vector<16xi32>
    %add3A_1016 = arith.constant 256 : i32
    %add3A_1017 = vector.broadcast %add3A_1016 : i32 to vector<16xi32>
    %add3A_1018 = arith.addi %add3A_1015, %add3A_1017 : vector<16xi32>
    %add3A_1019 = arith.constant 64 : i32
    %add3A_1020 = vector.broadcast %add3A_1019 : i32 to vector<16xi32>
    %add3A_1021 = arith.addi %add3A_1018, %add3A_1020 : vector<16xi32>
    %swap3A_1022 = arith.constant 64 : index
    %swap3A_1023 = tpu.vector_load %arg10[%swap3A_1022] {strides = array<i32>} : memref<128xi32, #tpu.memory_space<vmem>>, vector<16xi32>,
    %swap3A_1024 = vector.shape_cast %swap3A_1023 : vector<16xi32> to vector<16xi32>
    %swap3A_1025 = vector.shape_cast %add3A_1021 : vector<16xi32> to vector<16xi32>
    tpu.vector_store %arg10[%swap3A_1022], %swap3A_1025 {strides = array<i32>} : memref<128xi32, #tpu.memory_space<vmem>>, vector<16xi32>,
    %swap3A_1026 = arith.constant 64 : index
    %swap3A_1027 = tpu.vector_load %arg11[%swap3A_1026] {strides = array<i32>} : memref<128xi32, #tpu.memory_space<vmem>>, vector<16xi32>,
    %swap3A_1028 = vector.shape_cast %swap3A_1027 : vector<16xi32> to vector<16xi32>
    %swap3A_1029 = vector.shape_cast %broadcast_in_dim3A_3 : vector<16xi32> to vector<16xi32>
    tpu.vector_store %arg11[%swap3A_1026], %swap3A_1029 {strides = array<i32>} : memref<128xi32, #tpu.memory_space<vmem>>, vector<16xi32>,
    %swap3A_1030 = arith.constant 64 : index
    %swap3A_1031 = tpu.vector_load %arg12[%swap3A_1030] {strides = array<i32>} : memref<128xi32, #tpu.memory_space<vmem>>, vector<16xi32>,
    %swap3A_1032 = vector.shape_cast %swap3A_1031 : vector<16xi32> to vector<16xi32>
    %swap3A_1033 = vector.shape_cast %broadcast_in_dim3A_7 : vector<16xi32> to vector<16xi32>
    tpu.vector_store %arg12[%swap3A_1030], %swap3A_1033 {strides = array<i32>} : memref<128xi32, #tpu.memory_space<vmem>>, vector<16xi32>,
    %add3A_1034 = arith.addi %scan3A_18#1, %mul3A_571 : i32
    %mul3A_1035 = vector.broadcast %add3A_1034 : i32 to vector<16xi32>
    %mul3A_1036 = arith.muli %broadcast_in_dim3A_1, %mul3A_1035 : vector<16xi32>
    %add3A_1037 = arith.addi %mul3A_1036, %iota3A : vector<16xi32>
    %add3A_1038 = arith.constant 256 : i32
    %add3A_1039 = vector.broadcast %add3A_1038 : i32 to vector<16xi32>
    %add3A_1040 = arith.addi %add3A_1037, %add3A_1039 : vector<16xi32>
    %add3A_1041 = arith.constant 80 : i32
    %add3A_1042 = vector.broadcast %add3A_1041 : i32 to vector<16xi32>
    %add3A_1043 = arith.addi %add3A_1040, %add3A_1042 : vector<16xi32>
    %swap3A_1044 = arith.constant 80 : index
    %swap3A_1045 = tpu.vector_load %arg10[%swap3A_1044] {strides = array<i32>} : memref<128xi32, #tpu.memory_space<vmem>>, vector<16xi32>,
    %swap3A_1046 = vector.shape_cast %swap3A_1045 : vector<16xi32> to vector<16xi32>
    %swap3A_1047 = vector.shape_cast %add3A_1043 : vector<16xi32> to vector<16xi32>
    tpu.vector_store %arg10[%swap3A_1044], %swap3A_1047 {strides = array<i32>} : memref<128xi32, #tpu.memory_space<vmem>>, vector<16xi32>,
    %swap3A_1048 = arith.constant 80 : index
    %swap3A_1049 = tpu.vector_load %arg11[%swap3A_1048] {strides = array<i32>} : memref<128xi32, #tpu.memory_space<vmem>>, vector<16xi32>,
    %swap3A_1050 = vector.shape_cast %swap3A_1049 : vector<16xi32> to vector<16xi32>
    %swap3A_1051 = vector.shape_cast %broadcast_in_dim3A_3 : vector<16xi32> to vector<16xi32>
    tpu.vector_store %arg11[%swap3A_1048], %swap3A_1051 {strides = array<i32>} : memref<128xi32, #tpu.memory_space<vmem>>, vector<16xi32>,
    %swap3A_1052 = arith.constant 80 : index
    %swap3A_1053 = tpu.vector_load %arg12[%swap3A_1052] {strides = array<i32>} : memref<128xi32, #tpu.memory_space<vmem>>, vector<16xi32>,
    %swap3A_1054 = vector.shape_cast %swap3A_1053 : vector<16xi32> to vector<16xi32>
    %swap3A_1055 = vector.shape_cast %broadcast_in_dim3A_7 : vector<16xi32> to vector<16xi32>
    tpu.vector_store %arg12[%swap3A_1052], %swap3A_1055 {strides = array<i32>} : memref<128xi32, #tpu.memory_space<vmem>>, vector<16xi32>,
    %add3A_1056 = arith.addi %scan3A_18#1, %mul3A_571 : i32
    %mul3A_1057 = vector.broadcast %add3A_1056 : i32 to vector<16xi32>
    %mul3A_1058 = arith.muli %broadcast_in_dim3A_1, %mul3A_1057 : vector<16xi32>
    %add3A_1059 = arith.addi %mul3A_1058, %iota3A : vector<16xi32>
    %add3A_1060 = arith.constant 256 : i32
    %add3A_1061 = vector.broadcast %add3A_1060 : i32 to vector<16xi32>
    %add3A_1062 = arith.addi %add3A_1059, %add3A_1061 : vector<16xi32>
    %add3A_1063 = arith.constant 96 : i32
    %add3A_1064 = vector.broadcast %add3A_1063 : i32 to vector<16xi32>
    %add3A_1065 = arith.addi %add3A_1062, %add3A_1064 : vector<16xi32>
    %swap3A_1066 = arith.constant 96 : index
    %swap3A_1067 = tpu.vector_load %arg10[%swap3A_1066] {strides = array<i32>} : memref<128xi32, #tpu.memory_space<vmem>>, vector<16xi32>,
    %swap3A_1068 = vector.shape_cast %swap3A_1067 : vector<16xi32> to vector<16xi32>
    %swap3A_1069 = vector.shape_cast %add3A_1065 : vector<16xi32> to vector<16xi32>
    tpu.vector_store %arg10[%swap3A_1066], %swap3A_1069 {strides = array<i32>} : memref<128xi32, #tpu.memory_space<vmem>>, vector<16xi32>,
    %swap3A_1070 = arith.constant 96 : index
    %swap3A_1071 = tpu.vector_load %arg11[%swap3A_1070] {strides = array<i32>} : memref<128xi32, #tpu.memory_space<vmem>>, vector<16xi32>,
    %swap3A_1072 = vector.shape_cast %swap3A_1071 : vector<16xi32> to vector<16xi32>
    %swap3A_1073 = vector.shape_cast %broadcast_in_dim3A_3 : vector<16xi32> to vector<16xi32>
    tpu.vector_store %arg11[%swap3A_1070], %swap3A_1073 {strides = array<i32>} : memref<128xi32, #tpu.memory_space<vmem>>, vector<16xi32>,
    %swap3A_1074 = arith.constant 96 : index
    %swap3A_1075 = tpu.vector_load %arg12[%swap3A_1074] {strides = array<i32>} : memref<128xi32, #tpu.memory_space<vmem>>, vector<16xi32>,
    %swap3A_1076 = vector.shape_cast %swap3A_1075 : vector<16xi32> to vector<16xi32>
    %swap3A_1077 = vector.shape_cast %broadcast_in_dim3A_7 : vector<16xi32> to vector<16xi32>
    tpu.vector_store %arg12[%swap3A_1074], %swap3A_1077 {strides = array<i32>} : memref<128xi32, #tpu.memory_space<vmem>>, vector<16xi32>,
    %add3A_1078 = arith.addi %scan3A_18#1, %mul3A_571 : i32
    %mul3A_1079 = vector.broadcast %add3A_1078 : i32 to vector<16xi32>
    %mul3A_1080 = arith.muli %broadcast_in_dim3A_1, %mul3A_1079 : vector<16xi32>
    %add3A_1081 = arith.addi %mul3A_1080, %iota3A : vector<16xi32>
    %add3A_1082 = arith.constant 256 : i32
    %add3A_1083 = vector.broadcast %add3A_1082 : i32 to vector<16xi32>
    %add3A_1084 = arith.addi %add3A_1081, %add3A_1083 : vector<16xi32>
    %add3A_1085 = arith.constant 112 : i32
    %add3A_1086 = vector.broadcast %add3A_1085 : i32 to vector<16xi32>
    %add3A_1087 = arith.addi %add3A_1084, %add3A_1086 : vector<16xi32>
    %swap3A_1088 = arith.constant 112 : index
    %swap3A_1089 = tpu.vector_load %arg10[%swap3A_1088] {strides = array<i32>} : memref<128xi32, #tpu.memory_space<vmem>>, vector<16xi32>,
    %swap3A_1090 = vector.shape_cast %swap3A_1089 : vector<16xi32> to vector<16xi32>
    %swap3A_1091 = vector.shape_cast %add3A_1087 : vector<16xi32> to vector<16xi32>
    tpu.vector_store %arg10[%swap3A_1088], %swap3A_1091 {strides = array<i32>} : memref<128xi32, #tpu.memory_space<vmem>>, vector<16xi32>,
    %swap3A_1092 = arith.constant 112 : index
    %swap3A_1093 = tpu.vector_load %arg11[%swap3A_1092] {strides = array<i32>} : memref<128xi32, #tpu.memory_space<vmem>>, vector<16xi32>,
    %swap3A_1094 = vector.shape_cast %swap3A_1093 : vector<16xi32> to vector<16xi32>
    %swap3A_1095 = vector.shape_cast %broadcast_in_dim3A_3 : vector<16xi32> to vector<16xi32>
    tpu.vector_store %arg11[%swap3A_1092], %swap3A_1095 {strides = array<i32>} : memref<128xi32, #tpu.memory_space<vmem>>, vector<16xi32>,
    %swap3A_1096 = arith.constant 112 : index
    %swap3A_1097 = tpu.vector_load %arg12[%swap3A_1096] {strides = array<i32>} : memref<128xi32, #tpu.memory_space<vmem>>, vector<16xi32>,
    %swap3A_1098 = vector.shape_cast %swap3A_1097 : vector<16xi32> to vector<16xi32>
    %swap3A_1099 = vector.shape_cast %broadcast_in_dim3A_7 : vector<16xi32> to vector<16xi32>
    tpu.vector_store %arg12[%swap3A_1096], %swap3A_1099 {strides = array<i32>} : memref<128xi32, #tpu.memory_space<vmem>>, vector<16xi32>,
    "tpu.region"() ({
      %run_scoped3A = tpu.sem_alloc : memref<!tpu.dma_semaphore, #tpu.memory_space<semaphore_mem>>
      %dma_start3A = arith.constant 0 : i32
      %dma_start3A_2204 = tpu.memref_slice %arg4[%dma_start3A] : memref<3260432xi32, #tpu.memory_space<hbm>> -> memref<3260432xi32, #tpu.memory_space<hbm>>
      tpu.enqueue_indirect_dma source(%arg11 : memref<128xi32, #tpu.memory_space<vmem>>) target(%dma_start3A_2204 : memref<3260432xi32, #tpu.memory_space<hbm>>) offsets(%arg10 : memref<128xi32, #tpu.memory_space<vmem>>) semaphore(%run_scoped3A : memref<!tpu.dma_semaphore, #tpu.memory_space<semaphore_mem>>)
      %dma_wait3A = arith.constant 0 : i32
      %dma_wait3A_2205 = tpu.memref_slice %arg4[%dma_wait3A] : memref<3260432xi32, #tpu.memory_space<hbm>> -> memref<3260432xi32, #tpu.memory_space<hbm>>
      tpu.wait_indirect_dma semaphore(%run_scoped3A : memref<!tpu.dma_semaphore, #tpu.memory_space<semaphore_mem>>) src(%arg11 : memref<128xi32, #tpu.memory_space<vmem>>) dst(%dma_wait3A_2205 : memref<3260432xi32, #tpu.memory_space<hbm>>)
      tpu.yield
    }) : () -> ()
    "tpu.region"() ({
      %run_scoped3A = tpu.sem_alloc : memref<!tpu.dma_semaphore, #tpu.memory_space<semaphore_mem>>
      %dma_start3A = arith.constant 0 : i32
      %dma_start3A_2204 = tpu.memref_slice %arg5[%dma_start3A] : memref<3260432xi32, #tpu.memory_space<hbm>> -> memref<3260432xi32, #tpu.memory_space<hbm>>
      tpu.enqueue_indirect_dma source(%arg12 : memref<128xi32, #tpu.memory_space<vmem>>) target(%dma_start3A_2204 : memref<3260432xi32, #tpu.memory_space<hbm>>) offsets(%arg10 : memref<128xi32, #tpu.memory_space<vmem>>) semaphore(%run_scoped3A : memref<!tpu.dma_semaphore, #tpu.memory_space<semaphore_mem>>)
      %dma_wait3A = arith.constant 0 : i32
      %dma_wait3A_2205 = tpu.memref_slice %arg5[%dma_wait3A] : memref<3260432xi32, #tpu.memory_space<hbm>> -> memref<3260432xi32, #tpu.memory_space<hbm>>
      tpu.wait_indirect_dma semaphore(%run_scoped3A : memref<!tpu.dma_semaphore, #tpu.memory_space<semaphore_mem>>) src(%arg12 : memref<128xi32, #tpu.memory_space<vmem>>) dst(%dma_wait3A_2205 : memref<3260432xi32, #tpu.memory_space<hbm>>)
      tpu.yield
    }) : () -> ()
    %mul3A_1100 = vector.broadcast %scan3A_18#1 : i32 to vector<16xi32>
    %mul3A_1101 = arith.muli %broadcast_in_dim3A_1, %mul3A_1100 : vector<16xi32>
    %swap3A_1102 = arith.constant 0 : index
    %swap3A_1103 = tpu.vector_load %arg13[%swap3A_1102] {strides = array<i32>} : memref<16xi32, #tpu.memory_space<vmem>>, vector<16xi32>,
    %swap3A_1104 = vector.shape_cast %swap3A_1103 : vector<16xi32> to vector<16xi32>
    %swap3A_1105 = vector.shape_cast %mul3A_1101 : vector<16xi32> to vector<16xi32>
    tpu.vector_store %arg13[%swap3A_1102], %swap3A_1105 {strides = array<i32>} : memref<16xi32, #tpu.memory_space<vmem>>, vector<16xi32>,
    %mul3A_1106 = arith.constant 4 : i32
    %mul3A_1107 = arith.muli %add3A, %mul3A_1106 : i32
    %add3A_1108 = arith.constant 1 : i32
    %add3A_1109 = arith.addi %mul3A_1107, %add3A_1108 : i32
    %mul3A_1110 = arith.constant 16 : i32
    %mul3A_1111 = arith.muli %add3A_1109, %mul3A_1110 : i32
    "tpu.region"() ({
      %run_scoped3A = tpu.sem_alloc : memref<!tpu.dma_semaphore, #tpu.memory_space<semaphore_mem>>
      %dma_start3A = tpu.memref_slice %arg6[%mul3A_1111] : memref<2048xi32, #tpu.memory_space<hbm>> -> memref<16xi32, #tpu.memory_space<hbm>>
      %dma_start3A_2204 = tpu.memref_slice %arg6[%mul3A_1111] : memref<2048xi32, #tpu.memory_space<hbm>> -> memref<16xi32, #tpu.memory_space<hbm>>
      tpu.enqueue_dma source(%arg13 : memref<16xi32, #tpu.memory_space<vmem>>) target(%dma_start3A_2204 : memref<16xi32, #tpu.memory_space<hbm>>) target_semaphore(%run_scoped3A : memref<!tpu.dma_semaphore, #tpu.memory_space<semaphore_mem>>)
      %dma_wait3A = tpu.memref_slice %arg6[%mul3A_1111] : memref<2048xi32, #tpu.memory_space<hbm>> -> memref<16xi32, #tpu.memory_space<hbm>>
      %dma_wait3A_2205 = tpu.memref_slice %arg6[%mul3A_1111] : memref<2048xi32, #tpu.memory_space<hbm>> -> memref<16xi32, #tpu.memory_space<hbm>>
      tpu.wait_dma2 semaphore(%run_scoped3A : memref<!tpu.dma_semaphore, #tpu.memory_space<semaphore_mem>>) src(%arg13 : memref<16xi32, #tpu.memory_space<vmem>>) dst(%dma_wait3A_2205 : memref<16xi32, #tpu.memory_space<hbm>>)
      tpu.yield
    }) : () -> ()
    %mul3A_1112 = arith.constant 4 : i32
    %mul3A_1113 = arith.muli %add3A, %mul3A_1112 : i32
    %add3A_1114 = arith.constant 2 : i32
    %add3A_1115 = arith.addi %mul3A_1113, %add3A_1114 : i32
    %mul3A_1116 = arith.constant 25472 : i32
    %mul3A_1117 = arith.muli %add3A_1115, %mul3A_1116 : i32
    %add3A_1118 = arith.addi %scan3A_18#2, %mul3A_1117 : i32
    %mul3A_1119 = vector.broadcast %add3A_1118 : i32 to vector<16xi32>
    %mul3A_1120 = arith.muli %broadcast_in_dim3A_1, %mul3A_1119 : vector<16xi32>
    %add3A_1121 = arith.addi %mul3A_1120, %iota3A : vector<16xi32>
    %add3A_1122 = arith.constant 0 : i32
    %add3A_1123 = vector.broadcast %add3A_1122 : i32 to vector<16xi32>
    %add3A_1124 = arith.addi %add3A_1121, %add3A_1123 : vector<16xi32>
    %add3A_1125 = arith.constant 0 : i32
    %add3A_1126 = vector.broadcast %add3A_1125 : i32 to vector<16xi32>
    %add3A_1127 = arith.addi %add3A_1124, %add3A_1126 : vector<16xi32>
    %swap3A_1128 = arith.constant 0 : index
    %swap3A_1129 = tpu.vector_load %arg10[%swap3A_1128] {strides = array<i32>} : memref<128xi32, #tpu.memory_space<vmem>>, vector<16xi32>,
    %swap3A_1130 = vector.shape_cast %swap3A_1129 : vector<16xi32> to vector<16xi32>
    %swap3A_1131 = vector.shape_cast %add3A_1127 : vector<16xi32> to vector<16xi32>
    tpu.vector_store %arg10[%swap3A_1128], %swap3A_1131 {strides = array<i32>} : memref<128xi32, #tpu.memory_space<vmem>>, vector<16xi32>,
    %swap3A_1132 = arith.constant 0 : index
    %swap3A_1133 = tpu.vector_load %arg11[%swap3A_1132] {strides = array<i32>} : memref<128xi32, #tpu.memory_space<vmem>>, vector<16xi32>,
    %swap3A_1134 = vector.shape_cast %swap3A_1133 : vector<16xi32> to vector<16xi32>
    %swap3A_1135 = vector.shape_cast %broadcast_in_dim3A_3 : vector<16xi32> to vector<16xi32>
    tpu.vector_store %arg11[%swap3A_1132], %swap3A_1135 {strides = array<i32>} : memref<128xi32, #tpu.memory_space<vmem>>, vector<16xi32>,
    %swap3A_1136 = arith.constant 0 : index
    %swap3A_1137 = tpu.vector_load %arg12[%swap3A_1136] {strides = array<i32>} : memref<128xi32, #tpu.memory_space<vmem>>, vector<16xi32>,
    %swap3A_1138 = vector.shape_cast %swap3A_1137 : vector<16xi32> to vector<16xi32>
    %swap3A_1139 = vector.shape_cast %broadcast_in_dim3A_7 : vector<16xi32> to vector<16xi32>
    tpu.vector_store %arg12[%swap3A_1136], %swap3A_1139 {strides = array<i32>} : memref<128xi32, #tpu.memory_space<vmem>>, vector<16xi32>,
    %add3A_1140 = arith.addi %scan3A_18#2, %mul3A_1117 : i32
    %mul3A_1141 = vector.broadcast %add3A_1140 : i32 to vector<16xi32>
    %mul3A_1142 = arith.muli %broadcast_in_dim3A_1, %mul3A_1141 : vector<16xi32>
    %add3A_1143 = arith.addi %mul3A_1142, %iota3A : vector<16xi32>
    %add3A_1144 = arith.constant 0 : i32
    %add3A_1145 = vector.broadcast %add3A_1144 : i32 to vector<16xi32>
    %add3A_1146 = arith.addi %add3A_1143, %add3A_1145 : vector<16xi32>
    %add3A_1147 = arith.constant 16 : i32
    %add3A_1148 = vector.broadcast %add3A_1147 : i32 to vector<16xi32>
    %add3A_1149 = arith.addi %add3A_1146, %add3A_1148 : vector<16xi32>
    %swap3A_1150 = arith.constant 16 : index
    %swap3A_1151 = tpu.vector_load %arg10[%swap3A_1150] {strides = array<i32>} : memref<128xi32, #tpu.memory_space<vmem>>, vector<16xi32>,
    %swap3A_1152 = vector.shape_cast %swap3A_1151 : vector<16xi32> to vector<16xi32>
    %swap3A_1153 = vector.shape_cast %add3A_1149 : vector<16xi32> to vector<16xi32>
    tpu.vector_store %arg10[%swap3A_1150], %swap3A_1153 {strides = array<i32>} : memref<128xi32, #tpu.memory_space<vmem>>, vector<16xi32>,
    %swap3A_1154 = arith.constant 16 : index
    %swap3A_1155 = tpu.vector_load %arg11[%swap3A_1154] {strides = array<i32>} : memref<128xi32, #tpu.memory_space<vmem>>, vector<16xi32>,
    %swap3A_1156 = vector.shape_cast %swap3A_1155 : vector<16xi32> to vector<16xi32>
    %swap3A_1157 = vector.shape_cast %broadcast_in_dim3A_3 : vector<16xi32> to vector<16xi32>
    tpu.vector_store %arg11[%swap3A_1154], %swap3A_1157 {strides = array<i32>} : memref<128xi32, #tpu.memory_space<vmem>>, vector<16xi32>,
    %swap3A_1158 = arith.constant 16 : index
    %swap3A_1159 = tpu.vector_load %arg12[%swap3A_1158] {strides = array<i32>} : memref<128xi32, #tpu.memory_space<vmem>>, vector<16xi32>,
    %swap3A_1160 = vector.shape_cast %swap3A_1159 : vector<16xi32> to vector<16xi32>
    %swap3A_1161 = vector.shape_cast %broadcast_in_dim3A_7 : vector<16xi32> to vector<16xi32>
    tpu.vector_store %arg12[%swap3A_1158], %swap3A_1161 {strides = array<i32>} : memref<128xi32, #tpu.memory_space<vmem>>, vector<16xi32>,
    %add3A_1162 = arith.addi %scan3A_18#2, %mul3A_1117 : i32
    %mul3A_1163 = vector.broadcast %add3A_1162 : i32 to vector<16xi32>
    %mul3A_1164 = arith.muli %broadcast_in_dim3A_1, %mul3A_1163 : vector<16xi32>
    %add3A_1165 = arith.addi %mul3A_1164, %iota3A : vector<16xi32>
    %add3A_1166 = arith.constant 0 : i32
    %add3A_1167 = vector.broadcast %add3A_1166 : i32 to vector<16xi32>
    %add3A_1168 = arith.addi %add3A_1165, %add3A_1167 : vector<16xi32>
    %add3A_1169 = arith.constant 32 : i32
    %add3A_1170 = vector.broadcast %add3A_1169 : i32 to vector<16xi32>
    %add3A_1171 = arith.addi %add3A_1168, %add3A_1170 : vector<16xi32>
    %swap3A_1172 = arith.constant 32 : index
    %swap3A_1173 = tpu.vector_load %arg10[%swap3A_1172] {strides = array<i32>} : memref<128xi32, #tpu.memory_space<vmem>>, vector<16xi32>,
    %swap3A_1174 = vector.shape_cast %swap3A_1173 : vector<16xi32> to vector<16xi32>
    %swap3A_1175 = vector.shape_cast %add3A_1171 : vector<16xi32> to vector<16xi32>
    tpu.vector_store %arg10[%swap3A_1172], %swap3A_1175 {strides = array<i32>} : memref<128xi32, #tpu.memory_space<vmem>>, vector<16xi32>,
    %swap3A_1176 = arith.constant 32 : index
    %swap3A_1177 = tpu.vector_load %arg11[%swap3A_1176] {strides = array<i32>} : memref<128xi32, #tpu.memory_space<vmem>>, vector<16xi32>,
    %swap3A_1178 = vector.shape_cast %swap3A_1177 : vector<16xi32> to vector<16xi32>
    %swap3A_1179 = vector.shape_cast %broadcast_in_dim3A_3 : vector<16xi32> to vector<16xi32>
    tpu.vector_store %arg11[%swap3A_1176], %swap3A_1179 {strides = array<i32>} : memref<128xi32, #tpu.memory_space<vmem>>, vector<16xi32>,
    %swap3A_1180 = arith.constant 32 : index
    %swap3A_1181 = tpu.vector_load %arg12[%swap3A_1180] {strides = array<i32>} : memref<128xi32, #tpu.memory_space<vmem>>, vector<16xi32>,
    %swap3A_1182 = vector.shape_cast %swap3A_1181 : vector<16xi32> to vector<16xi32>
    %swap3A_1183 = vector.shape_cast %broadcast_in_dim3A_7 : vector<16xi32> to vector<16xi32>
    tpu.vector_store %arg12[%swap3A_1180], %swap3A_1183 {strides = array<i32>} : memref<128xi32, #tpu.memory_space<vmem>>, vector<16xi32>,
    %add3A_1184 = arith.addi %scan3A_18#2, %mul3A_1117 : i32
    %mul3A_1185 = vector.broadcast %add3A_1184 : i32 to vector<16xi32>
    %mul3A_1186 = arith.muli %broadcast_in_dim3A_1, %mul3A_1185 : vector<16xi32>
    %add3A_1187 = arith.addi %mul3A_1186, %iota3A : vector<16xi32>
    %add3A_1188 = arith.constant 0 : i32
    %add3A_1189 = vector.broadcast %add3A_1188 : i32 to vector<16xi32>
    %add3A_1190 = arith.addi %add3A_1187, %add3A_1189 : vector<16xi32>
    %add3A_1191 = arith.constant 48 : i32
    %add3A_1192 = vector.broadcast %add3A_1191 : i32 to vector<16xi32>
    %add3A_1193 = arith.addi %add3A_1190, %add3A_1192 : vector<16xi32>
    %swap3A_1194 = arith.constant 48 : index
    %swap3A_1195 = tpu.vector_load %arg10[%swap3A_1194] {strides = array<i32>} : memref<128xi32, #tpu.memory_space<vmem>>, vector<16xi32>,
    %swap3A_1196 = vector.shape_cast %swap3A_1195 : vector<16xi32> to vector<16xi32>
    %swap3A_1197 = vector.shape_cast %add3A_1193 : vector<16xi32> to vector<16xi32>
    tpu.vector_store %arg10[%swap3A_1194], %swap3A_1197 {strides = array<i32>} : memref<128xi32, #tpu.memory_space<vmem>>, vector<16xi32>,
    %swap3A_1198 = arith.constant 48 : index
    %swap3A_1199 = tpu.vector_load %arg11[%swap3A_1198] {strides = array<i32>} : memref<128xi32, #tpu.memory_space<vmem>>, vector<16xi32>,
    %swap3A_1200 = vector.shape_cast %swap3A_1199 : vector<16xi32> to vector<16xi32>
    %swap3A_1201 = vector.shape_cast %broadcast_in_dim3A_3 : vector<16xi32> to vector<16xi32>
    tpu.vector_store %arg11[%swap3A_1198], %swap3A_1201 {strides = array<i32>} : memref<128xi32, #tpu.memory_space<vmem>>, vector<16xi32>,
    %swap3A_1202 = arith.constant 48 : index
    %swap3A_1203 = tpu.vector_load %arg12[%swap3A_1202] {strides = array<i32>} : memref<128xi32, #tpu.memory_space<vmem>>, vector<16xi32>,
    %swap3A_1204 = vector.shape_cast %swap3A_1203 : vector<16xi32> to vector<16xi32>
    %swap3A_1205 = vector.shape_cast %broadcast_in_dim3A_7 : vector<16xi32> to vector<16xi32>
    tpu.vector_store %arg12[%swap3A_1202], %swap3A_1205 {strides = array<i32>} : memref<128xi32, #tpu.memory_space<vmem>>, vector<16xi32>,
    %add3A_1206 = arith.addi %scan3A_18#2, %mul3A_1117 : i32
    %mul3A_1207 = vector.broadcast %add3A_1206 : i32 to vector<16xi32>
    %mul3A_1208 = arith.muli %broadcast_in_dim3A_1, %mul3A_1207 : vector<16xi32>
    %add3A_1209 = arith.addi %mul3A_1208, %iota3A : vector<16xi32>
    %add3A_1210 = arith.constant 0 : i32
    %add3A_1211 = vector.broadcast %add3A_1210 : i32 to vector<16xi32>
    %add3A_1212 = arith.addi %add3A_1209, %add3A_1211 : vector<16xi32>
    %add3A_1213 = arith.constant 64 : i32
    %add3A_1214 = vector.broadcast %add3A_1213 : i32 to vector<16xi32>
    %add3A_1215 = arith.addi %add3A_1212, %add3A_1214 : vector<16xi32>
    %swap3A_1216 = arith.constant 64 : index
    %swap3A_1217 = tpu.vector_load %arg10[%swap3A_1216] {strides = array<i32>} : memref<128xi32, #tpu.memory_space<vmem>>, vector<16xi32>,
    %swap3A_1218 = vector.shape_cast %swap3A_1217 : vector<16xi32> to vector<16xi32>
    %swap3A_1219 = vector.shape_cast %add3A_1215 : vector<16xi32> to vector<16xi32>
    tpu.vector_store %arg10[%swap3A_1216], %swap3A_1219 {strides = array<i32>} : memref<128xi32, #tpu.memory_space<vmem>>, vector<16xi32>,
    %swap3A_1220 = arith.constant 64 : index
    %swap3A_1221 = tpu.vector_load %arg11[%swap3A_1220] {strides = array<i32>} : memref<128xi32, #tpu.memory_space<vmem>>, vector<16xi32>,
    %swap3A_1222 = vector.shape_cast %swap3A_1221 : vector<16xi32> to vector<16xi32>
    %swap3A_1223 = vector.shape_cast %broadcast_in_dim3A_3 : vector<16xi32> to vector<16xi32>
    tpu.vector_store %arg11[%swap3A_1220], %swap3A_1223 {strides = array<i32>} : memref<128xi32, #tpu.memory_space<vmem>>, vector<16xi32>,
    %swap3A_1224 = arith.constant 64 : index
    %swap3A_1225 = tpu.vector_load %arg12[%swap3A_1224] {strides = array<i32>} : memref<128xi32, #tpu.memory_space<vmem>>, vector<16xi32>,
    %swap3A_1226 = vector.shape_cast %swap3A_1225 : vector<16xi32> to vector<16xi32>
    %swap3A_1227 = vector.shape_cast %broadcast_in_dim3A_7 : vector<16xi32> to vector<16xi32>
    tpu.vector_store %arg12[%swap3A_1224], %swap3A_1227 {strides = array<i32>} : memref<128xi32, #tpu.memory_space<vmem>>, vector<16xi32>,
    %add3A_1228 = arith.addi %scan3A_18#2, %mul3A_1117 : i32
    %mul3A_1229 = vector.broadcast %add3A_1228 : i32 to vector<16xi32>
    %mul3A_1230 = arith.muli %broadcast_in_dim3A_1, %mul3A_1229 : vector<16xi32>
    %add3A_1231 = arith.addi %mul3A_1230, %iota3A : vector<16xi32>
    %add3A_1232 = arith.constant 0 : i32
    %add3A_1233 = vector.broadcast %add3A_1232 : i32 to vector<16xi32>
    %add3A_1234 = arith.addi %add3A_1231, %add3A_1233 : vector<16xi32>
    %add3A_1235 = arith.constant 80 : i32
    %add3A_1236 = vector.broadcast %add3A_1235 : i32 to vector<16xi32>
    %add3A_1237 = arith.addi %add3A_1234, %add3A_1236 : vector<16xi32>
    %swap3A_1238 = arith.constant 80 : index
    %swap3A_1239 = tpu.vector_load %arg10[%swap3A_1238] {strides = array<i32>} : memref<128xi32, #tpu.memory_space<vmem>>, vector<16xi32>,
    %swap3A_1240 = vector.shape_cast %swap3A_1239 : vector<16xi32> to vector<16xi32>
    %swap3A_1241 = vector.shape_cast %add3A_1237 : vector<16xi32> to vector<16xi32>
    tpu.vector_store %arg10[%swap3A_1238], %swap3A_1241 {strides = array<i32>} : memref<128xi32, #tpu.memory_space<vmem>>, vector<16xi32>,
    %swap3A_1242 = arith.constant 80 : index
    %swap3A_1243 = tpu.vector_load %arg11[%swap3A_1242] {strides = array<i32>} : memref<128xi32, #tpu.memory_space<vmem>>, vector<16xi32>,
    %swap3A_1244 = vector.shape_cast %swap3A_1243 : vector<16xi32> to vector<16xi32>
    %swap3A_1245 = vector.shape_cast %broadcast_in_dim3A_3 : vector<16xi32> to vector<16xi32>
    tpu.vector_store %arg11[%swap3A_1242], %swap3A_1245 {strides = array<i32>} : memref<128xi32, #tpu.memory_space<vmem>>, vector<16xi32>,
    %swap3A_1246 = arith.constant 80 : index
    %swap3A_1247 = tpu.vector_load %arg12[%swap3A_1246] {strides = array<i32>} : memref<128xi32, #tpu.memory_space<vmem>>, vector<16xi32>,
    %swap3A_1248 = vector.shape_cast %swap3A_1247 : vector<16xi32> to vector<16xi32>
    %swap3A_1249 = vector.shape_cast %broadcast_in_dim3A_7 : vector<16xi32> to vector<16xi32>
    tpu.vector_store %arg12[%swap3A_1246], %swap3A_1249 {strides = array<i32>} : memref<128xi32, #tpu.memory_space<vmem>>, vector<16xi32>,
    %add3A_1250 = arith.addi %scan3A_18#2, %mul3A_1117 : i32
    %mul3A_1251 = vector.broadcast %add3A_1250 : i32 to vector<16xi32>
    %mul3A_1252 = arith.muli %broadcast_in_dim3A_1, %mul3A_1251 : vector<16xi32>
    %add3A_1253 = arith.addi %mul3A_1252, %iota3A : vector<16xi32>
    %add3A_1254 = arith.constant 0 : i32
    %add3A_1255 = vector.broadcast %add3A_1254 : i32 to vector<16xi32>
    %add3A_1256 = arith.addi %add3A_1253, %add3A_1255 : vector<16xi32>
    %add3A_1257 = arith.constant 96 : i32
    %add3A_1258 = vector.broadcast %add3A_1257 : i32 to vector<16xi32>
    %add3A_1259 = arith.addi %add3A_1256, %add3A_1258 : vector<16xi32>
    %swap3A_1260 = arith.constant 96 : index
    %swap3A_1261 = tpu.vector_load %arg10[%swap3A_1260] {strides = array<i32>} : memref<128xi32, #tpu.memory_space<vmem>>, vector<16xi32>,
    %swap3A_1262 = vector.shape_cast %swap3A_1261 : vector<16xi32> to vector<16xi32>
    %swap3A_1263 = vector.shape_cast %add3A_1259 : vector<16xi32> to vector<16xi32>
    tpu.vector_store %arg10[%swap3A_1260], %swap3A_1263 {strides = array<i32>} : memref<128xi32, #tpu.memory_space<vmem>>, vector<16xi32>,
    %swap3A_1264 = arith.constant 96 : index
    %swap3A_1265 = tpu.vector_load %arg11[%swap3A_1264] {strides = array<i32>} : memref<128xi32, #tpu.memory_space<vmem>>, vector<16xi32>,
    %swap3A_1266 = vector.shape_cast %swap3A_1265 : vector<16xi32> to vector<16xi32>
    %swap3A_1267 = vector.shape_cast %broadcast_in_dim3A_3 : vector<16xi32> to vector<16xi32>
    tpu.vector_store %arg11[%swap3A_1264], %swap3A_1267 {strides = array<i32>} : memref<128xi32, #tpu.memory_space<vmem>>, vector<16xi32>,
    %swap3A_1268 = arith.constant 96 : index
    %swap3A_1269 = tpu.vector_load %arg12[%swap3A_1268] {strides = array<i32>} : memref<128xi32, #tpu.memory_space<vmem>>, vector<16xi32>,
    %swap3A_1270 = vector.shape_cast %swap3A_1269 : vector<16xi32> to vector<16xi32>
    %swap3A_1271 = vector.shape_cast %broadcast_in_dim3A_7 : vector<16xi32> to vector<16xi32>
    tpu.vector_store %arg12[%swap3A_1268], %swap3A_1271 {strides = array<i32>} : memref<128xi32, #tpu.memory_space<vmem>>, vector<16xi32>,
    %add3A_1272 = arith.addi %scan3A_18#2, %mul3A_1117 : i32
    %mul3A_1273 = vector.broadcast %add3A_1272 : i32 to vector<16xi32>
    %mul3A_1274 = arith.muli %broadcast_in_dim3A_1, %mul3A_1273 : vector<16xi32>
    %add3A_1275 = arith.addi %mul3A_1274, %iota3A : vector<16xi32>
    %add3A_1276 = arith.constant 0 : i32
    %add3A_1277 = vector.broadcast %add3A_1276 : i32 to vector<16xi32>
    %add3A_1278 = arith.addi %add3A_1275, %add3A_1277 : vector<16xi32>
    %add3A_1279 = arith.constant 112 : i32
    %add3A_1280 = vector.broadcast %add3A_1279 : i32 to vector<16xi32>
    %add3A_1281 = arith.addi %add3A_1278, %add3A_1280 : vector<16xi32>
    %swap3A_1282 = arith.constant 112 : index
    %swap3A_1283 = tpu.vector_load %arg10[%swap3A_1282] {strides = array<i32>} : memref<128xi32, #tpu.memory_space<vmem>>, vector<16xi32>,
    %swap3A_1284 = vector.shape_cast %swap3A_1283 : vector<16xi32> to vector<16xi32>
    %swap3A_1285 = vector.shape_cast %add3A_1281 : vector<16xi32> to vector<16xi32>
    tpu.vector_store %arg10[%swap3A_1282], %swap3A_1285 {strides = array<i32>} : memref<128xi32, #tpu.memory_space<vmem>>, vector<16xi32>,
    %swap3A_1286 = arith.constant 112 : index
    %swap3A_1287 = tpu.vector_load %arg11[%swap3A_1286] {strides = array<i32>} : memref<128xi32, #tpu.memory_space<vmem>>, vector<16xi32>,
    %swap3A_1288 = vector.shape_cast %swap3A_1287 : vector<16xi32> to vector<16xi32>
    %swap3A_1289 = vector.shape_cast %broadcast_in_dim3A_3 : vector<16xi32> to vector<16xi32>
    tpu.vector_store %arg11[%swap3A_1286], %swap3A_1289 {strides = array<i32>} : memref<128xi32, #tpu.memory_space<vmem>>, vector<16xi32>,
    %swap3A_1290 = arith.constant 112 : index
    %swap3A_1291 = tpu.vector_load %arg12[%swap3A_1290] {strides = array<i32>} : memref<128xi32, #tpu.memory_space<vmem>>, vector<16xi32>,
    %swap3A_1292 = vector.shape_cast %swap3A_1291 : vector<16xi32> to vector<16xi32>
    %swap3A_1293 = vector.shape_cast %broadcast_in_dim3A_7 : vector<16xi32> to vector<16xi32>
    tpu.vector_store %arg12[%swap3A_1290], %swap3A_1293 {strides = array<i32>} : memref<128xi32, #tpu.memory_space<vmem>>, vector<16xi32>,
    "tpu.region"() ({
      %run_scoped3A = tpu.sem_alloc : memref<!tpu.dma_semaphore, #tpu.memory_space<semaphore_mem>>
      %dma_start3A = arith.constant 0 : i32
      %dma_start3A_2204 = tpu.memref_slice %arg4[%dma_start3A] : memref<3260432xi32, #tpu.memory_space<hbm>> -> memref<3260432xi32, #tpu.memory_space<hbm>>
      tpu.enqueue_indirect_dma source(%arg11 : memref<128xi32, #tpu.memory_space<vmem>>) target(%dma_start3A_2204 : memref<3260432xi32, #tpu.memory_space<hbm>>) offsets(%arg10 : memref<128xi32, #tpu.memory_space<vmem>>) semaphore(%run_scoped3A : memref<!tpu.dma_semaphore, #tpu.memory_space<semaphore_mem>>)
      %dma_wait3A = arith.constant 0 : i32
      %dma_wait3A_2205 = tpu.memref_slice %arg4[%dma_wait3A] : memref<3260432xi32, #tpu.memory_space<hbm>> -> memref<3260432xi32, #tpu.memory_space<hbm>>
      tpu.wait_indirect_dma semaphore(%run_scoped3A : memref<!tpu.dma_semaphore, #tpu.memory_space<semaphore_mem>>) src(%arg11 : memref<128xi32, #tpu.memory_space<vmem>>) dst(%dma_wait3A_2205 : memref<3260432xi32, #tpu.memory_space<hbm>>)
      tpu.yield
    }) : () -> ()
    "tpu.region"() ({
      %run_scoped3A = tpu.sem_alloc : memref<!tpu.dma_semaphore, #tpu.memory_space<semaphore_mem>>
      %dma_start3A = arith.constant 0 : i32
      %dma_start3A_2204 = tpu.memref_slice %arg5[%dma_start3A] : memref<3260432xi32, #tpu.memory_space<hbm>> -> memref<3260432xi32, #tpu.memory_space<hbm>>
      tpu.enqueue_indirect_dma source(%arg12 : memref<128xi32, #tpu.memory_space<vmem>>) target(%dma_start3A_2204 : memref<3260432xi32, #tpu.memory_space<hbm>>) offsets(%arg10 : memref<128xi32, #tpu.memory_space<vmem>>) semaphore(%run_scoped3A : memref<!tpu.dma_semaphore, #tpu.memory_space<semaphore_mem>>)
      %dma_wait3A = arith.constant 0 : i32
      %dma_wait3A_2205 = tpu.memref_slice %arg5[%dma_wait3A] : memref<3260432xi32, #tpu.memory_space<hbm>> -> memref<3260432xi32, #tpu.memory_space<hbm>>
      tpu.wait_indirect_dma semaphore(%run_scoped3A : memref<!tpu.dma_semaphore, #tpu.memory_space<semaphore_mem>>) src(%arg12 : memref<128xi32, #tpu.memory_space<vmem>>) dst(%dma_wait3A_2205 : memref<3260432xi32, #tpu.memory_space<hbm>>)
      tpu.yield
    }) : () -> ()
    %add3A_1294 = arith.addi %scan3A_18#2, %mul3A_1117 : i32
    %mul3A_1295 = vector.broadcast %add3A_1294 : i32 to vector<16xi32>
    %mul3A_1296 = arith.muli %broadcast_in_dim3A_1, %mul3A_1295 : vector<16xi32>
    %add3A_1297 = arith.addi %mul3A_1296, %iota3A : vector<16xi32>
    %add3A_1298 = arith.constant 128 : i32
    %add3A_1299 = vector.broadcast %add3A_1298 : i32 to vector<16xi32>
    %add3A_1300 = arith.addi %add3A_1297, %add3A_1299 : vector<16xi32>
    %add3A_1301 = arith.constant 0 : i32
    %add3A_1302 = vector.broadcast %add3A_1301 : i32 to vector<16xi32>
    %add3A_1303 = arith.addi %add3A_1300, %add3A_1302 : vector<16xi32>
    %swap3A_1304 = arith.constant 0 : index
    %swap3A_1305 = tpu.vector_load %arg10[%swap3A_1304] {strides = array<i32>} : memref<128xi32, #tpu.memory_space<vmem>>, vector<16xi32>,
    %swap3A_1306 = vector.shape_cast %swap3A_1305 : vector<16xi32> to vector<16xi32>
    %swap3A_1307 = vector.shape_cast %add3A_1303 : vector<16xi32> to vector<16xi32>
    tpu.vector_store %arg10[%swap3A_1304], %swap3A_1307 {strides = array<i32>} : memref<128xi32, #tpu.memory_space<vmem>>, vector<16xi32>,
    %swap3A_1308 = arith.constant 0 : index
    %swap3A_1309 = tpu.vector_load %arg11[%swap3A_1308] {strides = array<i32>} : memref<128xi32, #tpu.memory_space<vmem>>, vector<16xi32>,
    %swap3A_1310 = vector.shape_cast %swap3A_1309 : vector<16xi32> to vector<16xi32>
    %swap3A_1311 = vector.shape_cast %broadcast_in_dim3A_3 : vector<16xi32> to vector<16xi32>
    tpu.vector_store %arg11[%swap3A_1308], %swap3A_1311 {strides = array<i32>} : memref<128xi32, #tpu.memory_space<vmem>>, vector<16xi32>,
    %swap3A_1312 = arith.constant 0 : index
    %swap3A_1313 = tpu.vector_load %arg12[%swap3A_1312] {strides = array<i32>} : memref<128xi32, #tpu.memory_space<vmem>>, vector<16xi32>,
    %swap3A_1314 = vector.shape_cast %swap3A_1313 : vector<16xi32> to vector<16xi32>
    %swap3A_1315 = vector.shape_cast %broadcast_in_dim3A_7 : vector<16xi32> to vector<16xi32>
    tpu.vector_store %arg12[%swap3A_1312], %swap3A_1315 {strides = array<i32>} : memref<128xi32, #tpu.memory_space<vmem>>, vector<16xi32>,
    %add3A_1316 = arith.addi %scan3A_18#2, %mul3A_1117 : i32
    %mul3A_1317 = vector.broadcast %add3A_1316 : i32 to vector<16xi32>
    %mul3A_1318 = arith.muli %broadcast_in_dim3A_1, %mul3A_1317 : vector<16xi32>
    %add3A_1319 = arith.addi %mul3A_1318, %iota3A : vector<16xi32>
    %add3A_1320 = arith.constant 128 : i32
    %add3A_1321 = vector.broadcast %add3A_1320 : i32 to vector<16xi32>
    %add3A_1322 = arith.addi %add3A_1319, %add3A_1321 : vector<16xi32>
    %add3A_1323 = arith.constant 16 : i32
    %add3A_1324 = vector.broadcast %add3A_1323 : i32 to vector<16xi32>
    %add3A_1325 = arith.addi %add3A_1322, %add3A_1324 : vector<16xi32>
    %swap3A_1326 = arith.constant 16 : index
    %swap3A_1327 = tpu.vector_load %arg10[%swap3A_1326] {strides = array<i32>} : memref<128xi32, #tpu.memory_space<vmem>>, vector<16xi32>,
    %swap3A_1328 = vector.shape_cast %swap3A_1327 : vector<16xi32> to vector<16xi32>
    %swap3A_1329 = vector.shape_cast %add3A_1325 : vector<16xi32> to vector<16xi32>
    tpu.vector_store %arg10[%swap3A_1326], %swap3A_1329 {strides = array<i32>} : memref<128xi32, #tpu.memory_space<vmem>>, vector<16xi32>,
    %swap3A_1330 = arith.constant 16 : index
    %swap3A_1331 = tpu.vector_load %arg11[%swap3A_1330] {strides = array<i32>} : memref<128xi32, #tpu.memory_space<vmem>>, vector<16xi32>,
    %swap3A_1332 = vector.shape_cast %swap3A_1331 : vector<16xi32> to vector<16xi32>
    %swap3A_1333 = vector.shape_cast %broadcast_in_dim3A_3 : vector<16xi32> to vector<16xi32>
    tpu.vector_store %arg11[%swap3A_1330], %swap3A_1333 {strides = array<i32>} : memref<128xi32, #tpu.memory_space<vmem>>, vector<16xi32>,
    %swap3A_1334 = arith.constant 16 : index
    %swap3A_1335 = tpu.vector_load %arg12[%swap3A_1334] {strides = array<i32>} : memref<128xi32, #tpu.memory_space<vmem>>, vector<16xi32>,
    %swap3A_1336 = vector.shape_cast %swap3A_1335 : vector<16xi32> to vector<16xi32>
    %swap3A_1337 = vector.shape_cast %broadcast_in_dim3A_7 : vector<16xi32> to vector<16xi32>
    tpu.vector_store %arg12[%swap3A_1334], %swap3A_1337 {strides = array<i32>} : memref<128xi32, #tpu.memory_space<vmem>>, vector<16xi32>,
    %add3A_1338 = arith.addi %scan3A_18#2, %mul3A_1117 : i32
    %mul3A_1339 = vector.broadcast %add3A_1338 : i32 to vector<16xi32>
    %mul3A_1340 = arith.muli %broadcast_in_dim3A_1, %mul3A_1339 : vector<16xi32>
    %add3A_1341 = arith.addi %mul3A_1340, %iota3A : vector<16xi32>
    %add3A_1342 = arith.constant 128 : i32
    %add3A_1343 = vector.broadcast %add3A_1342 : i32 to vector<16xi32>
    %add3A_1344 = arith.addi %add3A_1341, %add3A_1343 : vector<16xi32>
    %add3A_1345 = arith.constant 32 : i32
    %add3A_1346 = vector.broadcast %add3A_1345 : i32 to vector<16xi32>
    %add3A_1347 = arith.addi %add3A_1344, %add3A_1346 : vector<16xi32>
    %swap3A_1348 = arith.constant 32 : index
    %swap3A_1349 = tpu.vector_load %arg10[%swap3A_1348] {strides = array<i32>} : memref<128xi32, #tpu.memory_space<vmem>>, vector<16xi32>,
    %swap3A_1350 = vector.shape_cast %swap3A_1349 : vector<16xi32> to vector<16xi32>
    %swap3A_1351 = vector.shape_cast %add3A_1347 : vector<16xi32> to vector<16xi32>
    tpu.vector_store %arg10[%swap3A_1348], %swap3A_1351 {strides = array<i32>} : memref<128xi32, #tpu.memory_space<vmem>>, vector<16xi32>,
    %swap3A_1352 = arith.constant 32 : index
    %swap3A_1353 = tpu.vector_load %arg11[%swap3A_1352] {strides = array<i32>} : memref<128xi32, #tpu.memory_space<vmem>>, vector<16xi32>,
    %swap3A_1354 = vector.shape_cast %swap3A_1353 : vector<16xi32> to vector<16xi32>
    %swap3A_1355 = vector.shape_cast %broadcast_in_dim3A_3 : vector<16xi32> to vector<16xi32>
    tpu.vector_store %arg11[%swap3A_1352], %swap3A_1355 {strides = array<i32>} : memref<128xi32, #tpu.memory_space<vmem>>, vector<16xi32>,
    %swap3A_1356 = arith.constant 32 : index
    %swap3A_1357 = tpu.vector_load %arg12[%swap3A_1356] {strides = array<i32>} : memref<128xi32, #tpu.memory_space<vmem>>, vector<16xi32>,
    %swap3A_1358 = vector.shape_cast %swap3A_1357 : vector<16xi32> to vector<16xi32>
    %swap3A_1359 = vector.shape_cast %broadcast_in_dim3A_7 : vector<16xi32> to vector<16xi32>
    tpu.vector_store %arg12[%swap3A_1356], %swap3A_1359 {strides = array<i32>} : memref<128xi32, #tpu.memory_space<vmem>>, vector<16xi32>,
    %add3A_1360 = arith.addi %scan3A_18#2, %mul3A_1117 : i32
    %mul3A_1361 = vector.broadcast %add3A_1360 : i32 to vector<16xi32>
    %mul3A_1362 = arith.muli %broadcast_in_dim3A_1, %mul3A_1361 : vector<16xi32>
    %add3A_1363 = arith.addi %mul3A_1362, %iota3A : vector<16xi32>
    %add3A_1364 = arith.constant 128 : i32
    %add3A_1365 = vector.broadcast %add3A_1364 : i32 to vector<16xi32>
    %add3A_1366 = arith.addi %add3A_1363, %add3A_1365 : vector<16xi32>
    %add3A_1367 = arith.constant 48 : i32
    %add3A_1368 = vector.broadcast %add3A_1367 : i32 to vector<16xi32>
    %add3A_1369 = arith.addi %add3A_1366, %add3A_1368 : vector<16xi32>
    %swap3A_1370 = arith.constant 48 : index
    %swap3A_1371 = tpu.vector_load %arg10[%swap3A_1370] {strides = array<i32>} : memref<128xi32, #tpu.memory_space<vmem>>, vector<16xi32>,
    %swap3A_1372 = vector.shape_cast %swap3A_1371 : vector<16xi32> to vector<16xi32>
    %swap3A_1373 = vector.shape_cast %add3A_1369 : vector<16xi32> to vector<16xi32>
    tpu.vector_store %arg10[%swap3A_1370], %swap3A_1373 {strides = array<i32>} : memref<128xi32, #tpu.memory_space<vmem>>, vector<16xi32>,
    %swap3A_1374 = arith.constant 48 : index
    %swap3A_1375 = tpu.vector_load %arg11[%swap3A_1374] {strides = array<i32>} : memref<128xi32, #tpu.memory_space<vmem>>, vector<16xi32>,
    %swap3A_1376 = vector.shape_cast %swap3A_1375 : vector<16xi32> to vector<16xi32>
    %swap3A_1377 = vector.shape_cast %broadcast_in_dim3A_3 : vector<16xi32> to vector<16xi32>
    tpu.vector_store %arg11[%swap3A_1374], %swap3A_1377 {strides = array<i32>} : memref<128xi32, #tpu.memory_space<vmem>>, vector<16xi32>,
    %swap3A_1378 = arith.constant 48 : index
    %swap3A_1379 = tpu.vector_load %arg12[%swap3A_1378] {strides = array<i32>} : memref<128xi32, #tpu.memory_space<vmem>>, vector<16xi32>,
    %swap3A_1380 = vector.shape_cast %swap3A_1379 : vector<16xi32> to vector<16xi32>
    %swap3A_1381 = vector.shape_cast %broadcast_in_dim3A_7 : vector<16xi32> to vector<16xi32>
    tpu.vector_store %arg12[%swap3A_1378], %swap3A_1381 {strides = array<i32>} : memref<128xi32, #tpu.memory_space<vmem>>, vector<16xi32>,
    %add3A_1382 = arith.addi %scan3A_18#2, %mul3A_1117 : i32
    %mul3A_1383 = vector.broadcast %add3A_1382 : i32 to vector<16xi32>
    %mul3A_1384 = arith.muli %broadcast_in_dim3A_1, %mul3A_1383 : vector<16xi32>
    %add3A_1385 = arith.addi %mul3A_1384, %iota3A : vector<16xi32>
    %add3A_1386 = arith.constant 128 : i32
    %add3A_1387 = vector.broadcast %add3A_1386 : i32 to vector<16xi32>
    %add3A_1388 = arith.addi %add3A_1385, %add3A_1387 : vector<16xi32>
    %add3A_1389 = arith.constant 64 : i32
    %add3A_1390 = vector.broadcast %add3A_1389 : i32 to vector<16xi32>
    %add3A_1391 = arith.addi %add3A_1388, %add3A_1390 : vector<16xi32>
    %swap3A_1392 = arith.constant 64 : index
    %swap3A_1393 = tpu.vector_load %arg10[%swap3A_1392] {strides = array<i32>} : memref<128xi32, #tpu.memory_space<vmem>>, vector<16xi32>,
    %swap3A_1394 = vector.shape_cast %swap3A_1393 : vector<16xi32> to vector<16xi32>
    %swap3A_1395 = vector.shape_cast %add3A_1391 : vector<16xi32> to vector<16xi32>
    tpu.vector_store %arg10[%swap3A_1392], %swap3A_1395 {strides = array<i32>} : memref<128xi32, #tpu.memory_space<vmem>>, vector<16xi32>,
    %swap3A_1396 = arith.constant 64 : index
    %swap3A_1397 = tpu.vector_load %arg11[%swap3A_1396] {strides = array<i32>} : memref<128xi32, #tpu.memory_space<vmem>>, vector<16xi32>,
    %swap3A_1398 = vector.shape_cast %swap3A_1397 : vector<16xi32> to vector<16xi32>
    %swap3A_1399 = vector.shape_cast %broadcast_in_dim3A_3 : vector<16xi32> to vector<16xi32>
    tpu.vector_store %arg11[%swap3A_1396], %swap3A_1399 {strides = array<i32>} : memref<128xi32, #tpu.memory_space<vmem>>, vector<16xi32>,
    %swap3A_1400 = arith.constant 64 : index
    %swap3A_1401 = tpu.vector_load %arg12[%swap3A_1400] {strides = array<i32>} : memref<128xi32, #tpu.memory_space<vmem>>, vector<16xi32>,
    %swap3A_1402 = vector.shape_cast %swap3A_1401 : vector<16xi32> to vector<16xi32>
    %swap3A_1403 = vector.shape_cast %broadcast_in_dim3A_7 : vector<16xi32> to vector<16xi32>
    tpu.vector_store %arg12[%swap3A_1400], %swap3A_1403 {strides = array<i32>} : memref<128xi32, #tpu.memory_space<vmem>>, vector<16xi32>,
    %add3A_1404 = arith.addi %scan3A_18#2, %mul3A_1117 : i32
    %mul3A_1405 = vector.broadcast %add3A_1404 : i32 to vector<16xi32>
    %mul3A_1406 = arith.muli %broadcast_in_dim3A_1, %mul3A_1405 : vector<16xi32>
    %add3A_1407 = arith.addi %mul3A_1406, %iota3A : vector<16xi32>
    %add3A_1408 = arith.constant 128 : i32
    %add3A_1409 = vector.broadcast %add3A_1408 : i32 to vector<16xi32>
    %add3A_1410 = arith.addi %add3A_1407, %add3A_1409 : vector<16xi32>
    %add3A_1411 = arith.constant 80 : i32
    %add3A_1412 = vector.broadcast %add3A_1411 : i32 to vector<16xi32>
    %add3A_1413 = arith.addi %add3A_1410, %add3A_1412 : vector<16xi32>
    %swap3A_1414 = arith.constant 80 : index
    %swap3A_1415 = tpu.vector_load %arg10[%swap3A_1414] {strides = array<i32>} : memref<128xi32, #tpu.memory_space<vmem>>, vector<16xi32>,
    %swap3A_1416 = vector.shape_cast %swap3A_1415 : vector<16xi32> to vector<16xi32>
    %swap3A_1417 = vector.shape_cast %add3A_1413 : vector<16xi32> to vector<16xi32>
    tpu.vector_store %arg10[%swap3A_1414], %swap3A_1417 {strides = array<i32>} : memref<128xi32, #tpu.memory_space<vmem>>, vector<16xi32>,
    %swap3A_1418 = arith.constant 80 : index
    %swap3A_1419 = tpu.vector_load %arg11[%swap3A_1418] {strides = array<i32>} : memref<128xi32, #tpu.memory_space<vmem>>, vector<16xi32>,
    %swap3A_1420 = vector.shape_cast %swap3A_1419 : vector<16xi32> to vector<16xi32>
    %swap3A_1421 = vector.shape_cast %broadcast_in_dim3A_3 : vector<16xi32> to vector<16xi32>
    tpu.vector_store %arg11[%swap3A_1418], %swap3A_1421 {strides = array<i32>} : memref<128xi32, #tpu.memory_space<vmem>>, vector<16xi32>,
    %swap3A_1422 = arith.constant 80 : index
    %swap3A_1423 = tpu.vector_load %arg12[%swap3A_1422] {strides = array<i32>} : memref<128xi32, #tpu.memory_space<vmem>>, vector<16xi32>,
    %swap3A_1424 = vector.shape_cast %swap3A_1423 : vector<16xi32> to vector<16xi32>
    %swap3A_1425 = vector.shape_cast %broadcast_in_dim3A_7 : vector<16xi32> to vector<16xi32>
    tpu.vector_store %arg12[%swap3A_1422], %swap3A_1425 {strides = array<i32>} : memref<128xi32, #tpu.memory_space<vmem>>, vector<16xi32>,
    %add3A_1426 = arith.addi %scan3A_18#2, %mul3A_1117 : i32
    %mul3A_1427 = vector.broadcast %add3A_1426 : i32 to vector<16xi32>
    %mul3A_1428 = arith.muli %broadcast_in_dim3A_1, %mul3A_1427 : vector<16xi32>
    %add3A_1429 = arith.addi %mul3A_1428, %iota3A : vector<16xi32>
    %add3A_1430 = arith.constant 128 : i32
    %add3A_1431 = vector.broadcast %add3A_1430 : i32 to vector<16xi32>
    %add3A_1432 = arith.addi %add3A_1429, %add3A_1431 : vector<16xi32>
    %add3A_1433 = arith.constant 96 : i32
    %add3A_1434 = vector.broadcast %add3A_1433 : i32 to vector<16xi32>
    %add3A_1435 = arith.addi %add3A_1432, %add3A_1434 : vector<16xi32>
    %swap3A_1436 = arith.constant 96 : index
    %swap3A_1437 = tpu.vector_load %arg10[%swap3A_1436] {strides = array<i32>} : memref<128xi32, #tpu.memory_space<vmem>>, vector<16xi32>,
    %swap3A_1438 = vector.shape_cast %swap3A_1437 : vector<16xi32> to vector<16xi32>
    %swap3A_1439 = vector.shape_cast %add3A_1435 : vector<16xi32> to vector<16xi32>
    tpu.vector_store %arg10[%swap3A_1436], %swap3A_1439 {strides = array<i32>} : memref<128xi32, #tpu.memory_space<vmem>>, vector<16xi32>,
    %swap3A_1440 = arith.constant 96 : index
    %swap3A_1441 = tpu.vector_load %arg11[%swap3A_1440] {strides = array<i32>} : memref<128xi32, #tpu.memory_space<vmem>>, vector<16xi32>,
    %swap3A_1442 = vector.shape_cast %swap3A_1441 : vector<16xi32> to vector<16xi32>
    %swap3A_1443 = vector.shape_cast %broadcast_in_dim3A_3 : vector<16xi32> to vector<16xi32>
    tpu.vector_store %arg11[%swap3A_1440], %swap3A_1443 {strides = array<i32>} : memref<128xi32, #tpu.memory_space<vmem>>, vector<16xi32>,
    %swap3A_1444 = arith.constant 96 : index
    %swap3A_1445 = tpu.vector_load %arg12[%swap3A_1444] {strides = array<i32>} : memref<128xi32, #tpu.memory_space<vmem>>, vector<16xi32>,
    %swap3A_1446 = vector.shape_cast %swap3A_1445 : vector<16xi32> to vector<16xi32>
    %swap3A_1447 = vector.shape_cast %broadcast_in_dim3A_7 : vector<16xi32> to vector<16xi32>
    tpu.vector_store %arg12[%swap3A_1444], %swap3A_1447 {strides = array<i32>} : memref<128xi32, #tpu.memory_space<vmem>>, vector<16xi32>,
    %add3A_1448 = arith.addi %scan3A_18#2, %mul3A_1117 : i32
    %mul3A_1449 = vector.broadcast %add3A_1448 : i32 to vector<16xi32>
    %mul3A_1450 = arith.muli %broadcast_in_dim3A_1, %mul3A_1449 : vector<16xi32>
    %add3A_1451 = arith.addi %mul3A_1450, %iota3A : vector<16xi32>
    %add3A_1452 = arith.constant 128 : i32
    %add3A_1453 = vector.broadcast %add3A_1452 : i32 to vector<16xi32>
    %add3A_1454 = arith.addi %add3A_1451, %add3A_1453 : vector<16xi32>
    %add3A_1455 = arith.constant 112 : i32
    %add3A_1456 = vector.broadcast %add3A_1455 : i32 to vector<16xi32>
    %add3A_1457 = arith.addi %add3A_1454, %add3A_1456 : vector<16xi32>
    %swap3A_1458 = arith.constant 112 : index
    %swap3A_1459 = tpu.vector_load %arg10[%swap3A_1458] {strides = array<i32>} : memref<128xi32, #tpu.memory_space<vmem>>, vector<16xi32>,
    %swap3A_1460 = vector.shape_cast %swap3A_1459 : vector<16xi32> to vector<16xi32>
    %swap3A_1461 = vector.shape_cast %add3A_1457 : vector<16xi32> to vector<16xi32>
    tpu.vector_store %arg10[%swap3A_1458], %swap3A_1461 {strides = array<i32>} : memref<128xi32, #tpu.memory_space<vmem>>, vector<16xi32>,
    %swap3A_1462 = arith.constant 112 : index
    %swap3A_1463 = tpu.vector_load %arg11[%swap3A_1462] {strides = array<i32>} : memref<128xi32, #tpu.memory_space<vmem>>, vector<16xi32>,
    %swap3A_1464 = vector.shape_cast %swap3A_1463 : vector<16xi32> to vector<16xi32>
    %swap3A_1465 = vector.shape_cast %broadcast_in_dim3A_3 : vector<16xi32> to vector<16xi32>
    tpu.vector_store %arg11[%swap3A_1462], %swap3A_1465 {strides = array<i32>} : memref<128xi32, #tpu.memory_space<vmem>>, vector<16xi32>,
    %swap3A_1466 = arith.constant 112 : index
    %swap3A_1467 = tpu.vector_load %arg12[%swap3A_1466] {strides = array<i32>} : memref<128xi32, #tpu.memory_space<vmem>>, vector<16xi32>,
    %swap3A_1468 = vector.shape_cast %swap3A_1467 : vector<16xi32> to vector<16xi32>
    %swap3A_1469 = vector.shape_cast %broadcast_in_dim3A_7 : vector<16xi32> to vector<16xi32>
    tpu.vector_store %arg12[%swap3A_1466], %swap3A_1469 {strides = array<i32>} : memref<128xi32, #tpu.memory_space<vmem>>, vector<16xi32>,
    "tpu.region"() ({
      %run_scoped3A = tpu.sem_alloc : memref<!tpu.dma_semaphore, #tpu.memory_space<semaphore_mem>>
      %dma_start3A = arith.constant 0 : i32
      %dma_start3A_2204 = tpu.memref_slice %arg4[%dma_start3A] : memref<3260432xi32, #tpu.memory_space<hbm>> -> memref<3260432xi32, #tpu.memory_space<hbm>>
      tpu.enqueue_indirect_dma source(%arg11 : memref<128xi32, #tpu.memory_space<vmem>>) target(%dma_start3A_2204 : memref<3260432xi32, #tpu.memory_space<hbm>>) offsets(%arg10 : memref<128xi32, #tpu.memory_space<vmem>>) semaphore(%run_scoped3A : memref<!tpu.dma_semaphore, #tpu.memory_space<semaphore_mem>>)
      %dma_wait3A = arith.constant 0 : i32
      %dma_wait3A_2205 = tpu.memref_slice %arg4[%dma_wait3A] : memref<3260432xi32, #tpu.memory_space<hbm>> -> memref<3260432xi32, #tpu.memory_space<hbm>>
      tpu.wait_indirect_dma semaphore(%run_scoped3A : memref<!tpu.dma_semaphore, #tpu.memory_space<semaphore_mem>>) src(%arg11 : memref<128xi32, #tpu.memory_space<vmem>>) dst(%dma_wait3A_2205 : memref<3260432xi32, #tpu.memory_space<hbm>>)
      tpu.yield
    }) : () -> ()
    "tpu.region"() ({
      %run_scoped3A = tpu.sem_alloc : memref<!tpu.dma_semaphore, #tpu.memory_space<semaphore_mem>>
      %dma_start3A = arith.constant 0 : i32
      %dma_start3A_2204 = tpu.memref_slice %arg5[%dma_start3A] : memref<3260432xi32, #tpu.memory_space<hbm>> -> memref<3260432xi32, #tpu.memory_space<hbm>>
      tpu.enqueue_indirect_dma source(%arg12 : memref<128xi32, #tpu.memory_space<vmem>>) target(%dma_start3A_2204 : memref<3260432xi32, #tpu.memory_space<hbm>>) offsets(%arg10 : memref<128xi32, #tpu.memory_space<vmem>>) semaphore(%run_scoped3A : memref<!tpu.dma_semaphore, #tpu.memory_space<semaphore_mem>>)
      %dma_wait3A = arith.constant 0 : i32
      %dma_wait3A_2205 = tpu.memref_slice %arg5[%dma_wait3A] : memref<3260432xi32, #tpu.memory_space<hbm>> -> memref<3260432xi32, #tpu.memory_space<hbm>>
      tpu.wait_indirect_dma semaphore(%run_scoped3A : memref<!tpu.dma_semaphore, #tpu.memory_space<semaphore_mem>>) src(%arg12 : memref<128xi32, #tpu.memory_space<vmem>>) dst(%dma_wait3A_2205 : memref<3260432xi32, #tpu.memory_space<hbm>>)
      tpu.yield
    }) : () -> ()
    %add3A_1470 = arith.addi %scan3A_18#2, %mul3A_1117 : i32
    %mul3A_1471 = vector.broadcast %add3A_1470 : i32 to vector<16xi32>
    %mul3A_1472 = arith.muli %broadcast_in_dim3A_1, %mul3A_1471 : vector<16xi32>
    %add3A_1473 = arith.addi %mul3A_1472, %iota3A : vector<16xi32>
    %add3A_1474 = arith.constant 256 : i32
    %add3A_1475 = vector.broadcast %add3A_1474 : i32 to vector<16xi32>
    %add3A_1476 = arith.addi %add3A_1473, %add3A_1475 : vector<16xi32>
    %add3A_1477 = arith.constant 0 : i32
    %add3A_1478 = vector.broadcast %add3A_1477 : i32 to vector<16xi32>
    %add3A_1479 = arith.addi %add3A_1476, %add3A_1478 : vector<16xi32>
    %swap3A_1480 = arith.constant 0 : index
    %swap3A_1481 = tpu.vector_load %arg10[%swap3A_1480] {strides = array<i32>} : memref<128xi32, #tpu.memory_space<vmem>>, vector<16xi32>,
    %swap3A_1482 = vector.shape_cast %swap3A_1481 : vector<16xi32> to vector<16xi32>
    %swap3A_1483 = vector.shape_cast %add3A_1479 : vector<16xi32> to vector<16xi32>
    tpu.vector_store %arg10[%swap3A_1480], %swap3A_1483 {strides = array<i32>} : memref<128xi32, #tpu.memory_space<vmem>>, vector<16xi32>,
    %swap3A_1484 = arith.constant 0 : index
    %swap3A_1485 = tpu.vector_load %arg11[%swap3A_1484] {strides = array<i32>} : memref<128xi32, #tpu.memory_space<vmem>>, vector<16xi32>,
    %swap3A_1486 = vector.shape_cast %swap3A_1485 : vector<16xi32> to vector<16xi32>
    %swap3A_1487 = vector.shape_cast %broadcast_in_dim3A_3 : vector<16xi32> to vector<16xi32>
    tpu.vector_store %arg11[%swap3A_1484], %swap3A_1487 {strides = array<i32>} : memref<128xi32, #tpu.memory_space<vmem>>, vector<16xi32>,
    %swap3A_1488 = arith.constant 0 : index
    %swap3A_1489 = tpu.vector_load %arg12[%swap3A_1488] {strides = array<i32>} : memref<128xi32, #tpu.memory_space<vmem>>, vector<16xi32>,
    %swap3A_1490 = vector.shape_cast %swap3A_1489 : vector<16xi32> to vector<16xi32>
    %swap3A_1491 = vector.shape_cast %broadcast_in_dim3A_7 : vector<16xi32> to vector<16xi32>
    tpu.vector_store %arg12[%swap3A_1488], %swap3A_1491 {strides = array<i32>} : memref<128xi32, #tpu.memory_space<vmem>>, vector<16xi32>,
    %add3A_1492 = arith.addi %scan3A_18#2, %mul3A_1117 : i32
    %mul3A_1493 = vector.broadcast %add3A_1492 : i32 to vector<16xi32>
    %mul3A_1494 = arith.muli %broadcast_in_dim3A_1, %mul3A_1493 : vector<16xi32>
    %add3A_1495 = arith.addi %mul3A_1494, %iota3A : vector<16xi32>
    %add3A_1496 = arith.constant 256 : i32
    %add3A_1497 = vector.broadcast %add3A_1496 : i32 to vector<16xi32>
    %add3A_1498 = arith.addi %add3A_1495, %add3A_1497 : vector<16xi32>
    %add3A_1499 = arith.constant 16 : i32
    %add3A_1500 = vector.broadcast %add3A_1499 : i32 to vector<16xi32>
    %add3A_1501 = arith.addi %add3A_1498, %add3A_1500 : vector<16xi32>
    %swap3A_1502 = arith.constant 16 : index
    %swap3A_1503 = tpu.vector_load %arg10[%swap3A_1502] {strides = array<i32>} : memref<128xi32, #tpu.memory_space<vmem>>, vector<16xi32>,
    %swap3A_1504 = vector.shape_cast %swap3A_1503 : vector<16xi32> to vector<16xi32>
    %swap3A_1505 = vector.shape_cast %add3A_1501 : vector<16xi32> to vector<16xi32>
    tpu.vector_store %arg10[%swap3A_1502], %swap3A_1505 {strides = array<i32>} : memref<128xi32, #tpu.memory_space<vmem>>, vector<16xi32>,
    %swap3A_1506 = arith.constant 16 : index
    %swap3A_1507 = tpu.vector_load %arg11[%swap3A_1506] {strides = array<i32>} : memref<128xi32, #tpu.memory_space<vmem>>, vector<16xi32>,
    %swap3A_1508 = vector.shape_cast %swap3A_1507 : vector<16xi32> to vector<16xi32>
    %swap3A_1509 = vector.shape_cast %broadcast_in_dim3A_3 : vector<16xi32> to vector<16xi32>
    tpu.vector_store %arg11[%swap3A_1506], %swap3A_1509 {strides = array<i32>} : memref<128xi32, #tpu.memory_space<vmem>>, vector<16xi32>,
    %swap3A_1510 = arith.constant 16 : index
    %swap3A_1511 = tpu.vector_load %arg12[%swap3A_1510] {strides = array<i32>} : memref<128xi32, #tpu.memory_space<vmem>>, vector<16xi32>,
    %swap3A_1512 = vector.shape_cast %swap3A_1511 : vector<16xi32> to vector<16xi32>
    %swap3A_1513 = vector.shape_cast %broadcast_in_dim3A_7 : vector<16xi32> to vector<16xi32>
    tpu.vector_store %arg12[%swap3A_1510], %swap3A_1513 {strides = array<i32>} : memref<128xi32, #tpu.memory_space<vmem>>, vector<16xi32>,
    %add3A_1514 = arith.addi %scan3A_18#2, %mul3A_1117 : i32
    %mul3A_1515 = vector.broadcast %add3A_1514 : i32 to vector<16xi32>
    %mul3A_1516 = arith.muli %broadcast_in_dim3A_1, %mul3A_1515 : vector<16xi32>
    %add3A_1517 = arith.addi %mul3A_1516, %iota3A : vector<16xi32>
    %add3A_1518 = arith.constant 256 : i32
    %add3A_1519 = vector.broadcast %add3A_1518 : i32 to vector<16xi32>
    %add3A_1520 = arith.addi %add3A_1517, %add3A_1519 : vector<16xi32>
    %add3A_1521 = arith.constant 32 : i32
    %add3A_1522 = vector.broadcast %add3A_1521 : i32 to vector<16xi32>
    %add3A_1523 = arith.addi %add3A_1520, %add3A_1522 : vector<16xi32>
    %swap3A_1524 = arith.constant 32 : index
    %swap3A_1525 = tpu.vector_load %arg10[%swap3A_1524] {strides = array<i32>} : memref<128xi32, #tpu.memory_space<vmem>>, vector<16xi32>,
    %swap3A_1526 = vector.shape_cast %swap3A_1525 : vector<16xi32> to vector<16xi32>
    %swap3A_1527 = vector.shape_cast %add3A_1523 : vector<16xi32> to vector<16xi32>
    tpu.vector_store %arg10[%swap3A_1524], %swap3A_1527 {strides = array<i32>} : memref<128xi32, #tpu.memory_space<vmem>>, vector<16xi32>,
    %swap3A_1528 = arith.constant 32 : index
    %swap3A_1529 = tpu.vector_load %arg11[%swap3A_1528] {strides = array<i32>} : memref<128xi32, #tpu.memory_space<vmem>>, vector<16xi32>,
    %swap3A_1530 = vector.shape_cast %swap3A_1529 : vector<16xi32> to vector<16xi32>
    %swap3A_1531 = vector.shape_cast %broadcast_in_dim3A_3 : vector<16xi32> to vector<16xi32>
    tpu.vector_store %arg11[%swap3A_1528], %swap3A_1531 {strides = array<i32>} : memref<128xi32, #tpu.memory_space<vmem>>, vector<16xi32>,
    %swap3A_1532 = arith.constant 32 : index
    %swap3A_1533 = tpu.vector_load %arg12[%swap3A_1532] {strides = array<i32>} : memref<128xi32, #tpu.memory_space<vmem>>, vector<16xi32>,
    %swap3A_1534 = vector.shape_cast %swap3A_1533 : vector<16xi32> to vector<16xi32>
    %swap3A_1535 = vector.shape_cast %broadcast_in_dim3A_7 : vector<16xi32> to vector<16xi32>
    tpu.vector_store %arg12[%swap3A_1532], %swap3A_1535 {strides = array<i32>} : memref<128xi32, #tpu.memory_space<vmem>>, vector<16xi32>,
    %add3A_1536 = arith.addi %scan3A_18#2, %mul3A_1117 : i32
    %mul3A_1537 = vector.broadcast %add3A_1536 : i32 to vector<16xi32>
    %mul3A_1538 = arith.muli %broadcast_in_dim3A_1, %mul3A_1537 : vector<16xi32>
    %add3A_1539 = arith.addi %mul3A_1538, %iota3A : vector<16xi32>
    %add3A_1540 = arith.constant 256 : i32
    %add3A_1541 = vector.broadcast %add3A_1540 : i32 to vector<16xi32>
    %add3A_1542 = arith.addi %add3A_1539, %add3A_1541 : vector<16xi32>
    %add3A_1543 = arith.constant 48 : i32
    %add3A_1544 = vector.broadcast %add3A_1543 : i32 to vector<16xi32>
    %add3A_1545 = arith.addi %add3A_1542, %add3A_1544 : vector<16xi32>
    %swap3A_1546 = arith.constant 48 : index
    %swap3A_1547 = tpu.vector_load %arg10[%swap3A_1546] {strides = array<i32>} : memref<128xi32, #tpu.memory_space<vmem>>, vector<16xi32>,
    %swap3A_1548 = vector.shape_cast %swap3A_1547 : vector<16xi32> to vector<16xi32>
    %swap3A_1549 = vector.shape_cast %add3A_1545 : vector<16xi32> to vector<16xi32>
    tpu.vector_store %arg10[%swap3A_1546], %swap3A_1549 {strides = array<i32>} : memref<128xi32, #tpu.memory_space<vmem>>, vector<16xi32>,
    %swap3A_1550 = arith.constant 48 : index
    %swap3A_1551 = tpu.vector_load %arg11[%swap3A_1550] {strides = array<i32>} : memref<128xi32, #tpu.memory_space<vmem>>, vector<16xi32>,
    %swap3A_1552 = vector.shape_cast %swap3A_1551 : vector<16xi32> to vector<16xi32>
    %swap3A_1553 = vector.shape_cast %broadcast_in_dim3A_3 : vector<16xi32> to vector<16xi32>
    tpu.vector_store %arg11[%swap3A_1550], %swap3A_1553 {strides = array<i32>} : memref<128xi32, #tpu.memory_space<vmem>>, vector<16xi32>,
    %swap3A_1554 = arith.constant 48 : index
    %swap3A_1555 = tpu.vector_load %arg12[%swap3A_1554] {strides = array<i32>} : memref<128xi32, #tpu.memory_space<vmem>>, vector<16xi32>,
    %swap3A_1556 = vector.shape_cast %swap3A_1555 : vector<16xi32> to vector<16xi32>
    %swap3A_1557 = vector.shape_cast %broadcast_in_dim3A_7 : vector<16xi32> to vector<16xi32>
    tpu.vector_store %arg12[%swap3A_1554], %swap3A_1557 {strides = array<i32>} : memref<128xi32, #tpu.memory_space<vmem>>, vector<16xi32>,
    %add3A_1558 = arith.addi %scan3A_18#2, %mul3A_1117 : i32
    %mul3A_1559 = vector.broadcast %add3A_1558 : i32 to vector<16xi32>
    %mul3A_1560 = arith.muli %broadcast_in_dim3A_1, %mul3A_1559 : vector<16xi32>
    %add3A_1561 = arith.addi %mul3A_1560, %iota3A : vector<16xi32>
    %add3A_1562 = arith.constant 256 : i32
    %add3A_1563 = vector.broadcast %add3A_1562 : i32 to vector<16xi32>
    %add3A_1564 = arith.addi %add3A_1561, %add3A_1563 : vector<16xi32>
    %add3A_1565 = arith.constant 64 : i32
    %add3A_1566 = vector.broadcast %add3A_1565 : i32 to vector<16xi32>
    %add3A_1567 = arith.addi %add3A_1564, %add3A_1566 : vector<16xi32>
    %swap3A_1568 = arith.constant 64 : index
    %swap3A_1569 = tpu.vector_load %arg10[%swap3A_1568] {strides = array<i32>} : memref<128xi32, #tpu.memory_space<vmem>>, vector<16xi32>,
    %swap3A_1570 = vector.shape_cast %swap3A_1569 : vector<16xi32> to vector<16xi32>
    %swap3A_1571 = vector.shape_cast %add3A_1567 : vector<16xi32> to vector<16xi32>
    tpu.vector_store %arg10[%swap3A_1568], %swap3A_1571 {strides = array<i32>} : memref<128xi32, #tpu.memory_space<vmem>>, vector<16xi32>,
    %swap3A_1572 = arith.constant 64 : index
    %swap3A_1573 = tpu.vector_load %arg11[%swap3A_1572] {strides = array<i32>} : memref<128xi32, #tpu.memory_space<vmem>>, vector<16xi32>,
    %swap3A_1574 = vector.shape_cast %swap3A_1573 : vector<16xi32> to vector<16xi32>
    %swap3A_1575 = vector.shape_cast %broadcast_in_dim3A_3 : vector<16xi32> to vector<16xi32>
    tpu.vector_store %arg11[%swap3A_1572], %swap3A_1575 {strides = array<i32>} : memref<128xi32, #tpu.memory_space<vmem>>, vector<16xi32>,
    %swap3A_1576 = arith.constant 64 : index
    %swap3A_1577 = tpu.vector_load %arg12[%swap3A_1576] {strides = array<i32>} : memref<128xi32, #tpu.memory_space<vmem>>, vector<16xi32>,
    %swap3A_1578 = vector.shape_cast %swap3A_1577 : vector<16xi32> to vector<16xi32>
    %swap3A_1579 = vector.shape_cast %broadcast_in_dim3A_7 : vector<16xi32> to vector<16xi32>
    tpu.vector_store %arg12[%swap3A_1576], %swap3A_1579 {strides = array<i32>} : memref<128xi32, #tpu.memory_space<vmem>>, vector<16xi32>,
    %add3A_1580 = arith.addi %scan3A_18#2, %mul3A_1117 : i32
    %mul3A_1581 = vector.broadcast %add3A_1580 : i32 to vector<16xi32>
    %mul3A_1582 = arith.muli %broadcast_in_dim3A_1, %mul3A_1581 : vector<16xi32>
    %add3A_1583 = arith.addi %mul3A_1582, %iota3A : vector<16xi32>
    %add3A_1584 = arith.constant 256 : i32
    %add3A_1585 = vector.broadcast %add3A_1584 : i32 to vector<16xi32>
    %add3A_1586 = arith.addi %add3A_1583, %add3A_1585 : vector<16xi32>
    %add3A_1587 = arith.constant 80 : i32
    %add3A_1588 = vector.broadcast %add3A_1587 : i32 to vector<16xi32>
    %add3A_1589 = arith.addi %add3A_1586, %add3A_1588 : vector<16xi32>
    %swap3A_1590 = arith.constant 80 : index
    %swap3A_1591 = tpu.vector_load %arg10[%swap3A_1590] {strides = array<i32>} : memref<128xi32, #tpu.memory_space<vmem>>, vector<16xi32>,
    %swap3A_1592 = vector.shape_cast %swap3A_1591 : vector<16xi32> to vector<16xi32>
    %swap3A_1593 = vector.shape_cast %add3A_1589 : vector<16xi32> to vector<16xi32>
    tpu.vector_store %arg10[%swap3A_1590], %swap3A_1593 {strides = array<i32>} : memref<128xi32, #tpu.memory_space<vmem>>, vector<16xi32>,
    %swap3A_1594 = arith.constant 80 : index
    %swap3A_1595 = tpu.vector_load %arg11[%swap3A_1594] {strides = array<i32>} : memref<128xi32, #tpu.memory_space<vmem>>, vector<16xi32>,
    %swap3A_1596 = vector.shape_cast %swap3A_1595 : vector<16xi32> to vector<16xi32>
    %swap3A_1597 = vector.shape_cast %broadcast_in_dim3A_3 : vector<16xi32> to vector<16xi32>
    tpu.vector_store %arg11[%swap3A_1594], %swap3A_1597 {strides = array<i32>} : memref<128xi32, #tpu.memory_space<vmem>>, vector<16xi32>,
    %swap3A_1598 = arith.constant 80 : index
    %swap3A_1599 = tpu.vector_load %arg12[%swap3A_1598] {strides = array<i32>} : memref<128xi32, #tpu.memory_space<vmem>>, vector<16xi32>,
    %swap3A_1600 = vector.shape_cast %swap3A_1599 : vector<16xi32> to vector<16xi32>
    %swap3A_1601 = vector.shape_cast %broadcast_in_dim3A_7 : vector<16xi32> to vector<16xi32>
    tpu.vector_store %arg12[%swap3A_1598], %swap3A_1601 {strides = array<i32>} : memref<128xi32, #tpu.memory_space<vmem>>, vector<16xi32>,
    %add3A_1602 = arith.addi %scan3A_18#2, %mul3A_1117 : i32
    %mul3A_1603 = vector.broadcast %add3A_1602 : i32 to vector<16xi32>
    %mul3A_1604 = arith.muli %broadcast_in_dim3A_1, %mul3A_1603 : vector<16xi32>
    %add3A_1605 = arith.addi %mul3A_1604, %iota3A : vector<16xi32>
    %add3A_1606 = arith.constant 256 : i32
    %add3A_1607 = vector.broadcast %add3A_1606 : i32 to vector<16xi32>
    %add3A_1608 = arith.addi %add3A_1605, %add3A_1607 : vector<16xi32>
    %add3A_1609 = arith.constant 96 : i32
    %add3A_1610 = vector.broadcast %add3A_1609 : i32 to vector<16xi32>
    %add3A_1611 = arith.addi %add3A_1608, %add3A_1610 : vector<16xi32>
    %swap3A_1612 = arith.constant 96 : index
    %swap3A_1613 = tpu.vector_load %arg10[%swap3A_1612] {strides = array<i32>} : memref<128xi32, #tpu.memory_space<vmem>>, vector<16xi32>,
    %swap3A_1614 = vector.shape_cast %swap3A_1613 : vector<16xi32> to vector<16xi32>
    %swap3A_1615 = vector.shape_cast %add3A_1611 : vector<16xi32> to vector<16xi32>
    tpu.vector_store %arg10[%swap3A_1612], %swap3A_1615 {strides = array<i32>} : memref<128xi32, #tpu.memory_space<vmem>>, vector<16xi32>,
    %swap3A_1616 = arith.constant 96 : index
    %swap3A_1617 = tpu.vector_load %arg11[%swap3A_1616] {strides = array<i32>} : memref<128xi32, #tpu.memory_space<vmem>>, vector<16xi32>,
    %swap3A_1618 = vector.shape_cast %swap3A_1617 : vector<16xi32> to vector<16xi32>
    %swap3A_1619 = vector.shape_cast %broadcast_in_dim3A_3 : vector<16xi32> to vector<16xi32>
    tpu.vector_store %arg11[%swap3A_1616], %swap3A_1619 {strides = array<i32>} : memref<128xi32, #tpu.memory_space<vmem>>, vector<16xi32>,
    %swap3A_1620 = arith.constant 96 : index
    %swap3A_1621 = tpu.vector_load %arg12[%swap3A_1620] {strides = array<i32>} : memref<128xi32, #tpu.memory_space<vmem>>, vector<16xi32>,
    %swap3A_1622 = vector.shape_cast %swap3A_1621 : vector<16xi32> to vector<16xi32>
    %swap3A_1623 = vector.shape_cast %broadcast_in_dim3A_7 : vector<16xi32> to vector<16xi32>
    tpu.vector_store %arg12[%swap3A_1620], %swap3A_1623 {strides = array<i32>} : memref<128xi32, #tpu.memory_space<vmem>>, vector<16xi32>,
    %add3A_1624 = arith.addi %scan3A_18#2, %mul3A_1117 : i32
    %mul3A_1625 = vector.broadcast %add3A_1624 : i32 to vector<16xi32>
    %mul3A_1626 = arith.muli %broadcast_in_dim3A_1, %mul3A_1625 : vector<16xi32>
    %add3A_1627 = arith.addi %mul3A_1626, %iota3A : vector<16xi32>
    %add3A_1628 = arith.constant 256 : i32
    %add3A_1629 = vector.broadcast %add3A_1628 : i32 to vector<16xi32>
    %add3A_1630 = arith.addi %add3A_1627, %add3A_1629 : vector<16xi32>
    %add3A_1631 = arith.constant 112 : i32
    %add3A_1632 = vector.broadcast %add3A_1631 : i32 to vector<16xi32>
    %add3A_1633 = arith.addi %add3A_1630, %add3A_1632 : vector<16xi32>
    %swap3A_1634 = arith.constant 112 : index
    %swap3A_1635 = tpu.vector_load %arg10[%swap3A_1634] {strides = array<i32>} : memref<128xi32, #tpu.memory_space<vmem>>, vector<16xi32>,
    %swap3A_1636 = vector.shape_cast %swap3A_1635 : vector<16xi32> to vector<16xi32>
    %swap3A_1637 = vector.shape_cast %add3A_1633 : vector<16xi32> to vector<16xi32>
    tpu.vector_store %arg10[%swap3A_1634], %swap3A_1637 {strides = array<i32>} : memref<128xi32, #tpu.memory_space<vmem>>, vector<16xi32>,
    %swap3A_1638 = arith.constant 112 : index
    %swap3A_1639 = tpu.vector_load %arg11[%swap3A_1638] {strides = array<i32>} : memref<128xi32, #tpu.memory_space<vmem>>, vector<16xi32>,
    %swap3A_1640 = vector.shape_cast %swap3A_1639 : vector<16xi32> to vector<16xi32>
    %swap3A_1641 = vector.shape_cast %broadcast_in_dim3A_3 : vector<16xi32> to vector<16xi32>
    tpu.vector_store %arg11[%swap3A_1638], %swap3A_1641 {strides = array<i32>} : memref<128xi32, #tpu.memory_space<vmem>>, vector<16xi32>,
    %swap3A_1642 = arith.constant 112 : index
    %swap3A_1643 = tpu.vector_load %arg12[%swap3A_1642] {strides = array<i32>} : memref<128xi32, #tpu.memory_space<vmem>>, vector<16xi32>,
    %swap3A_1644 = vector.shape_cast %swap3A_1643 : vector<16xi32> to vector<16xi32>
    %swap3A_1645 = vector.shape_cast %broadcast_in_dim3A_7 : vector<16xi32> to vector<16xi32>
    tpu.vector_store %arg12[%swap3A_1642], %swap3A_1645 {strides = array<i32>} : memref<128xi32, #tpu.memory_space<vmem>>, vector<16xi32>,
    "tpu.region"() ({
      %run_scoped3A = tpu.sem_alloc : memref<!tpu.dma_semaphore, #tpu.memory_space<semaphore_mem>>
      %dma_start3A = arith.constant 0 : i32
      %dma_start3A_2204 = tpu.memref_slice %arg4[%dma_start3A] : memref<3260432xi32, #tpu.memory_space<hbm>> -> memref<3260432xi32, #tpu.memory_space<hbm>>
      tpu.enqueue_indirect_dma source(%arg11 : memref<128xi32, #tpu.memory_space<vmem>>) target(%dma_start3A_2204 : memref<3260432xi32, #tpu.memory_space<hbm>>) offsets(%arg10 : memref<128xi32, #tpu.memory_space<vmem>>) semaphore(%run_scoped3A : memref<!tpu.dma_semaphore, #tpu.memory_space<semaphore_mem>>)
      %dma_wait3A = arith.constant 0 : i32
      %dma_wait3A_2205 = tpu.memref_slice %arg4[%dma_wait3A] : memref<3260432xi32, #tpu.memory_space<hbm>> -> memref<3260432xi32, #tpu.memory_space<hbm>>
      tpu.wait_indirect_dma semaphore(%run_scoped3A : memref<!tpu.dma_semaphore, #tpu.memory_space<semaphore_mem>>) src(%arg11 : memref<128xi32, #tpu.memory_space<vmem>>) dst(%dma_wait3A_2205 : memref<3260432xi32, #tpu.memory_space<hbm>>)
      tpu.yield
    }) : () -> ()
    "tpu.region"() ({
      %run_scoped3A = tpu.sem_alloc : memref<!tpu.dma_semaphore, #tpu.memory_space<semaphore_mem>>
      %dma_start3A = arith.constant 0 : i32
      %dma_start3A_2204 = tpu.memref_slice %arg5[%dma_start3A] : memref<3260432xi32, #tpu.memory_space<hbm>> -> memref<3260432xi32, #tpu.memory_space<hbm>>
      tpu.enqueue_indirect_dma source(%arg12 : memref<128xi32, #tpu.memory_space<vmem>>) target(%dma_start3A_2204 : memref<3260432xi32, #tpu.memory_space<hbm>>) offsets(%arg10 : memref<128xi32, #tpu.memory_space<vmem>>) semaphore(%run_scoped3A : memref<!tpu.dma_semaphore, #tpu.memory_space<semaphore_mem>>)
      %dma_wait3A = arith.constant 0 : i32
      %dma_wait3A_2205 = tpu.memref_slice %arg5[%dma_wait3A] : memref<3260432xi32, #tpu.memory_space<hbm>> -> memref<3260432xi32, #tpu.memory_space<hbm>>
      tpu.wait_indirect_dma semaphore(%run_scoped3A : memref<!tpu.dma_semaphore, #tpu.memory_space<semaphore_mem>>) src(%arg12 : memref<128xi32, #tpu.memory_space<vmem>>) dst(%dma_wait3A_2205 : memref<3260432xi32, #tpu.memory_space<hbm>>)
      tpu.yield
    }) : () -> ()
    %mul3A_1646 = vector.broadcast %scan3A_18#2 : i32 to vector<16xi32>
    %mul3A_1647 = arith.muli %broadcast_in_dim3A_1, %mul3A_1646 : vector<16xi32>
    %swap3A_1648 = arith.constant 0 : index
    %swap3A_1649 = tpu.vector_load %arg13[%swap3A_1648] {strides = array<i32>} : memref<16xi32, #tpu.memory_space<vmem>>, vector<16xi32>,
    %swap3A_1650 = vector.shape_cast %swap3A_1649 : vector<16xi32> to vector<16xi32>
    %swap3A_1651 = vector.shape_cast %mul3A_1647 : vector<16xi32> to vector<16xi32>
    tpu.vector_store %arg13[%swap3A_1648], %swap3A_1651 {strides = array<i32>} : memref<16xi32, #tpu.memory_space<vmem>>, vector<16xi32>,
    %mul3A_1652 = arith.constant 4 : i32
    %mul3A_1653 = arith.muli %add3A, %mul3A_1652 : i32
    %add3A_1654 = arith.constant 2 : i32
    %add3A_1655 = arith.addi %mul3A_1653, %add3A_1654 : i32
    %mul3A_1656 = arith.constant 16 : i32
    %mul3A_1657 = arith.muli %add3A_1655, %mul3A_1656 : i32
    "tpu.region"() ({
      %run_scoped3A = tpu.sem_alloc : memref<!tpu.dma_semaphore, #tpu.memory_space<semaphore_mem>>
      %dma_start3A = tpu.memref_slice %arg6[%mul3A_1657] : memref<2048xi32, #tpu.memory_space<hbm>> -> memref<16xi32, #tpu.memory_space<hbm>>
      %dma_start3A_2204 = tpu.memref_slice %arg6[%mul3A_1657] : memref<2048xi32, #tpu.memory_space<hbm>> -> memref<16xi32, #tpu.memory_space<hbm>>
      tpu.enqueue_dma source(%arg13 : memref<16xi32, #tpu.memory_space<vmem>>) target(%dma_start3A_2204 : memref<16xi32, #tpu.memory_space<hbm>>) target_semaphore(%run_scoped3A : memref<!tpu.dma_semaphore, #tpu.memory_space<semaphore_mem>>)
      %dma_wait3A = tpu.memref_slice %arg6[%mul3A_1657] : memref<2048xi32, #tpu.memory_space<hbm>> -> memref<16xi32, #tpu.memory_space<hbm>>
      %dma_wait3A_2205 = tpu.memref_slice %arg6[%mul3A_1657] : memref<2048xi32, #tpu.memory_space<hbm>> -> memref<16xi32, #tpu.memory_space<hbm>>
      tpu.wait_dma2 semaphore(%run_scoped3A : memref<!tpu.dma_semaphore, #tpu.memory_space<semaphore_mem>>) src(%arg13 : memref<16xi32, #tpu.memory_space<vmem>>) dst(%dma_wait3A_2205 : memref<16xi32, #tpu.memory_space<hbm>>)
      tpu.yield
    }) : () -> ()
    %mul3A_1658 = arith.constant 4 : i32
    %mul3A_1659 = arith.muli %add3A, %mul3A_1658 : i32
    %add3A_1660 = arith.constant 3 : i32
    %add3A_1661 = arith.addi %mul3A_1659, %add3A_1660 : i32
    %mul3A_1662 = arith.constant 25472 : i32
    %mul3A_1663 = arith.muli %add3A_1661, %mul3A_1662 : i32
    %add3A_1664 = arith.addi %scan3A_18#3, %mul3A_1663 : i32
    %mul3A_1665 = vector.broadcast %add3A_1664 : i32 to vector<16xi32>
    %mul3A_1666 = arith.muli %broadcast_in_dim3A_1, %mul3A_1665 : vector<16xi32>
    %add3A_1667 = arith.addi %mul3A_1666, %iota3A : vector<16xi32>
    %add3A_1668 = arith.constant 0 : i32
    %add3A_1669 = vector.broadcast %add3A_1668 : i32 to vector<16xi32>
    %add3A_1670 = arith.addi %add3A_1667, %add3A_1669 : vector<16xi32>
    %add3A_1671 = arith.constant 0 : i32
    %add3A_1672 = vector.broadcast %add3A_1671 : i32 to vector<16xi32>
    %add3A_1673 = arith.addi %add3A_1670, %add3A_1672 : vector<16xi32>
    %swap3A_1674 = arith.constant 0 : index
    %swap3A_1675 = tpu.vector_load %arg10[%swap3A_1674] {strides = array<i32>} : memref<128xi32, #tpu.memory_space<vmem>>, vector<16xi32>,
    %swap3A_1676 = vector.shape_cast %swap3A_1675 : vector<16xi32> to vector<16xi32>
    %swap3A_1677 = vector.shape_cast %add3A_1673 : vector<16xi32> to vector<16xi32>
    tpu.vector_store %arg10[%swap3A_1674], %swap3A_1677 {strides = array<i32>} : memref<128xi32, #tpu.memory_space<vmem>>, vector<16xi32>,
    %swap3A_1678 = arith.constant 0 : index
    %swap3A_1679 = tpu.vector_load %arg11[%swap3A_1678] {strides = array<i32>} : memref<128xi32, #tpu.memory_space<vmem>>, vector<16xi32>,
    %swap3A_1680 = vector.shape_cast %swap3A_1679 : vector<16xi32> to vector<16xi32>
    %swap3A_1681 = vector.shape_cast %broadcast_in_dim3A_3 : vector<16xi32> to vector<16xi32>
    tpu.vector_store %arg11[%swap3A_1678], %swap3A_1681 {strides = array<i32>} : memref<128xi32, #tpu.memory_space<vmem>>, vector<16xi32>,
    %swap3A_1682 = arith.constant 0 : index
    %swap3A_1683 = tpu.vector_load %arg12[%swap3A_1682] {strides = array<i32>} : memref<128xi32, #tpu.memory_space<vmem>>, vector<16xi32>,
    %swap3A_1684 = vector.shape_cast %swap3A_1683 : vector<16xi32> to vector<16xi32>
    %swap3A_1685 = vector.shape_cast %broadcast_in_dim3A_7 : vector<16xi32> to vector<16xi32>
    tpu.vector_store %arg12[%swap3A_1682], %swap3A_1685 {strides = array<i32>} : memref<128xi32, #tpu.memory_space<vmem>>, vector<16xi32>,
    %add3A_1686 = arith.addi %scan3A_18#3, %mul3A_1663 : i32
    %mul3A_1687 = vector.broadcast %add3A_1686 : i32 to vector<16xi32>
    %mul3A_1688 = arith.muli %broadcast_in_dim3A_1, %mul3A_1687 : vector<16xi32>
    %add3A_1689 = arith.addi %mul3A_1688, %iota3A : vector<16xi32>
    %add3A_1690 = arith.constant 0 : i32
    %add3A_1691 = vector.broadcast %add3A_1690 : i32 to vector<16xi32>
    %add3A_1692 = arith.addi %add3A_1689, %add3A_1691 : vector<16xi32>
    %add3A_1693 = arith.constant 16 : i32
    %add3A_1694 = vector.broadcast %add3A_1693 : i32 to vector<16xi32>
    %add3A_1695 = arith.addi %add3A_1692, %add3A_1694 : vector<16xi32>
    %swap3A_1696 = arith.constant 16 : index
    %swap3A_1697 = tpu.vector_load %arg10[%swap3A_1696] {strides = array<i32>} : memref<128xi32, #tpu.memory_space<vmem>>, vector<16xi32>,
    %swap3A_1698 = vector.shape_cast %swap3A_1697 : vector<16xi32> to vector<16xi32>
    %swap3A_1699 = vector.shape_cast %add3A_1695 : vector<16xi32> to vector<16xi32>
    tpu.vector_store %arg10[%swap3A_1696], %swap3A_1699 {strides = array<i32>} : memref<128xi32, #tpu.memory_space<vmem>>, vector<16xi32>,
    %swap3A_1700 = arith.constant 16 : index
    %swap3A_1701 = tpu.vector_load %arg11[%swap3A_1700] {strides = array<i32>} : memref<128xi32, #tpu.memory_space<vmem>>, vector<16xi32>,
    %swap3A_1702 = vector.shape_cast %swap3A_1701 : vector<16xi32> to vector<16xi32>
    %swap3A_1703 = vector.shape_cast %broadcast_in_dim3A_3 : vector<16xi32> to vector<16xi32>
    tpu.vector_store %arg11[%swap3A_1700], %swap3A_1703 {strides = array<i32>} : memref<128xi32, #tpu.memory_space<vmem>>, vector<16xi32>,
    %swap3A_1704 = arith.constant 16 : index
    %swap3A_1705 = tpu.vector_load %arg12[%swap3A_1704] {strides = array<i32>} : memref<128xi32, #tpu.memory_space<vmem>>, vector<16xi32>,
    %swap3A_1706 = vector.shape_cast %swap3A_1705 : vector<16xi32> to vector<16xi32>
    %swap3A_1707 = vector.shape_cast %broadcast_in_dim3A_7 : vector<16xi32> to vector<16xi32>
    tpu.vector_store %arg12[%swap3A_1704], %swap3A_1707 {strides = array<i32>} : memref<128xi32, #tpu.memory_space<vmem>>, vector<16xi32>,
    %add3A_1708 = arith.addi %scan3A_18#3, %mul3A_1663 : i32
    %mul3A_1709 = vector.broadcast %add3A_1708 : i32 to vector<16xi32>
    %mul3A_1710 = arith.muli %broadcast_in_dim3A_1, %mul3A_1709 : vector<16xi32>
    %add3A_1711 = arith.addi %mul3A_1710, %iota3A : vector<16xi32>
    %add3A_1712 = arith.constant 0 : i32
    %add3A_1713 = vector.broadcast %add3A_1712 : i32 to vector<16xi32>
    %add3A_1714 = arith.addi %add3A_1711, %add3A_1713 : vector<16xi32>
    %add3A_1715 = arith.constant 32 : i32
    %add3A_1716 = vector.broadcast %add3A_1715 : i32 to vector<16xi32>
    %add3A_1717 = arith.addi %add3A_1714, %add3A_1716 : vector<16xi32>
    %swap3A_1718 = arith.constant 32 : index
    %swap3A_1719 = tpu.vector_load %arg10[%swap3A_1718] {strides = array<i32>} : memref<128xi32, #tpu.memory_space<vmem>>, vector<16xi32>,
    %swap3A_1720 = vector.shape_cast %swap3A_1719 : vector<16xi32> to vector<16xi32>
    %swap3A_1721 = vector.shape_cast %add3A_1717 : vector<16xi32> to vector<16xi32>
    tpu.vector_store %arg10[%swap3A_1718], %swap3A_1721 {strides = array<i32>} : memref<128xi32, #tpu.memory_space<vmem>>, vector<16xi32>,
    %swap3A_1722 = arith.constant 32 : index
    %swap3A_1723 = tpu.vector_load %arg11[%swap3A_1722] {strides = array<i32>} : memref<128xi32, #tpu.memory_space<vmem>>, vector<16xi32>,
    %swap3A_1724 = vector.shape_cast %swap3A_1723 : vector<16xi32> to vector<16xi32>
    %swap3A_1725 = vector.shape_cast %broadcast_in_dim3A_3 : vector<16xi32> to vector<16xi32>
    tpu.vector_store %arg11[%swap3A_1722], %swap3A_1725 {strides = array<i32>} : memref<128xi32, #tpu.memory_space<vmem>>, vector<16xi32>,
    %swap3A_1726 = arith.constant 32 : index
    %swap3A_1727 = tpu.vector_load %arg12[%swap3A_1726] {strides = array<i32>} : memref<128xi32, #tpu.memory_space<vmem>>, vector<16xi32>,
    %swap3A_1728 = vector.shape_cast %swap3A_1727 : vector<16xi32> to vector<16xi32>
    %swap3A_1729 = vector.shape_cast %broadcast_in_dim3A_7 : vector<16xi32> to vector<16xi32>
    tpu.vector_store %arg12[%swap3A_1726], %swap3A_1729 {strides = array<i32>} : memref<128xi32, #tpu.memory_space<vmem>>, vector<16xi32>,
    %add3A_1730 = arith.addi %scan3A_18#3, %mul3A_1663 : i32
    %mul3A_1731 = vector.broadcast %add3A_1730 : i32 to vector<16xi32>
    %mul3A_1732 = arith.muli %broadcast_in_dim3A_1, %mul3A_1731 : vector<16xi32>
    %add3A_1733 = arith.addi %mul3A_1732, %iota3A : vector<16xi32>
    %add3A_1734 = arith.constant 0 : i32
    %add3A_1735 = vector.broadcast %add3A_1734 : i32 to vector<16xi32>
    %add3A_1736 = arith.addi %add3A_1733, %add3A_1735 : vector<16xi32>
    %add3A_1737 = arith.constant 48 : i32
    %add3A_1738 = vector.broadcast %add3A_1737 : i32 to vector<16xi32>
    %add3A_1739 = arith.addi %add3A_1736, %add3A_1738 : vector<16xi32>
    %swap3A_1740 = arith.constant 48 : index
    %swap3A_1741 = tpu.vector_load %arg10[%swap3A_1740] {strides = array<i32>} : memref<128xi32, #tpu.memory_space<vmem>>, vector<16xi32>,
    %swap3A_1742 = vector.shape_cast %swap3A_1741 : vector<16xi32> to vector<16xi32>
    %swap3A_1743 = vector.shape_cast %add3A_1739 : vector<16xi32> to vector<16xi32>
    tpu.vector_store %arg10[%swap3A_1740], %swap3A_1743 {strides = array<i32>} : memref<128xi32, #tpu.memory_space<vmem>>, vector<16xi32>,
    %swap3A_1744 = arith.constant 48 : index
    %swap3A_1745 = tpu.vector_load %arg11[%swap3A_1744] {strides = array<i32>} : memref<128xi32, #tpu.memory_space<vmem>>, vector<16xi32>,
    %swap3A_1746 = vector.shape_cast %swap3A_1745 : vector<16xi32> to vector<16xi32>
    %swap3A_1747 = vector.shape_cast %broadcast_in_dim3A_3 : vector<16xi32> to vector<16xi32>
    tpu.vector_store %arg11[%swap3A_1744], %swap3A_1747 {strides = array<i32>} : memref<128xi32, #tpu.memory_space<vmem>>, vector<16xi32>,
    %swap3A_1748 = arith.constant 48 : index
    %swap3A_1749 = tpu.vector_load %arg12[%swap3A_1748] {strides = array<i32>} : memref<128xi32, #tpu.memory_space<vmem>>, vector<16xi32>,
    %swap3A_1750 = vector.shape_cast %swap3A_1749 : vector<16xi32> to vector<16xi32>
    %swap3A_1751 = vector.shape_cast %broadcast_in_dim3A_7 : vector<16xi32> to vector<16xi32>
    tpu.vector_store %arg12[%swap3A_1748], %swap3A_1751 {strides = array<i32>} : memref<128xi32, #tpu.memory_space<vmem>>, vector<16xi32>,
    %add3A_1752 = arith.addi %scan3A_18#3, %mul3A_1663 : i32
    %mul3A_1753 = vector.broadcast %add3A_1752 : i32 to vector<16xi32>
    %mul3A_1754 = arith.muli %broadcast_in_dim3A_1, %mul3A_1753 : vector<16xi32>
    %add3A_1755 = arith.addi %mul3A_1754, %iota3A : vector<16xi32>
    %add3A_1756 = arith.constant 0 : i32
    %add3A_1757 = vector.broadcast %add3A_1756 : i32 to vector<16xi32>
    %add3A_1758 = arith.addi %add3A_1755, %add3A_1757 : vector<16xi32>
    %add3A_1759 = arith.constant 64 : i32
    %add3A_1760 = vector.broadcast %add3A_1759 : i32 to vector<16xi32>
    %add3A_1761 = arith.addi %add3A_1758, %add3A_1760 : vector<16xi32>
    %swap3A_1762 = arith.constant 64 : index
    %swap3A_1763 = tpu.vector_load %arg10[%swap3A_1762] {strides = array<i32>} : memref<128xi32, #tpu.memory_space<vmem>>, vector<16xi32>,
    %swap3A_1764 = vector.shape_cast %swap3A_1763 : vector<16xi32> to vector<16xi32>
    %swap3A_1765 = vector.shape_cast %add3A_1761 : vector<16xi32> to vector<16xi32>
    tpu.vector_store %arg10[%swap3A_1762], %swap3A_1765 {strides = array<i32>} : memref<128xi32, #tpu.memory_space<vmem>>, vector<16xi32>,
    %swap3A_1766 = arith.constant 64 : index
    %swap3A_1767 = tpu.vector_load %arg11[%swap3A_1766] {strides = array<i32>} : memref<128xi32, #tpu.memory_space<vmem>>, vector<16xi32>,
    %swap3A_1768 = vector.shape_cast %swap3A_1767 : vector<16xi32> to vector<16xi32>
    %swap3A_1769 = vector.shape_cast %broadcast_in_dim3A_3 : vector<16xi32> to vector<16xi32>
    tpu.vector_store %arg11[%swap3A_1766], %swap3A_1769 {strides = array<i32>} : memref<128xi32, #tpu.memory_space<vmem>>, vector<16xi32>,
    %swap3A_1770 = arith.constant 64 : index
    %swap3A_1771 = tpu.vector_load %arg12[%swap3A_1770] {strides = array<i32>} : memref<128xi32, #tpu.memory_space<vmem>>, vector<16xi32>,
    %swap3A_1772 = vector.shape_cast %swap3A_1771 : vector<16xi32> to vector<16xi32>
    %swap3A_1773 = vector.shape_cast %broadcast_in_dim3A_7 : vector<16xi32> to vector<16xi32>
    tpu.vector_store %arg12[%swap3A_1770], %swap3A_1773 {strides = array<i32>} : memref<128xi32, #tpu.memory_space<vmem>>, vector<16xi32>,
    %add3A_1774 = arith.addi %scan3A_18#3, %mul3A_1663 : i32
    %mul3A_1775 = vector.broadcast %add3A_1774 : i32 to vector<16xi32>
    %mul3A_1776 = arith.muli %broadcast_in_dim3A_1, %mul3A_1775 : vector<16xi32>
    %add3A_1777 = arith.addi %mul3A_1776, %iota3A : vector<16xi32>
    %add3A_1778 = arith.constant 0 : i32
    %add3A_1779 = vector.broadcast %add3A_1778 : i32 to vector<16xi32>
    %add3A_1780 = arith.addi %add3A_1777, %add3A_1779 : vector<16xi32>
    %add3A_1781 = arith.constant 80 : i32
    %add3A_1782 = vector.broadcast %add3A_1781 : i32 to vector<16xi32>
    %add3A_1783 = arith.addi %add3A_1780, %add3A_1782 : vector<16xi32>
    %swap3A_1784 = arith.constant 80 : index
    %swap3A_1785 = tpu.vector_load %arg10[%swap3A_1784] {strides = array<i32>} : memref<128xi32, #tpu.memory_space<vmem>>, vector<16xi32>,
    %swap3A_1786 = vector.shape_cast %swap3A_1785 : vector<16xi32> to vector<16xi32>
    %swap3A_1787 = vector.shape_cast %add3A_1783 : vector<16xi32> to vector<16xi32>
    tpu.vector_store %arg10[%swap3A_1784], %swap3A_1787 {strides = array<i32>} : memref<128xi32, #tpu.memory_space<vmem>>, vector<16xi32>,
    %swap3A_1788 = arith.constant 80 : index
    %swap3A_1789 = tpu.vector_load %arg11[%swap3A_1788] {strides = array<i32>} : memref<128xi32, #tpu.memory_space<vmem>>, vector<16xi32>,
    %swap3A_1790 = vector.shape_cast %swap3A_1789 : vector<16xi32> to vector<16xi32>
    %swap3A_1791 = vector.shape_cast %broadcast_in_dim3A_3 : vector<16xi32> to vector<16xi32>
    tpu.vector_store %arg11[%swap3A_1788], %swap3A_1791 {strides = array<i32>} : memref<128xi32, #tpu.memory_space<vmem>>, vector<16xi32>,
    %swap3A_1792 = arith.constant 80 : index
    %swap3A_1793 = tpu.vector_load %arg12[%swap3A_1792] {strides = array<i32>} : memref<128xi32, #tpu.memory_space<vmem>>, vector<16xi32>,
    %swap3A_1794 = vector.shape_cast %swap3A_1793 : vector<16xi32> to vector<16xi32>
    %swap3A_1795 = vector.shape_cast %broadcast_in_dim3A_7 : vector<16xi32> to vector<16xi32>
    tpu.vector_store %arg12[%swap3A_1792], %swap3A_1795 {strides = array<i32>} : memref<128xi32, #tpu.memory_space<vmem>>, vector<16xi32>,
    %add3A_1796 = arith.addi %scan3A_18#3, %mul3A_1663 : i32
    %mul3A_1797 = vector.broadcast %add3A_1796 : i32 to vector<16xi32>
    %mul3A_1798 = arith.muli %broadcast_in_dim3A_1, %mul3A_1797 : vector<16xi32>
    %add3A_1799 = arith.addi %mul3A_1798, %iota3A : vector<16xi32>
    %add3A_1800 = arith.constant 0 : i32
    %add3A_1801 = vector.broadcast %add3A_1800 : i32 to vector<16xi32>
    %add3A_1802 = arith.addi %add3A_1799, %add3A_1801 : vector<16xi32>
    %add3A_1803 = arith.constant 96 : i32
    %add3A_1804 = vector.broadcast %add3A_1803 : i32 to vector<16xi32>
    %add3A_1805 = arith.addi %add3A_1802, %add3A_1804 : vector<16xi32>
    %swap3A_1806 = arith.constant 96 : index
    %swap3A_1807 = tpu.vector_load %arg10[%swap3A_1806] {strides = array<i32>} : memref<128xi32, #tpu.memory_space<vmem>>, vector<16xi32>,
    %swap3A_1808 = vector.shape_cast %swap3A_1807 : vector<16xi32> to vector<16xi32>
    %swap3A_1809 = vector.shape_cast %add3A_1805 : vector<16xi32> to vector<16xi32>
    tpu.vector_store %arg10[%swap3A_1806], %swap3A_1809 {strides = array<i32>} : memref<128xi32, #tpu.memory_space<vmem>>, vector<16xi32>,
    %swap3A_1810 = arith.constant 96 : index
    %swap3A_1811 = tpu.vector_load %arg11[%swap3A_1810] {strides = array<i32>} : memref<128xi32, #tpu.memory_space<vmem>>, vector<16xi32>,
    %swap3A_1812 = vector.shape_cast %swap3A_1811 : vector<16xi32> to vector<16xi32>
    %swap3A_1813 = vector.shape_cast %broadcast_in_dim3A_3 : vector<16xi32> to vector<16xi32>
    tpu.vector_store %arg11[%swap3A_1810], %swap3A_1813 {strides = array<i32>} : memref<128xi32, #tpu.memory_space<vmem>>, vector<16xi32>,
    %swap3A_1814 = arith.constant 96 : index
    %swap3A_1815 = tpu.vector_load %arg12[%swap3A_1814] {strides = array<i32>} : memref<128xi32, #tpu.memory_space<vmem>>, vector<16xi32>,
    %swap3A_1816 = vector.shape_cast %swap3A_1815 : vector<16xi32> to vector<16xi32>
    %swap3A_1817 = vector.shape_cast %broadcast_in_dim3A_7 : vector<16xi32> to vector<16xi32>
    tpu.vector_store %arg12[%swap3A_1814], %swap3A_1817 {strides = array<i32>} : memref<128xi32, #tpu.memory_space<vmem>>, vector<16xi32>,
    %add3A_1818 = arith.addi %scan3A_18#3, %mul3A_1663 : i32
    %mul3A_1819 = vector.broadcast %add3A_1818 : i32 to vector<16xi32>
    %mul3A_1820 = arith.muli %broadcast_in_dim3A_1, %mul3A_1819 : vector<16xi32>
    %add3A_1821 = arith.addi %mul3A_1820, %iota3A : vector<16xi32>
    %add3A_1822 = arith.constant 0 : i32
    %add3A_1823 = vector.broadcast %add3A_1822 : i32 to vector<16xi32>
    %add3A_1824 = arith.addi %add3A_1821, %add3A_1823 : vector<16xi32>
    %add3A_1825 = arith.constant 112 : i32
    %add3A_1826 = vector.broadcast %add3A_1825 : i32 to vector<16xi32>
    %add3A_1827 = arith.addi %add3A_1824, %add3A_1826 : vector<16xi32>
    %swap3A_1828 = arith.constant 112 : index
    %swap3A_1829 = tpu.vector_load %arg10[%swap3A_1828] {strides = array<i32>} : memref<128xi32, #tpu.memory_space<vmem>>, vector<16xi32>,
    %swap3A_1830 = vector.shape_cast %swap3A_1829 : vector<16xi32> to vector<16xi32>
    %swap3A_1831 = vector.shape_cast %add3A_1827 : vector<16xi32> to vector<16xi32>
    tpu.vector_store %arg10[%swap3A_1828], %swap3A_1831 {strides = array<i32>} : memref<128xi32, #tpu.memory_space<vmem>>, vector<16xi32>,
    %swap3A_1832 = arith.constant 112 : index
    %swap3A_1833 = tpu.vector_load %arg11[%swap3A_1832] {strides = array<i32>} : memref<128xi32, #tpu.memory_space<vmem>>, vector<16xi32>,
    %swap3A_1834 = vector.shape_cast %swap3A_1833 : vector<16xi32> to vector<16xi32>
    %swap3A_1835 = vector.shape_cast %broadcast_in_dim3A_3 : vector<16xi32> to vector<16xi32>
    tpu.vector_store %arg11[%swap3A_1832], %swap3A_1835 {strides = array<i32>} : memref<128xi32, #tpu.memory_space<vmem>>, vector<16xi32>,
    %swap3A_1836 = arith.constant 112 : index
    %swap3A_1837 = tpu.vector_load %arg12[%swap3A_1836] {strides = array<i32>} : memref<128xi32, #tpu.memory_space<vmem>>, vector<16xi32>,
    %swap3A_1838 = vector.shape_cast %swap3A_1837 : vector<16xi32> to vector<16xi32>
    %swap3A_1839 = vector.shape_cast %broadcast_in_dim3A_7 : vector<16xi32> to vector<16xi32>
    tpu.vector_store %arg12[%swap3A_1836], %swap3A_1839 {strides = array<i32>} : memref<128xi32, #tpu.memory_space<vmem>>, vector<16xi32>,
    "tpu.region"() ({
      %run_scoped3A = tpu.sem_alloc : memref<!tpu.dma_semaphore, #tpu.memory_space<semaphore_mem>>
      %dma_start3A = arith.constant 0 : i32
      %dma_start3A_2204 = tpu.memref_slice %arg4[%dma_start3A] : memref<3260432xi32, #tpu.memory_space<hbm>> -> memref<3260432xi32, #tpu.memory_space<hbm>>
      tpu.enqueue_indirect_dma source(%arg11 : memref<128xi32, #tpu.memory_space<vmem>>) target(%dma_start3A_2204 : memref<3260432xi32, #tpu.memory_space<hbm>>) offsets(%arg10 : memref<128xi32, #tpu.memory_space<vmem>>) semaphore(%run_scoped3A : memref<!tpu.dma_semaphore, #tpu.memory_space<semaphore_mem>>)
      %dma_wait3A = arith.constant 0 : i32
      %dma_wait3A_2205 = tpu.memref_slice %arg4[%dma_wait3A] : memref<3260432xi32, #tpu.memory_space<hbm>> -> memref<3260432xi32, #tpu.memory_space<hbm>>
      tpu.wait_indirect_dma semaphore(%run_scoped3A : memref<!tpu.dma_semaphore, #tpu.memory_space<semaphore_mem>>) src(%arg11 : memref<128xi32, #tpu.memory_space<vmem>>) dst(%dma_wait3A_2205 : memref<3260432xi32, #tpu.memory_space<hbm>>)
      tpu.yield
    }) : () -> ()
    "tpu.region"() ({
      %run_scoped3A = tpu.sem_alloc : memref<!tpu.dma_semaphore, #tpu.memory_space<semaphore_mem>>
      %dma_start3A = arith.constant 0 : i32
      %dma_start3A_2204 = tpu.memref_slice %arg5[%dma_start3A] : memref<3260432xi32, #tpu.memory_space<hbm>> -> memref<3260432xi32, #tpu.memory_space<hbm>>
      tpu.enqueue_indirect_dma source(%arg12 : memref<128xi32, #tpu.memory_space<vmem>>) target(%dma_start3A_2204 : memref<3260432xi32, #tpu.memory_space<hbm>>) offsets(%arg10 : memref<128xi32, #tpu.memory_space<vmem>>) semaphore(%run_scoped3A : memref<!tpu.dma_semaphore, #tpu.memory_space<semaphore_mem>>)
      %dma_wait3A = arith.constant 0 : i32
      %dma_wait3A_2205 = tpu.memref_slice %arg5[%dma_wait3A] : memref<3260432xi32, #tpu.memory_space<hbm>> -> memref<3260432xi32, #tpu.memory_space<hbm>>
      tpu.wait_indirect_dma semaphore(%run_scoped3A : memref<!tpu.dma_semaphore, #tpu.memory_space<semaphore_mem>>) src(%arg12 : memref<128xi32, #tpu.memory_space<vmem>>) dst(%dma_wait3A_2205 : memref<3260432xi32, #tpu.memory_space<hbm>>)
      tpu.yield
    }) : () -> ()
    %add3A_1840 = arith.addi %scan3A_18#3, %mul3A_1663 : i32
    %mul3A_1841 = vector.broadcast %add3A_1840 : i32 to vector<16xi32>
    %mul3A_1842 = arith.muli %broadcast_in_dim3A_1, %mul3A_1841 : vector<16xi32>
    %add3A_1843 = arith.addi %mul3A_1842, %iota3A : vector<16xi32>
    %add3A_1844 = arith.constant 128 : i32
    %add3A_1845 = vector.broadcast %add3A_1844 : i32 to vector<16xi32>
    %add3A_1846 = arith.addi %add3A_1843, %add3A_1845 : vector<16xi32>
    %add3A_1847 = arith.constant 0 : i32
    %add3A_1848 = vector.broadcast %add3A_1847 : i32 to vector<16xi32>
    %add3A_1849 = arith.addi %add3A_1846, %add3A_1848 : vector<16xi32>
    %swap3A_1850 = arith.constant 0 : index
    %swap3A_1851 = tpu.vector_load %arg10[%swap3A_1850] {strides = array<i32>} : memref<128xi32, #tpu.memory_space<vmem>>, vector<16xi32>,
    %swap3A_1852 = vector.shape_cast %swap3A_1851 : vector<16xi32> to vector<16xi32>
    %swap3A_1853 = vector.shape_cast %add3A_1849 : vector<16xi32> to vector<16xi32>
    tpu.vector_store %arg10[%swap3A_1850], %swap3A_1853 {strides = array<i32>} : memref<128xi32, #tpu.memory_space<vmem>>, vector<16xi32>,
    %swap3A_1854 = arith.constant 0 : index
    %swap3A_1855 = tpu.vector_load %arg11[%swap3A_1854] {strides = array<i32>} : memref<128xi32, #tpu.memory_space<vmem>>, vector<16xi32>,
    %swap3A_1856 = vector.shape_cast %swap3A_1855 : vector<16xi32> to vector<16xi32>
    %swap3A_1857 = vector.shape_cast %broadcast_in_dim3A_3 : vector<16xi32> to vector<16xi32>
    tpu.vector_store %arg11[%swap3A_1854], %swap3A_1857 {strides = array<i32>} : memref<128xi32, #tpu.memory_space<vmem>>, vector<16xi32>,
    %swap3A_1858 = arith.constant 0 : index
    %swap3A_1859 = tpu.vector_load %arg12[%swap3A_1858] {strides = array<i32>} : memref<128xi32, #tpu.memory_space<vmem>>, vector<16xi32>,
    %swap3A_1860 = vector.shape_cast %swap3A_1859 : vector<16xi32> to vector<16xi32>
    %swap3A_1861 = vector.shape_cast %broadcast_in_dim3A_7 : vector<16xi32> to vector<16xi32>
    tpu.vector_store %arg12[%swap3A_1858], %swap3A_1861 {strides = array<i32>} : memref<128xi32, #tpu.memory_space<vmem>>, vector<16xi32>,
    %add3A_1862 = arith.addi %scan3A_18#3, %mul3A_1663 : i32
    %mul3A_1863 = vector.broadcast %add3A_1862 : i32 to vector<16xi32>
    %mul3A_1864 = arith.muli %broadcast_in_dim3A_1, %mul3A_1863 : vector<16xi32>
    %add3A_1865 = arith.addi %mul3A_1864, %iota3A : vector<16xi32>
    %add3A_1866 = arith.constant 128 : i32
    %add3A_1867 = vector.broadcast %add3A_1866 : i32 to vector<16xi32>
    %add3A_1868 = arith.addi %add3A_1865, %add3A_1867 : vector<16xi32>
    %add3A_1869 = arith.constant 16 : i32
    %add3A_1870 = vector.broadcast %add3A_1869 : i32 to vector<16xi32>
    %add3A_1871 = arith.addi %add3A_1868, %add3A_1870 : vector<16xi32>
    %swap3A_1872 = arith.constant 16 : index
    %swap3A_1873 = tpu.vector_load %arg10[%swap3A_1872] {strides = array<i32>} : memref<128xi32, #tpu.memory_space<vmem>>, vector<16xi32>,
    %swap3A_1874 = vector.shape_cast %swap3A_1873 : vector<16xi32> to vector<16xi32>
    %swap3A_1875 = vector.shape_cast %add3A_1871 : vector<16xi32> to vector<16xi32>
    tpu.vector_store %arg10[%swap3A_1872], %swap3A_1875 {strides = array<i32>} : memref<128xi32, #tpu.memory_space<vmem>>, vector<16xi32>,
    %swap3A_1876 = arith.constant 16 : index
    %swap3A_1877 = tpu.vector_load %arg11[%swap3A_1876] {strides = array<i32>} : memref<128xi32, #tpu.memory_space<vmem>>, vector<16xi32>,
    %swap3A_1878 = vector.shape_cast %swap3A_1877 : vector<16xi32> to vector<16xi32>
    %swap3A_1879 = vector.shape_cast %broadcast_in_dim3A_3 : vector<16xi32> to vector<16xi32>
    tpu.vector_store %arg11[%swap3A_1876], %swap3A_1879 {strides = array<i32>} : memref<128xi32, #tpu.memory_space<vmem>>, vector<16xi32>,
    %swap3A_1880 = arith.constant 16 : index
    %swap3A_1881 = tpu.vector_load %arg12[%swap3A_1880] {strides = array<i32>} : memref<128xi32, #tpu.memory_space<vmem>>, vector<16xi32>,
    %swap3A_1882 = vector.shape_cast %swap3A_1881 : vector<16xi32> to vector<16xi32>
    %swap3A_1883 = vector.shape_cast %broadcast_in_dim3A_7 : vector<16xi32> to vector<16xi32>
    tpu.vector_store %arg12[%swap3A_1880], %swap3A_1883 {strides = array<i32>} : memref<128xi32, #tpu.memory_space<vmem>>, vector<16xi32>,
    %add3A_1884 = arith.addi %scan3A_18#3, %mul3A_1663 : i32
    %mul3A_1885 = vector.broadcast %add3A_1884 : i32 to vector<16xi32>
    %mul3A_1886 = arith.muli %broadcast_in_dim3A_1, %mul3A_1885 : vector<16xi32>
    %add3A_1887 = arith.addi %mul3A_1886, %iota3A : vector<16xi32>
    %add3A_1888 = arith.constant 128 : i32
    %add3A_1889 = vector.broadcast %add3A_1888 : i32 to vector<16xi32>
    %add3A_1890 = arith.addi %add3A_1887, %add3A_1889 : vector<16xi32>
    %add3A_1891 = arith.constant 32 : i32
    %add3A_1892 = vector.broadcast %add3A_1891 : i32 to vector<16xi32>
    %add3A_1893 = arith.addi %add3A_1890, %add3A_1892 : vector<16xi32>
    %swap3A_1894 = arith.constant 32 : index
    %swap3A_1895 = tpu.vector_load %arg10[%swap3A_1894] {strides = array<i32>} : memref<128xi32, #tpu.memory_space<vmem>>, vector<16xi32>,
    %swap3A_1896 = vector.shape_cast %swap3A_1895 : vector<16xi32> to vector<16xi32>
    %swap3A_1897 = vector.shape_cast %add3A_1893 : vector<16xi32> to vector<16xi32>
    tpu.vector_store %arg10[%swap3A_1894], %swap3A_1897 {strides = array<i32>} : memref<128xi32, #tpu.memory_space<vmem>>, vector<16xi32>,
    %swap3A_1898 = arith.constant 32 : index
    %swap3A_1899 = tpu.vector_load %arg11[%swap3A_1898] {strides = array<i32>} : memref<128xi32, #tpu.memory_space<vmem>>, vector<16xi32>,
    %swap3A_1900 = vector.shape_cast %swap3A_1899 : vector<16xi32> to vector<16xi32>
    %swap3A_1901 = vector.shape_cast %broadcast_in_dim3A_3 : vector<16xi32> to vector<16xi32>
    tpu.vector_store %arg11[%swap3A_1898], %swap3A_1901 {strides = array<i32>} : memref<128xi32, #tpu.memory_space<vmem>>, vector<16xi32>,
    %swap3A_1902 = arith.constant 32 : index
    %swap3A_1903 = tpu.vector_load %arg12[%swap3A_1902] {strides = array<i32>} : memref<128xi32, #tpu.memory_space<vmem>>, vector<16xi32>,
    %swap3A_1904 = vector.shape_cast %swap3A_1903 : vector<16xi32> to vector<16xi32>
    %swap3A_1905 = vector.shape_cast %broadcast_in_dim3A_7 : vector<16xi32> to vector<16xi32>
    tpu.vector_store %arg12[%swap3A_1902], %swap3A_1905 {strides = array<i32>} : memref<128xi32, #tpu.memory_space<vmem>>, vector<16xi32>,
    %add3A_1906 = arith.addi %scan3A_18#3, %mul3A_1663 : i32
    %mul3A_1907 = vector.broadcast %add3A_1906 : i32 to vector<16xi32>
    %mul3A_1908 = arith.muli %broadcast_in_dim3A_1, %mul3A_1907 : vector<16xi32>
    %add3A_1909 = arith.addi %mul3A_1908, %iota3A : vector<16xi32>
    %add3A_1910 = arith.constant 128 : i32
    %add3A_1911 = vector.broadcast %add3A_1910 : i32 to vector<16xi32>
    %add3A_1912 = arith.addi %add3A_1909, %add3A_1911 : vector<16xi32>
    %add3A_1913 = arith.constant 48 : i32
    %add3A_1914 = vector.broadcast %add3A_1913 : i32 to vector<16xi32>
    %add3A_1915 = arith.addi %add3A_1912, %add3A_1914 : vector<16xi32>
    %swap3A_1916 = arith.constant 48 : index
    %swap3A_1917 = tpu.vector_load %arg10[%swap3A_1916] {strides = array<i32>} : memref<128xi32, #tpu.memory_space<vmem>>, vector<16xi32>,
    %swap3A_1918 = vector.shape_cast %swap3A_1917 : vector<16xi32> to vector<16xi32>
    %swap3A_1919 = vector.shape_cast %add3A_1915 : vector<16xi32> to vector<16xi32>
    tpu.vector_store %arg10[%swap3A_1916], %swap3A_1919 {strides = array<i32>} : memref<128xi32, #tpu.memory_space<vmem>>, vector<16xi32>,
    %swap3A_1920 = arith.constant 48 : index
    %swap3A_1921 = tpu.vector_load %arg11[%swap3A_1920] {strides = array<i32>} : memref<128xi32, #tpu.memory_space<vmem>>, vector<16xi32>,
    %swap3A_1922 = vector.shape_cast %swap3A_1921 : vector<16xi32> to vector<16xi32>
    %swap3A_1923 = vector.shape_cast %broadcast_in_dim3A_3 : vector<16xi32> to vector<16xi32>
    tpu.vector_store %arg11[%swap3A_1920], %swap3A_1923 {strides = array<i32>} : memref<128xi32, #tpu.memory_space<vmem>>, vector<16xi32>,
    %swap3A_1924 = arith.constant 48 : index
    %swap3A_1925 = tpu.vector_load %arg12[%swap3A_1924] {strides = array<i32>} : memref<128xi32, #tpu.memory_space<vmem>>, vector<16xi32>,
    %swap3A_1926 = vector.shape_cast %swap3A_1925 : vector<16xi32> to vector<16xi32>
    %swap3A_1927 = vector.shape_cast %broadcast_in_dim3A_7 : vector<16xi32> to vector<16xi32>
    tpu.vector_store %arg12[%swap3A_1924], %swap3A_1927 {strides = array<i32>} : memref<128xi32, #tpu.memory_space<vmem>>, vector<16xi32>,
    %add3A_1928 = arith.addi %scan3A_18#3, %mul3A_1663 : i32
    %mul3A_1929 = vector.broadcast %add3A_1928 : i32 to vector<16xi32>
    %mul3A_1930 = arith.muli %broadcast_in_dim3A_1, %mul3A_1929 : vector<16xi32>
    %add3A_1931 = arith.addi %mul3A_1930, %iota3A : vector<16xi32>
    %add3A_1932 = arith.constant 128 : i32
    %add3A_1933 = vector.broadcast %add3A_1932 : i32 to vector<16xi32>
    %add3A_1934 = arith.addi %add3A_1931, %add3A_1933 : vector<16xi32>
    %add3A_1935 = arith.constant 64 : i32
    %add3A_1936 = vector.broadcast %add3A_1935 : i32 to vector<16xi32>
    %add3A_1937 = arith.addi %add3A_1934, %add3A_1936 : vector<16xi32>
    %swap3A_1938 = arith.constant 64 : index
    %swap3A_1939 = tpu.vector_load %arg10[%swap3A_1938] {strides = array<i32>} : memref<128xi32, #tpu.memory_space<vmem>>, vector<16xi32>,
    %swap3A_1940 = vector.shape_cast %swap3A_1939 : vector<16xi32> to vector<16xi32>
    %swap3A_1941 = vector.shape_cast %add3A_1937 : vector<16xi32> to vector<16xi32>
    tpu.vector_store %arg10[%swap3A_1938], %swap3A_1941 {strides = array<i32>} : memref<128xi32, #tpu.memory_space<vmem>>, vector<16xi32>,
    %swap3A_1942 = arith.constant 64 : index
    %swap3A_1943 = tpu.vector_load %arg11[%swap3A_1942] {strides = array<i32>} : memref<128xi32, #tpu.memory_space<vmem>>, vector<16xi32>,
    %swap3A_1944 = vector.shape_cast %swap3A_1943 : vector<16xi32> to vector<16xi32>
    %swap3A_1945 = vector.shape_cast %broadcast_in_dim3A_3 : vector<16xi32> to vector<16xi32>
    tpu.vector_store %arg11[%swap3A_1942], %swap3A_1945 {strides = array<i32>} : memref<128xi32, #tpu.memory_space<vmem>>, vector<16xi32>,
    %swap3A_1946 = arith.constant 64 : index
    %swap3A_1947 = tpu.vector_load %arg12[%swap3A_1946] {strides = array<i32>} : memref<128xi32, #tpu.memory_space<vmem>>, vector<16xi32>,
    %swap3A_1948 = vector.shape_cast %swap3A_1947 : vector<16xi32> to vector<16xi32>
    %swap3A_1949 = vector.shape_cast %broadcast_in_dim3A_7 : vector<16xi32> to vector<16xi32>
    tpu.vector_store %arg12[%swap3A_1946], %swap3A_1949 {strides = array<i32>} : memref<128xi32, #tpu.memory_space<vmem>>, vector<16xi32>,
    %add3A_1950 = arith.addi %scan3A_18#3, %mul3A_1663 : i32
    %mul3A_1951 = vector.broadcast %add3A_1950 : i32 to vector<16xi32>
    %mul3A_1952 = arith.muli %broadcast_in_dim3A_1, %mul3A_1951 : vector<16xi32>
    %add3A_1953 = arith.addi %mul3A_1952, %iota3A : vector<16xi32>
    %add3A_1954 = arith.constant 128 : i32
    %add3A_1955 = vector.broadcast %add3A_1954 : i32 to vector<16xi32>
    %add3A_1956 = arith.addi %add3A_1953, %add3A_1955 : vector<16xi32>
    %add3A_1957 = arith.constant 80 : i32
    %add3A_1958 = vector.broadcast %add3A_1957 : i32 to vector<16xi32>
    %add3A_1959 = arith.addi %add3A_1956, %add3A_1958 : vector<16xi32>
    %swap3A_1960 = arith.constant 80 : index
    %swap3A_1961 = tpu.vector_load %arg10[%swap3A_1960] {strides = array<i32>} : memref<128xi32, #tpu.memory_space<vmem>>, vector<16xi32>,
    %swap3A_1962 = vector.shape_cast %swap3A_1961 : vector<16xi32> to vector<16xi32>
    %swap3A_1963 = vector.shape_cast %add3A_1959 : vector<16xi32> to vector<16xi32>
    tpu.vector_store %arg10[%swap3A_1960], %swap3A_1963 {strides = array<i32>} : memref<128xi32, #tpu.memory_space<vmem>>, vector<16xi32>,
    %swap3A_1964 = arith.constant 80 : index
    %swap3A_1965 = tpu.vector_load %arg11[%swap3A_1964] {strides = array<i32>} : memref<128xi32, #tpu.memory_space<vmem>>, vector<16xi32>,
    %swap3A_1966 = vector.shape_cast %swap3A_1965 : vector<16xi32> to vector<16xi32>
    %swap3A_1967 = vector.shape_cast %broadcast_in_dim3A_3 : vector<16xi32> to vector<16xi32>
    tpu.vector_store %arg11[%swap3A_1964], %swap3A_1967 {strides = array<i32>} : memref<128xi32, #tpu.memory_space<vmem>>, vector<16xi32>,
    %swap3A_1968 = arith.constant 80 : index
    %swap3A_1969 = tpu.vector_load %arg12[%swap3A_1968] {strides = array<i32>} : memref<128xi32, #tpu.memory_space<vmem>>, vector<16xi32>,
    %swap3A_1970 = vector.shape_cast %swap3A_1969 : vector<16xi32> to vector<16xi32>
    %swap3A_1971 = vector.shape_cast %broadcast_in_dim3A_7 : vector<16xi32> to vector<16xi32>
    tpu.vector_store %arg12[%swap3A_1968], %swap3A_1971 {strides = array<i32>} : memref<128xi32, #tpu.memory_space<vmem>>, vector<16xi32>,
    %add3A_1972 = arith.addi %scan3A_18#3, %mul3A_1663 : i32
    %mul3A_1973 = vector.broadcast %add3A_1972 : i32 to vector<16xi32>
    %mul3A_1974 = arith.muli %broadcast_in_dim3A_1, %mul3A_1973 : vector<16xi32>
    %add3A_1975 = arith.addi %mul3A_1974, %iota3A : vector<16xi32>
    %add3A_1976 = arith.constant 128 : i32
    %add3A_1977 = vector.broadcast %add3A_1976 : i32 to vector<16xi32>
    %add3A_1978 = arith.addi %add3A_1975, %add3A_1977 : vector<16xi32>
    %add3A_1979 = arith.constant 96 : i32
    %add3A_1980 = vector.broadcast %add3A_1979 : i32 to vector<16xi32>
    %add3A_1981 = arith.addi %add3A_1978, %add3A_1980 : vector<16xi32>
    %swap3A_1982 = arith.constant 96 : index
    %swap3A_1983 = tpu.vector_load %arg10[%swap3A_1982] {strides = array<i32>} : memref<128xi32, #tpu.memory_space<vmem>>, vector<16xi32>,
    %swap3A_1984 = vector.shape_cast %swap3A_1983 : vector<16xi32> to vector<16xi32>
    %swap3A_1985 = vector.shape_cast %add3A_1981 : vector<16xi32> to vector<16xi32>
    tpu.vector_store %arg10[%swap3A_1982], %swap3A_1985 {strides = array<i32>} : memref<128xi32, #tpu.memory_space<vmem>>, vector<16xi32>,
    %swap3A_1986 = arith.constant 96 : index
    %swap3A_1987 = tpu.vector_load %arg11[%swap3A_1986] {strides = array<i32>} : memref<128xi32, #tpu.memory_space<vmem>>, vector<16xi32>,
    %swap3A_1988 = vector.shape_cast %swap3A_1987 : vector<16xi32> to vector<16xi32>
    %swap3A_1989 = vector.shape_cast %broadcast_in_dim3A_3 : vector<16xi32> to vector<16xi32>
    tpu.vector_store %arg11[%swap3A_1986], %swap3A_1989 {strides = array<i32>} : memref<128xi32, #tpu.memory_space<vmem>>, vector<16xi32>,
    %swap3A_1990 = arith.constant 96 : index
    %swap3A_1991 = tpu.vector_load %arg12[%swap3A_1990] {strides = array<i32>} : memref<128xi32, #tpu.memory_space<vmem>>, vector<16xi32>,
    %swap3A_1992 = vector.shape_cast %swap3A_1991 : vector<16xi32> to vector<16xi32>
    %swap3A_1993 = vector.shape_cast %broadcast_in_dim3A_7 : vector<16xi32> to vector<16xi32>
    tpu.vector_store %arg12[%swap3A_1990], %swap3A_1993 {strides = array<i32>} : memref<128xi32, #tpu.memory_space<vmem>>, vector<16xi32>,
    %add3A_1994 = arith.addi %scan3A_18#3, %mul3A_1663 : i32
    %mul3A_1995 = vector.broadcast %add3A_1994 : i32 to vector<16xi32>
    %mul3A_1996 = arith.muli %broadcast_in_dim3A_1, %mul3A_1995 : vector<16xi32>
    %add3A_1997 = arith.addi %mul3A_1996, %iota3A : vector<16xi32>
    %add3A_1998 = arith.constant 128 : i32
    %add3A_1999 = vector.broadcast %add3A_1998 : i32 to vector<16xi32>
    %add3A_2000 = arith.addi %add3A_1997, %add3A_1999 : vector<16xi32>
    %add3A_2001 = arith.constant 112 : i32
    %add3A_2002 = vector.broadcast %add3A_2001 : i32 to vector<16xi32>
    %add3A_2003 = arith.addi %add3A_2000, %add3A_2002 : vector<16xi32>
    %swap3A_2004 = arith.constant 112 : index
    %swap3A_2005 = tpu.vector_load %arg10[%swap3A_2004] {strides = array<i32>} : memref<128xi32, #tpu.memory_space<vmem>>, vector<16xi32>,
    %swap3A_2006 = vector.shape_cast %swap3A_2005 : vector<16xi32> to vector<16xi32>
    %swap3A_2007 = vector.shape_cast %add3A_2003 : vector<16xi32> to vector<16xi32>
    tpu.vector_store %arg10[%swap3A_2004], %swap3A_2007 {strides = array<i32>} : memref<128xi32, #tpu.memory_space<vmem>>, vector<16xi32>,
    %swap3A_2008 = arith.constant 112 : index
    %swap3A_2009 = tpu.vector_load %arg11[%swap3A_2008] {strides = array<i32>} : memref<128xi32, #tpu.memory_space<vmem>>, vector<16xi32>,
    %swap3A_2010 = vector.shape_cast %swap3A_2009 : vector<16xi32> to vector<16xi32>
    %swap3A_2011 = vector.shape_cast %broadcast_in_dim3A_3 : vector<16xi32> to vector<16xi32>
    tpu.vector_store %arg11[%swap3A_2008], %swap3A_2011 {strides = array<i32>} : memref<128xi32, #tpu.memory_space<vmem>>, vector<16xi32>,
    %swap3A_2012 = arith.constant 112 : index
    %swap3A_2013 = tpu.vector_load %arg12[%swap3A_2012] {strides = array<i32>} : memref<128xi32, #tpu.memory_space<vmem>>, vector<16xi32>,
    %swap3A_2014 = vector.shape_cast %swap3A_2013 : vector<16xi32> to vector<16xi32>
    %swap3A_2015 = vector.shape_cast %broadcast_in_dim3A_7 : vector<16xi32> to vector<16xi32>
    tpu.vector_store %arg12[%swap3A_2012], %swap3A_2015 {strides = array<i32>} : memref<128xi32, #tpu.memory_space<vmem>>, vector<16xi32>,
    "tpu.region"() ({
      %run_scoped3A = tpu.sem_alloc : memref<!tpu.dma_semaphore, #tpu.memory_space<semaphore_mem>>
      %dma_start3A = arith.constant 0 : i32
      %dma_start3A_2204 = tpu.memref_slice %arg4[%dma_start3A] : memref<3260432xi32, #tpu.memory_space<hbm>> -> memref<3260432xi32, #tpu.memory_space<hbm>>
      tpu.enqueue_indirect_dma source(%arg11 : memref<128xi32, #tpu.memory_space<vmem>>) target(%dma_start3A_2204 : memref<3260432xi32, #tpu.memory_space<hbm>>) offsets(%arg10 : memref<128xi32, #tpu.memory_space<vmem>>) semaphore(%run_scoped3A : memref<!tpu.dma_semaphore, #tpu.memory_space<semaphore_mem>>)
      %dma_wait3A = arith.constant 0 : i32
      %dma_wait3A_2205 = tpu.memref_slice %arg4[%dma_wait3A] : memref<3260432xi32, #tpu.memory_space<hbm>> -> memref<3260432xi32, #tpu.memory_space<hbm>>
      tpu.wait_indirect_dma semaphore(%run_scoped3A : memref<!tpu.dma_semaphore, #tpu.memory_space<semaphore_mem>>) src(%arg11 : memref<128xi32, #tpu.memory_space<vmem>>) dst(%dma_wait3A_2205 : memref<3260432xi32, #tpu.memory_space<hbm>>)
      tpu.yield
    }) : () -> ()
    "tpu.region"() ({
      %run_scoped3A = tpu.sem_alloc : memref<!tpu.dma_semaphore, #tpu.memory_space<semaphore_mem>>
      %dma_start3A = arith.constant 0 : i32
      %dma_start3A_2204 = tpu.memref_slice %arg5[%dma_start3A] : memref<3260432xi32, #tpu.memory_space<hbm>> -> memref<3260432xi32, #tpu.memory_space<hbm>>
      tpu.enqueue_indirect_dma source(%arg12 : memref<128xi32, #tpu.memory_space<vmem>>) target(%dma_start3A_2204 : memref<3260432xi32, #tpu.memory_space<hbm>>) offsets(%arg10 : memref<128xi32, #tpu.memory_space<vmem>>) semaphore(%run_scoped3A : memref<!tpu.dma_semaphore, #tpu.memory_space<semaphore_mem>>)
      %dma_wait3A = arith.constant 0 : i32
      %dma_wait3A_2205 = tpu.memref_slice %arg5[%dma_wait3A] : memref<3260432xi32, #tpu.memory_space<hbm>> -> memref<3260432xi32, #tpu.memory_space<hbm>>
      tpu.wait_indirect_dma semaphore(%run_scoped3A : memref<!tpu.dma_semaphore, #tpu.memory_space<semaphore_mem>>) src(%arg12 : memref<128xi32, #tpu.memory_space<vmem>>) dst(%dma_wait3A_2205 : memref<3260432xi32, #tpu.memory_space<hbm>>)
      tpu.yield
    }) : () -> ()
    %add3A_2016 = arith.addi %scan3A_18#3, %mul3A_1663 : i32
    %mul3A_2017 = vector.broadcast %add3A_2016 : i32 to vector<16xi32>
    %mul3A_2018 = arith.muli %broadcast_in_dim3A_1, %mul3A_2017 : vector<16xi32>
    %add3A_2019 = arith.addi %mul3A_2018, %iota3A : vector<16xi32>
    %add3A_2020 = arith.constant 256 : i32
    %add3A_2021 = vector.broadcast %add3A_2020 : i32 to vector<16xi32>
    %add3A_2022 = arith.addi %add3A_2019, %add3A_2021 : vector<16xi32>
    %add3A_2023 = arith.constant 0 : i32
    %add3A_2024 = vector.broadcast %add3A_2023 : i32 to vector<16xi32>
    %add3A_2025 = arith.addi %add3A_2022, %add3A_2024 : vector<16xi32>
    %swap3A_2026 = arith.constant 0 : index
    %swap3A_2027 = tpu.vector_load %arg10[%swap3A_2026] {strides = array<i32>} : memref<128xi32, #tpu.memory_space<vmem>>, vector<16xi32>,
    %swap3A_2028 = vector.shape_cast %swap3A_2027 : vector<16xi32> to vector<16xi32>
    %swap3A_2029 = vector.shape_cast %add3A_2025 : vector<16xi32> to vector<16xi32>
    tpu.vector_store %arg10[%swap3A_2026], %swap3A_2029 {strides = array<i32>} : memref<128xi32, #tpu.memory_space<vmem>>, vector<16xi32>,
    %swap3A_2030 = arith.constant 0 : index
    %swap3A_2031 = tpu.vector_load %arg11[%swap3A_2030] {strides = array<i32>} : memref<128xi32, #tpu.memory_space<vmem>>, vector<16xi32>,
    %swap3A_2032 = vector.shape_cast %swap3A_2031 : vector<16xi32> to vector<16xi32>
    %swap3A_2033 = vector.shape_cast %broadcast_in_dim3A_3 : vector<16xi32> to vector<16xi32>
    tpu.vector_store %arg11[%swap3A_2030], %swap3A_2033 {strides = array<i32>} : memref<128xi32, #tpu.memory_space<vmem>>, vector<16xi32>,
    %swap3A_2034 = arith.constant 0 : index
    %swap3A_2035 = tpu.vector_load %arg12[%swap3A_2034] {strides = array<i32>} : memref<128xi32, #tpu.memory_space<vmem>>, vector<16xi32>,
    %swap3A_2036 = vector.shape_cast %swap3A_2035 : vector<16xi32> to vector<16xi32>
    %swap3A_2037 = vector.shape_cast %broadcast_in_dim3A_7 : vector<16xi32> to vector<16xi32>
    tpu.vector_store %arg12[%swap3A_2034], %swap3A_2037 {strides = array<i32>} : memref<128xi32, #tpu.memory_space<vmem>>, vector<16xi32>,
    %add3A_2038 = arith.addi %scan3A_18#3, %mul3A_1663 : i32
    %mul3A_2039 = vector.broadcast %add3A_2038 : i32 to vector<16xi32>
    %mul3A_2040 = arith.muli %broadcast_in_dim3A_1, %mul3A_2039 : vector<16xi32>
    %add3A_2041 = arith.addi %mul3A_2040, %iota3A : vector<16xi32>
    %add3A_2042 = arith.constant 256 : i32
    %add3A_2043 = vector.broadcast %add3A_2042 : i32 to vector<16xi32>
    %add3A_2044 = arith.addi %add3A_2041, %add3A_2043 : vector<16xi32>
    %add3A_2045 = arith.constant 16 : i32
    %add3A_2046 = vector.broadcast %add3A_2045 : i32 to vector<16xi32>
    %add3A_2047 = arith.addi %add3A_2044, %add3A_2046 : vector<16xi32>
    %swap3A_2048 = arith.constant 16 : index
    %swap3A_2049 = tpu.vector_load %arg10[%swap3A_2048] {strides = array<i32>} : memref<128xi32, #tpu.memory_space<vmem>>, vector<16xi32>,
    %swap3A_2050 = vector.shape_cast %swap3A_2049 : vector<16xi32> to vector<16xi32>
    %swap3A_2051 = vector.shape_cast %add3A_2047 : vector<16xi32> to vector<16xi32>
    tpu.vector_store %arg10[%swap3A_2048], %swap3A_2051 {strides = array<i32>} : memref<128xi32, #tpu.memory_space<vmem>>, vector<16xi32>,
    %swap3A_2052 = arith.constant 16 : index
    %swap3A_2053 = tpu.vector_load %arg11[%swap3A_2052] {strides = array<i32>} : memref<128xi32, #tpu.memory_space<vmem>>, vector<16xi32>,
    %swap3A_2054 = vector.shape_cast %swap3A_2053 : vector<16xi32> to vector<16xi32>
    %swap3A_2055 = vector.shape_cast %broadcast_in_dim3A_3 : vector<16xi32> to vector<16xi32>
    tpu.vector_store %arg11[%swap3A_2052], %swap3A_2055 {strides = array<i32>} : memref<128xi32, #tpu.memory_space<vmem>>, vector<16xi32>,
    %swap3A_2056 = arith.constant 16 : index
    %swap3A_2057 = tpu.vector_load %arg12[%swap3A_2056] {strides = array<i32>} : memref<128xi32, #tpu.memory_space<vmem>>, vector<16xi32>,
    %swap3A_2058 = vector.shape_cast %swap3A_2057 : vector<16xi32> to vector<16xi32>
    %swap3A_2059 = vector.shape_cast %broadcast_in_dim3A_7 : vector<16xi32> to vector<16xi32>
    tpu.vector_store %arg12[%swap3A_2056], %swap3A_2059 {strides = array<i32>} : memref<128xi32, #tpu.memory_space<vmem>>, vector<16xi32>,
    %add3A_2060 = arith.addi %scan3A_18#3, %mul3A_1663 : i32
    %mul3A_2061 = vector.broadcast %add3A_2060 : i32 to vector<16xi32>
    %mul3A_2062 = arith.muli %broadcast_in_dim3A_1, %mul3A_2061 : vector<16xi32>
    %add3A_2063 = arith.addi %mul3A_2062, %iota3A : vector<16xi32>
    %add3A_2064 = arith.constant 256 : i32
    %add3A_2065 = vector.broadcast %add3A_2064 : i32 to vector<16xi32>
    %add3A_2066 = arith.addi %add3A_2063, %add3A_2065 : vector<16xi32>
    %add3A_2067 = arith.constant 32 : i32
    %add3A_2068 = vector.broadcast %add3A_2067 : i32 to vector<16xi32>
    %add3A_2069 = arith.addi %add3A_2066, %add3A_2068 : vector<16xi32>
    %swap3A_2070 = arith.constant 32 : index
    %swap3A_2071 = tpu.vector_load %arg10[%swap3A_2070] {strides = array<i32>} : memref<128xi32, #tpu.memory_space<vmem>>, vector<16xi32>,
    %swap3A_2072 = vector.shape_cast %swap3A_2071 : vector<16xi32> to vector<16xi32>
    %swap3A_2073 = vector.shape_cast %add3A_2069 : vector<16xi32> to vector<16xi32>
    tpu.vector_store %arg10[%swap3A_2070], %swap3A_2073 {strides = array<i32>} : memref<128xi32, #tpu.memory_space<vmem>>, vector<16xi32>,
    %swap3A_2074 = arith.constant 32 : index
    %swap3A_2075 = tpu.vector_load %arg11[%swap3A_2074] {strides = array<i32>} : memref<128xi32, #tpu.memory_space<vmem>>, vector<16xi32>,
    %swap3A_2076 = vector.shape_cast %swap3A_2075 : vector<16xi32> to vector<16xi32>
    %swap3A_2077 = vector.shape_cast %broadcast_in_dim3A_3 : vector<16xi32> to vector<16xi32>
    tpu.vector_store %arg11[%swap3A_2074], %swap3A_2077 {strides = array<i32>} : memref<128xi32, #tpu.memory_space<vmem>>, vector<16xi32>,
    %swap3A_2078 = arith.constant 32 : index
    %swap3A_2079 = tpu.vector_load %arg12[%swap3A_2078] {strides = array<i32>} : memref<128xi32, #tpu.memory_space<vmem>>, vector<16xi32>,
    %swap3A_2080 = vector.shape_cast %swap3A_2079 : vector<16xi32> to vector<16xi32>
    %swap3A_2081 = vector.shape_cast %broadcast_in_dim3A_7 : vector<16xi32> to vector<16xi32>
    tpu.vector_store %arg12[%swap3A_2078], %swap3A_2081 {strides = array<i32>} : memref<128xi32, #tpu.memory_space<vmem>>, vector<16xi32>,
    %add3A_2082 = arith.addi %scan3A_18#3, %mul3A_1663 : i32
    %mul3A_2083 = vector.broadcast %add3A_2082 : i32 to vector<16xi32>
    %mul3A_2084 = arith.muli %broadcast_in_dim3A_1, %mul3A_2083 : vector<16xi32>
    %add3A_2085 = arith.addi %mul3A_2084, %iota3A : vector<16xi32>
    %add3A_2086 = arith.constant 256 : i32
    %add3A_2087 = vector.broadcast %add3A_2086 : i32 to vector<16xi32>
    %add3A_2088 = arith.addi %add3A_2085, %add3A_2087 : vector<16xi32>
    %add3A_2089 = arith.constant 48 : i32
    %add3A_2090 = vector.broadcast %add3A_2089 : i32 to vector<16xi32>
    %add3A_2091 = arith.addi %add3A_2088, %add3A_2090 : vector<16xi32>
    %swap3A_2092 = arith.constant 48 : index
    %swap3A_2093 = tpu.vector_load %arg10[%swap3A_2092] {strides = array<i32>} : memref<128xi32, #tpu.memory_space<vmem>>, vector<16xi32>,
    %swap3A_2094 = vector.shape_cast %swap3A_2093 : vector<16xi32> to vector<16xi32>
    %swap3A_2095 = vector.shape_cast %add3A_2091 : vector<16xi32> to vector<16xi32>
    tpu.vector_store %arg10[%swap3A_2092], %swap3A_2095 {strides = array<i32>} : memref<128xi32, #tpu.memory_space<vmem>>, vector<16xi32>,
    %swap3A_2096 = arith.constant 48 : index
    %swap3A_2097 = tpu.vector_load %arg11[%swap3A_2096] {strides = array<i32>} : memref<128xi32, #tpu.memory_space<vmem>>, vector<16xi32>,
    %swap3A_2098 = vector.shape_cast %swap3A_2097 : vector<16xi32> to vector<16xi32>
    %swap3A_2099 = vector.shape_cast %broadcast_in_dim3A_3 : vector<16xi32> to vector<16xi32>
    tpu.vector_store %arg11[%swap3A_2096], %swap3A_2099 {strides = array<i32>} : memref<128xi32, #tpu.memory_space<vmem>>, vector<16xi32>,
    %swap3A_2100 = arith.constant 48 : index
    %swap3A_2101 = tpu.vector_load %arg12[%swap3A_2100] {strides = array<i32>} : memref<128xi32, #tpu.memory_space<vmem>>, vector<16xi32>,
    %swap3A_2102 = vector.shape_cast %swap3A_2101 : vector<16xi32> to vector<16xi32>
    %swap3A_2103 = vector.shape_cast %broadcast_in_dim3A_7 : vector<16xi32> to vector<16xi32>
    tpu.vector_store %arg12[%swap3A_2100], %swap3A_2103 {strides = array<i32>} : memref<128xi32, #tpu.memory_space<vmem>>, vector<16xi32>,
    %add3A_2104 = arith.addi %scan3A_18#3, %mul3A_1663 : i32
    %mul3A_2105 = vector.broadcast %add3A_2104 : i32 to vector<16xi32>
    %mul3A_2106 = arith.muli %broadcast_in_dim3A_1, %mul3A_2105 : vector<16xi32>
    %add3A_2107 = arith.addi %mul3A_2106, %iota3A : vector<16xi32>
    %add3A_2108 = arith.constant 256 : i32
    %add3A_2109 = vector.broadcast %add3A_2108 : i32 to vector<16xi32>
    %add3A_2110 = arith.addi %add3A_2107, %add3A_2109 : vector<16xi32>
    %add3A_2111 = arith.constant 64 : i32
    %add3A_2112 = vector.broadcast %add3A_2111 : i32 to vector<16xi32>
    %add3A_2113 = arith.addi %add3A_2110, %add3A_2112 : vector<16xi32>
    %swap3A_2114 = arith.constant 64 : index
    %swap3A_2115 = tpu.vector_load %arg10[%swap3A_2114] {strides = array<i32>} : memref<128xi32, #tpu.memory_space<vmem>>, vector<16xi32>,
    %swap3A_2116 = vector.shape_cast %swap3A_2115 : vector<16xi32> to vector<16xi32>
    %swap3A_2117 = vector.shape_cast %add3A_2113 : vector<16xi32> to vector<16xi32>
    tpu.vector_store %arg10[%swap3A_2114], %swap3A_2117 {strides = array<i32>} : memref<128xi32, #tpu.memory_space<vmem>>, vector<16xi32>,
    %swap3A_2118 = arith.constant 64 : index
    %swap3A_2119 = tpu.vector_load %arg11[%swap3A_2118] {strides = array<i32>} : memref<128xi32, #tpu.memory_space<vmem>>, vector<16xi32>,
    %swap3A_2120 = vector.shape_cast %swap3A_2119 : vector<16xi32> to vector<16xi32>
    %swap3A_2121 = vector.shape_cast %broadcast_in_dim3A_3 : vector<16xi32> to vector<16xi32>
    tpu.vector_store %arg11[%swap3A_2118], %swap3A_2121 {strides = array<i32>} : memref<128xi32, #tpu.memory_space<vmem>>, vector<16xi32>,
    %swap3A_2122 = arith.constant 64 : index
    %swap3A_2123 = tpu.vector_load %arg12[%swap3A_2122] {strides = array<i32>} : memref<128xi32, #tpu.memory_space<vmem>>, vector<16xi32>,
    %swap3A_2124 = vector.shape_cast %swap3A_2123 : vector<16xi32> to vector<16xi32>
    %swap3A_2125 = vector.shape_cast %broadcast_in_dim3A_7 : vector<16xi32> to vector<16xi32>
    tpu.vector_store %arg12[%swap3A_2122], %swap3A_2125 {strides = array<i32>} : memref<128xi32, #tpu.memory_space<vmem>>, vector<16xi32>,
    %add3A_2126 = arith.addi %scan3A_18#3, %mul3A_1663 : i32
    %mul3A_2127 = vector.broadcast %add3A_2126 : i32 to vector<16xi32>
    %mul3A_2128 = arith.muli %broadcast_in_dim3A_1, %mul3A_2127 : vector<16xi32>
    %add3A_2129 = arith.addi %mul3A_2128, %iota3A : vector<16xi32>
    %add3A_2130 = arith.constant 256 : i32
    %add3A_2131 = vector.broadcast %add3A_2130 : i32 to vector<16xi32>
    %add3A_2132 = arith.addi %add3A_2129, %add3A_2131 : vector<16xi32>
    %add3A_2133 = arith.constant 80 : i32
    %add3A_2134 = vector.broadcast %add3A_2133 : i32 to vector<16xi32>
    %add3A_2135 = arith.addi %add3A_2132, %add3A_2134 : vector<16xi32>
    %swap3A_2136 = arith.constant 80 : index
    %swap3A_2137 = tpu.vector_load %arg10[%swap3A_2136] {strides = array<i32>} : memref<128xi32, #tpu.memory_space<vmem>>, vector<16xi32>,
    %swap3A_2138 = vector.shape_cast %swap3A_2137 : vector<16xi32> to vector<16xi32>
    %swap3A_2139 = vector.shape_cast %add3A_2135 : vector<16xi32> to vector<16xi32>
    tpu.vector_store %arg10[%swap3A_2136], %swap3A_2139 {strides = array<i32>} : memref<128xi32, #tpu.memory_space<vmem>>, vector<16xi32>,
    %swap3A_2140 = arith.constant 80 : index
    %swap3A_2141 = tpu.vector_load %arg11[%swap3A_2140] {strides = array<i32>} : memref<128xi32, #tpu.memory_space<vmem>>, vector<16xi32>,
    %swap3A_2142 = vector.shape_cast %swap3A_2141 : vector<16xi32> to vector<16xi32>
    %swap3A_2143 = vector.shape_cast %broadcast_in_dim3A_3 : vector<16xi32> to vector<16xi32>
    tpu.vector_store %arg11[%swap3A_2140], %swap3A_2143 {strides = array<i32>} : memref<128xi32, #tpu.memory_space<vmem>>, vector<16xi32>,
    %swap3A_2144 = arith.constant 80 : index
    %swap3A_2145 = tpu.vector_load %arg12[%swap3A_2144] {strides = array<i32>} : memref<128xi32, #tpu.memory_space<vmem>>, vector<16xi32>,
    %swap3A_2146 = vector.shape_cast %swap3A_2145 : vector<16xi32> to vector<16xi32>
    %swap3A_2147 = vector.shape_cast %broadcast_in_dim3A_7 : vector<16xi32> to vector<16xi32>
    tpu.vector_store %arg12[%swap3A_2144], %swap3A_2147 {strides = array<i32>} : memref<128xi32, #tpu.memory_space<vmem>>, vector<16xi32>,
    %add3A_2148 = arith.addi %scan3A_18#3, %mul3A_1663 : i32
    %mul3A_2149 = vector.broadcast %add3A_2148 : i32 to vector<16xi32>
    %mul3A_2150 = arith.muli %broadcast_in_dim3A_1, %mul3A_2149 : vector<16xi32>
    %add3A_2151 = arith.addi %mul3A_2150, %iota3A : vector<16xi32>
    %add3A_2152 = arith.constant 256 : i32
    %add3A_2153 = vector.broadcast %add3A_2152 : i32 to vector<16xi32>
    %add3A_2154 = arith.addi %add3A_2151, %add3A_2153 : vector<16xi32>
    %add3A_2155 = arith.constant 96 : i32
    %add3A_2156 = vector.broadcast %add3A_2155 : i32 to vector<16xi32>
    %add3A_2157 = arith.addi %add3A_2154, %add3A_2156 : vector<16xi32>
    %swap3A_2158 = arith.constant 96 : index
    %swap3A_2159 = tpu.vector_load %arg10[%swap3A_2158] {strides = array<i32>} : memref<128xi32, #tpu.memory_space<vmem>>, vector<16xi32>,
    %swap3A_2160 = vector.shape_cast %swap3A_2159 : vector<16xi32> to vector<16xi32>
    %swap3A_2161 = vector.shape_cast %add3A_2157 : vector<16xi32> to vector<16xi32>
    tpu.vector_store %arg10[%swap3A_2158], %swap3A_2161 {strides = array<i32>} : memref<128xi32, #tpu.memory_space<vmem>>, vector<16xi32>,
    %swap3A_2162 = arith.constant 96 : index
    %swap3A_2163 = tpu.vector_load %arg11[%swap3A_2162] {strides = array<i32>} : memref<128xi32, #tpu.memory_space<vmem>>, vector<16xi32>,
    %swap3A_2164 = vector.shape_cast %swap3A_2163 : vector<16xi32> to vector<16xi32>
    %swap3A_2165 = vector.shape_cast %broadcast_in_dim3A_3 : vector<16xi32> to vector<16xi32>
    tpu.vector_store %arg11[%swap3A_2162], %swap3A_2165 {strides = array<i32>} : memref<128xi32, #tpu.memory_space<vmem>>, vector<16xi32>,
    %swap3A_2166 = arith.constant 96 : index
    %swap3A_2167 = tpu.vector_load %arg12[%swap3A_2166] {strides = array<i32>} : memref<128xi32, #tpu.memory_space<vmem>>, vector<16xi32>,
    %swap3A_2168 = vector.shape_cast %swap3A_2167 : vector<16xi32> to vector<16xi32>
    %swap3A_2169 = vector.shape_cast %broadcast_in_dim3A_7 : vector<16xi32> to vector<16xi32>
    tpu.vector_store %arg12[%swap3A_2166], %swap3A_2169 {strides = array<i32>} : memref<128xi32, #tpu.memory_space<vmem>>, vector<16xi32>,
    %add3A_2170 = arith.addi %scan3A_18#3, %mul3A_1663 : i32
    %mul3A_2171 = vector.broadcast %add3A_2170 : i32 to vector<16xi32>
    %mul3A_2172 = arith.muli %broadcast_in_dim3A_1, %mul3A_2171 : vector<16xi32>
    %add3A_2173 = arith.addi %mul3A_2172, %iota3A : vector<16xi32>
    %add3A_2174 = arith.constant 256 : i32
    %add3A_2175 = vector.broadcast %add3A_2174 : i32 to vector<16xi32>
    %add3A_2176 = arith.addi %add3A_2173, %add3A_2175 : vector<16xi32>
    %add3A_2177 = arith.constant 112 : i32
    %add3A_2178 = vector.broadcast %add3A_2177 : i32 to vector<16xi32>
    %add3A_2179 = arith.addi %add3A_2176, %add3A_2178 : vector<16xi32>
    %swap3A_2180 = arith.constant 112 : index
    %swap3A_2181 = tpu.vector_load %arg10[%swap3A_2180] {strides = array<i32>} : memref<128xi32, #tpu.memory_space<vmem>>, vector<16xi32>,
    %swap3A_2182 = vector.shape_cast %swap3A_2181 : vector<16xi32> to vector<16xi32>
    %swap3A_2183 = vector.shape_cast %add3A_2179 : vector<16xi32> to vector<16xi32>
    tpu.vector_store %arg10[%swap3A_2180], %swap3A_2183 {strides = array<i32>} : memref<128xi32, #tpu.memory_space<vmem>>, vector<16xi32>,
    %swap3A_2184 = arith.constant 112 : index
    %swap3A_2185 = tpu.vector_load %arg11[%swap3A_2184] {strides = array<i32>} : memref<128xi32, #tpu.memory_space<vmem>>, vector<16xi32>,
    %swap3A_2186 = vector.shape_cast %swap3A_2185 : vector<16xi32> to vector<16xi32>
    %swap3A_2187 = vector.shape_cast %broadcast_in_dim3A_3 : vector<16xi32> to vector<16xi32>
    tpu.vector_store %arg11[%swap3A_2184], %swap3A_2187 {strides = array<i32>} : memref<128xi32, #tpu.memory_space<vmem>>, vector<16xi32>,
    %swap3A_2188 = arith.constant 112 : index
    %swap3A_2189 = tpu.vector_load %arg12[%swap3A_2188] {strides = array<i32>} : memref<128xi32, #tpu.memory_space<vmem>>, vector<16xi32>,
    %swap3A_2190 = vector.shape_cast %swap3A_2189 : vector<16xi32> to vector<16xi32>
    %swap3A_2191 = vector.shape_cast %broadcast_in_dim3A_7 : vector<16xi32> to vector<16xi32>
    tpu.vector_store %arg12[%swap3A_2188], %swap3A_2191 {strides = array<i32>} : memref<128xi32, #tpu.memory_space<vmem>>, vector<16xi32>,
    "tpu.region"() ({
      %run_scoped3A = tpu.sem_alloc : memref<!tpu.dma_semaphore, #tpu.memory_space<semaphore_mem>>
      %dma_start3A = arith.constant 0 : i32
      %dma_start3A_2204 = tpu.memref_slice %arg4[%dma_start3A] : memref<3260432xi32, #tpu.memory_space<hbm>> -> memref<3260432xi32, #tpu.memory_space<hbm>>
      tpu.enqueue_indirect_dma source(%arg11 : memref<128xi32, #tpu.memory_space<vmem>>) target(%dma_start3A_2204 : memref<3260432xi32, #tpu.memory_space<hbm>>) offsets(%arg10 : memref<128xi32, #tpu.memory_space<vmem>>) semaphore(%run_scoped3A : memref<!tpu.dma_semaphore, #tpu.memory_space<semaphore_mem>>)
      %dma_wait3A = arith.constant 0 : i32
      %dma_wait3A_2205 = tpu.memref_slice %arg4[%dma_wait3A] : memref<3260432xi32, #tpu.memory_space<hbm>> -> memref<3260432xi32, #tpu.memory_space<hbm>>
      tpu.wait_indirect_dma semaphore(%run_scoped3A : memref<!tpu.dma_semaphore, #tpu.memory_space<semaphore_mem>>) src(%arg11 : memref<128xi32, #tpu.memory_space<vmem>>) dst(%dma_wait3A_2205 : memref<3260432xi32, #tpu.memory_space<hbm>>)
      tpu.yield
    }) : () -> ()
    "tpu.region"() ({
      %run_scoped3A = tpu.sem_alloc : memref<!tpu.dma_semaphore, #tpu.memory_space<semaphore_mem>>
      %dma_start3A = arith.constant 0 : i32
      %dma_start3A_2204 = tpu.memref_slice %arg5[%dma_start3A] : memref<3260432xi32, #tpu.memory_space<hbm>> -> memref<3260432xi32, #tpu.memory_space<hbm>>
      tpu.enqueue_indirect_dma source(%arg12 : memref<128xi32, #tpu.memory_space<vmem>>) target(%dma_start3A_2204 : memref<3260432xi32, #tpu.memory_space<hbm>>) offsets(%arg10 : memref<128xi32, #tpu.memory_space<vmem>>) semaphore(%run_scoped3A : memref<!tpu.dma_semaphore, #tpu.memory_space<semaphore_mem>>)
      %dma_wait3A = arith.constant 0 : i32
      %dma_wait3A_2205 = tpu.memref_slice %arg5[%dma_wait3A] : memref<3260432xi32, #tpu.memory_space<hbm>> -> memref<3260432xi32, #tpu.memory_space<hbm>>
      tpu.wait_indirect_dma semaphore(%run_scoped3A : memref<!tpu.dma_semaphore, #tpu.memory_space<semaphore_mem>>) src(%arg12 : memref<128xi32, #tpu.memory_space<vmem>>) dst(%dma_wait3A_2205 : memref<3260432xi32, #tpu.memory_space<hbm>>)
      tpu.yield
    }) : () -> ()
    %mul3A_2192 = vector.broadcast %scan3A_18#3 : i32 to vector<16xi32>
    %mul3A_2193 = arith.muli %broadcast_in_dim3A_1, %mul3A_2192 : vector<16xi32>
    %swap3A_2194 = arith.constant 0 : index
    %swap3A_2195 = tpu.vector_load %arg13[%swap3A_2194] {strides = array<i32>} : memref<16xi32, #tpu.memory_space<vmem>>, vector<16xi32>,
    %swap3A_2196 = vector.shape_cast %swap3A_2195 : vector<16xi32> to vector<16xi32>
    %swap3A_2197 = vector.shape_cast %mul3A_2193 : vector<16xi32> to vector<16xi32>
    tpu.vector_store %arg13[%swap3A_2194], %swap3A_2197 {strides = array<i32>} : memref<16xi32, #tpu.memory_space<vmem>>, vector<16xi32>,
    %mul3A_2198 = arith.constant 4 : i32
    %mul3A_2199 = arith.muli %add3A, %mul3A_2198 : i32
    %add3A_2200 = arith.constant 3 : i32
    %add3A_2201 = arith.addi %mul3A_2199, %add3A_2200 : i32
    %mul3A_2202 = arith.constant 16 : i32
    %mul3A_2203 = arith.muli %add3A_2201, %mul3A_2202 : i32
    "tpu.region"() ({
      %run_scoped3A = tpu.sem_alloc : memref<!tpu.dma_semaphore, #tpu.memory_space<semaphore_mem>>
      %dma_start3A = tpu.memref_slice %arg6[%mul3A_2203] : memref<2048xi32, #tpu.memory_space<hbm>> -> memref<16xi32, #tpu.memory_space<hbm>>
      %dma_start3A_2204 = tpu.memref_slice %arg6[%mul3A_2203] : memref<2048xi32, #tpu.memory_space<hbm>> -> memref<16xi32, #tpu.memory_space<hbm>>
      tpu.enqueue_dma source(%arg13 : memref<16xi32, #tpu.memory_space<vmem>>) target(%dma_start3A_2204 : memref<16xi32, #tpu.memory_space<hbm>>) target_semaphore(%run_scoped3A : memref<!tpu.dma_semaphore, #tpu.memory_space<semaphore_mem>>)
      %dma_wait3A = tpu.memref_slice %arg6[%mul3A_2203] : memref<2048xi32, #tpu.memory_space<hbm>> -> memref<16xi32, #tpu.memory_space<hbm>>
      %dma_wait3A_2205 = tpu.memref_slice %arg6[%mul3A_2203] : memref<2048xi32, #tpu.memory_space<hbm>> -> memref<16xi32, #tpu.memory_space<hbm>>
      tpu.wait_dma2 semaphore(%run_scoped3A : memref<!tpu.dma_semaphore, #tpu.memory_space<semaphore_mem>>) src(%arg13 : memref<16xi32, #tpu.memory_space<vmem>>) dst(%dma_wait3A_2205 : memref<16xi32, #tpu.memory_space<hbm>>)
      tpu.yield
    }) : () -> ()
    return
  }
}

module attributes {stable_mosaic.version = 14 : i64} {
  func.func @_head_body(%arg0: memref<512x256xf32, #tpu.memory_space<vmem>>, %arg1: memref<256x128xf32, #tpu.memory_space<vmem>>, %arg2: memref<1x128xf32, #tpu.memory_space<vmem>>, %arg3: memref<512x128xf32, #tpu.memory_space<vmem>>) attributes {dimension_semantics = [], scalar_prefetch = 0 : i64, scratch_operands = 0 : i64, tpu.core_type = #tpu.core_type<tc>} {
    %get3A = arith.constant 0 : index
    %get3A_0 = arith.constant 0 : index
    %get3A_1 = vector.load %arg0[%get3A, %get3A_0] : memref<512x256xf32, #tpu.memory_space<vmem>>, vector<512x256xf32>
    %get3A_2 = arith.constant 0 : index
    %get3A_3 = arith.constant 0 : index
    %get3A_4 = vector.load %arg1[%get3A_2, %get3A_3] : memref<256x128xf32, #tpu.memory_space<vmem>>, vector<256x128xf32>
    %dot_general3A = arith.constant dense<0.000000e+00> : vector<512x128xf32>
    %dot_general3A_5 = tpu.matmul %get3A_1, %get3A_4, %dot_general3A {dimension_numbers = #tpu.dot_dimension_numbers<[1], [0], [0], [1], [0, 0, 1, 1], [], []>, transpose_lhs_hint = false} : vector<512x256xf32>, vector<256x128xf32>, vector<512x128xf32> -> vector<512x128xf32>
    %get3A_6 = arith.constant 0 : index
    %get3A_7 = arith.constant 0 : index
    %get3A_8 = vector.load %arg2[%get3A_6, %get3A_7] : memref<1x128xf32, #tpu.memory_space<vmem>>, vector<1x128xf32>
    %add3A = vector.broadcast %get3A_8 : vector<1x128xf32> to vector<512x128xf32>
    %add3A_9 = arith.addf %dot_general3A_5, %add3A : vector<512x128xf32>
    %swap3A = arith.constant 0 : index
    %swap3A_10 = arith.constant 0 : index
    %swap3A_11 = vector.load %arg3[%swap3A, %swap3A_10] : memref<512x128xf32, #tpu.memory_space<vmem>>, vector<512x128xf32>
    tpu.vector_store %arg3[%swap3A, %swap3A_10], %add3A_9 {strides = array<i32>} : memref<512x128xf32, #tpu.memory_space<vmem>>, vector<512x128xf32>,
    return
  }
}

</mosaic_0001>

<sc_bundles>
// kernel: kernel.4.cloned.1.call-start
scs
__scs_entry_jumppad:
0x0: {  	(pc) =	sbr.rel $0x88, $3  }
0x1: {  	(tag) =	ssettag $0x0;
	lr =	simm.s32 $0x1  }
0x2: {  	[smem:$0x3F9D] =	sst lr;
	_ =	strace $0xD0000000  }
0x3: {  	_ = 	snop  }
0x4: {  	_ = 	snop  }
0x5: {  	_ = 	snop  }
0x6: {  	_ = 	snop  }
0x7: {  	_ = 	snop  }
__scs_overlays_trampoline_lowered:
0x8: {  	[smem:$0x3FAC] =	sst s0  }
0x9: {  	[smem:$0x3FAD] =	sst s1  }
0xa: {  	[smem:$0x3FAE] =	sst s2  }
0xb: {  	[smem:$0x3FAF] =	sst s3  }
0xc: {  	[smem:$0x3FB0] =	sst s4  }
0xd: {  	[smem:$0x3FB1] =	sst s5  }
0xe: {  	[smem:$0x3FB2] =	sst s6  }
0xf: {  	[smem:$0x3FB3] =	sst s7  }
0x10: {  	[smem:$0x3FB4] =	sst s8  }
0x11: {  	[smem:$0x3FB5] =	sst s9;
	s0 =	simm.s32 @!p0 $0x0  }
0x12: {  	s1 =	sld [smem:$0x3F9B];
	s0 =	simm.s32 @p0 $0x1  }
0x13: {  	[smem:$0x3FB6] =	sst s0;
	s0 =	simm.s32 @!p1 $0x0  }
0x14: {  	s2 =	sld [smem:$0x3F9A];
	s0 =	simm.s32 @p1 $0x1  }
0x15: {  	[smem:$0x3FB7] =	sst s0;
	s0 =	simm.s32 @!p2 $0x0  }
0x16: {  	s3 =	sld [smem:$0x3FDB];
	s0 =	simm.s32 @p2 $0x1  }
0x17: {  	s4 =	simm.s32 $0x1BF5;
	[smem:$0x3FB9] =	sst s0  }
0x18: {  	s0 =	sld [smem:$0x3F9C];
	_ =	swait.ge [sflag:s4], $0x0  }
0x19: {  	s7 =	sld [smem:$0x3F9D]  }
0x1a: {  	s8 =	sadd.s32 $0xFFFFE003, lr  }
0x1b: {  	s9 =	sadd.s32 $0xFFFFFEF7, lr;
	s5 =	simm.s32 $0xFFFFFFFF;
	p2 =	slt.u32 s8, $0xFFFFF086  }
0x1c: {  	p1 =	slt.u32 s9, $0xF7A;
	s5 =	simm.s32 @!p2 $0x0  }
0x1d: {  	s5 =	simm.s32 @p1 $0x1;
	p0 =	seq.s32 s7, s2  }
0x1e: {  	s7 =	smul.u32 @!p0 $0xF7A, s2;
	p2 =	seq.s32 @!p0 s5, $0x0  }
0x1f: {  	s9 =	smul.u32 $0xF7A, s1;
	s8 =	simm.s32 @!p0 $0x1BF5;
	p2 =	por !p2, p0  }
0x20: {  	[sflag:s8] =	ssyncset.s32 @!p0 $0xFFFFF086;
	s6 =	sadd.s32 @!p0 s3, s7;
	s7 =	simm.s32 @!p0 $0x108  }
0x21: {  	s3 =	sadd.s32 s3, s9;
	s6 =	sadd.s32 @!p0 $0x88, s6;
	s7 =	simm.s32 @p2 $0x1082  }
0x22: {  	[simem:s7], [sflag:s8] =	dma.local @!p0 [hbm:s6], $0xF7A  }
0x23: {  	s9 =	sor.u32 $0xD0000000, s2;
	s6 =	simm.s32 $0x108;
	_ =	swait.ge @!p0 [sflag:s8], $0x0  }
0x24: {  	s3 =	sadd.s32 $0x88, s3;
	s6 =	simm.s32 @!p1 $0x1082;
	[sflag:s4] =	ssyncset.s32 $0xFFFFF086  }
0x25: {  	[simem:s6], [sflag:s4] =	dma.local [hbm:s3], $0xF7A  }
0x26: {  	[smem:$0x3F9D] =	sst s1;
	(tag) =	ssettag s2;
	_ =	strace s9  }
0x27: {  	s1 =	sld [smem:$0x3FAD]  }
0x28: {  	s2 =	sld [smem:$0x3FAE]  }
0x29: {  	s4 =	sld [smem:$0x3FB0]  }
0x2a: {  	p0 =	seq.s32 s5, $0x0;
	s5 =	sld [smem:$0x3FB1]  }
0x2b: {  	s6 =	sld [smem:$0x3FB2]  }
0x2c: {  	s7 =	sld [smem:$0x3FB3]  }
0x2d: {  	s3 =	simm.s32 $0x108;
	s8 =	sld [smem:$0x3FB4]  }
0x2e: {  	s3 =	simm.s32 @!p0 $0x1082;
	s9 =	sld [smem:$0x3FB5]  }
0x2f: {  	lr =	sadd.s32 s0, s3;
	s0 =	sld [smem:$0x3FAC]  }
0x30: {  	s3 =	sld [smem:$0x3FAF]  }
0x31: {  	[smem:$0x3FB8] =	sst s10  }
0x32: {  	s10 =	sld [smem:$0x3FB6];
	_ =	sdelay $0x3  }
0x33: {  	p0 =	seq.s32 s10, $0x1;
	s10 =	sld [smem:$0x3FB8];
	_ =	sdelay $0x3  }
0x34: {  	[smem:$0x3FB8] =	sst s10  }
0x35: {  	s10 =	sld [smem:$0x3FB7];
	_ =	sdelay $0x3  }
0x36: {  	p1 =	seq.s32 s10, $0x1;
	s10 =	sld [smem:$0x3FB8];
	_ =	sdelay $0x3  }
0x37: {  	[smem:$0x3FB8] =	sst s10  }
0x38: {  	s10 =	sld [smem:$0x3FB9]  }
0x39: {  	_ = 	snop;
	(pc) =	sbr.ind lr, $3  }
0x3a: {  	_ = 	snop  }
0x3b: {  	_ = 	snop  }
0x3c: {  	p2 =	seq.s32 s10, $0x1;
	s10 =	sld [smem:$0x3FB8]  }
0x3d: {  	_ =	shalt  }
0x3e: {  	_ =	shalt  }
0x3f: {  	_ =	shalt  }
0x40: {  	_ =	shalt  }
0x41: {  	_ =	shalt  }
0x42: {  	_ =	shalt  }
0x43: {  	_ =	shalt  }
0x44: {  	_ =	shalt  }
0x45: {  	_ =	shalt  }
0x46: {  	_ =	shalt  }
0x47: {  	_ =	shalt  }
0x48: {  	_ =	shalt  }
0x49: {  	_ =	shalt  }
0x4a: {  	_ =	shalt  }
0x4b: {  	_ =	shalt  }
0x4c: {  	_ =	shalt  }
0x4d: {  	_ =	shalt  }
0x4e: {  	_ =	shalt  }
0x4f: {  	_ =	shalt  }
0x50: {  	_ =	shalt  }
0x51: {  	_ =	shalt  }
0x52: {  	_ =	shalt  }
0x53: {  	_ =	shalt  }
0x54: {  	_ =	shalt  }
0x55: {  	_ =	shalt  }
0x56: {  	_ =	shalt  }
0x57: {  	_ =	shalt  }
0x58: {  	_ =	shalt  }
0x59: {  	_ =	shalt  }
0x5a: {  	_ =	shalt  }
0x5b: {  	_ =	shalt  }
0x5c: {  	_ =	shalt  }
0x5d: {  	_ =	shalt  }
0x5e: {  	_ =	shalt  }
0x5f: {  	_ =	shalt  }
0x60: {  	_ =	shalt  }
0x61: {  	_ =	shalt  }
0x62: {  	_ =	shalt  }
0x63: {  	_ =	shalt  }
0x64: {  	_ =	shalt  }
0x65: {  	_ =	shalt  }
0x66: {  	_ =	shalt  }
0x67: {  	_ =	shalt  }
0x68: {  	_ =	shalt  }
0x69: {  	_ =	shalt  }
0x6a: {  	_ =	shalt  }
0x6b: {  	_ =	shalt  }
0x6c: {  	_ =	shalt  }
0x6d: {  	_ =	shalt  }
0x6e: {  	_ =	shalt  }
0x6f: {  	_ =	shalt  }
0x70: {  	_ =	shalt  }
0x71: {  	_ =	shalt  }
0x72: {  	_ =	shalt  }
0x73: {  	_ =	shalt  }
0x74: {  	_ =	shalt  }
0x75: {  	_ =	shalt  }
0x76: {  	_ =	shalt  }
0x77: {  	_ =	shalt  }
0x78: {  	_ =	shalt  }
0x79: {  	_ =	shalt  }
0x7a: {  	_ =	shalt  }
0x7b: {  	_ =	shalt  }
0x7c: {  	_ =	shalt  }
0x7d: {  	_ =	shalt  }
0x7e: {  	_ =	shalt  }
0x7f: {  	_ =	shalt  }
0x80: {  	_ =	shalt  }
0x81: {  	_ =	shalt  }
0x82: {  	_ =	shalt  }
0x83: {  	_ =	shalt  }
0x84: {  	_ =	shalt  }
0x85: {  	_ =	shalt  }
0x86: {  	_ =	shalt  }
0x87: {  	_ =	shalt  }
.Lfunc_end0:
.L_simem_size_0:
called_computation_lowered:
.L_overlay_start_0:
0x88: {  	s2 =	sld [smem:$0x3FD9]  }
0x89: {  	s3 =	sld [smem:$0x3FFE];
	_ =	sdelay $0x1  }
0x8a: {  	s1 =	srdreg.scid  }
0x8b: {  	s0 =	sand.u32 $0x1, s1  }
0x8c: {  	s17 =	sshll.u32 s0, $0xA;
	s2 =	sadd.s32 s3, s2  }
0x8d: {  	s2 =	sadd.s32 s2, s17  }
0x8e: {  	[smem:$0x3FC4] =	sst s2  }
0x8f: {  	_ = 	snop  }
0x90: {  	s2 =	sld [smem:$0x3FD0];
	(tm) =	ssettm $0x1  }
0x91: {  	s18 =	sld [smem:$0x3FFB];
	_ =	sdelay $0x3  }
0x92: {  	_ =	strace s18  }
0x93: {  	s3 =	sld [smem:$0x3FFC];
	_ =	sdelay $0x3  }
0x94: {  	_ =	strace s3  }
0x95: {  	s3 =	sld [smem:$0x3FFD];
	_ =	sdelay $0x3  }
0x96: {  	_ =	strace s3  }
0x97: {  	_ =	strace $0x8FFFFFFF  }
0x98: {  	s19 =	sld [smem:$0x3FDB];
	_ =	sdelay $0x1  }
0x99: {  	s4 =	simm.s32 $_scs_section_size  }
0x9a: {  	s5 =	simm.s32 $_size__tile_overlayer_lowered;
	s6 =	simm.s32 $_tile_overlayer_lowered  }
0x9b: {  	s22 =	simm.s32 $0x1BFF;
	s21 =	sshll.u32 s6, $0x1;
	s3 =	sadd.s32 s4, s19  }
0x9c: {  	s7 =	simm.s32 $0x0;
	s20 =	sshll.u32 s5, $0x1;
	s5 =	sadd.s32 s21, s3  }
0x9d: {  	[timem:s7], [sflag:s22] =	dma.local [hbm:s5], s20  }
0x9e: {  	_ =	swait.ge [sflag:s22], s20  }
0x9f: {  	s4 =	ssub.s32 $0x0, s20;
	[sflag:s22] =	ssyncset.done $0x0  }
0xa0: {  	[sflag:s22] =	ssyncadd.s32 s4;
	_ =	sdelay $0x1  }
0xa1: {  	s23 =	simm.s32 $0x1B8B  }
0xa2: {  	_ =	swait.ge [sflag:s23], $0x1  }
0xa3: {  	[sflag:s23] =	ssyncset.done $0x0  }
0xa4: {  	s25 =	simm.s32 $0x1B8E;
	s24 =	sld [smem:$0x3FFE];
	[sflag:s23] =	ssyncadd.s32 $0xFFFFFFFF  }
0xa5: {  	s26 =	simm.s32 $execute0_lowered;
	[smem:$0x3FD2] =	sst s25  }
0xa6: {  	s5 =	sshll.u32 s26, $0x1;
	_ =	strace $0x80000046;
	[dreg:$0x1] =	wrdreg $0xFFFFFFFF  }
0xa7: {  	s28 =	simm.s32 $_size_execute0_lowered;
	s3 =	sadd.s32 s3, s5;
	[dreg:$0x0] =	wrdreg $0x0  }
0xa8: {  	s5 =	sshll.u32 s28, $0x1;
	[dreg:$0x2] =	wrdreg s3  }
0xa9: {  	[dreg:$0x3] =	wrdreg s5  }
0xaa: {  	[dreg:$0x4] =	wrdreg $0xC0  }
0xab: {  	_ =	task [dreg:s7], $0x5FFFF  }
0xac: {  	[dreg:$0x1] =	wrdreg $0xFFFFFFFF  }
0xad: {  	[dreg:$0x0] =	wrdreg $0x60  }
0xae: {  	[dreg:$0x2] =	wrdreg s24  }
0xaf: {  	[dreg:$0x3] =	wrdreg s2  }
0xb0: {  	[dreg:$0x4] =	wrdreg $0x9  }
0xb1: {  	_ =	task.clear_ibuf [dreg:s7], $0x5FFFF;
	_ =	strace $0x90000046  }
0xb2: {  	s29 =	simm.s32 $0x9;
	_ =	strace $0x80000048  }
0xb3: {  	_ =	swait.ge [sflag:s29], $0x1  }
0xb4: {  	[sflag:s29] =	ssyncadd.s32 $0xFFFFFFFF  }
0xb5: {  	_ =	strace $0x90000048  }
0xb6: {  	_ =	sfence  }
0xb7: {  	s30 =	sld [smem:$0x0];
	_ =	sdelay $0x2  }
0xb8: {  	s31 =	sshll.u32 s1, $0xD;
	s1 =	sshrl.u32 s1, $0x2  }
0xb9: {  	s3 =	sand.u32 $0x4000, s31;
	s1 =	sadd.s32 s1, s30  }
0xba: {  	s0 =	sor.u32 s3, s0;
	s1 =	sshll.u32 s1, $0x11  }
0xbb: {  	s0 =	sor.u32 s1, s0  }
0xbc: {  	s0 =	sadd.s32 $0x8F2B, s0  }
0xbd: {  	[sflag:s0] =	ssyncadd.remote.s32 $0x1  }
0xbe: {  	_ =	sfence.sel $0xFFFF  }
0xbf: {  	[dreg:$0x0] =	wrdreg $0xFFFFFFFF;
	(pc) =	sbr.abs _section_cstart, $3  }
0xc0: {  	[dreg:$0x1] =	wrdreg $0xFFFFFFFF  }
0xc1: {  	_ =	task.clear_ibuf [dreg:s7], $0x2FFFF;
	_ =	strace $0x9FFFFFFF  }
0xc2: {  	(tm) =	ssettm $0x7FFFFFFF  }
0xc3: {  	_ =	shalt  }
tec
execute0_lowered:
.L_overlay_start_1:
0x0: {  	(tag) =	ssettag $0x1  }
0x1: {  	s0 =	rddreg [dreg:$0x0]  }
0x2: {  	s1 =	rddreg [dreg:$0x1];
	s2 =	simm.s32 $0x0  }
0x3: {  	s4 =	srdreg.scid;
	s6 =	stileid.u32;
	s20 =	simm.s32 $0x1  }
0x4: {  	s21 =	simm.s32 $0x1880;
	s22 =	simm.s32 $0x80;
	s23 =	simm.s32 $0x3180  }
0x5: {  	s24 =	simm.s32 $0x3200;
	s28 =	simm.s32 $0x0;
	[smem:$0x7FF] =	sst s2  }
0x6: {  	s3 =	sadd.s32 $0x400, s0;
	s5 =	sand.u32 $0x1, s4;
	s6 =	sshll.u32 s6, $0x1  }
0x7: {  	s4 =	sadd.s32 $0x18C00, s0;
	s7 =	sadd.s32 $0x94E00, s0;
	_ =	strace $0x80000047  }
0x8: {  	s8 =	ssub.s32 $0x2, s5;
	s12 =	sor.u32 s5, s6;
	s5 =	sadd.s32 $0x31400, s0  }
0x9: {  	s9 =	sshrl.u32 s8, $0x1;
	s6 =	smul.u32 $0x18E00, s12;
	s13 =	sshll.u32 s12, $0x2  }
0xa: {  	s14 =	sshll.u32 s12, $0x3;
	s25 =	ssub.s32 s8, s9;
	s8 =	smul.u32 $0x6200, s12  }
0xb: {  	s15 =	sor.u32 $0x1, s13;
	s14 =	sadd.s32 s1, s14;
	s13 =	sor.u32 $0x2, s13  }
0xc: {  	s12 =	sshllo.u32 s12, $0x2;
	s9 =	sadd.s32 $0x6380, s6;
	s10 =	sadd.s32 $0xC700, s6  }
0xd: {  	s11 =	sadd.s32 $0x12A80, s6;
	[dreg:$0x3] =	wrdreg s14;
	s26 =	smul.u32 $0x6380, s15  }
0xe: {  	s29 =	sshll.u32 s15, $0x1;
	s30 =	smul.u32 $0x6380, s13;
	s13 =	sshll.u32 s13, $0x1  }
0xf: {  	s31 =	sshll.u32 s12, $0x1;
	s14 =	sadd.s32 s1, s29;
	[dreg:$0x4] =	wrdreg s26  }
0x10: {  	s17 =	smul.u32 $0x6380, s12;
	s19 =	smax.u32 s25, $0x1;
	[dreg:$0x5] =	wrdreg s14  }
0x11: {  	s25 =	simm.s32 $0x3280;
	s13 =	sadd.s32 s1, s13;
	[dreg:$0x6] =	wrdreg s30  }
0x12: {  	v0 =	vimm.s32 $0x0;
	v1 =	vlaneseq.u32;
	v2 =	vimm.s32 $0x3100;
	s18 =	sadd.s32 s1, s31;
	[dreg:$0x7] =	wrdreg s13;
	s26 =	simm.s32 $0x3300  }
.LBB2_1:
0x13: {  	s31 =	simm.s32 $0x0;
	s1 =	simm.s32 $0x0  }
0x14: {  	[tilespmem:$0x3100] =	vst v0;
	s12 =	simm.s32 $0x0;
	s13 =	simm.s32 $0x0;
	s29 =	simm.s32 $0x0  }
.LBB2_2:
0x15: {  	s0 =	smul.u32 $0x1880, s29;
	_ =	sdelay $0x1  }
0x16: {  	s0 =	sadd.s32 s8, s0  }
0x17: {  	s0 =	sshrl.u32 s0, $0x3  }
0x18: {  	s30 =	simm.s32 $0x0;
	s14 =	sadd.s32 s3, s0  }
0x19: {  	[tilespmem:s30], [sflag:$0x1] =	stream.linear.gather [hbm4b:s14+s30], $0x1880, $0x38;
	[tilespmem:$0x3380] =	vst v63  }
0x1a: {  	_ =	swait.ge [sflag:s20], $0x1880  }
0x1b: {  	[sflag:s20] =	ssyncset.done $0x0  }
0x1c: {  	s0 =	sadd.s32 s4, s0;
	[sflag:s20] =	ssyncadd.s32 $0xFFFFE780  }
0x1d: {  	[tilespmem:s21], [sflag:$0x1] =	stream.linear.gather [hbm4b:s0+s30], $0x1880, $0x38;
	[tilespmem:$0x3380] =	vst v63  }
0x1e: {  	_ =	swait.ge [sflag:s20], $0x1880  }
0x1f: {  	[sflag:s20] =	ssyncset.done $0x0  }
0x20: {  	[sflag:s20] =	ssyncadd.s32 $0xFFFFE780  }
.LBB2_3:
0x21: {  	s0 =	sshra.s32 s30, $0x2  }
0x22: {  	v3 =	vld [tilespmem:s0+$0x1880];
	_ =	sdelay $0x4  }
0x23: {  	vm1 =	vlt.u32 v3, $0x3100  }
0x24: {  	v5 =	vsel vm1, $0x1, v0  }
0x25: {  	v4 =	vld [tilespmem:s0+$0x0];
	[tilespmem:$0x3108] =	vst v5  }
0x26: {  	v6 =	vld [tilespmem:$0x3107];
	_ =	sdelay $0x4  }
0x27: {  	v5 =	vadd.s32 v5, v6  }
0x28: {  	[tilespmem:$0x3108] =	vst v5  }
0x29: {  	v40 =	vld [tilespmem:$0x3106];
	_ =	sdelay $0x4  }
0x2a: {  	v5 =	vadd.s32 v5, v40  }
0x2b: {  	[tilespmem:$0x3108] =	vst v5  }
0x2c: {  	v41 =	vld [tilespmem:$0x3104];
	_ =	sdelay $0x3  }
0x2d: {  	v42 =	vadd.s32 $0xFFFFCF00, v3  }
0x2e: {  	vm0 =	vlt.u32 v42, $0x3100;
	v5 =	vadd.s32 v5, v41  }
0x2f: {  	v8 =	vsel vm0, $0x1, v0;
	[tilespmem:$0x3108] =	vst v5  }
0x30: {  	v7 =	vld [tilespmem:$0x3100];
	[tilespmem:$0x3108] =	vst v8  }
0x31: {  	v9 =	vld [tilespmem:$0x3107];
	_ =	sdelay $0x4  }
0x32: {  	v8 =	vadd.s32 v8, v9  }
0x33: {  	[tilespmem:$0x3108] =	vst v8  }
0x34: {  	v43 =	vld [tilespmem:$0x3106];
	_ =	sdelay $0x4  }
0x35: {  	v8 =	vadd.s32 v8, v43  }
0x36: {  	[tilespmem:$0x3108] =	vst v8  }
0x37: {  	v44 =	vld [tilespmem:$0x3104];
	_ =	sdelay $0x3  }
0x38: {  	v45 =	vadd.s32 $0xFFFF9E00, v3  }
0x39: {  	vm2 =	vlt.u32 v45, $0x3100;
	v8 =	vadd.s32 v8, v44  }
0x3a: {  	v11 =	vsel vm2, $0x1, v0;
	[tilespmem:$0x3108] =	vst v8  }
0x3b: {  	v10 =	vld [tilespmem:$0x3100];
	[tilespmem:$0x3108] =	vst v11  }
0x3c: {  	v12 =	vld [tilespmem:$0x3107];
	_ =	sdelay $0x4  }
0x3d: {  	v11 =	vadd.s32 v11, v12  }
0x3e: {  	[tilespmem:$0x3108] =	vst v11  }
0x3f: {  	v46 =	vld [tilespmem:$0x3106];
	_ =	sdelay $0x4  }
0x40: {  	v11 =	vadd.s32 v11, v46  }
0x41: {  	[tilespmem:$0x3108] =	vst v11  }
0x42: {  	v47 =	vld [tilespmem:$0x3104];
	_ =	sdelay $0x3  }
0x43: {  	v48 =	vadd.s32 $0xFFFF6D00, v3  }
0x44: {  	vm3 =	vlt.u32 v48, $0x3100;
	v11 =	vadd.s32 v11, v47  }
0x45: {  	v14 =	vsel vm3, $0x1, v0;
	[tilespmem:$0x3108] =	vst v11  }
0x46: {  	v13 =	vld [tilespmem:$0x3100];
	[tilespmem:$0x3108] =	vst v14  }
0x47: {  	v15 =	vld [tilespmem:$0x3107];
	_ =	sdelay $0x4  }
0x48: {  	v14 =	vadd.s32 v14, v15  }
0x49: {  	[tilespmem:$0x3108] =	vst v14  }
0x4a: {  	v49 =	vld [tilespmem:$0x3106];
	_ =	sdelay $0x4  }
0x4b: {  	v14 =	vadd.s32 v14, v49  }
0x4c: {  	[tilespmem:$0x3108] =	vst v14  }
0x4d: {  	v50 =	vld [tilespmem:$0x3104];
	_ =	sdelay $0x2  }
0x4e: {  	s14 =	sadd.s32 s6, s13  }
0x4f: {  	s16 =	sadd.s32 s9, s12;
	s15 =	sadd.s32 s10, s1;
	v16 =	vmov s14  }
0x50: {  	v51 =	vmov s16;
	v17 =	vmov s15;
	s16 =	sadd.s32 s11, s31;
	v14 =	vadd.s32 v14, v50  }
0x51: {  	v16 =	vadd.s32 $0xFFFFFFFF, v16;
	v17 =	vadd.s32 $0xFFFFFFFF, v17;
	v18 =	vmov s16;
	[tilespmem:$0x3108] =	vst v14  }
0x52: {  	v16 =	vbroadcast v16, $0x0;
	v53 =	vbroadcast v17, $0x0;
	v54 =	vadd.s32 $0xFFFFFFFF, v18;
	v52 =	vld [tilespmem:$0x3100]  }
0x53: {  	v55 =	vbroadcast v54, $0x0;
	v3 =	vmin.u32 v3, $0x3100;
	v15 =	vadd.s32 $0xFFFFFFFF, v51  }
0x54: {  	v3 =	vsel vm0, v42, v3;
	v5 =	vadd.s32 v5, v7;
	v15 =	vbroadcast v15, $0x0  }
0x55: {  	v3 =	vsel vm2, v45, v3;
	v7 =	vadd.s32 v16, v5;
	v8 =	vadd.s32 v8, v10  }
0x56: {  	v7 =	vnsel vm1, $0x31C000, v7;
	v11 =	vadd.s32 v11, v13;
	v15 =	vadd.s32 v15, v8  }
0x57: {  	v10 =	vadd.s32 v53, v11;
	v7 =	vsel vm0, v15, v7;
	v14 =	vadd.s32 v14, v52  }
0x58: {  	[tilespmem:$0x3200] =	vst v4;
	v3 =	vsel vm3, v48, v3;
	v7 =	vsel vm2, v10, v7;
	v56 =	vadd.s32 v55, v14  }
0x59: {  	[tilespmem:$0x3280] =	vst v3;
	v57 =	vsel vm3, v56, v7  }
0x5a: {  	[tilespmem:$0x3180] =	vst v57  }
0x5b: {  	v3 =	vld [tilespmem:s0+$0x1890];
	_ =	sdelay $0x4  }
0x5c: {  	vm8 =	vlt.u32 v3, $0x3100  }
0x5d: {  	v58 =	vsel vm8, $0x1, v0  }
0x5e: {  	v4 =	vld [tilespmem:s0+$0x10];
	[tilespmem:$0x3108] =	vst v58  }
0x5f: {  	v59 =	vld [tilespmem:$0x3107];
	_ =	sdelay $0x4  }
0x60: {  	v6 =	vadd.s32 v58, v59  }
0x61: {  	[tilespmem:$0x3108] =	vst v6  }
0x62: {  	v60 =	vld [tilespmem:$0x3106];
	_ =	sdelay $0x4  }
0x63: {  	v6 =	vadd.s32 v6, v60  }
0x64: {  	[tilespmem:$0x3108] =	vst v6  }
0x65: {  	v61 =	vld [tilespmem:$0x3104];
	_ =	sdelay $0x3  }
0x66: {  	v62 =	vadd.s32 $0xFFFFCF00, v3  }
0x67: {  	vm9 =	vlt.u32 v62, $0x3100;
	v6 =	vadd.s32 v6, v61  }
0x68: {  	v18 =	vsel vm9, $0x1, v0;
	[tilespmem:$0x3108] =	vst v6  }
0x69: {  	v63 =	vld [tilespmem:$0x3100];
	[tilespmem:$0x3108] =	vst v18  }
0x6a: {  	v19 =	vld [tilespmem:$0x3107];
	_ =	sdelay $0x4  }
0x6b: {  	v10 =	vadd.s32 v18, v19  }
0x6c: {  	[tilespmem:$0x3108] =	vst v10  }
0x6d: {  	v20 =	vld [tilespmem:$0x3106];
	_ =	sdelay $0x4  }
0x6e: {  	v10 =	vadd.s32 v10, v20  }
0x6f: {  	[tilespmem:$0x3108] =	vst v10  }
0x70: {  	v21 =	vld [tilespmem:$0x3104];
	_ =	sdelay $0x3  }
0x71: {  	v22 =	vadd.s32 $0xFFFF9E00, v3  }
0x72: {  	vm10 =	vlt.u32 v22, $0x3100;
	v10 =	vadd.s32 v10, v21  }
0x73: {  	v24 =	vsel vm10, $0x1, v0;
	[tilespmem:$0x3108] =	vst v10  }
0x74: {  	v23 =	vld [tilespmem:$0x3100];
	[tilespmem:$0x3108] =	vst v24  }
0x75: {  	v25 =	vld [tilespmem:$0x3107];
	_ =	sdelay $0x4  }
0x76: {  	v15 =	vadd.s32 v24, v25  }
0x77: {  	[tilespmem:$0x3108] =	vst v15  }
0x78: {  	v26 =	vld [tilespmem:$0x3106];
	_ =	sdelay $0x4  }
0x79: {  	v15 =	vadd.s32 v15, v26  }
0x7a: {  	[tilespmem:$0x3108] =	vst v15  }
0x7b: {  	v27 =	vld [tilespmem:$0x3104];
	_ =	sdelay $0x3  }
0x7c: {  	v28 =	vadd.s32 $0xFFFF6D00, v3  }
0x7d: {  	vm11 =	vlt.u32 v28, $0x3100;
	v15 =	vadd.s32 v15, v27  }
0x7e: {  	v30 =	vsel vm11, $0x1, v0;
	[tilespmem:$0x3108] =	vst v15  }
0x7f: {  	v29 =	vld [tilespmem:$0x3100];
	[tilespmem:$0x3108] =	vst v30  }
0x80: {  	(v2sf) =	vpush v5, $0xF;
	v31 =	vld [tilespmem:$0x3107]  }
0x81: {  	(v2sf) =	vpush v8, $0xF  }
0x82: {  	(v2sf) =	vpush v11, $0xF;
	_ =	sdelay $0x1  }
0x83: {  	(v2sf) =	vpush v14, $0xF  }
0x84: {  	v5 =	vadd.s32 v30, v31  }
0x85: {  	[tilespmem:$0x3108] =	vst v5  }
0x86: {  	v32 =	vld [tilespmem:$0x3106];
	_ =	sdelay $0x4  }
0x87: {  	v5 =	vadd.s32 v5, v32  }
0x88: {  	[tilespmem:$0x3108] =	vst v5  }
0x89: {  	v33 =	vld [tilespmem:$0x3104]  }
0x8a: {  	s15 =	spop (v2sf)  }
0x8b: {  	s13 =	sadd.s32 s13, s15;
	s16 =	spop (v2sf)  }
0x8c: {  	s14 =	sadd.s32 s6, s13;
	s12 =	sadd.s32 s12, s16;
	s15 =	spop (v2sf)  }
0x8d: {  	v34 =	vmov s14;
	s1 =	sadd.s32 s1, s15;
	s15 =	sadd.s32 s9, s12  }
0x8e: {  	v11 =	vadd.s32 $0xFFFFFFFF, v34;
	v36 =	vmov s15;
	s16 =	spop (v2sf);
	v5 =	vadd.s32 v5, v33  }
0x8f: {  	v11 =	vbroadcast v11, $0x0;
	v9 =	vadd.s32 $0xFFFFFFFF, v36;
	v3 =	vmin.u32 v3, $0x3100;
	s31 =	sadd.s32 s31, s16;
	s16 =	sadd.s32 s10, s1;
	[tilespmem:$0x3108] =	vst v5  }
0x90: {  	v9 =	vbroadcast v9, $0x0;
	v3 =	vsel vm9, v62, v3;
	v38 =	vmov s16;
	s15 =	sadd.s32 s11, s31;
	v37 =	vld [tilespmem:$0x3100]  }
0x91: {  	v3 =	vsel vm10, v22, v3;
	v14 =	vadd.s32 $0xFFFFFFFF, v38;
	v39 =	vmov s15  }
0x92: {  	v40 =	vbroadcast v14, $0x0;
	v41 =	vadd.s32 $0xFFFFFFFF, v39;
	v6 =	vadd.s32 v6, v63  }
0x93: {  	v14 =	vbroadcast v41, $0x0;
	v35 =	vadd.s32 v11, v6;
	v10 =	vadd.s32 v10, v23  }
0x94: {  	v8 =	vnsel vm8, $0x31C000, v35;
	v9 =	vadd.s32 v9, v10;
	v15 =	vadd.s32 v15, v29  }
0x95: {  	v8 =	vsel vm9, v9, v8;
	v42 =	vadd.s32 v40, v15;
	v5 =	vadd.s32 v5, v37  }
0x96: {  	[tilespmem:$0x3210] =	vst v4;
	v3 =	vsel vm11, v28, v3;
	v8 =	vsel vm10, v42, v8;
	v43 =	vadd.s32 v14, v5  }
0x97: {  	[tilespmem:$0x3290] =	vst v3;
	v44 =	vsel vm11, v43, v8  }
0x98: {  	[tilespmem:$0x3190] =	vst v44  }
0x99: {  	v3 =	vld [tilespmem:s0+$0x18A0];
	_ =	sdelay $0x4  }
0x9a: {  	vm12 =	vlt.u32 v3, $0x3100  }
0x9b: {  	v45 =	vsel vm12, $0x1, v0  }
0x9c: {  	v4 =	vld [tilespmem:s0+$0x20];
	[tilespmem:$0x3108] =	vst v45  }
0x9d: {  	v46 =	vld [tilespmem:$0x3107];
	_ =	sdelay $0x4  }
0x9e: {  	v7 =	vadd.s32 v45, v46  }
0x9f: {  	[tilespmem:$0x3108] =	vst v7  }
0xa0: {  	v47 =	vld [tilespmem:$0x3106];
	_ =	sdelay $0x4  }
0xa1: {  	v7 =	vadd.s32 v7, v47  }
0xa2: {  	[tilespmem:$0x3108] =	vst v7  }
0xa3: {  	v48 =	vld [tilespmem:$0x3104];
	_ =	sdelay $0x3  }
0xa4: {  	v49 =	vadd.s32 $0xFFFFCF00, v3  }
0xa5: {  	vm13 =	vlt.u32 v49, $0x3100;
	v7 =	vadd.s32 v7, v48  }
0xa6: {  	v51 =	vsel vm13, $0x1, v0;
	[tilespmem:$0x3108] =	vst v7  }
0xa7: {  	v50 =	vld [tilespmem:$0x3100];
	[tilespmem:$0x3108] =	vst v51  }
0xa8: {  	v52 =	vld [tilespmem:$0x3107];
	_ =	sdelay $0x4  }
0xa9: {  	v11 =	vadd.s32 v51, v52  }
0xaa: {  	[tilespmem:$0x3108] =	vst v11  }
0xab: {  	v53 =	vld [tilespmem:$0x3106];
	_ =	sdelay $0x4  }
0xac: {  	v11 =	vadd.s32 v11, v53  }
0xad: {  	[tilespmem:$0x3108] =	vst v11  }
0xae: {  	v54 =	vld [tilespmem:$0x3104];
	_ =	sdelay $0x3  }
0xaf: {  	v55 =	vadd.s32 $0xFFFF9E00, v3  }
0xb0: {  	vm14 =	vlt.u32 v55, $0x3100;
	v11 =	vadd.s32 v11, v54  }
0xb1: {  	v57 =	vsel vm14, $0x1, v0;
	[tilespmem:$0x3108] =	vst v11  }
0xb2: {  	v56 =	vld [tilespmem:$0x3100];
	[tilespmem:$0x3108] =	vst v57  }
0xb3: {  	v58 =	vld [tilespmem:$0x3107];
	_ =	sdelay $0x4  }
0xb4: {  	v14 =	vadd.s32 v57, v58  }
0xb5: {  	[tilespmem:$0x3108] =	vst v14  }
0xb6: {  	v59 =	vld [tilespmem:$0x3106];
	_ =	sdelay $0x4  }
0xb7: {  	v14 =	vadd.s32 v14, v59  }
0xb8: {  	[tilespmem:$0x3108] =	vst v14  }
0xb9: {  	v60 =	vld [tilespmem:$0x3104];
	_ =	sdelay $0x3  }
0xba: {  	v61 =	vadd.s32 $0xFFFF6D00, v3  }
0xbb: {  	vm15 =	vlt.u32 v61, $0x3100;
	v14 =	vadd.s32 v14, v60  }
0xbc: {  	v63 =	vsel vm15, $0x1, v0;
	[tilespmem:$0x3108] =	vst v14  }
0xbd: {  	v62 =	vld [tilespmem:$0x3100];
	[tilespmem:$0x3108] =	vst v63  }
0xbe: {  	(v2sf) =	vpush v6, $0xF;
	v21 =	vld [tilespmem:$0x3107]  }
0xbf: {  	(v2sf) =	vpush v10, $0xF  }
0xc0: {  	(v2sf) =	vpush v15, $0xF;
	_ =	sdelay $0x1  }
0xc1: {  	(v2sf) =	vpush v5, $0xF  }
0xc2: {  	v22 =	vadd.s32 v63, v21  }
0xc3: {  	[tilespmem:$0x3108] =	vst v22  }
0xc4: {  	v23 =	vld [tilespmem:$0x3106];
	_ =	sdelay $0x4  }
0xc5: {  	v5 =	vadd.s32 v22, v23  }
0xc6: {  	[tilespmem:$0x3108] =	vst v5  }
0xc7: {  	v24 =	vld [tilespmem:$0x3104]  }
0xc8: {  	s16 =	spop (v2sf)  }
0xc9: {  	s13 =	sadd.s32 s13, s16;
	s15 =	spop (v2sf)  }
0xca: {  	s14 =	sadd.s32 s6, s13;
	s12 =	sadd.s32 s12, s15;
	s16 =	spop (v2sf)  }
0xcb: {  	v25 =	vmov s14;
	s1 =	sadd.s32 s1, s16;
	s16 =	sadd.s32 s9, s12  }
0xcc: {  	v10 =	vadd.s32 $0xFFFFFFFF, v25;
	v27 =	vmov s16;
	s16 =	sadd.s32 s10, s1;
	s15 =	spop (v2sf);
	v5 =	vadd.s32 v5, v24  }
0xcd: {  	v10 =	vbroadcast v10, $0x0;
	v9 =	vadd.s32 $0xFFFFFFFF, v27;
	v29 =	vmov s16;
	s31 =	sadd.s32 s31, s15;
	[tilespmem:$0x3108] =	vst v5  }
0xce: {  	v9 =	vbroadcast v9, $0x0;
	v15 =	vadd.s32 $0xFFFFFFFF, v29;
	v3 =	vmin.u32 v3, $0x3100;
	s15 =	sadd.s32 s11, s31;
	v28 =	vld [tilespmem:$0x3100]  }
0xcf: {  	v31 =	vbroadcast v15, $0x0;
	v3 =	vsel vm13, v49, v3;
	v30 =	vmov s15  }
0xd0: {  	v3 =	vsel vm14, v55, v3;
	v32 =	vadd.s32 $0xFFFFFFFF, v30;
	v26 =	vadd.s32 v7, v50  }
0xd1: {  	v15 =	vbroadcast v32, $0x0;
	v7 =	vadd.s32 v10, v26;
	v11 =	vadd.s32 v11, v56  }
0xd2: {  	v7 =	vnsel vm12, $0x31C000, v7;
	v9 =	vadd.s32 v9, v11;
	v14 =	vadd.s32 v14, v62  }
0xd3: {  	v7 =	vsel vm13, v9, v7;
	v33 =	vadd.s32 v31, v14;
	v5 =	vadd.s32 v5, v28  }
0xd4: {  	[tilespmem:$0x3220] =	vst v4;
	v3 =	vsel vm15, v61, v3;
	v7 =	vsel vm14, v33, v7;
	v34 =	vadd.s32 v15, v5  }
0xd5: {  	[tilespmem:$0x32A0] =	vst v3;
	v7 =	vsel vm15, v34, v7  }
0xd6: {  	[tilespmem:$0x31A0] =	vst v7  }
0xd7: {  	v3 =	vld [tilespmem:s0+$0x18B0];
	_ =	sdelay $0x4  }
0xd8: {  	vm6 =	vlt.u32 v3, $0x3100  }
0xd9: {  	v35 =	vsel vm6, $0x1, v0  }
0xda: {  	v4 =	vld [tilespmem:s0+$0x30];
	[tilespmem:$0x3108] =	vst v35  }
0xdb: {  	v36 =	vld [tilespmem:$0x3107];
	_ =	sdelay $0x4  }
0xdc: {  	v7 =	vadd.s32 v35, v36  }
0xdd: {  	[tilespmem:$0x3108] =	vst v7  }
0xde: {  	v37 =	vld [tilespmem:$0x3106];
	_ =	sdelay $0x4  }
0xdf: {  	v7 =	vadd.s32 v7, v37  }
0xe0: {  	[tilespmem:$0x3108] =	vst v7  }
0xe1: {  	v38 =	vld [tilespmem:$0x3104];
	_ =	sdelay $0x3  }
0xe2: {  	v39 =	vadd.s32 $0xFFFFCF00, v3  }
0xe3: {  	vm7 =	vlt.u32 v39, $0x3100;
	v7 =	vadd.s32 v7, v38  }
0xe4: {  	v41 =	vsel vm7, $0x1, v0;
	[tilespmem:$0x3108] =	vst v7  }
0xe5: {  	v40 =	vld [tilespmem:$0x3100];
	[tilespmem:$0x3108] =	vst v41  }
0xe6: {  	v42 =	vld [tilespmem:$0x3107];
	_ =	sdelay $0x4  }
0xe7: {  	v10 =	vadd.s32 v41, v42  }
0xe8: {  	[tilespmem:$0x3108] =	vst v10  }
0xe9: {  	v43 =	vld [tilespmem:$0x3106];
	_ =	sdelay $0x4  }
0xea: {  	v10 =	vadd.s32 v10, v43  }
0xeb: {  	[tilespmem:$0x3108] =	vst v10  }
0xec: {  	v44 =	vld [tilespmem:$0x3104];
	_ =	sdelay $0x3  }
0xed: {  	v45 =	vadd.s32 $0xFFFF9E00, v3  }
0xee: {  	vm8 =	vlt.u32 v45, $0x3100;
	v10 =	vadd.s32 v10, v44  }
0xef: {  	v47 =	vsel vm8, $0x1, v0;
	[tilespmem:$0x3108] =	vst v10  }
0xf0: {  	v46 =	vld [tilespmem:$0x3100];
	[tilespmem:$0x3108] =	vst v47  }
0xf1: {  	v48 =	vld [tilespmem:$0x3107];
	_ =	sdelay $0x4  }
0xf2: {  	v15 =	vadd.s32 v47, v48  }
0xf3: {  	[tilespmem:$0x3108] =	vst v15  }
0xf4: {  	v49 =	vld [tilespmem:$0x3106];
	_ =	sdelay $0x4  }
0xf5: {  	v15 =	vadd.s32 v15, v49  }
0xf6: {  	[tilespmem:$0x3108] =	vst v15  }
0xf7: {  	v50 =	vld [tilespmem:$0x3104];
	_ =	sdelay $0x3  }
0xf8: {  	v51 =	vadd.s32 $0xFFFF6D00, v3  }
0xf9: {  	vm9 =	vlt.u32 v51, $0x3100;
	v15 =	vadd.s32 v15, v50  }
0xfa: {  	v53 =	vsel vm9, $0x1, v0;
	[tilespmem:$0x3108] =	vst v15  }
0xfb: {  	v52 =	vld [tilespmem:$0x3100];
	[tilespmem:$0x3108] =	vst v53  }
0xfc: {  	(v2sf) =	vpush v26, $0xF;
	v54 =	vld [tilespmem:$0x3107]  }
0xfd: {  	(v2sf) =	vpush v11, $0xF  }
0xfe: {  	(v2sf) =	vpush v14, $0xF;
	_ =	sdelay $0x1  }
0xff: {  	(v2sf) =	vpush v5, $0xF  }
0x100: {  	v55 =	vadd.s32 v53, v54  }
0x101: {  	[tilespmem:$0x3108] =	vst v55  }
0x102: {  	v56 =	vld [tilespmem:$0x3106];
	_ =	sdelay $0x4  }
0x103: {  	v5 =	vadd.s32 v55, v56  }
0x104: {  	[tilespmem:$0x3108] =	vst v5  }
0x105: {  	v57 =	vld [tilespmem:$0x3104]  }
0x106: {  	s16 =	spop (v2sf)  }
0x107: {  	s13 =	sadd.s32 s13, s16;
	s15 =	spop (v2sf)  }
0x108: {  	s14 =	sadd.s32 s6, s13;
	s12 =	sadd.s32 s12, s15;
	s16 =	spop (v2sf)  }
0x109: {  	v58 =	vmov s14;
	s1 =	sadd.s32 s1, s16;
	s16 =	sadd.s32 s9, s12  }
0x10a: {  	v11 =	vadd.s32 $0xFFFFFFFF, v58;
	v60 =	vmov s16;
	s16 =	sadd.s32 s10, s1;
	s15 =	spop (v2sf);
	v5 =	vadd.s32 v5, v57  }
0x10b: {  	v11 =	vbroadcast v11, $0x0;
	v9 =	vadd.s32 $0xFFFFFFFF, v60;
	v62 =	vmov s16;
	s31 =	sadd.s32 s31, s15;
	[tilespmem:$0x3108] =	vst v5  }
0x10c: {  	v9 =	vbroadcast v9, $0x0;
	v14 =	vadd.s32 $0xFFFFFFFF, v62;
	v3 =	vmin.u32 v3, $0x3100;
	s15 =	sadd.s32 s11, s31;
	v61 =	vld [tilespmem:$0x3100]  }
0x10d: {  	v21 =	vbroadcast v14, $0x0;
	v3 =	vsel vm7, v39, v3;
	v63 =	vmov s15  }
0x10e: {  	v3 =	vsel vm8, v45, v3;
	v22 =	vadd.s32 $0xFFFFFFFF, v63;
	v59 =	vadd.s32 v7, v40  }
0x10f: {  	v14 =	vbroadcast v22, $0x0;
	v7 =	vadd.s32 v11, v59;
	v10 =	vadd.s32 v10, v46  }
0x110: {  	v7 =	vnsel vm6, $0x31C000, v7;
	v9 =	vadd.s32 v9, v10;
	v15 =	vadd.s32 v15, v52  }
0x111: {  	v7 =	vsel vm7, v9, v7;
	v23 =	vadd.s32 v21, v15;
	v5 =	vadd.s32 v5, v61  }
0x112: {  	[tilespmem:$0x3230] =	vst v4;
	v3 =	vsel vm9, v51, v3;
	v7 =	vsel vm8, v23, v7;
	v24 =	vadd.s32 v14, v5  }
0x113: {  	[tilespmem:$0x32B0] =	vst v3;
	v7 =	vsel vm9, v24, v7  }
0x114: {  	[tilespmem:$0x31B0] =	vst v7  }
0x115: {  	v3 =	vld [tilespmem:s0+$0x18C0];
	_ =	sdelay $0x4  }
0x116: {  	vm10 =	vlt.u32 v3, $0x3100  }
0x117: {  	v25 =	vsel vm10, $0x1, v0  }
0x118: {  	v4 =	vld [tilespmem:s0+$0x40];
	[tilespmem:$0x3108] =	vst v25  }
0x119: {  	v26 =	vld [tilespmem:$0x3107];
	_ =	sdelay $0x4  }
0x11a: {  	v7 =	vadd.s32 v25, v26  }
0x11b: {  	[tilespmem:$0x3108] =	vst v7  }
0x11c: {  	v27 =	vld [tilespmem:$0x3106];
	_ =	sdelay $0x4  }
0x11d: {  	v7 =	vadd.s32 v7, v27  }
0x11e: {  	[tilespmem:$0x3108] =	vst v7  }
0x11f: {  	v28 =	vld [tilespmem:$0x3104];
	_ =	sdelay $0x3  }
0x120: {  	v29 =	vadd.s32 $0xFFFFCF00, v3  }
0x121: {  	vm11 =	vlt.u32 v29, $0x3100;
	v7 =	vadd.s32 v7, v28  }
0x122: {  	v31 =	vsel vm11, $0x1, v0;
	[tilespmem:$0x3108] =	vst v7  }
0x123: {  	v30 =	vld [tilespmem:$0x3100];
	[tilespmem:$0x3108] =	vst v31  }
0x124: {  	v32 =	vld [tilespmem:$0x3107];
	_ =	sdelay $0x4  }
0x125: {  	v11 =	vadd.s32 v31, v32  }
0x126: {  	[tilespmem:$0x3108] =	vst v11  }
0x127: {  	v33 =	vld [tilespmem:$0x3106];
	_ =	sdelay $0x4  }
0x128: {  	v11 =	vadd.s32 v11, v33  }
0x129: {  	[tilespmem:$0x3108] =	vst v11  }
0x12a: {  	v34 =	vld [tilespmem:$0x3104];
	_ =	sdelay $0x3  }
0x12b: {  	v35 =	vadd.s32 $0xFFFF9E00, v3  }
0x12c: {  	vm12 =	vlt.u32 v35, $0x3100;
	v11 =	vadd.s32 v11, v34  }
0x12d: {  	v37 =	vsel vm12, $0x1, v0;
	[tilespmem:$0x3108] =	vst v11  }
0x12e: {  	v36 =	vld [tilespmem:$0x3100];
	[tilespmem:$0x3108] =	vst v37  }
0x12f: {  	v38 =	vld [tilespmem:$0x3107];
	_ =	sdelay $0x4  }
0x130: {  	v14 =	vadd.s32 v37, v38  }
0x131: {  	[tilespmem:$0x3108] =	vst v14  }
0x132: {  	v39 =	vld [tilespmem:$0x3106];
	_ =	sdelay $0x4  }
0x133: {  	v14 =	vadd.s32 v14, v39  }
0x134: {  	[tilespmem:$0x3108] =	vst v14  }
0x135: {  	v40 =	vld [tilespmem:$0x3104];
	_ =	sdelay $0x3  }
0x136: {  	v41 =	vadd.s32 $0xFFFF6D00, v3  }
0x137: {  	vm13 =	vlt.u32 v41, $0x3100;
	v14 =	vadd.s32 v14, v40  }
0x138: {  	v43 =	vsel vm13, $0x1, v0;
	[tilespmem:$0x3108] =	vst v14  }
0x139: {  	v42 =	vld [tilespmem:$0x3100];
	[tilespmem:$0x3108] =	vst v43  }
0x13a: {  	(v2sf) =	vpush v59, $0xF;
	v44 =	vld [tilespmem:$0x3107]  }
0x13b: {  	(v2sf) =	vpush v10, $0xF  }
0x13c: {  	(v2sf) =	vpush v15, $0xF;
	_ =	sdelay $0x1  }
0x13d: {  	(v2sf) =	vpush v5, $0xF  }
0x13e: {  	v45 =	vadd.s32 v43, v44  }
0x13f: {  	[tilespmem:$0x3108] =	vst v45  }
0x140: {  	v46 =	vld [tilespmem:$0x3106];
	_ =	sdelay $0x4  }
0x141: {  	v5 =	vadd.s32 v45, v46  }
0x142: {  	[tilespmem:$0x3108] =	vst v5  }
0x143: {  	v47 =	vld [tilespmem:$0x3104]  }
0x144: {  	s16 =	spop (v2sf)  }
0x145: {  	s13 =	sadd.s32 s13, s16;
	s15 =	spop (v2sf)  }
0x146: {  	s14 =	sadd.s32 s6, s13;
	s12 =	sadd.s32 s12, s15;
	s16 =	spop (v2sf)  }
0x147: {  	v48 =	vmov s14;
	s1 =	sadd.s32 s1, s16;
	s16 =	sadd.s32 s9, s12  }
0x148: {  	v10 =	vadd.s32 $0xFFFFFFFF, v48;
	v50 =	vmov s16;
	s16 =	sadd.s32 s10, s1;
	s15 =	spop (v2sf);
	v5 =	vadd.s32 v5, v47  }
0x149: {  	v10 =	vbroadcast v10, $0x0;
	v9 =	vadd.s32 $0xFFFFFFFF, v50;
	v52 =	vmov s16;
	s31 =	sadd.s32 s31, s15;
	[tilespmem:$0x3108] =	vst v5  }
0x14a: {  	v9 =	vbroadcast v9, $0x0;
	v15 =	vadd.s32 $0xFFFFFFFF, v52;
	v3 =	vmin.u32 v3, $0x3100;
	s15 =	sadd.s32 s11, s31;
	v51 =	vld [tilespmem:$0x3100]  }
0x14b: {  	v54 =	vbroadcast v15, $0x0;
	v3 =	vsel vm11, v29, v3;
	v53 =	vmov s15  }
0x14c: {  	v3 =	vsel vm12, v35, v3;
	v55 =	vadd.s32 $0xFFFFFFFF, v53;
	v49 =	vadd.s32 v7, v30  }
0x14d: {  	v15 =	vbroadcast v55, $0x0;
	v7 =	vadd.s32 v10, v49;
	v11 =	vadd.s32 v11, v36  }
0x14e: {  	v7 =	vnsel vm10, $0x31C000, v7;
	v9 =	vadd.s32 v9, v11;
	v14 =	vadd.s32 v14, v42  }
0x14f: {  	v7 =	vsel vm11, v9, v7;
	v56 =	vadd.s32 v54, v14;
	v5 =	vadd.s32 v5, v51  }
0x150: {  	[tilespmem:$0x3240] =	vst v4;
	v3 =	vsel vm13, v41, v3;
	v7 =	vsel vm12, v56, v7;
	v57 =	vadd.s32 v15, v5  }
0x151: {  	[tilespmem:$0x32C0] =	vst v3;
	v7 =	vsel vm13, v57, v7  }
0x152: {  	[tilespmem:$0x31C0] =	vst v7  }
0x153: {  	v3 =	vld [tilespmem:s0+$0x18D0];
	_ =	sdelay $0x4  }
0x154: {  	vm14 =	vlt.u32 v3, $0x3100  }
0x155: {  	v58 =	vsel vm14, $0x1, v0  }
0x156: {  	v4 =	vld [tilespmem:s0+$0x50];
	[tilespmem:$0x3108] =	vst v58  }
0x157: {  	v59 =	vld [tilespmem:$0x3107];
	_ =	sdelay $0x4  }
0x158: {  	v7 =	vadd.s32 v58, v59  }
0x159: {  	[tilespmem:$0x3108] =	vst v7  }
0x15a: {  	v60 =	vld [tilespmem:$0x3106];
	_ =	sdelay $0x4  }
0x15b: {  	v7 =	vadd.s32 v7, v60  }
0x15c: {  	[tilespmem:$0x3108] =	vst v7  }
0x15d: {  	v61 =	vld [tilespmem:$0x3104];
	_ =	sdelay $0x3  }
0x15e: {  	v62 =	vadd.s32 $0xFFFFCF00, v3  }
0x15f: {  	vm15 =	vlt.u32 v62, $0x3100;
	v7 =	vadd.s32 v7, v61  }
0x160: {  	v17 =	vsel vm15, $0x1, v0;
	[tilespmem:$0x3108] =	vst v7  }
0x161: {  	v63 =	vld [tilespmem:$0x3100];
	[tilespmem:$0x3108] =	vst v17  }
0x162: {  	v18 =	vld [tilespmem:$0x3107];
	_ =	sdelay $0x4  }
0x163: {  	v10 =	vadd.s32 v17, v18  }
0x164: {  	[tilespmem:$0x3108] =	vst v10  }
0x165: {  	v19 =	vld [tilespmem:$0x3106];
	_ =	sdelay $0x4  }
0x166: {  	v10 =	vadd.s32 v10, v19  }
0x167: {  	[tilespmem:$0x3108] =	vst v10  }
0x168: {  	v20 =	vld [tilespmem:$0x3104];
	_ =	sdelay $0x3  }
0x169: {  	v21 =	vadd.s32 $0xFFFF9E00, v3  }
0x16a: {  	vm6 =	vlt.u32 v21, $0x3100;
	v10 =	vadd.s32 v10, v20  }
0x16b: {  	v23 =	vsel vm6, $0x1, v0;
	[tilespmem:$0x3108] =	vst v10  }
0x16c: {  	v22 =	vld [tilespmem:$0x3100];
	[tilespmem:$0x3108] =	vst v23  }
0x16d: {  	v24 =	vld [tilespmem:$0x3107];
	_ =	sdelay $0x4  }
0x16e: {  	v15 =	vadd.s32 v23, v24  }
0x16f: {  	[tilespmem:$0x3108] =	vst v15  }
0x170: {  	v25 =	vld [tilespmem:$0x3106];
	_ =	sdelay $0x4  }
0x171: {  	v15 =	vadd.s32 v15, v25  }
0x172: {  	[tilespmem:$0x3108] =	vst v15  }
0x173: {  	v26 =	vld [tilespmem:$0x3104];
	_ =	sdelay $0x3  }
0x174: {  	v27 =	vadd.s32 $0xFFFF6D00, v3  }
0x175: {  	vm7 =	vlt.u32 v27, $0x3100;
	v15 =	vadd.s32 v15, v26  }
0x176: {  	v29 =	vsel vm7, $0x1, v0;
	[tilespmem:$0x3108] =	vst v15  }
0x177: {  	v28 =	vld [tilespmem:$0x3100];
	[tilespmem:$0x3108] =	vst v29  }
0x178: {  	(v2sf) =	vpush v49, $0xF;
	v30 =	vld [tilespmem:$0x3107]  }
0x179: {  	(v2sf) =	vpush v11, $0xF  }
0x17a: {  	(v2sf) =	vpush v14, $0xF;
	_ =	sdelay $0x1  }
0x17b: {  	(v2sf) =	vpush v5, $0xF  }
0x17c: {  	v31 =	vadd.s32 v29, v30  }
0x17d: {  	[tilespmem:$0x3108] =	vst v31  }
0x17e: {  	v32 =	vld [tilespmem:$0x3106];
	_ =	sdelay $0x4  }
0x17f: {  	v5 =	vadd.s32 v31, v32  }
0x180: {  	[tilespmem:$0x3108] =	vst v5  }
0x181: {  	v33 =	vld [tilespmem:$0x3104]  }
0x182: {  	s16 =	spop (v2sf)  }
0x183: {  	s13 =	sadd.s32 s13, s16;
	s15 =	spop (v2sf)  }
0x184: {  	s14 =	sadd.s32 s6, s13;
	s12 =	sadd.s32 s12, s15;
	s16 =	spop (v2sf)  }
0x185: {  	v34 =	vmov s14;
	s14 =	sadd.s32 s1, s16;
	s16 =	sadd.s32 s9, s12  }
0x186: {  	v11 =	vadd.s32 $0xFFFFFFFF, v34;
	v36 =	vmov s16;
	s16 =	sadd.s32 s10, s14;
	s15 =	spop (v2sf);
	v5 =	vadd.s32 v5, v33  }
0x187: {  	v11 =	vbroadcast v11, $0x0;
	v9 =	vadd.s32 $0xFFFFFFFF, v36;
	v38 =	vmov s16;
	s31 =	sadd.s32 s31, s15;
	[tilespmem:$0x3108] =	vst v5  }
0x188: {  	v9 =	vbroadcast v9, $0x0;
	v14 =	vadd.s32 $0xFFFFFFFF, v38;
	v3 =	vmin.u32 v3, $0x3100;
	s15 =	sadd.s32 s11, s31;
	v37 =	vld [tilespmem:$0x3100]  }
0x189: {  	v40 =	vbroadcast v14, $0x0;
	v3 =	vsel vm15, v62, v3;
	v39 =	vmov s15  }
0x18a: {  	v3 =	vsel vm6, v21, v3;
	v41 =	vadd.s32 $0xFFFFFFFF, v39;
	v35 =	vadd.s32 v7, v63  }
0x18b: {  	v14 =	vbroadcast v41, $0x0;
	v7 =	vadd.s32 v11, v35;
	v10 =	vadd.s32 v10, v22  }
0x18c: {  	v7 =	vnsel vm14, $0x31C000, v7;
	v9 =	vadd.s32 v9, v10;
	v15 =	vadd.s32 v15, v28  }
0x18d: {  	v7 =	vsel vm15, v9, v7;
	v42 =	vadd.s32 v40, v15;
	v5 =	vadd.s32 v5, v37  }
0x18e: {  	[tilespmem:$0x3250] =	vst v4;
	v3 =	vsel vm7, v27, v3;
	v7 =	vsel vm6, v42, v7;
	v43 =	vadd.s32 v14, v5  }
0x18f: {  	[tilespmem:$0x32D0] =	vst v3;
	v7 =	vsel vm7, v43, v7  }
0x190: {  	[tilespmem:$0x31D0] =	vst v7  }
0x191: {  	v3 =	vld [tilespmem:s0+$0x18E0];
	_ =	sdelay $0x4  }
0x192: {  	vm8 =	vlt.u32 v3, $0x3100  }
0x193: {  	v44 =	vsel vm8, $0x1, v0  }
0x194: {  	v4 =	vld [tilespmem:s0+$0x60];
	[tilespmem:$0x3108] =	vst v44  }
0x195: {  	v45 =	vld [tilespmem:$0x3107];
	_ =	sdelay $0x4  }
0x196: {  	v7 =	vadd.s32 v44, v45  }
0x197: {  	[tilespmem:$0x3108] =	vst v7  }
0x198: {  	v46 =	vld [tilespmem:$0x3106];
	_ =	sdelay $0x4  }
0x199: {  	v7 =	vadd.s32 v7, v46  }
0x19a: {  	[tilespmem:$0x3108] =	vst v7  }
0x19b: {  	v47 =	vld [tilespmem:$0x3104];
	_ =	sdelay $0x3  }
0x19c: {  	v48 =	vadd.s32 $0xFFFFCF00, v3  }
0x19d: {  	vm9 =	vlt.u32 v48, $0x3100;
	v7 =	vadd.s32 v7, v47  }
0x19e: {  	v50 =	vsel vm9, $0x1, v0;
	[tilespmem:$0x3108] =	vst v7  }
0x19f: {  	v49 =	vld [tilespmem:$0x3100];
	[tilespmem:$0x3108] =	vst v50  }
0x1a0: {  	v51 =	vld [tilespmem:$0x3107];
	_ =	sdelay $0x4  }
0x1a1: {  	v11 =	vadd.s32 v50, v51  }
0x1a2: {  	[tilespmem:$0x3108] =	vst v11  }
0x1a3: {  	v52 =	vld [tilespmem:$0x3106];
	_ =	sdelay $0x4  }
0x1a4: {  	v11 =	vadd.s32 v11, v52  }
0x1a5: {  	[tilespmem:$0x3108] =	vst v11  }
0x1a6: {  	v53 =	vld [tilespmem:$0x3104];
	_ =	sdelay $0x3  }
0x1a7: {  	v54 =	vadd.s32 $0xFFFF9E00, v3  }
0x1a8: {  	vm10 =	vlt.u32 v54, $0x3100;
	v11 =	vadd.s32 v11, v53  }
0x1a9: {  	v56 =	vsel vm10, $0x1, v0;
	[tilespmem:$0x3108] =	vst v11  }
0x1aa: {  	v55 =	vld [tilespmem:$0x3100];
	[tilespmem:$0x3108] =	vst v56  }
0x1ab: {  	v57 =	vld [tilespmem:$0x3107];
	_ =	sdelay $0x4  }
0x1ac: {  	v14 =	vadd.s32 v56, v57  }
0x1ad: {  	[tilespmem:$0x3108] =	vst v14  }
0x1ae: {  	v58 =	vld [tilespmem:$0x3106];
	_ =	sdelay $0x4  }
0x1af: {  	v14 =	vadd.s32 v14, v58  }
0x1b0: {  	[tilespmem:$0x3108] =	vst v14  }
0x1b1: {  	v59 =	vld [tilespmem:$0x3104];
	_ =	sdelay $0x3  }
0x1b2: {  	v60 =	vadd.s32 $0xFFFF6D00, v3  }
0x1b3: {  	vm11 =	vlt.u32 v60, $0x3100;
	v14 =	vadd.s32 v14, v59  }
0x1b4: {  	v62 =	vsel vm11, $0x1, v0;
	[tilespmem:$0x3108] =	vst v14  }
0x1b5: {  	v61 =	vld [tilespmem:$0x3100];
	[tilespmem:$0x3108] =	vst v62  }
0x1b6: {  	(v2sf) =	vpush v35, $0xF;
	v63 =	vld [tilespmem:$0x3107]  }
0x1b7: {  	(v2sf) =	vpush v10, $0xF  }
0x1b8: {  	(v2sf) =	vpush v15, $0xF;
	_ =	sdelay $0x1  }
0x1b9: {  	(v2sf) =	vpush v5, $0xF  }
0x1ba: {  	v19 =	vadd.s32 v62, v63  }
0x1bb: {  	[tilespmem:$0x3108] =	vst v19  }
0x1bc: {  	v20 =	vld [tilespmem:$0x3106];
	_ =	sdelay $0x4  }
0x1bd: {  	v5 =	vadd.s32 v19, v20  }
0x1be: {  	[tilespmem:$0x3108] =	vst v5  }
0x1bf: {  	v21 =	vld [tilespmem:$0x3104]  }
0x1c0: {  	s16 =	spop (v2sf)  }
0x1c1: {  	s1 =	sadd.s32 s13, s16;
	s15 =	spop (v2sf)  }
0x1c2: {  	s13 =	sadd.s32 s6, s1;
	s12 =	sadd.s32 s12, s15;
	s16 =	spop (v2sf)  }
0x1c3: {  	v22 =	vmov s13;
	s13 =	sadd.s32 s14, s16;
	s16 =	sadd.s32 s9, s12  }
0x1c4: {  	v10 =	vadd.s32 $0xFFFFFFFF, v22;
	v24 =	vmov s16;
	s15 =	spop (v2sf);
	v5 =	vadd.s32 v5, v21  }
0x1c5: {  	v10 =	vbroadcast v10, $0x0;
	v9 =	vadd.s32 $0xFFFFFFFF, v24;
	v3 =	vmin.u32 v3, $0x3100;
	s31 =	sadd.s32 s31, s15;
	s15 =	sadd.s32 s10, s13;
	[tilespmem:$0x3108] =	vst v5  }
0x1c6: {  	v9 =	vbroadcast v9, $0x0;
	v3 =	vsel vm9, v48, v3;
	v26 =	vmov s15;
	s16 =	sadd.s32 s11, s31;
	v25 =	vld [tilespmem:$0x3100]  }
0x1c7: {  	v3 =	vsel vm10, v54, v3;
	v15 =	vadd.s32 $0xFFFFFFFF, v26;
	v27 =	vmov s16  }
0x1c8: {  	v28 =	vbroadcast v15, $0x0;
	v29 =	vadd.s32 $0xFFFFFFFF, v27;
	v23 =	vadd.s32 v7, v49  }
0x1c9: {  	v15 =	vbroadcast v29, $0x0;
	v7 =	vadd.s32 v10, v23;
	v11 =	vadd.s32 v11, v55  }
0x1ca: {  	v7 =	vnsel vm8, $0x31C000, v7;
	v9 =	vadd.s32 v9, v11;
	v14 =	vadd.s32 v14, v61  }
0x1cb: {  	v7 =	vsel vm9, v9, v7;
	v30 =	vadd.s32 v28, v14;
	v5 =	vadd.s32 v5, v25  }
0x1cc: {  	[tilespmem:$0x3260] =	vst v4;
	v3 =	vsel vm11, v60, v3;
	v7 =	vsel vm10, v30, v7;
	v31 =	vadd.s32 v15, v5  }
0x1cd: {  	[tilespmem:$0x32E0] =	vst v3;
	v7 =	vsel vm11, v31, v7  }
0x1ce: {  	[tilespmem:$0x31E0] =	vst v7  }
0x1cf: {  	v3 =	vld [tilespmem:s0+$0x18F0];
	_ =	sdelay $0x4  }
0x1d0: {  	vm12 =	vlt.u32 v3, $0x3100  }
0x1d1: {  	v32 =	vsel vm12, $0x1, v0  }
0x1d2: {  	v4 =	vld [tilespmem:s0+$0x70];
	[tilespmem:$0x3108] =	vst v32  }
0x1d3: {  	v33 =	vld [tilespmem:$0x3107];
	_ =	sdelay $0x4  }
0x1d4: {  	v7 =	vadd.s32 v32, v33  }
0x1d5: {  	[tilespmem:$0x3108] =	vst v7  }
0x1d6: {  	v34 =	vld [tilespmem:$0x3106];
	_ =	sdelay $0x4  }
0x1d7: {  	v7 =	vadd.s32 v7, v34  }
0x1d8: {  	[tilespmem:$0x3108] =	vst v7  }
0x1d9: {  	v35 =	vld [tilespmem:$0x3104];
	_ =	sdelay $0x3  }
0x1da: {  	v36 =	vadd.s32 $0xFFFFCF00, v3  }
0x1db: {  	vm13 =	vlt.u32 v36, $0x3100;
	v7 =	vadd.s32 v7, v35  }
0x1dc: {  	v38 =	vsel vm13, $0x1, v0;
	[tilespmem:$0x3108] =	vst v7  }
0x1dd: {  	v37 =	vld [tilespmem:$0x3100];
	[tilespmem:$0x3108] =	vst v38  }
0x1de: {  	v39 =	vld [tilespmem:$0x3107];
	_ =	sdelay $0x4  }
0x1df: {  	v10 =	vadd.s32 v38, v39  }
0x1e0: {  	[tilespmem:$0x3108] =	vst v10  }
0x1e1: {  	v40 =	vld [tilespmem:$0x3106];
	_ =	sdelay $0x4  }
0x1e2: {  	v10 =	vadd.s32 v10, v40  }
0x1e3: {  	[tilespmem:$0x3108] =	vst v10  }
0x1e4: {  	v41 =	vld [tilespmem:$0x3104];
	_ =	sdelay $0x3  }
0x1e5: {  	v42 =	vadd.s32 $0xFFFF9E00, v3  }
0x1e6: {  	vm14 =	vlt.u32 v42, $0x3100;
	v10 =	vadd.s32 v10, v41  }
0x1e7: {  	v44 =	vsel vm14, $0x1, v0;
	[tilespmem:$0x3108] =	vst v10  }
0x1e8: {  	v43 =	vld [tilespmem:$0x3100];
	[tilespmem:$0x3108] =	vst v44  }
0x1e9: {  	v45 =	vld [tilespmem:$0x3107];
	_ =	sdelay $0x4  }
0x1ea: {  	v15 =	vadd.s32 v44, v45  }
0x1eb: {  	[tilespmem:$0x3108] =	vst v15  }
0x1ec: {  	v46 =	vld [tilespmem:$0x3106];
	_ =	sdelay $0x4  }
0x1ed: {  	v15 =	vadd.s32 v15, v46  }
0x1ee: {  	[tilespmem:$0x3108] =	vst v15  }
0x1ef: {  	v47 =	vld [tilespmem:$0x3104];
	_ =	sdelay $0x3  }
0x1f0: {  	v48 =	vadd.s32 $0xFFFF6D00, v3  }
0x1f1: {  	vm15 =	vlt.u32 v48, $0x3100;
	v15 =	vadd.s32 v15, v47  }
0x1f2: {  	v50 =	vsel vm15, $0x1, v0;
	[tilespmem:$0x3108] =	vst v15  }
0x1f3: {  	v49 =	vld [tilespmem:$0x3100];
	[tilespmem:$0x3108] =	vst v50  }
0x1f4: {  	v19 =	vld [tilespmem:$0x3107];
	_ =	sdelay $0x4  }
0x1f5: {  	v18 =	vadd.s32 v50, v19  }
0x1f6: {  	[tilespmem:$0x3108] =	vst v18  }
0x1f7: {  	v51 =	vld [tilespmem:$0x3106];
	_ =	sdelay $0x4  }
0x1f8: {  	(v2sf) =	vpush v23, $0xF;
	v18 =	vadd.s32 v18, v51  }
0x1f9: {  	(v2sf) =	vpush v11, $0xF;
	[tilespmem:$0x3108] =	vst v18  }
0x1fa: {  	v52 =	vld [tilespmem:$0x3104]  }
0x1fb: {  	(v2sf) =	vpush v14, $0xF  }
0x1fc: {  	(v2sf) =	vpush v5, $0xF;
	_ =	sdelay $0x2  }
0x1fd: {  	v53 =	vadd.s32 v18, v52  }
0x1fe: {  	[tilespmem:$0x3108] =	vst v53  }
0x1ff: {  	v54 =	vld [tilespmem:$0x3100]  }
0x200: {  	v7 =	vadd.s32 v7, v37  }
0x201: {  	(v2sf) =	vpush v7, $0xF;
	v55 =	vadd.s32 v10, v43  }
0x202: {  	(v2sf) =	vpush v55, $0xF;
	v56 =	vadd.s32 v15, v49  }
0x203: {  	(v2sf) =	vpush v56, $0xF  }
0x204: {  	v5 =	vadd.s32 v53, v54  }
0x205: {  	s14 =	spop (v2sf);
	(v2sf) =	vpush v5, $0xF  }
0x206: {  	s15 =	spop (v2sf);
	s0 =	sadd.s32 s1, s14  }
0x207: {  	s12 =	sadd.s32 s12, s15;
	s16 =	sadd.s32 s6, s0  }
0x208: {  	s1 =	spop (v2sf);
	v57 =	vmov s16;
	s16 =	sadd.s32 s9, s12  }
0x209: {  	s1 =	sadd.s32 s13, s1;
	v6 =	vadd.s32 $0xFFFFFFFF, v57;
	v58 =	vmov s16;
	s15 =	spop (v2sf)  }
0x20a: {  	v6 =	vbroadcast v6, $0x0;
	v11 =	vadd.s32 $0xFFFFFFFF, v58;
	s14 =	sadd.s32 s31, s15;
	s15 =	sadd.s32 s10, s1  }
0x20b: {  	v11 =	vbroadcast v11, $0x0;
	v3 =	vmin.u32 v3, $0x3100;
	v59 =	vmov s15;
	s16 =	sadd.s32 s11, s14  }
0x20c: {  	v3 =	vsel vm13, v36, v3;
	v13 =	vadd.s32 $0xFFFFFFFF, v59;
	v60 =	vmov s16  }
0x20d: {  	v61 =	vbroadcast v13, $0x0;
	v62 =	vadd.s32 $0xFFFFFFFF, v60;
	v6 =	vadd.s32 v6, v7  }
0x20e: {  	v63 =	vbroadcast v62, $0x0;
	v6 =	vnsel vm12, $0x31C000, v6;
	v9 =	vadd.s32 v11, v55  }
0x20f: {  	v3 =	vsel vm14, v42, v3;
	v6 =	vsel vm13, v9, v6;
	v7 =	vadd.s32 v61, v56  }
0x210: {  	[tilespmem:$0x3270] =	vst v4;
	v3 =	vsel vm15, v48, v3;
	s13 =	spop (v2sf);
	v6 =	vsel vm14, v7, v6;
	v5 =	vadd.s32 v63, v5  }
0x211: {  	[tilespmem:$0x32F0] =	vst v3;
	s15 =	spop (v2sf);
	v5 =	vsel vm15, v5, v6  }
0x212: {  	s31 =	spop (v2sf);
	[tilespmem:$0x31F0] =	vst v5  }
0x213: {  	[hbm4b:s5+s22] =	stream.indirect.scatter [tilespmem:s24], [sflag:$0x1], $0x1, s23, s22, $0xb8;
	[tilespmem:$0x3380] =	vst v63  }
0x214: {  	s16 =	spop (v2sf)  }
0x215: {  	_ =	swait.ge [sflag:s20], $0x80  }
0x216: {  	p0 =	sne.s32 s30, $0x6000;
	[sflag:s20] =	ssyncset.done $0x0  }
.Ltmp0:
0x217: {  	[sflag:s20] =	ssyncadd.s32 $0xFFFFFF80;
	(pc) =	sbr.rel @p0 .LBB2_3-.Ltmp0, $4  }
0x218: {  	[hbm4b:s7+s22] =	stream.indirect.scatter [tilespmem:s25], [sflag:$0x1], $0x1, s23, s22, $0xb8;
	[tilespmem:$0x3380] =	vst v63  }
0x219: {  	s30 =	sadd.s32 $0x200, s30;
	_ =	swait.ge [sflag:s20], $0x80  }
0x21a: {  	s13 =	sadd.s32 s0, s13;
	s12 =	sadd.s32 s12, s15;
	[sflag:s20] =	ssyncset.done $0x0  }
0x21b: {  	s1 =	sadd.s32 s1, s31;
	s31 =	sadd.s32 s14, s16;
	[sflag:s20] =	ssyncadd.s32 $0xFFFFFF80  }
0x21c: {  	s29 =	sadd.s32 $0x1, s29  }
0x21d: {  	p0 =	sne.s32 s29, $0x4  }
.Ltmp1:
0x21e: {  	_ = 	snop;
	(pc) =	sbr.rel @p0 .LBB2_2-.Ltmp1, $1  }
0x21f: {  	_ =	sdelay $0x3  }
0x220: {  	[tilespmem:$0x3200] =	vst v0  }
0x221: {  	[tilespmem:$0x3280] =	vst v2  }
0x222: {  	[tilespmem:$0x3210] =	vst v0  }
0x223: {  	[tilespmem:$0x3290] =	vst v2  }
0x224: {  	[tilespmem:$0x3220] =	vst v0  }
0x225: {  	[tilespmem:$0x32A0] =	vst v2  }
0x226: {  	[tilespmem:$0x3230] =	vst v0  }
0x227: {  	s0 =	sadd.s32 s6, s13;
	[tilespmem:$0x32B0] =	vst v2  }
0x228: {  	[tilespmem:$0x3240] =	vst v0;
	v3 =	vadd.s32 s0, v1  }
0x229: {  	[tilespmem:$0x3180] =	vst v3;
	v3 =	vor.u32 $0x10, v1  }
0x22a: {  	[tilespmem:$0x32C0] =	vst v2;
	v4 =	vadd.s32 s0, v3  }
0x22b: {  	[tilespmem:$0x3190] =	vst v4;
	v4 =	vor.u32 $0x20, v1  }
0x22c: {  	[tilespmem:$0x3250] =	vst v0;
	v5 =	vadd.s32 s0, v4  }
0x22d: {  	[tilespmem:$0x31A0] =	vst v5;
	v5 =	vor.u32 $0x30, v1  }
0x22e: {  	[tilespmem:$0x32D0] =	vst v2;
	v6 =	vadd.s32 s0, v5  }
0x22f: {  	[tilespmem:$0x31B0] =	vst v6;
	v6 =	vor.u32 $0x40, v1  }
0x230: {  	[tilespmem:$0x3260] =	vst v0;
	v7 =	vadd.s32 s0, v6  }
0x231: {  	[tilespmem:$0x31C0] =	vst v7;
	v7 =	vor.u32 $0x50, v1  }
0x232: {  	[tilespmem:$0x32E0] =	vst v2;
	v8 =	vadd.s32 s0, v7  }
0x233: {  	[tilespmem:$0x31D0] =	vst v8;
	v8 =	vor.u32 $0x60, v1  }
0x234: {  	[tilespmem:$0x3270] =	vst v0;
	v9 =	vadd.s32 s0, v8  }
0x235: {  	[tilespmem:$0x31E0] =	vst v9;
	v9 =	vor.u32 $0x70, v1  }
0x236: {  	[tilespmem:$0x32F0] =	vst v2;
	v10 =	vadd.s32 s0, v9  }
0x237: {  	[tilespmem:$0x31F0] =	vst v10  }
0x238: {  	[hbm4b:s5+s22] =	stream.indirect.scatter [tilespmem:s24], [sflag:$0x1], $0x1, s23, s22, $0xb8;
	[tilespmem:$0x3380] =	vst v63  }
0x239: {  	_ =	swait.ge [sflag:s20], $0x80  }
0x23a: {  	[sflag:s20] =	ssyncset.done $0x0  }
0x23b: {  	[sflag:s20] =	ssyncadd.s32 $0xFFFFFF80  }
0x23c: {  	[hbm4b:s7+s22] =	stream.indirect.scatter [tilespmem:s25], [sflag:$0x1], $0x1, s23, s22, $0xb8;
	[tilespmem:$0x3380] =	vst v63  }
0x23d: {  	_ =	swait.ge [sflag:s20], $0x80  }
0x23e: {  	v10 =	vor.u32 $0x80, v1;
	[sflag:s20] =	ssyncset.done $0x0  }
0x23f: {  	v11 =	vadd.s32 s0, v10;
	[sflag:s20] =	ssyncadd.s32 $0xFFFFFF80  }
0x240: {  	[tilespmem:$0x3180] =	vst v11  }
0x241: {  	[tilespmem:$0x3200] =	vst v0  }
0x242: {  	[tilespmem:$0x3280] =	vst v2  }
0x243: {  	[tilespmem:$0x3210] =	vst v0  }
0x244: {  	[tilespmem:$0x3290] =	vst v2  }
0x245: {  	[tilespmem:$0x3220] =	vst v0  }
0x246: {  	[tilespmem:$0x32A0] =	vst v2  }
0x247: {  	[tilespmem:$0x3230] =	vst v0  }
0x248: {  	[tilespmem:$0x32B0] =	vst v2  }
0x249: {  	v11 =	vor.u32 $0x90, v1;
	[tilespmem:$0x3240] =	vst v0  }
0x24a: {  	[tilespmem:$0x32C0] =	vst v2;
	v12 =	vadd.s32 s0, v11  }
0x24b: {  	[tilespmem:$0x3190] =	vst v12;
	v12 =	vor.u32 $0xA0, v1  }
0x24c: {  	[tilespmem:$0x3250] =	vst v0;
	v13 =	vadd.s32 s0, v12  }
0x24d: {  	[tilespmem:$0x31A0] =	vst v13;
	v13 =	vor.u32 $0xB0, v1  }
0x24e: {  	[tilespmem:$0x32D0] =	vst v2;
	v14 =	vadd.s32 s0, v13  }
0x24f: {  	[tilespmem:$0x31B0] =	vst v14;
	v14 =	vor.u32 $0xC0, v1  }
0x250: {  	[tilespmem:$0x3260] =	vst v0;
	v15 =	vadd.s32 s0, v14  }
0x251: {  	[tilespmem:$0x31C0] =	vst v15;
	v15 =	vor.u32 $0xD0, v1  }
0x252: {  	[tilespmem:$0x32E0] =	vst v2;
	v16 =	vadd.s32 s0, v15  }
0x253: {  	[tilespmem:$0x31D0] =	vst v16;
	v16 =	vor.u32 $0xE0, v1  }
0x254: {  	[tilespmem:$0x3270] =	vst v0;
	v17 =	vadd.s32 s0, v16  }
0x255: {  	[tilespmem:$0x31E0] =	vst v17;
	v17 =	vor.u32 $0xF0, v1  }
0x256: {  	[tilespmem:$0x32F0] =	vst v2;
	v18 =	vadd.s32 s0, v17  }
0x257: {  	[tilespmem:$0x31F0] =	vst v18  }
0x258: {  	[hbm4b:s5+s22] =	stream.indirect.scatter [tilespmem:s24], [sflag:$0x1], $0x1, s23, s22, $0xb8;
	[tilespmem:$0x3380] =	vst v63  }
0x259: {  	_ =	swait.ge [sflag:s20], $0x80  }
0x25a: {  	[sflag:s20] =	ssyncset.done $0x0  }
0x25b: {  	[sflag:s20] =	ssyncadd.s32 $0xFFFFFF80  }
0x25c: {  	[hbm4b:s7+s22] =	stream.indirect.scatter [tilespmem:s25], [sflag:$0x1], $0x1, s23, s22, $0xb8;
	[tilespmem:$0x3380] =	vst v63  }
0x25d: {  	_ =	swait.ge [sflag:s20], $0x80  }
0x25e: {  	v18 =	vor.u32 $0x100, v1;
	[sflag:s20] =	ssyncset.done $0x0  }
0x25f: {  	v19 =	vadd.s32 s0, v18;
	[sflag:s20] =	ssyncadd.s32 $0xFFFFFF80  }
0x260: {  	[tilespmem:$0x3180] =	vst v19  }
0x261: {  	[tilespmem:$0x3200] =	vst v0  }
0x262: {  	[tilespmem:$0x3280] =	vst v2  }
0x263: {  	[tilespmem:$0x3210] =	vst v0  }
0x264: {  	[tilespmem:$0x3290] =	vst v2  }
0x265: {  	[tilespmem:$0x3220] =	vst v0  }
0x266: {  	[tilespmem:$0x32A0] =	vst v2  }
0x267: {  	[tilespmem:$0x3230] =	vst v0  }
0x268: {  	[tilespmem:$0x32B0] =	vst v2  }
0x269: {  	v19 =	vor.u32 $0x110, v1;
	[tilespmem:$0x3240] =	vst v0  }
0x26a: {  	[tilespmem:$0x32C0] =	vst v2;
	v20 =	vadd.s32 s0, v19  }
0x26b: {  	[tilespmem:$0x3190] =	vst v20;
	v20 =	vor.u32 $0x120, v1  }
0x26c: {  	[tilespmem:$0x3250] =	vst v0;
	v21 =	vadd.s32 s0, v20  }
0x26d: {  	[tilespmem:$0x31A0] =	vst v21;
	v21 =	vor.u32 $0x130, v1  }
0x26e: {  	[tilespmem:$0x32D0] =	vst v2;
	v22 =	vadd.s32 s0, v21  }
0x26f: {  	[tilespmem:$0x31B0] =	vst v22;
	v22 =	vor.u32 $0x140, v1  }
0x270: {  	[tilespmem:$0x3260] =	vst v0;
	v23 =	vadd.s32 s0, v22  }
0x271: {  	[tilespmem:$0x31C0] =	vst v23;
	v23 =	vor.u32 $0x150, v1  }
0x272: {  	[tilespmem:$0x32E0] =	vst v2;
	v24 =	vadd.s32 s0, v23  }
0x273: {  	[tilespmem:$0x31D0] =	vst v24;
	v24 =	vor.u32 $0x160, v1  }
0x274: {  	[tilespmem:$0x3270] =	vst v0;
	v25 =	vadd.s32 s0, v24  }
0x275: {  	[tilespmem:$0x31E0] =	vst v25;
	v25 =	vor.u32 $0x170, v1  }
0x276: {  	[tilespmem:$0x32F0] =	vst v2;
	v26 =	vadd.s32 s0, v25  }
0x277: {  	[tilespmem:$0x31F0] =	vst v26  }
0x278: {  	[hbm4b:s5+s22] =	stream.indirect.scatter [tilespmem:s24], [sflag:$0x1], $0x1, s23, s22, $0xb8;
	[tilespmem:$0x3380] =	vst v63  }
0x279: {  	_ =	swait.ge [sflag:s20], $0x80  }
0x27a: {  	[sflag:s20] =	ssyncset.done $0x0  }
0x27b: {  	[sflag:s20] =	ssyncadd.s32 $0xFFFFFF80  }
0x27c: {  	[hbm4b:s7+s22] =	stream.indirect.scatter [tilespmem:s25], [sflag:$0x1], $0x1, s23, s22, $0xb8;
	[tilespmem:$0x3380] =	vst v63  }
0x27d: {  	_ =	swait.ge [sflag:s20], $0x80  }
0x27e: {  	[sflag:s20] =	ssyncset.done $0x0  }
0x27f: {  	v48 =	vmov s13;
	[sflag:s20] =	ssyncadd.s32 $0xFFFFFF80  }
0x280: {  	s13 =	rddreg [dreg:$0x3];
	[tilespmem:$0x3300] =	vst v48  }
0x281: {  	[hbm4b:s13+s2] =	stream.linear.scatter [tilespmem:s26], [sflag:$0x1], $0x10, $0x38;
	[tilespmem:$0x3380] =	vst v63  }
0x282: {  	_ =	swait.ge [sflag:s20], $0x10  }
0x283: {  	[sflag:s20] =	ssyncset.done $0x0  }
0x284: {  	[sflag:s20] =	ssyncadd.s32 $0xFFFFFFF0  }
0x285: {  	[tilespmem:$0x3200] =	vst v0  }
0x286: {  	[tilespmem:$0x3280] =	vst v2  }
0x287: {  	[tilespmem:$0x3210] =	vst v0  }
0x288: {  	[tilespmem:$0x3290] =	vst v2  }
0x289: {  	[tilespmem:$0x3220] =	vst v0  }
0x28a: {  	[tilespmem:$0x32A0] =	vst v2  }
0x28b: {  	[tilespmem:$0x3230] =	vst v0  }
0x28c: {  	[tilespmem:$0x32B0] =	vst v2  }
0x28d: {  	[tilespmem:$0x3240] =	vst v0  }
0x28e: {  	[tilespmem:$0x32C0] =	vst v2  }
0x28f: {  	[tilespmem:$0x3250] =	vst v0  }
0x290: {  	[tilespmem:$0x32D0] =	vst v2  }
0x291: {  	[tilespmem:$0x3260] =	vst v0  }
0x292: {  	s14 =	rddreg [dreg:$0x4];
	[tilespmem:$0x32E0] =	vst v2  }
0x293: {  	s0 =	sadd.s32 s14, s12;
	[tilespmem:$0x3270] =	vst v0  }
0x294: {  	v49 =	vadd.s32 s0, v1;
	[tilespmem:$0x32F0] =	vst v2  }
0x295: {  	v50 =	vadd.s32 s0, v3;
	[tilespmem:$0x3180] =	vst v49  }
0x296: {  	v51 =	vadd.s32 s0, v4;
	[tilespmem:$0x3190] =	vst v50  }
0x297: {  	v52 =	vadd.s32 s0, v5;
	[tilespmem:$0x31A0] =	vst v51  }
0x298: {  	v53 =	vadd.s32 s0, v6;
	[tilespmem:$0x31B0] =	vst v52  }
0x299: {  	v54 =	vadd.s32 s0, v7;
	[tilespmem:$0x31C0] =	vst v53  }
0x29a: {  	v55 =	vadd.s32 s0, v8;
	[tilespmem:$0x31D0] =	vst v54  }
0x29b: {  	v56 =	vadd.s32 s0, v9;
	[tilespmem:$0x31E0] =	vst v55  }
0x29c: {  	[tilespmem:$0x31F0] =	vst v56  }
0x29d: {  	[hbm4b:s5+s22] =	stream.indirect.scatter [tilespmem:s24], [sflag:$0x1], $0x1, s23, s22, $0xb8;
	[tilespmem:$0x3380] =	vst v63  }
0x29e: {  	_ =	swait.ge [sflag:s20], $0x80  }
0x29f: {  	[sflag:s20] =	ssyncset.done $0x0  }
0x2a0: {  	[sflag:s20] =	ssyncadd.s32 $0xFFFFFF80  }
0x2a1: {  	[hbm4b:s7+s22] =	stream.indirect.scatter [tilespmem:s25], [sflag:$0x1], $0x1, s23, s22, $0xb8;
	[tilespmem:$0x3380] =	vst v63  }
0x2a2: {  	_ =	swait.ge [sflag:s20], $0x80  }
0x2a3: {  	[sflag:s20] =	ssyncset.done $0x0  }
0x2a4: {  	v57 =	vadd.s32 s0, v10;
	[sflag:s20] =	ssyncadd.s32 $0xFFFFFF80  }
0x2a5: {  	[tilespmem:$0x3180] =	vst v57  }
0x2a6: {  	[tilespmem:$0x3200] =	vst v0  }
0x2a7: {  	v58 =	vadd.s32 s0, v11;
	[tilespmem:$0x3280] =	vst v2  }
0x2a8: {  	[tilespmem:$0x3190] =	vst v58  }
0x2a9: {  	[tilespmem:$0x3210] =	vst v0  }
0x2aa: {  	v59 =	vadd.s32 s0, v12;
	[tilespmem:$0x3290] =	vst v2  }
0x2ab: {  	[tilespmem:$0x31A0] =	vst v59  }
0x2ac: {  	[tilespmem:$0x3220] =	vst v0  }
0x2ad: {  	v60 =	vadd.s32 s0, v13;
	[tilespmem:$0x32A0] =	vst v2  }
0x2ae: {  	[tilespmem:$0x31B0] =	vst v60  }
0x2af: {  	[tilespmem:$0x3230] =	vst v0  }
0x2b0: {  	v61 =	vadd.s32 s0, v14;
	[tilespmem:$0x32B0] =	vst v2  }
0x2b1: {  	[tilespmem:$0x31C0] =	vst v61  }
0x2b2: {  	[tilespmem:$0x3240] =	vst v0  }
0x2b3: {  	v62 =	vadd.s32 s0, v15;
	[tilespmem:$0x32C0] =	vst v2  }
0x2b4: {  	[tilespmem:$0x31D0] =	vst v62  }
0x2b5: {  	[tilespmem:$0x3250] =	vst v0  }
0x2b6: {  	v63 =	vadd.s32 s0, v16;
	[tilespmem:$0x32D0] =	vst v2  }
0x2b7: {  	[tilespmem:$0x31E0] =	vst v63  }
0x2b8: {  	[tilespmem:$0x3260] =	vst v0  }
0x2b9: {  	v28 =	vadd.s32 s0, v17;
	[tilespmem:$0x32E0] =	vst v2  }
0x2ba: {  	[tilespmem:$0x31F0] =	vst v28  }
0x2bb: {  	[tilespmem:$0x3270] =	vst v0  }
0x2bc: {  	[tilespmem:$0x32F0] =	vst v2  }
0x2bd: {  	[hbm4b:s5+s22] =	stream.indirect.scatter [tilespmem:s24], [sflag:$0x1], $0x1, s23, s22, $0xb8;
	[tilespmem:$0x3380] =	vst v63  }
0x2be: {  	_ =	swait.ge [sflag:s20], $0x80  }
0x2bf: {  	[sflag:s20] =	ssyncset.done $0x0  }
0x2c0: {  	[sflag:s20] =	ssyncadd.s32 $0xFFFFFF80  }
0x2c1: {  	[hbm4b:s7+s22] =	stream.indirect.scatter [tilespmem:s25], [sflag:$0x1], $0x1, s23, s22, $0xb8;
	[tilespmem:$0x3380] =	vst v63  }
0x2c2: {  	_ =	swait.ge [sflag:s20], $0x80  }
0x2c3: {  	[sflag:s20] =	ssyncset.done $0x0  }
0x2c4: {  	v29 =	vadd.s32 s0, v18;
	[sflag:s20] =	ssyncadd.s32 $0xFFFFFF80  }
0x2c5: {  	[tilespmem:$0x3180] =	vst v29  }
0x2c6: {  	[tilespmem:$0x3200] =	vst v0  }
0x2c7: {  	v30 =	vadd.s32 s0, v19;
	[tilespmem:$0x3280] =	vst v2  }
0x2c8: {  	[tilespmem:$0x3190] =	vst v30  }
0x2c9: {  	[tilespmem:$0x3210] =	vst v0  }
0x2ca: {  	v31 =	vadd.s32 s0, v20;
	[tilespmem:$0x3290] =	vst v2  }
0x2cb: {  	[tilespmem:$0x31A0] =	vst v31  }
0x2cc: {  	[tilespmem:$0x3220] =	vst v0  }
0x2cd: {  	v32 =	vadd.s32 s0, v21;
	[tilespmem:$0x32A0] =	vst v2  }
0x2ce: {  	[tilespmem:$0x31B0] =	vst v32  }
0x2cf: {  	[tilespmem:$0x3230] =	vst v0  }
0x2d0: {  	v33 =	vadd.s32 s0, v22;
	[tilespmem:$0x32B0] =	vst v2  }
0x2d1: {  	[tilespmem:$0x31C0] =	vst v33  }
0x2d2: {  	[tilespmem:$0x3240] =	vst v0  }
0x2d3: {  	v34 =	vadd.s32 s0, v23;
	[tilespmem:$0x32C0] =	vst v2  }
0x2d4: {  	[tilespmem:$0x31D0] =	vst v34  }
0x2d5: {  	[tilespmem:$0x3250] =	vst v0  }
0x2d6: {  	v35 =	vadd.s32 s0, v24;
	[tilespmem:$0x32D0] =	vst v2  }
0x2d7: {  	[tilespmem:$0x31E0] =	vst v35  }
0x2d8: {  	[tilespmem:$0x3260] =	vst v0  }
0x2d9: {  	v36 =	vadd.s32 s0, v25;
	[tilespmem:$0x32E0] =	vst v2  }
0x2da: {  	[tilespmem:$0x31F0] =	vst v36  }
0x2db: {  	[tilespmem:$0x3270] =	vst v0  }
0x2dc: {  	[tilespmem:$0x32F0] =	vst v2  }
0x2dd: {  	[hbm4b:s5+s22] =	stream.indirect.scatter [tilespmem:s24], [sflag:$0x1], $0x1, s23, s22, $0xb8;
	[tilespmem:$0x3380] =	vst v63  }
0x2de: {  	_ =	swait.ge [sflag:s20], $0x80  }
0x2df: {  	[sflag:s20] =	ssyncset.done $0x0  }
0x2e0: {  	[sflag:s20] =	ssyncadd.s32 $0xFFFFFF80  }
0x2e1: {  	[hbm4b:s7+s22] =	stream.indirect.scatter [tilespmem:s25], [sflag:$0x1], $0x1, s23, s22, $0xb8;
	[tilespmem:$0x3380] =	vst v63  }
0x2e2: {  	_ =	swait.ge [sflag:s20], $0x80  }
0x2e3: {  	[sflag:s20] =	ssyncset.done $0x0  }
0x2e4: {  	v37 =	vmov s12;
	[sflag:s20] =	ssyncadd.s32 $0xFFFFFF80  }
0x2e5: {  	s15 =	rddreg [dreg:$0x5];
	[tilespmem:$0x3300] =	vst v37  }
0x2e6: {  	[hbm4b:s15+s2] =	stream.linear.scatter [tilespmem:s26], [sflag:$0x1], $0x10, $0x38;
	[tilespmem:$0x3380] =	vst v63  }
0x2e7: {  	_ =	swait.ge [sflag:s20], $0x10  }
0x2e8: {  	[sflag:s20] =	ssyncset.done $0x0  }
0x2e9: {  	[sflag:s20] =	ssyncadd.s32 $0xFFFFFFF0  }
0x2ea: {  	[tilespmem:$0x3200] =	vst v0  }
0x2eb: {  	[tilespmem:$0x3280] =	vst v2  }
0x2ec: {  	[tilespmem:$0x3210] =	vst v0  }
0x2ed: {  	[tilespmem:$0x3290] =	vst v2  }
0x2ee: {  	[tilespmem:$0x3220] =	vst v0  }
0x2ef: {  	[tilespmem:$0x32A0] =	vst v2  }
0x2f0: {  	[tilespmem:$0x3230] =	vst v0  }
0x2f1: {  	[tilespmem:$0x32B0] =	vst v2  }
0x2f2: {  	[tilespmem:$0x3240] =	vst v0  }
0x2f3: {  	[tilespmem:$0x32C0] =	vst v2  }
0x2f4: {  	[tilespmem:$0x3250] =	vst v0  }
0x2f5: {  	[tilespmem:$0x32D0] =	vst v2  }
0x2f6: {  	[tilespmem:$0x3260] =	vst v0  }
0x2f7: {  	s16 =	rddreg [dreg:$0x6];
	[tilespmem:$0x32E0] =	vst v2  }
0x2f8: {  	s0 =	sadd.s32 s16, s1;
	[tilespmem:$0x3270] =	vst v0  }
0x2f9: {  	v38 =	vadd.s32 s0, v1;
	[tilespmem:$0x32F0] =	vst v2  }
0x2fa: {  	v39 =	vadd.s32 s0, v3;
	[tilespmem:$0x3180] =	vst v38  }
0x2fb: {  	v40 =	vadd.s32 s0, v4;
	[tilespmem:$0x3190] =	vst v39  }
0x2fc: {  	v41 =	vadd.s32 s0, v5;
	[tilespmem:$0x31A0] =	vst v40  }
0x2fd: {  	v42 =	vadd.s32 s0, v6;
	[tilespmem:$0x31B0] =	vst v41  }
0x2fe: {  	v43 =	vadd.s32 s0, v7;
	[tilespmem:$0x31C0] =	vst v42  }
0x2ff: {  	v44 =	vadd.s32 s0, v8;
	[tilespmem:$0x31D0] =	vst v43  }
0x300: {  	v45 =	vadd.s32 s0, v9;
	[tilespmem:$0x31E0] =	vst v44  }
0x301: {  	[tilespmem:$0x31F0] =	vst v45  }
0x302: {  	[hbm4b:s5+s22] =	stream.indirect.scatter [tilespmem:s24], [sflag:$0x1], $0x1, s23, s22, $0xb8;
	[tilespmem:$0x3380] =	vst v63  }
0x303: {  	_ =	swait.ge [sflag:s20], $0x80  }
0x304: {  	[sflag:s20] =	ssyncset.done $0x0  }
0x305: {  	[sflag:s20] =	ssyncadd.s32 $0xFFFFFF80  }
0x306: {  	[hbm4b:s7+s22] =	stream.indirect.scatter [tilespmem:s25], [sflag:$0x1], $0x1, s23, s22, $0xb8;
	[tilespmem:$0x3380] =	vst v63  }
0x307: {  	_ =	swait.ge [sflag:s20], $0x80  }
0x308: {  	[sflag:s20] =	ssyncset.done $0x0  }
0x309: {  	v46 =	vadd.s32 s0, v10;
	[sflag:s20] =	ssyncadd.s32 $0xFFFFFF80  }
0x30a: {  	[tilespmem:$0x3180] =	vst v46  }
0x30b: {  	[tilespmem:$0x3200] =	vst v0  }
0x30c: {  	v47 =	vadd.s32 s0, v11;
	[tilespmem:$0x3280] =	vst v2  }
0x30d: {  	[tilespmem:$0x3190] =	vst v47  }
0x30e: {  	[tilespmem:$0x3210] =	vst v0  }
0x30f: {  	v48 =	vadd.s32 s0, v12;
	[tilespmem:$0x3290] =	vst v2  }
0x310: {  	[tilespmem:$0x31A0] =	vst v48  }
0x311: {  	[tilespmem:$0x3220] =	vst v0  }
0x312: {  	v49 =	vadd.s32 s0, v13;
	[tilespmem:$0x32A0] =	vst v2  }
0x313: {  	[tilespmem:$0x31B0] =	vst v49  }
0x314: {  	[tilespmem:$0x3230] =	vst v0  }
0x315: {  	v50 =	vadd.s32 s0, v14;
	[tilespmem:$0x32B0] =	vst v2  }
0x316: {  	[tilespmem:$0x31C0] =	vst v50  }
0x317: {  	[tilespmem:$0x3240] =	vst v0  }
0x318: {  	v51 =	vadd.s32 s0, v15;
	[tilespmem:$0x32C0] =	vst v2  }
0x319: {  	[tilespmem:$0x31D0] =	vst v51  }
0x31a: {  	[tilespmem:$0x3250] =	vst v0  }
0x31b: {  	v52 =	vadd.s32 s0, v16;
	[tilespmem:$0x32D0] =	vst v2  }
0x31c: {  	[tilespmem:$0x31E0] =	vst v52  }
0x31d: {  	[tilespmem:$0x3260] =	vst v0  }
0x31e: {  	v53 =	vadd.s32 s0, v17;
	[tilespmem:$0x32E0] =	vst v2  }
0x31f: {  	[tilespmem:$0x31F0] =	vst v53  }
0x320: {  	[tilespmem:$0x3270] =	vst v0  }
0x321: {  	[tilespmem:$0x32F0] =	vst v2  }
0x322: {  	[hbm4b:s5+s22] =	stream.indirect.scatter [tilespmem:s24], [sflag:$0x1], $0x1, s23, s22, $0xb8;
	[tilespmem:$0x3380] =	vst v63  }
0x323: {  	_ =	swait.ge [sflag:s20], $0x80  }
0x324: {  	[sflag:s20] =	ssyncset.done $0x0  }
0x325: {  	[sflag:s20] =	ssyncadd.s32 $0xFFFFFF80  }
0x326: {  	[hbm4b:s7+s22] =	stream.indirect.scatter [tilespmem:s25], [sflag:$0x1], $0x1, s23, s22, $0xb8;
	[tilespmem:$0x3380] =	vst v63  }
0x327: {  	_ =	swait.ge [sflag:s20], $0x80  }
0x328: {  	[sflag:s20] =	ssyncset.done $0x0  }
0x329: {  	v54 =	vadd.s32 s0, v18;
	[sflag:s20] =	ssyncadd.s32 $0xFFFFFF80  }
0x32a: {  	[tilespmem:$0x3180] =	vst v54  }
0x32b: {  	[tilespmem:$0x3200] =	vst v0  }
0x32c: {  	v55 =	vadd.s32 s0, v19;
	[tilespmem:$0x3280] =	vst v2  }
0x32d: {  	[tilespmem:$0x3190] =	vst v55  }
0x32e: {  	[tilespmem:$0x3210] =	vst v0  }
0x32f: {  	v56 =	vadd.s32 s0, v20;
	[tilespmem:$0x3290] =	vst v2  }
0x330: {  	[tilespmem:$0x31A0] =	vst v56  }
0x331: {  	[tilespmem:$0x3220] =	vst v0  }
0x332: {  	v57 =	vadd.s32 s0, v21;
	[tilespmem:$0x32A0] =	vst v2  }
0x333: {  	[tilespmem:$0x31B0] =	vst v57  }
0x334: {  	[tilespmem:$0x3230] =	vst v0  }
0x335: {  	v58 =	vadd.s32 s0, v22;
	[tilespmem:$0x32B0] =	vst v2  }
0x336: {  	[tilespmem:$0x31C0] =	vst v58  }
0x337: {  	[tilespmem:$0x3240] =	vst v0  }
0x338: {  	v59 =	vadd.s32 s0, v23;
	[tilespmem:$0x32C0] =	vst v2  }
0x339: {  	[tilespmem:$0x31D0] =	vst v59  }
0x33a: {  	[tilespmem:$0x3250] =	vst v0  }
0x33b: {  	v60 =	vadd.s32 s0, v24;
	[tilespmem:$0x32D0] =	vst v2  }
0x33c: {  	[tilespmem:$0x31E0] =	vst v60  }
0x33d: {  	[tilespmem:$0x3260] =	vst v0  }
0x33e: {  	v61 =	vadd.s32 s0, v25;
	[tilespmem:$0x32E0] =	vst v2  }
0x33f: {  	[tilespmem:$0x31F0] =	vst v61  }
0x340: {  	[tilespmem:$0x3270] =	vst v0  }
0x341: {  	[tilespmem:$0x32F0] =	vst v2  }
0x342: {  	[hbm4b:s5+s22] =	stream.indirect.scatter [tilespmem:s24], [sflag:$0x1], $0x1, s23, s22, $0xb8;
	[tilespmem:$0x3380] =	vst v63  }
0x343: {  	_ =	swait.ge [sflag:s20], $0x80  }
0x344: {  	[sflag:s20] =	ssyncset.done $0x0  }
0x345: {  	[sflag:s20] =	ssyncadd.s32 $0xFFFFFF80  }
0x346: {  	[hbm4b:s7+s22] =	stream.indirect.scatter [tilespmem:s25], [sflag:$0x1], $0x1, s23, s22, $0xb8;
	[tilespmem:$0x3380] =	vst v63  }
0x347: {  	_ =	swait.ge [sflag:s20], $0x80  }
0x348: {  	[sflag:s20] =	ssyncset.done $0x0  }
0x349: {  	v62 =	vmov s1;
	[sflag:s20] =	ssyncadd.s32 $0xFFFFFF80  }
0x34a: {  	s29 =	rddreg [dreg:$0x7];
	[tilespmem:$0x3300] =	vst v62  }
0x34b: {  	[hbm4b:s29+s2] =	stream.linear.scatter [tilespmem:s26], [sflag:$0x1], $0x10, $0x38;
	[tilespmem:$0x3380] =	vst v63  }
0x34c: {  	_ =	swait.ge [sflag:s20], $0x10  }
0x34d: {  	s30 =	sadd.s32 s17, s31;
	[sflag:s20] =	ssyncset.done $0x0  }
0x34e: {  	v63 =	vadd.s32 s30, v1;
	[sflag:s20] =	ssyncadd.s32 $0xFFFFFFF0  }
0x34f: {  	[tilespmem:$0x3180] =	vst v63  }
0x350: {  	[tilespmem:$0x3200] =	vst v0  }
0x351: {  	v3 =	vadd.s32 s30, v3;
	[tilespmem:$0x3280] =	vst v2  }
0x352: {  	[tilespmem:$0x3190] =	vst v3  }
0x353: {  	[tilespmem:$0x3210] =	vst v0  }
0x354: {  	[tilespmem:$0x3290] =	vst v2  }
0x355: {  	[tilespmem:$0x3220] =	vst v0  }
0x356: {  	[tilespmem:$0x32A0] =	vst v2  }
0x357: {  	[tilespmem:$0x3230] =	vst v0  }
0x358: {  	[tilespmem:$0x32B0] =	vst v2  }
0x359: {  	[tilespmem:$0x3240] =	vst v0  }
0x35a: {  	[tilespmem:$0x32C0] =	vst v2  }
0x35b: {  	[tilespmem:$0x3250] =	vst v0  }
0x35c: {  	[tilespmem:$0x32D0] =	vst v2  }
0x35d: {  	[tilespmem:$0x3260] =	vst v0  }
0x35e: {  	[tilespmem:$0x32E0] =	vst v2  }
0x35f: {  	[tilespmem:$0x3270] =	vst v0  }
0x360: {  	v3 =	vadd.s32 s30, v4;
	[tilespmem:$0x32F0] =	vst v2  }
0x361: {  	[tilespmem:$0x31A0] =	vst v3;
	v3 =	vadd.s32 s30, v5  }
0x362: {  	[tilespmem:$0x31B0] =	vst v3;
	v3 =	vadd.s32 s30, v6  }
0x363: {  	[tilespmem:$0x31C0] =	vst v3;
	v3 =	vadd.s32 s30, v7  }
0x364: {  	[tilespmem:$0x31D0] =	vst v3;
	v3 =	vadd.s32 s30, v8  }
0x365: {  	[tilespmem:$0x31E0] =	vst v3;
	v3 =	vadd.s32 s30, v9  }
0x366: {  	[tilespmem:$0x31F0] =	vst v3  }
0x367: {  	[hbm4b:s5+s22] =	stream.indirect.scatter [tilespmem:s24], [sflag:$0x1], $0x1, s23, s22, $0xb8;
	[tilespmem:$0x3380] =	vst v63  }
0x368: {  	_ =	swait.ge [sflag:s20], $0x80  }
0x369: {  	[sflag:s20] =	ssyncset.done $0x0  }
0x36a: {  	[sflag:s20] =	ssyncadd.s32 $0xFFFFFF80  }
0x36b: {  	[hbm4b:s7+s22] =	stream.indirect.scatter [tilespmem:s25], [sflag:$0x1], $0x1, s23, s22, $0xb8;
	[tilespmem:$0x3380] =	vst v63  }
0x36c: {  	_ =	swait.ge [sflag:s20], $0x80  }
0x36d: {  	[sflag:s20] =	ssyncset.done $0x0  }
0x36e: {  	v3 =	vadd.s32 s30, v10;
	[sflag:s20] =	ssyncadd.s32 $0xFFFFFF80  }
0x36f: {  	[tilespmem:$0x3180] =	vst v3  }
0x370: {  	[tilespmem:$0x3200] =	vst v0  }
0x371: {  	[tilespmem:$0x3280] =	vst v2  }
0x372: {  	[tilespmem:$0x3210] =	vst v0  }
0x373: {  	[tilespmem:$0x3290] =	vst v2  }
0x374: {  	[tilespmem:$0x3220] =	vst v0  }
0x375: {  	[tilespmem:$0x32A0] =	vst v2  }
0x376: {  	[tilespmem:$0x3230] =	vst v0  }
0x377: {  	[tilespmem:$0x32B0] =	vst v2  }
0x378: {  	[tilespmem:$0x3240] =	vst v0  }
0x379: {  	[tilespmem:$0x32C0] =	vst v2  }
0x37a: {  	[tilespmem:$0x3250] =	vst v0  }
0x37b: {  	[tilespmem:$0x32D0] =	vst v2  }
0x37c: {  	[tilespmem:$0x3260] =	vst v0  }
0x37d: {  	[tilespmem:$0x32E0] =	vst v2  }
0x37e: {  	[tilespmem:$0x3270] =	vst v0  }
0x37f: {  	v3 =	vadd.s32 s30, v11;
	[tilespmem:$0x32F0] =	vst v2  }
0x380: {  	[tilespmem:$0x3190] =	vst v3;
	v3 =	vadd.s32 s30, v12  }
0x381: {  	[tilespmem:$0x31A0] =	vst v3;
	v3 =	vadd.s32 s30, v13  }
0x382: {  	[tilespmem:$0x31B0] =	vst v3;
	v3 =	vadd.s32 s30, v14  }
0x383: {  	[tilespmem:$0x31C0] =	vst v3;
	v3 =	vadd.s32 s30, v15  }
0x384: {  	[tilespmem:$0x31D0] =	vst v3;
	v3 =	vadd.s32 s30, v16  }
0x385: {  	[tilespmem:$0x31E0] =	vst v3;
	v3 =	vadd.s32 s30, v17  }
0x386: {  	[tilespmem:$0x31F0] =	vst v3  }
0x387: {  	[hbm4b:s5+s22] =	stream.indirect.scatter [tilespmem:s24], [sflag:$0x1], $0x1, s23, s22, $0xb8;
	[tilespmem:$0x3380] =	vst v63  }
0x388: {  	_ =	swait.ge [sflag:s20], $0x80  }
0x389: {  	[sflag:s20] =	ssyncset.done $0x0  }
0x38a: {  	[sflag:s20] =	ssyncadd.s32 $0xFFFFFF80  }
0x38b: {  	[hbm4b:s7+s22] =	stream.indirect.scatter [tilespmem:s25], [sflag:$0x1], $0x1, s23, s22, $0xb8;
	[tilespmem:$0x3380] =	vst v63  }
0x38c: {  	_ =	swait.ge [sflag:s20], $0x80  }
0x38d: {  	[sflag:s20] =	ssyncset.done $0x0  }
0x38e: {  	v3 =	vadd.s32 s30, v18;
	[sflag:s20] =	ssyncadd.s32 $0xFFFFFF80  }
0x38f: {  	[tilespmem:$0x3180] =	vst v3  }
0x390: {  	[tilespmem:$0x3200] =	vst v0  }
0x391: {  	[tilespmem:$0x3280] =	vst v2  }
0x392: {  	[tilespmem:$0x3210] =	vst v0  }
0x393: {  	[tilespmem:$0x3290] =	vst v2  }
0x394: {  	[tilespmem:$0x3220] =	vst v0  }
0x395: {  	[tilespmem:$0x32A0] =	vst v2  }
0x396: {  	[tilespmem:$0x3230] =	vst v0  }
0x397: {  	[tilespmem:$0x32B0] =	vst v2  }
0x398: {  	[tilespmem:$0x3240] =	vst v0  }
0x399: {  	[tilespmem:$0x32C0] =	vst v2  }
0x39a: {  	[tilespmem:$0x3250] =	vst v0  }
0x39b: {  	[tilespmem:$0x32D0] =	vst v2  }
0x39c: {  	[tilespmem:$0x3260] =	vst v0  }
0x39d: {  	[tilespmem:$0x32E0] =	vst v2  }
0x39e: {  	[tilespmem:$0x3270] =	vst v0  }
0x39f: {  	v3 =	vadd.s32 s30, v19;
	[tilespmem:$0x32F0] =	vst v2  }
0x3a0: {  	[tilespmem:$0x3190] =	vst v3;
	v3 =	vadd.s32 s30, v20  }
0x3a1: {  	[tilespmem:$0x31A0] =	vst v3;
	v3 =	vadd.s32 s30, v21  }
0x3a2: {  	[tilespmem:$0x31B0] =	vst v3;
	v3 =	vadd.s32 s30, v22  }
0x3a3: {  	[tilespmem:$0x31C0] =	vst v3;
	v3 =	vadd.s32 s30, v23  }
0x3a4: {  	[tilespmem:$0x31D0] =	vst v3;
	v3 =	vadd.s32 s30, v24  }
0x3a5: {  	[tilespmem:$0x31E0] =	vst v3;
	v3 =	vadd.s32 s30, v25  }
0x3a6: {  	[tilespmem:$0x31F0] =	vst v3  }
0x3a7: {  	[hbm4b:s5+s22] =	stream.indirect.scatter [tilespmem:s24], [sflag:$0x1], $0x1, s23, s22, $0xb8;
	[tilespmem:$0x3380] =	vst v63  }
0x3a8: {  	_ =	swait.ge [sflag:s20], $0x80  }
0x3a9: {  	[sflag:s20] =	ssyncset.done $0x0  }
0x3aa: {  	[sflag:s20] =	ssyncadd.s32 $0xFFFFFF80  }
0x3ab: {  	[hbm4b:s7+s22] =	stream.indirect.scatter [tilespmem:s25], [sflag:$0x1], $0x1, s23, s22, $0xb8;
	[tilespmem:$0x3380] =	vst v63  }
0x3ac: {  	_ =	swait.ge [sflag:s20], $0x80  }
0x3ad: {  	s28 =	sadd.s32 $0x1, s28;
	[sflag:s20] =	ssyncset.done $0x0  }
0x3ae: {  	p0 =	sne.s32 s28, s19;
	v3 =	vmov s31;
	[sflag:s20] =	ssyncadd.s32 $0xFFFFFF80  }
.Ltmp2:
0x3af: {  	[tilespmem:$0x3300] =	vst v3;
	(pc) =	sbr.rel @p0 .LBB2_1-.Ltmp2, $4  }
0x3b0: {  	[hbm4b:s18+s2] =	stream.linear.scatter [tilespmem:s26], [sflag:$0x1], $0x10, $0x38;
	[tilespmem:$0x3380] =	vst v63  }
0x3b1: {  	_ =	swait.ge [sflag:s20], $0x10  }
0x3b2: {  	[sflag:s20] =	ssyncset.done $0x0  }
0x3b3: {  	[sflag:s20] =	ssyncadd.s32 $0xFFFFFFF0  }
0x3b4: {  	_ =	sfence.sel $0x180000  }
0x3b5: {  	[bflag:$0x0] =	sbarrier.arrive $0xFFFF  }
0x3b6: {  	_ =	strace $0x90000047  }
0x3b7: {  	s0 =	stileid.u32;
	[bflag:$0x2] =	sbarrier.arrive $0xFFFF  }
0x3b8: {  	p0 =	sne.s32 s0, $0x0;
	s0 =	rddreg [dreg:$0x2]  }
0x3b9: {  	s0 =	sadd.s32 @!p0 $0x100000, s0  }
0x3ba: {  	[sflag:s0] =	ssyncadd.tile.s32 @!p0 $0x1;
	_ =	shalt  }
.Lfunc_end2:
_tile_overlayer_lowered:
.L_overlay_start_2:
0x3bb: {  	(tag) =	ssettag $0x2  }
0x3bc: {  	s0 =	rddreg [dreg:$0x0];
	s2 =	stileid.u32  }
0x3bd: {  	s1 =	rddreg [dreg:$0x1];
	p0 =	sne.s32 s2, $0x0  }
0x3be: {  	s3 =	rddreg [dreg:$0x2];
	[bflag:$0x3] =	sbarrier.arrive $0xFFFF;
	s2 =	simm.s32 @!p0 $0x1C01  }
0x3bf: {  	[timem:s3], [sflag:s2] =	dma.local @!p0 [hbm:s0], s1  }
0x3c0: {  	s0 =	simm.s32 @!p0 $0x1  }
0x3c1: {  	_ =	swait.ge @!p0 [sflag:s0], s1  }
0x3c2: {  	s1 =	ssub.s32 @!p0 $0x0, s1;
	[sflag:s0] =	ssyncset.done @!p0 $0x0  }
0x3c3: {  	[sflag:s0] =	ssyncadd.s32 @!p0 s1  }
0x3c4: {  	[bflag:$0x3] =	sbarrier.arrive $0xFFFF  }
0x3c5: {  	_ =	shalt  }

</sc_bundles>
